<compile_context>
chip_gen: v7x
topology: tpu7x:2x2x1
jax: 0.10.2.dev20260603
libtpu: 0.0.44.dev20260713+nightly
codegen_flags: <defaults>
</compile_context>

<pallas_src>
import functools
import math

import jax
import jax.numpy as jnp
from jax import lax
from jax.experimental import pallas as pl
from jax.experimental.pallas import tpu as pltpu
from jax.experimental.pallas import tpu_sc as plsc

D = 128
M = 16
C = 256
ROPE_BASE = 10000.0


def _rot_table_body(emb_ref, out_ref):
    e = emb_ref[...]
    col = lax.broadcasted_iota(jnp.int32, (1, D), 1)
    u = col % 32
    ncol = (col - u) + (u % 2) * 16 + u // 2
    two_k = (ncol - (ncol % 2)).astype(jnp.float32)
    freq = jnp.exp(two_k * (-math.log(ROPE_BASE) / D))
    sign = jnp.where((ncol % 2) == 1, 1.0, -1.0)
    rows = lax.broadcasted_iota(jnp.int32, (D, D), 0)
    p1 = (rows == ncol).astype(jnp.float32)
    p2 = (rows == (ncol ^ 1)).astype(jnp.float32)
    ep = jnp.dot(e, p1, preferred_element_type=jnp.float32)
    es = jnp.dot(e, p2, preferred_element_type=jnp.float32)
    for m in range(M):
        ang = m * freq
        cosr = jnp.cos(ang)
        sinr = jnp.sin(ang) * sign
        out_ref[pl.ds(m * C, C), :] = (ep * cosr + es * sinr).astype(
            jnp.bfloat16)


def _rot_table(char_emb):
    return pl.pallas_call(
        _rot_table_body,
        out_shape=jax.ShapeDtypeStruct((M * C, D), jnp.bfloat16),
    )(char_emb)


_SC_PARAMS = dict(
    compiler_params=pltpu.CompilerParams(use_tc_tiling_on_sc=False,
                                         needs_layout_passes=False,
                                         disable_bounds_checks=True),
)


def _sc_info():
    info = plsc.get_sparse_core_info()
    return plsc.VectorSubcoreMesh(core_axis_name="c", subcore_axis_name="s"), info


def _sc_charsum(ids, char_table, rot, tok_emb):
    b, s = ids.shape
    n = b * s
    mesh, info = _sc_info()
    nw = info.num_cores * info.num_subcores
    per_w = n // nw
    wpr = s // per_w
    T = 16
    nchunk = per_w // T
    NS = T * M // 128
    V = char_table.shape[0] // M

    @functools.partial(
        pl.kernel,
        out_type=jax.ShapeDtypeStruct((b, s, D), jnp.float32),
        mesh=mesh,
        scratch_types=[
            pltpu.VMEM((per_w,), jnp.int32),
            [pltpu.VMEM((T * M,), jnp.int32)] * 2,
            [pltpu.VMEM((T * M,), jnp.int32)] * 2,
            [pltpu.VMEM((T * M,), jnp.int32)] * 2,
            [pltpu.VMEM((T, D), jnp.float32)] * 2,
            [pltpu.VMEM((T * M, D), jnp.bfloat16)] * 2,
            [pltpu.SemaphoreType.DMA] * 2,
            [pltpu.SemaphoreType.DMA] * 2,
            [pltpu.SemaphoreType.DMA] * 2,
        ],
        **_SC_PARAMS,
    )
    def k(ids_hbm, chart_hbm, rot_hbm, tok_hbm, out_hbm,
          ids_v, cidx, chars, rc, acc, rb, sem_c, sem_r, sem_t):
        wid = lax.axis_index("s") * info.num_cores + lax.axis_index("c")
        row = wid // wpr
        s0 = (wid % wpr) * per_w
        pltpu.sync_copy(ids_hbm.at[row, pl.ds(s0, per_w)], ids_v)

        def fire_char(c, p):
            v = ids_v[pl.ds(c * T, T)]
            for m in range(M):
                cidx[p][pl.ds(m * T, T)] = v + m * V
            for i in range(NS):
                sl = pl.ds(i * 128, 128)
                pltpu.async_copy(chart_hbm.at[cidx[p].at[sl]], chars[p].at[sl],
                                 sem_c[p])

        def fire_tok(c, p):
            pltpu.async_copy(tok_hbm.at[ids_v.at[pl.ds(c * T, T)]], acc[p],
                             sem_t[p])

        def fire_rot(c, p):
            for i in range(NS):
                sl = pl.ds(i * 128, 128)
                pltpu.make_async_copy(chart_hbm.at[cidx[p].at[sl]],
                                      chars[p].at[sl], sem_c[p]).wait()
            for m in range(M):
                sl = pl.ds(m * T, T)
                rc[p][sl] = chars[p][sl] + m * C
            for i in range(NS):
                sl = pl.ds(i * 128, 128)
                pltpu.async_copy(rot_hbm.at[rc[p].at[sl]], rb[p].at[sl],
                                 sem_r[p])

        def drain_accum(c, p):
            for i in range(NS):
                sl = pl.ds(i * 128, 128)
                pltpu.make_async_copy(rot_hbm.at[rc[p].at[sl]], rb[p].at[sl],
                                      sem_r[p]).wait()
            pltpu.make_async_copy(tok_hbm.at[ids_v.at[pl.ds(c * T, T)]],
                                  acc[p], sem_t[p]).wait()

            def tok_body(j, carry2):
                for g in range(D // 32):
                    a = acc[p][j, pl.ds(g * 32, 16)]
                    bb = acc[p][j, pl.ds(g * 32 + 16, 16)]
                    for m in range(0, M, 2):
                        r0 = rb[p][m * T + j, pl.ds(g * 32, 32)]
                        r1 = rb[p][(m + 1) * T + j, pl.ds(g * 32, 32)]
                        x, y = plsc.unpack(r0 + r1,
                                           format=plsc.PackFormat.INTERLEAVED)
                        a = a + x
                        bb = bb + y
                    acc[p][j, pl.ds(g * 32, 16)] = a
                    acc[p][j, pl.ds(g * 32 + 16, 16)] = bb
                return carry2

            lax.fori_loop(0, T, tok_body, 0)
            pltpu.sync_copy(acc[p], out_hbm.at[row, pl.ds(s0 + c * T, T), :])

        fire_char(0, 0)
        fire_tok(0, 0)
        fire_char(1, 1)
        fire_tok(1, 1)
        fire_rot(0, 0)

        def pair_body(c2, carry):
            c = c2 * 2
            for p in (0, 1):
                cc = c + p
                q = 1 - p
                fire_rot(cc + 1, q)
                fire_char(cc + 2, p)
                drain_accum(cc, p)
                fire_tok(cc + 2, p)
            return carry

        lax.fori_loop(0, (nchunk - 2) // 2, pair_body, 0)

        fire_rot(nchunk - 1, 1)
        drain_accum(nchunk - 2, 0)
        drain_accum(nchunk - 1, 1)

    return k(ids, char_table, rot, tok_emb)


def kernel(input, char_table, char_emb, tok_emb):
    rot = _rot_table(char_emb)
    return _sc_charsum(input, char_table.T.reshape(-1), rot, tok_emb)

# --- scband reference (transcript-rebuilt; emitter-appended) ---
"""Pipeline reference for scband-spelling-bee-embedding-54683523612770 (READ-ONLY COPY).

The authoritative reference and input builder live on the scoring server;
editing this copy changes nothing except your own understanding.
"""

import jax, jax.numpy as jnp
import numpy as np

NUM_TOKENS = 100000
EMB_DIM = 128
MAX_CHARS = 16
BATCH = 4
SEQ = 4096


def _rope(x, base=10000.0):
    # x: [b, s, n_heads, head_dim] ; torchtune-style interleaved rotary
    b, s, h, d = x.shape
    half = d // 2
    freqs = 1.0 / (base ** (jnp.arange(0, d, 2, dtype=jnp.float32) / d))  # [half]
    pos = jnp.arange(s, dtype=jnp.float32)
    angles = pos[:, None] * freqs[None, :]  # [s, half]
    cos = jnp.cos(angles)
    sin = jnp.sin(angles)
    xr = x.reshape(b, s, h, half, 2)
    x1 = xr[..., 0]
    x2 = xr[..., 1]
    c = cos[None, :, None, :]
    sn = sin[None, :, None, :]
    o1 = x1 * c - x2 * sn
    o2 = x2 * c + x1 * sn
    return jnp.stack([o1, o2], axis=-1).reshape(b, s, h, d)


def setup_inputs(seed: int = 0) -> dict:
    key = jax.random.key(seed)
    k1, k2, k3, k4 = jax.random.split(key, 4)
    inp = jax.random.randint(k1, (BATCH, SEQ), 0, NUM_TOKENS, dtype=jnp.int64 if jax.config.jax_enable_x64 else jnp.int32).astype(jnp.int32)
    char_table = jax.random.randint(k2, (NUM_TOKENS, MAX_CHARS), 0, 256, dtype=jnp.int32)
    char_emb = jax.random.normal(k3, (256, EMB_DIM), dtype=jnp.float32)
    # character_embedding.weight[0] is zeroed in init_weights (padding char)
    char_emb = char_emb.at[0].set(0.0)
    tok_emb = jax.random.normal(k4, (NUM_TOKENS, EMB_DIM), dtype=jnp.float32)
    return {"input": inp, "char_table": char_table, "char_emb": char_emb, "tok_emb": tok_emb}


def reference(input, char_table, char_emb, tok_emb):
    # get_character_embeddings: token ids -> character ids -> char embeddings
    characters = jnp.take(char_table, input, axis=0)            # [B, S, MAX_CHARS]
    embeddings = jnp.take(char_emb, characters, axis=0)          # [B, S, MAX_CHARS, D]
    B, S, M, D = embeddings.shape
    # _apply_rotary: view as (B*S, MAX_CHARS, 1, D), rope over char positions
    e = embeddings.reshape(B * S, M, 1, D)
    e = _rope(e)
    e = e.reshape(B, S, M, D)
    # sum over character dimension
    out = e.sum(axis=-2)                                         # [B, S, D]
    # separate_token_embedding=True: add token embedding
    out = out + jnp.take(tok_emb, input, axis=0)
    return out

if __name__ == "__main__":
    import jax
    _d = setup_inputs()
    print(jax.jit(kernel)(*tuple(_d.values())))

</pallas_src>

<mosaic_0001>
#map = affine_map<(d0, d1) -> (0, 0)>
#map1 = affine_map<(d0, d1) -> (0)>
#map2 = affine_map<(d0, d1) -> (0, 0, 0)>
module attributes {stable_mosaic.version = 14 : i64} {
  func.func @k(%arg0: i32, %arg1: i32, %arg2: memref<4x4096xi32, #tpu.memory_space<hbm>>, %arg3: memref<1600000xi32, #tpu.memory_space<hbm>>, %arg4: memref<4096x128xbf16, #tpu.memory_space<hbm>>, %arg5: memref<100000x128xf32, #tpu.memory_space<hbm>>, %arg6: memref<4x4096x128xf32, #tpu.memory_space<hbm>>, %arg7: memref<512xi32, #tpu.memory_space<vmem>>, %arg8: memref<256xi32, #tpu.memory_space<vmem>>, %arg9: memref<256xi32, #tpu.memory_space<vmem>>, %arg10: memref<256xi32, #tpu.memory_space<vmem>>, %arg11: memref<256xi32, #tpu.memory_space<vmem>>, %arg12: memref<256xi32, #tpu.memory_space<vmem>>, %arg13: memref<256xi32, #tpu.memory_space<vmem>>, %arg14: memref<16x128xf32, #tpu.memory_space<vmem>>, %arg15: memref<16x128xf32, #tpu.memory_space<vmem>>, %arg16: memref<256x128xbf16, #tpu.memory_space<vmem>>, %arg17: memref<256x128xbf16, #tpu.memory_space<vmem>>, %arg18: memref<!tpu.dma_semaphore, #tpu.memory_space<semaphore_mem>>, %arg19: memref<!tpu.dma_semaphore, #tpu.memory_space<semaphore_mem>>, %arg20: memref<!tpu.dma_semaphore, #tpu.memory_space<semaphore_mem>>, %arg21: memref<!tpu.dma_semaphore, #tpu.memory_space<semaphore_mem>>, %arg22: memref<!tpu.dma_semaphore, #tpu.memory_space<semaphore_mem>>, %arg23: memref<!tpu.dma_semaphore, #tpu.memory_space<semaphore_mem>>) attributes {dimension_semantics = [#tpu.dimension_semantics<core_parallel>, #tpu.dimension_semantics<subcore_parallel>], iteration_bounds = array<i64: 2, 16>, scalar_prefetch = 0 : i64, scratch_operands = 17 : i64, tpu.core_type = #tpu.core_type<sc_vector_subcore>, window_params = [{transform_indices = #map}, {transform_indices = #map1}, {transform_indices = #map}, {transform_indices = #map}, {transform_indices = #map2}]} {
    %mul3A = arith.constant 2 : i32
    %mul3A_0 = arith.muli %arg1, %mul3A : i32
    %add3A = arith.addi %mul3A_0, %arg0 : i32
    %jit3A = arith.constant 8 : i32
    %div3A = arith.divsi %add3A, %jit3A : i32
    %sign3A = arith.constant 0 : i32
    %sign3A_1 = arith.cmpi sgt, %add3A, %sign3A : i32
    %sign3A_2 = arith.extui %sign3A_1 : i1 to i32
    %sign3A_3 = arith.constant 0 : i32
    %sign3A_4 = arith.cmpi slt, %add3A, %sign3A_3 : i32
    %sign3A_5 = arith.extui %sign3A_4 : i1 to i32
    %sign3A_6 = arith.subi %sign3A_2, %sign3A_5 : i32
    %sign3A_7 = arith.constant 0 : i32
    %sign3A_8 = arith.cmpi sgt, %jit3A, %sign3A_7 : i32
    %sign3A_9 = arith.extui %sign3A_8 : i1 to i32
    %sign3A_10 = arith.constant 0 : i32
    %sign3A_11 = arith.cmpi slt, %jit3A, %sign3A_10 : i32
    %sign3A_12 = arith.extui %sign3A_11 : i1 to i32
    %sign3A_13 = arith.subi %sign3A_9, %sign3A_12 : i32
    %ne3A = arith.cmpi ne, %sign3A_6, %sign3A_13 : i32
    %rem3A = arith.remsi %add3A, %jit3A : i32
    %ne3A_14 = arith.constant 0 : i32
    %ne3A_15 = arith.cmpi ne, %rem3A, %ne3A_14 : i32
    %and3A = arith.andi %ne3A, %ne3A_15 : i1
    %sub3A = arith.constant 1 : i32
    %sub3A_16 = arith.subi %div3A, %sub3A : i32
    %select_n3A = arith.select %and3A, %sub3A_16, %div3A : i32
    %jit3A_17 = arith.constant 8 : i32
    %eq3A = arith.constant 0 : i32
    %eq3A_18 = arith.cmpi eq, %jit3A_17, %eq3A : i32
    %jit3A_19 = arith.constant 1 : i32
    %select_n3A_20 = arith.select %eq3A_18, %jit3A_19, %jit3A_17 : i32
    %rem3A_21 = arith.remsi %add3A, %select_n3A_20 : i32
    %ne3A_22 = arith.constant 0 : i32
    %ne3A_23 = arith.cmpi ne, %rem3A_21, %ne3A_22 : i32
    %lt3A = arith.constant 0 : i32
    %lt3A_24 = arith.cmpi slt, %rem3A_21, %lt3A : i32
    %lt3A_25 = arith.constant 0 : i32
    %lt3A_26 = arith.cmpi slt, %select_n3A_20, %lt3A_25 : i32
    %ne3A_27 = arith.xori %lt3A_24, %lt3A_26 : i1
    %and3A_28 = arith.andi %ne3A_27, %ne3A_23 : i1
    %add3A_29 = arith.addi %rem3A_21, %select_n3A_20 : i32
    %select_n3A_30 = arith.select %and3A_28, %add3A_29, %rem3A_21 : i32
    %mul3A_31 = arith.constant 512 : i32
    %mul3A_32 = arith.muli %select_n3A_30, %mul3A_31 : i32
    "tpu.region"() ({
      %run_scoped3A = tpu.sem_alloc : memref<!tpu.dma_semaphore, #tpu.memory_space<semaphore_mem>>
      %dma_start3A_570 = tpu.memref_slice %arg2[%select_n3A, %mul3A_32] : memref<4x4096xi32, #tpu.memory_space<hbm>> -> memref<1x512xi32, #tpu.memory_space<hbm>>
      %dma_start3A_571 = tpu.memref_squeeze %dma_start3A_570 : memref<1x512xi32, #tpu.memory_space<hbm>> -> memref<512xi32, #tpu.memory_space<hbm>>
      %dma_start3A_572 = tpu.memref_slice %arg2[%select_n3A, %mul3A_32] : memref<4x4096xi32, #tpu.memory_space<hbm>> -> memref<1x512xi32, #tpu.memory_space<hbm>>
      %dma_start3A_573 = tpu.memref_squeeze %dma_start3A_572 : memref<1x512xi32, #tpu.memory_space<hbm>> -> memref<512xi32, #tpu.memory_space<hbm>>
      tpu.enqueue_dma source(%dma_start3A_573 : memref<512xi32, #tpu.memory_space<hbm>>) target(%arg7 : memref<512xi32, #tpu.memory_space<vmem>>) target_semaphore(%run_scoped3A : memref<!tpu.dma_semaphore, #tpu.memory_space<semaphore_mem>>)
      %dma_wait3A_574 = tpu.memref_slice %arg2[%select_n3A, %mul3A_32] : memref<4x4096xi32, #tpu.memory_space<hbm>> -> memref<1x512xi32, #tpu.memory_space<hbm>>
      %dma_wait3A_575 = tpu.memref_squeeze %dma_wait3A_574 : memref<1x512xi32, #tpu.memory_space<hbm>> -> memref<512xi32, #tpu.memory_space<hbm>>
      %dma_wait3A_576 = tpu.memref_slice %arg2[%select_n3A, %mul3A_32] : memref<4x4096xi32, #tpu.memory_space<hbm>> -> memref<1x512xi32, #tpu.memory_space<hbm>>
      %dma_wait3A_577 = tpu.memref_squeeze %dma_wait3A_576 : memref<1x512xi32, #tpu.memory_space<hbm>> -> memref<512xi32, #tpu.memory_space<hbm>>
      tpu.wait_dma2 semaphore(%run_scoped3A : memref<!tpu.dma_semaphore, #tpu.memory_space<semaphore_mem>>) src(%dma_wait3A_577 : memref<512xi32, #tpu.memory_space<hbm>>) dst(%arg7 : memref<512xi32, #tpu.memory_space<vmem>>)
      tpu.yield
    }) : () -> ()
    %get3A = arith.constant 0 : index
    %get3A_33 = tpu.vector_load %arg7[%get3A] {strides = array<i32>} : memref<512xi32, #tpu.memory_space<vmem>>, vector<16xi32>,
    %add3A_34 = arith.constant 0 : i32
    %add3A_35 = vector.broadcast %add3A_34 : i32 to vector<16xi32>
    %add3A_36 = arith.addi %get3A_33, %add3A_35 : vector<16xi32>
    %swap3A = arith.constant 0 : index
    %swap3A_37 = tpu.vector_load %arg8[%swap3A] {strides = array<i32>} : memref<256xi32, #tpu.memory_space<vmem>>, vector<16xi32>,
    tpu.vector_store %arg8[%swap3A], %add3A_36 {strides = array<i32>} : memref<256xi32, #tpu.memory_space<vmem>>, vector<16xi32>,
    %add3A_38 = arith.constant 100000 : i32
    %add3A_39 = vector.broadcast %add3A_38 : i32 to vector<16xi32>
    %add3A_40 = arith.addi %get3A_33, %add3A_39 : vector<16xi32>
    %swap3A_41 = arith.constant 16 : index
    %swap3A_42 = tpu.vector_load %arg8[%swap3A_41] {strides = array<i32>} : memref<256xi32, #tpu.memory_space<vmem>>, vector<16xi32>,
    tpu.vector_store %arg8[%swap3A_41], %add3A_40 {strides = array<i32>} : memref<256xi32, #tpu.memory_space<vmem>>, vector<16xi32>,
    %add3A_43 = arith.constant 200000 : i32
    %add3A_44 = vector.broadcast %add3A_43 : i32 to vector<16xi32>
    %add3A_45 = arith.addi %get3A_33, %add3A_44 : vector<16xi32>
    %swap3A_46 = arith.constant 32 : index
    %swap3A_47 = tpu.vector_load %arg8[%swap3A_46] {strides = array<i32>} : memref<256xi32, #tpu.memory_space<vmem>>, vector<16xi32>,
    tpu.vector_store %arg8[%swap3A_46], %add3A_45 {strides = array<i32>} : memref<256xi32, #tpu.memory_space<vmem>>, vector<16xi32>,
    %add3A_48 = arith.constant 300000 : i32
    %add3A_49 = vector.broadcast %add3A_48 : i32 to vector<16xi32>
    %add3A_50 = arith.addi %get3A_33, %add3A_49 : vector<16xi32>
    %swap3A_51 = arith.constant 48 : index
    %swap3A_52 = tpu.vector_load %arg8[%swap3A_51] {strides = array<i32>} : memref<256xi32, #tpu.memory_space<vmem>>, vector<16xi32>,
    tpu.vector_store %arg8[%swap3A_51], %add3A_50 {strides = array<i32>} : memref<256xi32, #tpu.memory_space<vmem>>, vector<16xi32>,
    %add3A_53 = arith.constant 400000 : i32
    %add3A_54 = vector.broadcast %add3A_53 : i32 to vector<16xi32>
    %add3A_55 = arith.addi %get3A_33, %add3A_54 : vector<16xi32>
    %swap3A_56 = arith.constant 64 : index
    %swap3A_57 = tpu.vector_load %arg8[%swap3A_56] {strides = array<i32>} : memref<256xi32, #tpu.memory_space<vmem>>, vector<16xi32>,
    tpu.vector_store %arg8[%swap3A_56], %add3A_55 {strides = array<i32>} : memref<256xi32, #tpu.memory_space<vmem>>, vector<16xi32>,
    %add3A_58 = arith.constant 500000 : i32
    %add3A_59 = vector.broadcast %add3A_58 : i32 to vector<16xi32>
    %add3A_60 = arith.addi %get3A_33, %add3A_59 : vector<16xi32>
    %swap3A_61 = arith.constant 80 : index
    %swap3A_62 = tpu.vector_load %arg8[%swap3A_61] {strides = array<i32>} : memref<256xi32, #tpu.memory_space<vmem>>, vector<16xi32>,
    tpu.vector_store %arg8[%swap3A_61], %add3A_60 {strides = array<i32>} : memref<256xi32, #tpu.memory_space<vmem>>, vector<16xi32>,
    %add3A_63 = arith.constant 600000 : i32
    %add3A_64 = vector.broadcast %add3A_63 : i32 to vector<16xi32>
    %add3A_65 = arith.addi %get3A_33, %add3A_64 : vector<16xi32>
    %swap3A_66 = arith.constant 96 : index
    %swap3A_67 = tpu.vector_load %arg8[%swap3A_66] {strides = array<i32>} : memref<256xi32, #tpu.memory_space<vmem>>, vector<16xi32>,
    tpu.vector_store %arg8[%swap3A_66], %add3A_65 {strides = array<i32>} : memref<256xi32, #tpu.memory_space<vmem>>, vector<16xi32>,
    %add3A_68 = arith.constant 700000 : i32
    %add3A_69 = vector.broadcast %add3A_68 : i32 to vector<16xi32>
    %add3A_70 = arith.addi %get3A_33, %add3A_69 : vector<16xi32>
    %swap3A_71 = arith.constant 112 : index
    %swap3A_72 = tpu.vector_load %arg8[%swap3A_71] {strides = array<i32>} : memref<256xi32, #tpu.memory_space<vmem>>, vector<16xi32>,
    tpu.vector_store %arg8[%swap3A_71], %add3A_70 {strides = array<i32>} : memref<256xi32, #tpu.memory_space<vmem>>, vector<16xi32>,
    %add3A_73 = arith.constant 800000 : i32
    %add3A_74 = vector.broadcast %add3A_73 : i32 to vector<16xi32>
    %add3A_75 = arith.addi %get3A_33, %add3A_74 : vector<16xi32>
    %swap3A_76 = arith.constant 128 : index
    %swap3A_77 = tpu.vector_load %arg8[%swap3A_76] {strides = array<i32>} : memref<256xi32, #tpu.memory_space<vmem>>, vector<16xi32>,
    tpu.vector_store %arg8[%swap3A_76], %add3A_75 {strides = array<i32>} : memref<256xi32, #tpu.memory_space<vmem>>, vector<16xi32>,
    %add3A_78 = arith.constant 900000 : i32
    %add3A_79 = vector.broadcast %add3A_78 : i32 to vector<16xi32>
    %add3A_80 = arith.addi %get3A_33, %add3A_79 : vector<16xi32>
    %swap3A_81 = arith.constant 144 : index
    %swap3A_82 = tpu.vector_load %arg8[%swap3A_81] {strides = array<i32>} : memref<256xi32, #tpu.memory_space<vmem>>, vector<16xi32>,
    tpu.vector_store %arg8[%swap3A_81], %add3A_80 {strides = array<i32>} : memref<256xi32, #tpu.memory_space<vmem>>, vector<16xi32>,
    %add3A_83 = arith.constant 1000000 : i32
    %add3A_84 = vector.broadcast %add3A_83 : i32 to vector<16xi32>
    %add3A_85 = arith.addi %get3A_33, %add3A_84 : vector<16xi32>
    %swap3A_86 = arith.constant 160 : index
    %swap3A_87 = tpu.vector_load %arg8[%swap3A_86] {strides = array<i32>} : memref<256xi32, #tpu.memory_space<vmem>>, vector<16xi32>,
    tpu.vector_store %arg8[%swap3A_86], %add3A_85 {strides = array<i32>} : memref<256xi32, #tpu.memory_space<vmem>>, vector<16xi32>,
    %add3A_88 = arith.constant 1100000 : i32
    %add3A_89 = vector.broadcast %add3A_88 : i32 to vector<16xi32>
    %add3A_90 = arith.addi %get3A_33, %add3A_89 : vector<16xi32>
    %swap3A_91 = arith.constant 176 : index
    %swap3A_92 = tpu.vector_load %arg8[%swap3A_91] {strides = array<i32>} : memref<256xi32, #tpu.memory_space<vmem>>, vector<16xi32>,
    tpu.vector_store %arg8[%swap3A_91], %add3A_90 {strides = array<i32>} : memref<256xi32, #tpu.memory_space<vmem>>, vector<16xi32>,
    %add3A_93 = arith.constant 1200000 : i32
    %add3A_94 = vector.broadcast %add3A_93 : i32 to vector<16xi32>
    %add3A_95 = arith.addi %get3A_33, %add3A_94 : vector<16xi32>
    %swap3A_96 = arith.constant 192 : index
    %swap3A_97 = tpu.vector_load %arg8[%swap3A_96] {strides = array<i32>} : memref<256xi32, #tpu.memory_space<vmem>>, vector<16xi32>,
    tpu.vector_store %arg8[%swap3A_96], %add3A_95 {strides = array<i32>} : memref<256xi32, #tpu.memory_space<vmem>>, vector<16xi32>,
    %add3A_98 = arith.constant 1300000 : i32
    %add3A_99 = vector.broadcast %add3A_98 : i32 to vector<16xi32>
    %add3A_100 = arith.addi %get3A_33, %add3A_99 : vector<16xi32>
    %swap3A_101 = arith.constant 208 : index
    %swap3A_102 = tpu.vector_load %arg8[%swap3A_101] {strides = array<i32>} : memref<256xi32, #tpu.memory_space<vmem>>, vector<16xi32>,
    tpu.vector_store %arg8[%swap3A_101], %add3A_100 {strides = array<i32>} : memref<256xi32, #tpu.memory_space<vmem>>, vector<16xi32>,
    %add3A_103 = arith.constant 1400000 : i32
    %add3A_104 = vector.broadcast %add3A_103 : i32 to vector<16xi32>
    %add3A_105 = arith.addi %get3A_33, %add3A_104 : vector<16xi32>
    %swap3A_106 = arith.constant 224 : index
    %swap3A_107 = tpu.vector_load %arg8[%swap3A_106] {strides = array<i32>} : memref<256xi32, #tpu.memory_space<vmem>>, vector<16xi32>,
    tpu.vector_store %arg8[%swap3A_106], %add3A_105 {strides = array<i32>} : memref<256xi32, #tpu.memory_space<vmem>>, vector<16xi32>,
    %add3A_108 = arith.constant 1500000 : i32
    %add3A_109 = vector.broadcast %add3A_108 : i32 to vector<16xi32>
    %add3A_110 = arith.addi %get3A_33, %add3A_109 : vector<16xi32>
    %swap3A_111 = arith.constant 240 : index
    %swap3A_112 = tpu.vector_load %arg8[%swap3A_111] {strides = array<i32>} : memref<256xi32, #tpu.memory_space<vmem>>, vector<16xi32>,
    tpu.vector_store %arg8[%swap3A_111], %add3A_110 {strides = array<i32>} : memref<256xi32, #tpu.memory_space<vmem>>, vector<16xi32>,
    %dma_start3A = arith.constant 0 : i32
    %dma_start3A_113 = tpu.memref_slice %arg10[%dma_start3A] : memref<256xi32, #tpu.memory_space<vmem>> -> memref<128xi32, #tpu.memory_space<vmem>>
    %dma_start3A_114 = arith.constant 0 : i32
    %dma_start3A_115 = tpu.memref_slice %arg8[%dma_start3A_114] : memref<256xi32, #tpu.memory_space<vmem>> -> memref<128xi32, #tpu.memory_space<vmem>>
    %dma_start3A_116 = arith.constant 0 : i32
    %dma_start3A_117 = tpu.memref_slice %arg3[%dma_start3A_116] : memref<1600000xi32, #tpu.memory_space<hbm>> -> memref<1600000xi32, #tpu.memory_space<hbm>>
    tpu.enqueue_indirect_dma source(%dma_start3A_117 : memref<1600000xi32, #tpu.memory_space<hbm>>) target(%dma_start3A_113 : memref<128xi32, #tpu.memory_space<vmem>>) offsets(%dma_start3A_115 : memref<128xi32, #tpu.memory_space<vmem>>) semaphore(%arg18 : memref<!tpu.dma_semaphore, #tpu.memory_space<semaphore_mem>>)
    %dma_start3A_118 = arith.constant 128 : i32
    %dma_start3A_119 = tpu.memref_slice %arg10[%dma_start3A_118] : memref<256xi32, #tpu.memory_space<vmem>> -> memref<128xi32, #tpu.memory_space<vmem>>
    %dma_start3A_120 = arith.constant 128 : i32
    %dma_start3A_121 = tpu.memref_slice %arg8[%dma_start3A_120] : memref<256xi32, #tpu.memory_space<vmem>> -> memref<128xi32, #tpu.memory_space<vmem>>
    %dma_start3A_122 = arith.constant 0 : i32
    %dma_start3A_123 = tpu.memref_slice %arg3[%dma_start3A_122] : memref<1600000xi32, #tpu.memory_space<hbm>> -> memref<1600000xi32, #tpu.memory_space<hbm>>
    tpu.enqueue_indirect_dma source(%dma_start3A_123 : memref<1600000xi32, #tpu.memory_space<hbm>>) target(%dma_start3A_119 : memref<128xi32, #tpu.memory_space<vmem>>) offsets(%dma_start3A_121 : memref<128xi32, #tpu.memory_space<vmem>>) semaphore(%arg18 : memref<!tpu.dma_semaphore, #tpu.memory_space<semaphore_mem>>)
    %dma_start3A_124 = arith.constant 0 : i32
    %dma_start3A_125 = tpu.memref_slice %arg7[%dma_start3A_124] : memref<512xi32, #tpu.memory_space<vmem>> -> memref<16xi32, #tpu.memory_space<vmem>>
    %dma_start3A_126 = arith.constant 0 : i32
    %dma_start3A_127 = arith.constant 0 : i32
    %dma_start3A_128 = tpu.memref_slice %arg5[%dma_start3A_126, %dma_start3A_127] : memref<100000x128xf32, #tpu.memory_space<hbm>> -> memref<100000x128xf32, #tpu.memory_space<hbm>>
    tpu.enqueue_indirect_dma source(%dma_start3A_128 : memref<100000x128xf32, #tpu.memory_space<hbm>>) target(%arg14 : memref<16x128xf32, #tpu.memory_space<vmem>>) offsets(%dma_start3A_125 : memref<16xi32, #tpu.memory_space<vmem>>) semaphore(%arg22 : memref<!tpu.dma_semaphore, #tpu.memory_space<semaphore_mem>>)
    %get3A_129 = arith.constant 16 : index
    %get3A_130 = tpu.vector_load %arg7[%get3A_129] {strides = array<i32>} : memref<512xi32, #tpu.memory_space<vmem>>, vector<16xi32>,
    %add3A_131 = arith.constant 0 : i32
    %add3A_132 = vector.broadcast %add3A_131 : i32 to vector<16xi32>
    %add3A_133 = arith.addi %get3A_130, %add3A_132 : vector<16xi32>
    %swap3A_134 = arith.constant 0 : index
    %swap3A_135 = tpu.vector_load %arg9[%swap3A_134] {strides = array<i32>} : memref<256xi32, #tpu.memory_space<vmem>>, vector<16xi32>,
    tpu.vector_store %arg9[%swap3A_134], %add3A_133 {strides = array<i32>} : memref<256xi32, #tpu.memory_space<vmem>>, vector<16xi32>,
    %add3A_136 = arith.constant 100000 : i32
    %add3A_137 = vector.broadcast %add3A_136 : i32 to vector<16xi32>
    %add3A_138 = arith.addi %get3A_130, %add3A_137 : vector<16xi32>
    %swap3A_139 = arith.constant 16 : index
    %swap3A_140 = tpu.vector_load %arg9[%swap3A_139] {strides = array<i32>} : memref<256xi32, #tpu.memory_space<vmem>>, vector<16xi32>,
    tpu.vector_store %arg9[%swap3A_139], %add3A_138 {strides = array<i32>} : memref<256xi32, #tpu.memory_space<vmem>>, vector<16xi32>,
    %add3A_141 = arith.constant 200000 : i32
    %add3A_142 = vector.broadcast %add3A_141 : i32 to vector<16xi32>
    %add3A_143 = arith.addi %get3A_130, %add3A_142 : vector<16xi32>
    %swap3A_144 = arith.constant 32 : index
    %swap3A_145 = tpu.vector_load %arg9[%swap3A_144] {strides = array<i32>} : memref<256xi32, #tpu.memory_space<vmem>>, vector<16xi32>,
    tpu.vector_store %arg9[%swap3A_144], %add3A_143 {strides = array<i32>} : memref<256xi32, #tpu.memory_space<vmem>>, vector<16xi32>,
    %add3A_146 = arith.constant 300000 : i32
    %add3A_147 = vector.broadcast %add3A_146 : i32 to vector<16xi32>
    %add3A_148 = arith.addi %get3A_130, %add3A_147 : vector<16xi32>
    %swap3A_149 = arith.constant 48 : index
    %swap3A_150 = tpu.vector_load %arg9[%swap3A_149] {strides = array<i32>} : memref<256xi32, #tpu.memory_space<vmem>>, vector<16xi32>,
    tpu.vector_store %arg9[%swap3A_149], %add3A_148 {strides = array<i32>} : memref<256xi32, #tpu.memory_space<vmem>>, vector<16xi32>,
    %add3A_151 = arith.constant 400000 : i32
    %add3A_152 = vector.broadcast %add3A_151 : i32 to vector<16xi32>
    %add3A_153 = arith.addi %get3A_130, %add3A_152 : vector<16xi32>
    %swap3A_154 = arith.constant 64 : index
    %swap3A_155 = tpu.vector_load %arg9[%swap3A_154] {strides = array<i32>} : memref<256xi32, #tpu.memory_space<vmem>>, vector<16xi32>,
    tpu.vector_store %arg9[%swap3A_154], %add3A_153 {strides = array<i32>} : memref<256xi32, #tpu.memory_space<vmem>>, vector<16xi32>,
    %add3A_156 = arith.constant 500000 : i32
    %add3A_157 = vector.broadcast %add3A_156 : i32 to vector<16xi32>
    %add3A_158 = arith.addi %get3A_130, %add3A_157 : vector<16xi32>
    %swap3A_159 = arith.constant 80 : index
    %swap3A_160 = tpu.vector_load %arg9[%swap3A_159] {strides = array<i32>} : memref<256xi32, #tpu.memory_space<vmem>>, vector<16xi32>,
    tpu.vector_store %arg9[%swap3A_159], %add3A_158 {strides = array<i32>} : memref<256xi32, #tpu.memory_space<vmem>>, vector<16xi32>,
    %add3A_161 = arith.constant 600000 : i32
    %add3A_162 = vector.broadcast %add3A_161 : i32 to vector<16xi32>
    %add3A_163 = arith.addi %get3A_130, %add3A_162 : vector<16xi32>
    %swap3A_164 = arith.constant 96 : index
    %swap3A_165 = tpu.vector_load %arg9[%swap3A_164] {strides = array<i32>} : memref<256xi32, #tpu.memory_space<vmem>>, vector<16xi32>,
    tpu.vector_store %arg9[%swap3A_164], %add3A_163 {strides = array<i32>} : memref<256xi32, #tpu.memory_space<vmem>>, vector<16xi32>,
    %add3A_166 = arith.constant 700000 : i32
    %add3A_167 = vector.broadcast %add3A_166 : i32 to vector<16xi32>
    %add3A_168 = arith.addi %get3A_130, %add3A_167 : vector<16xi32>
    %swap3A_169 = arith.constant 112 : index
    %swap3A_170 = tpu.vector_load %arg9[%swap3A_169] {strides = array<i32>} : memref<256xi32, #tpu.memory_space<vmem>>, vector<16xi32>,
    tpu.vector_store %arg9[%swap3A_169], %add3A_168 {strides = array<i32>} : memref<256xi32, #tpu.memory_space<vmem>>, vector<16xi32>,
    %add3A_171 = arith.constant 800000 : i32
    %add3A_172 = vector.broadcast %add3A_171 : i32 to vector<16xi32>
    %add3A_173 = arith.addi %get3A_130, %add3A_172 : vector<16xi32>
    %swap3A_174 = arith.constant 128 : index
    %swap3A_175 = tpu.vector_load %arg9[%swap3A_174] {strides = array<i32>} : memref<256xi32, #tpu.memory_space<vmem>>, vector<16xi32>,
    tpu.vector_store %arg9[%swap3A_174], %add3A_173 {strides = array<i32>} : memref<256xi32, #tpu.memory_space<vmem>>, vector<16xi32>,
    %add3A_176 = arith.constant 900000 : i32
    %add3A_177 = vector.broadcast %add3A_176 : i32 to vector<16xi32>
    %add3A_178 = arith.addi %get3A_130, %add3A_177 : vector<16xi32>
    %swap3A_179 = arith.constant 144 : index
    %swap3A_180 = tpu.vector_load %arg9[%swap3A_179] {strides = array<i32>} : memref<256xi32, #tpu.memory_space<vmem>>, vector<16xi32>,
    tpu.vector_store %arg9[%swap3A_179], %add3A_178 {strides = array<i32>} : memref<256xi32, #tpu.memory_space<vmem>>, vector<16xi32>,
    %add3A_181 = arith.constant 1000000 : i32
    %add3A_182 = vector.broadcast %add3A_181 : i32 to vector<16xi32>
    %add3A_183 = arith.addi %get3A_130, %add3A_182 : vector<16xi32>
    %swap3A_184 = arith.constant 160 : index
    %swap3A_185 = tpu.vector_load %arg9[%swap3A_184] {strides = array<i32>} : memref<256xi32, #tpu.memory_space<vmem>>, vector<16xi32>,
    tpu.vector_store %arg9[%swap3A_184], %add3A_183 {strides = array<i32>} : memref<256xi32, #tpu.memory_space<vmem>>, vector<16xi32>,
    %add3A_186 = arith.constant 1100000 : i32
    %add3A_187 = vector.broadcast %add3A_186 : i32 to vector<16xi32>
    %add3A_188 = arith.addi %get3A_130, %add3A_187 : vector<16xi32>
    %swap3A_189 = arith.constant 176 : index
    %swap3A_190 = tpu.vector_load %arg9[%swap3A_189] {strides = array<i32>} : memref<256xi32, #tpu.memory_space<vmem>>, vector<16xi32>,
    tpu.vector_store %arg9[%swap3A_189], %add3A_188 {strides = array<i32>} : memref<256xi32, #tpu.memory_space<vmem>>, vector<16xi32>,
    %add3A_191 = arith.constant 1200000 : i32
    %add3A_192 = vector.broadcast %add3A_191 : i32 to vector<16xi32>
    %add3A_193 = arith.addi %get3A_130, %add3A_192 : vector<16xi32>
    %swap3A_194 = arith.constant 192 : index
    %swap3A_195 = tpu.vector_load %arg9[%swap3A_194] {strides = array<i32>} : memref<256xi32, #tpu.memory_space<vmem>>, vector<16xi32>,
    tpu.vector_store %arg9[%swap3A_194], %add3A_193 {strides = array<i32>} : memref<256xi32, #tpu.memory_space<vmem>>, vector<16xi32>,
    %add3A_196 = arith.constant 1300000 : i32
    %add3A_197 = vector.broadcast %add3A_196 : i32 to vector<16xi32>
    %add3A_198 = arith.addi %get3A_130, %add3A_197 : vector<16xi32>
    %swap3A_199 = arith.constant 208 : index
    %swap3A_200 = tpu.vector_load %arg9[%swap3A_199] {strides = array<i32>} : memref<256xi32, #tpu.memory_space<vmem>>, vector<16xi32>,
    tpu.vector_store %arg9[%swap3A_199], %add3A_198 {strides = array<i32>} : memref<256xi32, #tpu.memory_space<vmem>>, vector<16xi32>,
    %add3A_201 = arith.constant 1400000 : i32
    %add3A_202 = vector.broadcast %add3A_201 : i32 to vector<16xi32>
    %add3A_203 = arith.addi %get3A_130, %add3A_202 : vector<16xi32>
    %swap3A_204 = arith.constant 224 : index
    %swap3A_205 = tpu.vector_load %arg9[%swap3A_204] {strides = array<i32>} : memref<256xi32, #tpu.memory_space<vmem>>, vector<16xi32>,
    tpu.vector_store %arg9[%swap3A_204], %add3A_203 {strides = array<i32>} : memref<256xi32, #tpu.memory_space<vmem>>, vector<16xi32>,
    %add3A_206 = arith.constant 1500000 : i32
    %add3A_207 = vector.broadcast %add3A_206 : i32 to vector<16xi32>
    %add3A_208 = arith.addi %get3A_130, %add3A_207 : vector<16xi32>
    %swap3A_209 = arith.constant 240 : index
    %swap3A_210 = tpu.vector_load %arg9[%swap3A_209] {strides = array<i32>} : memref<256xi32, #tpu.memory_space<vmem>>, vector<16xi32>,
    tpu.vector_store %arg9[%swap3A_209], %add3A_208 {strides = array<i32>} : memref<256xi32, #tpu.memory_space<vmem>>, vector<16xi32>,
    %dma_start3A_211 = arith.constant 0 : i32
    %dma_start3A_212 = tpu.memref_slice %arg11[%dma_start3A_211] : memref<256xi32, #tpu.memory_space<vmem>> -> memref<128xi32, #tpu.memory_space<vmem>>
    %dma_start3A_213 = arith.constant 0 : i32
    %dma_start3A_214 = tpu.memref_slice %arg9[%dma_start3A_213] : memref<256xi32, #tpu.memory_space<vmem>> -> memref<128xi32, #tpu.memory_space<vmem>>
    %dma_start3A_215 = arith.constant 0 : i32
    %dma_start3A_216 = tpu.memref_slice %arg3[%dma_start3A_215] : memref<1600000xi32, #tpu.memory_space<hbm>> -> memref<1600000xi32, #tpu.memory_space<hbm>>
    tpu.enqueue_indirect_dma source(%dma_start3A_216 : memref<1600000xi32, #tpu.memory_space<hbm>>) target(%dma_start3A_212 : memref<128xi32, #tpu.memory_space<vmem>>) offsets(%dma_start3A_214 : memref<128xi32, #tpu.memory_space<vmem>>) semaphore(%arg19 : memref<!tpu.dma_semaphore, #tpu.memory_space<semaphore_mem>>)
    %dma_start3A_217 = arith.constant 128 : i32
    %dma_start3A_218 = tpu.memref_slice %arg11[%dma_start3A_217] : memref<256xi32, #tpu.memory_space<vmem>> -> memref<128xi32, #tpu.memory_space<vmem>>
    %dma_start3A_219 = arith.constant 128 : i32
    %dma_start3A_220 = tpu.memref_slice %arg9[%dma_start3A_219] : memref<256xi32, #tpu.memory_space<vmem>> -> memref<128xi32, #tpu.memory_space<vmem>>
    %dma_start3A_221 = arith.constant 0 : i32
    %dma_start3A_222 = tpu.memref_slice %arg3[%dma_start3A_221] : memref<1600000xi32, #tpu.memory_space<hbm>> -> memref<1600000xi32, #tpu.memory_space<hbm>>
    tpu.enqueue_indirect_dma source(%dma_start3A_222 : memref<1600000xi32, #tpu.memory_space<hbm>>) target(%dma_start3A_218 : memref<128xi32, #tpu.memory_space<vmem>>) offsets(%dma_start3A_220 : memref<128xi32, #tpu.memory_space<vmem>>) semaphore(%arg19 : memref<!tpu.dma_semaphore, #tpu.memory_space<semaphore_mem>>)
    %dma_start3A_223 = arith.constant 16 : i32
    %dma_start3A_224 = tpu.memref_slice %arg7[%dma_start3A_223] : memref<512xi32, #tpu.memory_space<vmem>> -> memref<16xi32, #tpu.memory_space<vmem>>
    %dma_start3A_225 = arith.constant 0 : i32
    %dma_start3A_226 = arith.constant 0 : i32
    %dma_start3A_227 = tpu.memref_slice %arg5[%dma_start3A_225, %dma_start3A_226] : memref<100000x128xf32, #tpu.memory_space<hbm>> -> memref<100000x128xf32, #tpu.memory_space<hbm>>
    tpu.enqueue_indirect_dma source(%dma_start3A_227 : memref<100000x128xf32, #tpu.memory_space<hbm>>) target(%arg15 : memref<16x128xf32, #tpu.memory_space<vmem>>) offsets(%dma_start3A_224 : memref<16xi32, #tpu.memory_space<vmem>>) semaphore(%arg23 : memref<!tpu.dma_semaphore, #tpu.memory_space<semaphore_mem>>)
    %dma_wait3A = arith.constant 0 : i32
    %dma_wait3A_228 = tpu.memref_slice %arg10[%dma_wait3A] : memref<256xi32, #tpu.memory_space<vmem>> -> memref<128xi32, #tpu.memory_space<vmem>>
    %dma_wait3A_229 = arith.constant 0 : i32
    %dma_wait3A_230 = tpu.memref_slice %arg8[%dma_wait3A_229] : memref<256xi32, #tpu.memory_space<vmem>> -> memref<128xi32, #tpu.memory_space<vmem>>
    %dma_wait3A_231 = arith.constant 0 : i32
    %dma_wait3A_232 = tpu.memref_slice %arg3[%dma_wait3A_231] : memref<1600000xi32, #tpu.memory_space<hbm>> -> memref<1600000xi32, #tpu.memory_space<hbm>>
    tpu.wait_indirect_dma semaphore(%arg18 : memref<!tpu.dma_semaphore, #tpu.memory_space<semaphore_mem>>) src(%dma_wait3A_232 : memref<1600000xi32, #tpu.memory_space<hbm>>) dst(%dma_wait3A_228 : memref<128xi32, #tpu.memory_space<vmem>>)
    %dma_wait3A_233 = arith.constant 128 : i32
    %dma_wait3A_234 = tpu.memref_slice %arg10[%dma_wait3A_233] : memref<256xi32, #tpu.memory_space<vmem>> -> memref<128xi32, #tpu.memory_space<vmem>>
    %dma_wait3A_235 = arith.constant 128 : i32
    %dma_wait3A_236 = tpu.memref_slice %arg8[%dma_wait3A_235] : memref<256xi32, #tpu.memory_space<vmem>> -> memref<128xi32, #tpu.memory_space<vmem>>
    %dma_wait3A_237 = arith.constant 0 : i32
    %dma_wait3A_238 = tpu.memref_slice %arg3[%dma_wait3A_237] : memref<1600000xi32, #tpu.memory_space<hbm>> -> memref<1600000xi32, #tpu.memory_space<hbm>>
    tpu.wait_indirect_dma semaphore(%arg18 : memref<!tpu.dma_semaphore, #tpu.memory_space<semaphore_mem>>) src(%dma_wait3A_238 : memref<1600000xi32, #tpu.memory_space<hbm>>) dst(%dma_wait3A_234 : memref<128xi32, #tpu.memory_space<vmem>>)
    %get3A_239 = arith.constant 0 : index
    %get3A_240 = tpu.vector_load %arg10[%get3A_239] {strides = array<i32>} : memref<256xi32, #tpu.memory_space<vmem>>, vector<16xi32>,
    %add3A_241 = arith.constant 0 : i32
    %add3A_242 = vector.broadcast %add3A_241 : i32 to vector<16xi32>
    %add3A_243 = arith.addi %get3A_240, %add3A_242 : vector<16xi32>
    %swap3A_244 = arith.constant 0 : index
    %swap3A_245 = tpu.vector_load %arg12[%swap3A_244] {strides = array<i32>} : memref<256xi32, #tpu.memory_space<vmem>>, vector<16xi32>,
    tpu.vector_store %arg12[%swap3A_244], %add3A_243 {strides = array<i32>} : memref<256xi32, #tpu.memory_space<vmem>>, vector<16xi32>,
    %get3A_246 = arith.constant 16 : index
    %get3A_247 = tpu.vector_load %arg10[%get3A_246] {strides = array<i32>} : memref<256xi32, #tpu.memory_space<vmem>>, vector<16xi32>,
    %add3A_248 = arith.constant 256 : i32
    %add3A_249 = vector.broadcast %add3A_248 : i32 to vector<16xi32>
    %add3A_250 = arith.addi %get3A_247, %add3A_249 : vector<16xi32>
    %swap3A_251 = arith.constant 16 : index
    %swap3A_252 = tpu.vector_load %arg12[%swap3A_251] {strides = array<i32>} : memref<256xi32, #tpu.memory_space<vmem>>, vector<16xi32>,
    tpu.vector_store %arg12[%swap3A_251], %add3A_250 {strides = array<i32>} : memref<256xi32, #tpu.memory_space<vmem>>, vector<16xi32>,
    %get3A_253 = arith.constant 32 : index
    %get3A_254 = tpu.vector_load %arg10[%get3A_253] {strides = array<i32>} : memref<256xi32, #tpu.memory_space<vmem>>, vector<16xi32>,
    %add3A_255 = arith.constant 512 : i32
    %add3A_256 = vector.broadcast %add3A_255 : i32 to vector<16xi32>
    %add3A_257 = arith.addi %get3A_254, %add3A_256 : vector<16xi32>
    %swap3A_258 = arith.constant 32 : index
    %swap3A_259 = tpu.vector_load %arg12[%swap3A_258] {strides = array<i32>} : memref<256xi32, #tpu.memory_space<vmem>>, vector<16xi32>,
    tpu.vector_store %arg12[%swap3A_258], %add3A_257 {strides = array<i32>} : memref<256xi32, #tpu.memory_space<vmem>>, vector<16xi32>,
    %get3A_260 = arith.constant 48 : index
    %get3A_261 = tpu.vector_load %arg10[%get3A_260] {strides = array<i32>} : memref<256xi32, #tpu.memory_space<vmem>>, vector<16xi32>,
    %add3A_262 = arith.constant 768 : i32
    %add3A_263 = vector.broadcast %add3A_262 : i32 to vector<16xi32>
    %add3A_264 = arith.addi %get3A_261, %add3A_263 : vector<16xi32>
    %swap3A_265 = arith.constant 48 : index
    %swap3A_266 = tpu.vector_load %arg12[%swap3A_265] {strides = array<i32>} : memref<256xi32, #tpu.memory_space<vmem>>, vector<16xi32>,
    tpu.vector_store %arg12[%swap3A_265], %add3A_264 {strides = array<i32>} : memref<256xi32, #tpu.memory_space<vmem>>, vector<16xi32>,
    %get3A_267 = arith.constant 64 : index
    %get3A_268 = tpu.vector_load %arg10[%get3A_267] {strides = array<i32>} : memref<256xi32, #tpu.memory_space<vmem>>, vector<16xi32>,
    %add3A_269 = arith.constant 1024 : i32
    %add3A_270 = vector.broadcast %add3A_269 : i32 to vector<16xi32>
    %add3A_271 = arith.addi %get3A_268, %add3A_270 : vector<16xi32>
    %swap3A_272 = arith.constant 64 : index
    %swap3A_273 = tpu.vector_load %arg12[%swap3A_272] {strides = array<i32>} : memref<256xi32, #tpu.memory_space<vmem>>, vector<16xi32>,
    tpu.vector_store %arg12[%swap3A_272], %add3A_271 {strides = array<i32>} : memref<256xi32, #tpu.memory_space<vmem>>, vector<16xi32>,
    %get3A_274 = arith.constant 80 : index
    %get3A_275 = tpu.vector_load %arg10[%get3A_274] {strides = array<i32>} : memref<256xi32, #tpu.memory_space<vmem>>, vector<16xi32>,
    %add3A_276 = arith.constant 1280 : i32
    %add3A_277 = vector.broadcast %add3A_276 : i32 to vector<16xi32>
    %add3A_278 = arith.addi %get3A_275, %add3A_277 : vector<16xi32>
    %swap3A_279 = arith.constant 80 : index
    %swap3A_280 = tpu.vector_load %arg12[%swap3A_279] {strides = array<i32>} : memref<256xi32, #tpu.memory_space<vmem>>, vector<16xi32>,
    tpu.vector_store %arg12[%swap3A_279], %add3A_278 {strides = array<i32>} : memref<256xi32, #tpu.memory_space<vmem>>, vector<16xi32>,
    %get3A_281 = arith.constant 96 : index
    %get3A_282 = tpu.vector_load %arg10[%get3A_281] {strides = array<i32>} : memref<256xi32, #tpu.memory_space<vmem>>, vector<16xi32>,
    %add3A_283 = arith.constant 1536 : i32
    %add3A_284 = vector.broadcast %add3A_283 : i32 to vector<16xi32>
    %add3A_285 = arith.addi %get3A_282, %add3A_284 : vector<16xi32>
    %swap3A_286 = arith.constant 96 : index
    %swap3A_287 = tpu.vector_load %arg12[%swap3A_286] {strides = array<i32>} : memref<256xi32, #tpu.memory_space<vmem>>, vector<16xi32>,
    tpu.vector_store %arg12[%swap3A_286], %add3A_285 {strides = array<i32>} : memref<256xi32, #tpu.memory_space<vmem>>, vector<16xi32>,
    %get3A_288 = arith.constant 112 : index
    %get3A_289 = tpu.vector_load %arg10[%get3A_288] {strides = array<i32>} : memref<256xi32, #tpu.memory_space<vmem>>, vector<16xi32>,
    %add3A_290 = arith.constant 1792 : i32
    %add3A_291 = vector.broadcast %add3A_290 : i32 to vector<16xi32>
    %add3A_292 = arith.addi %get3A_289, %add3A_291 : vector<16xi32>
    %swap3A_293 = arith.constant 112 : index
    %swap3A_294 = tpu.vector_load %arg12[%swap3A_293] {strides = array<i32>} : memref<256xi32, #tpu.memory_space<vmem>>, vector<16xi32>,
    tpu.vector_store %arg12[%swap3A_293], %add3A_292 {strides = array<i32>} : memref<256xi32, #tpu.memory_space<vmem>>, vector<16xi32>,
    %get3A_295 = arith.constant 128 : index
    %get3A_296 = tpu.vector_load %arg10[%get3A_295] {strides = array<i32>} : memref<256xi32, #tpu.memory_space<vmem>>, vector<16xi32>,
    %add3A_297 = arith.constant 2048 : i32
    %add3A_298 = vector.broadcast %add3A_297 : i32 to vector<16xi32>
    %add3A_299 = arith.addi %get3A_296, %add3A_298 : vector<16xi32>
    %swap3A_300 = arith.constant 128 : index
    %swap3A_301 = tpu.vector_load %arg12[%swap3A_300] {strides = array<i32>} : memref<256xi32, #tpu.memory_space<vmem>>, vector<16xi32>,
    tpu.vector_store %arg12[%swap3A_300], %add3A_299 {strides = array<i32>} : memref<256xi32, #tpu.memory_space<vmem>>, vector<16xi32>,
    %get3A_302 = arith.constant 144 : index
    %get3A_303 = tpu.vector_load %arg10[%get3A_302] {strides = array<i32>} : memref<256xi32, #tpu.memory_space<vmem>>, vector<16xi32>,
    %add3A_304 = arith.constant 2304 : i32
    %add3A_305 = vector.broadcast %add3A_304 : i32 to vector<16xi32>
    %add3A_306 = arith.addi %get3A_303, %add3A_305 : vector<16xi32>
    %swap3A_307 = arith.constant 144 : index
    %swap3A_308 = tpu.vector_load %arg12[%swap3A_307] {strides = array<i32>} : memref<256xi32, #tpu.memory_space<vmem>>, vector<16xi32>,
    tpu.vector_store %arg12[%swap3A_307], %add3A_306 {strides = array<i32>} : memref<256xi32, #tpu.memory_space<vmem>>, vector<16xi32>,
    %get3A_309 = arith.constant 160 : index
    %get3A_310 = tpu.vector_load %arg10[%get3A_309] {strides = array<i32>} : memref<256xi32, #tpu.memory_space<vmem>>, vector<16xi32>,
    %add3A_311 = arith.constant 2560 : i32
    %add3A_312 = vector.broadcast %add3A_311 : i32 to vector<16xi32>
    %add3A_313 = arith.addi %get3A_310, %add3A_312 : vector<16xi32>
    %swap3A_314 = arith.constant 160 : index
    %swap3A_315 = tpu.vector_load %arg12[%swap3A_314] {strides = array<i32>} : memref<256xi32, #tpu.memory_space<vmem>>, vector<16xi32>,
    tpu.vector_store %arg12[%swap3A_314], %add3A_313 {strides = array<i32>} : memref<256xi32, #tpu.memory_space<vmem>>, vector<16xi32>,
    %get3A_316 = arith.constant 176 : index
    %get3A_317 = tpu.vector_load %arg10[%get3A_316] {strides = array<i32>} : memref<256xi32, #tpu.memory_space<vmem>>, vector<16xi32>,
    %add3A_318 = arith.constant 2816 : i32
    %add3A_319 = vector.broadcast %add3A_318 : i32 to vector<16xi32>
    %add3A_320 = arith.addi %get3A_317, %add3A_319 : vector<16xi32>
    %swap3A_321 = arith.constant 176 : index
    %swap3A_322 = tpu.vector_load %arg12[%swap3A_321] {strides = array<i32>} : memref<256xi32, #tpu.memory_space<vmem>>, vector<16xi32>,
    tpu.vector_store %arg12[%swap3A_321], %add3A_320 {strides = array<i32>} : memref<256xi32, #tpu.memory_space<vmem>>, vector<16xi32>,
    %get3A_323 = arith.constant 192 : index
    %get3A_324 = tpu.vector_load %arg10[%get3A_323] {strides = array<i32>} : memref<256xi32, #tpu.memory_space<vmem>>, vector<16xi32>,
    %add3A_325 = arith.constant 3072 : i32
    %add3A_326 = vector.broadcast %add3A_325 : i32 to vector<16xi32>
    %add3A_327 = arith.addi %get3A_324, %add3A_326 : vector<16xi32>
    %swap3A_328 = arith.constant 192 : index
    %swap3A_329 = tpu.vector_load %arg12[%swap3A_328] {strides = array<i32>} : memref<256xi32, #tpu.memory_space<vmem>>, vector<16xi32>,
    tpu.vector_store %arg12[%swap3A_328], %add3A_327 {strides = array<i32>} : memref<256xi32, #tpu.memory_space<vmem>>, vector<16xi32>,
    %get3A_330 = arith.constant 208 : index
    %get3A_331 = tpu.vector_load %arg10[%get3A_330] {strides = array<i32>} : memref<256xi32, #tpu.memory_space<vmem>>, vector<16xi32>,
    %add3A_332 = arith.constant 3328 : i32
    %add3A_333 = vector.broadcast %add3A_332 : i32 to vector<16xi32>
    %add3A_334 = arith.addi %get3A_331, %add3A_333 : vector<16xi32>
    %swap3A_335 = arith.constant 208 : index
    %swap3A_336 = tpu.vector_load %arg12[%swap3A_335] {strides = array<i32>} : memref<256xi32, #tpu.memory_space<vmem>>, vector<16xi32>,
    tpu.vector_store %arg12[%swap3A_335], %add3A_334 {strides = array<i32>} : memref<256xi32, #tpu.memory_space<vmem>>, vector<16xi32>,
    %get3A_337 = arith.constant 224 : index
    %get3A_338 = tpu.vector_load %arg10[%get3A_337] {strides = array<i32>} : memref<256xi32, #tpu.memory_space<vmem>>, vector<16xi32>,
    %add3A_339 = arith.constant 3584 : i32
    %add3A_340 = vector.broadcast %add3A_339 : i32 to vector<16xi32>
    %add3A_341 = arith.addi %get3A_338, %add3A_340 : vector<16xi32>
    %swap3A_342 = arith.constant 224 : index
    %swap3A_343 = tpu.vector_load %arg12[%swap3A_342] {strides = array<i32>} : memref<256xi32, #tpu.memory_space<vmem>>, vector<16xi32>,
    tpu.vector_store %arg12[%swap3A_342], %add3A_341 {strides = array<i32>} : memref<256xi32, #tpu.memory_space<vmem>>, vector<16xi32>,
    %get3A_344 = arith.constant 240 : index
    %get3A_345 = tpu.vector_load %arg10[%get3A_344] {strides = array<i32>} : memref<256xi32, #tpu.memory_space<vmem>>, vector<16xi32>,
    %add3A_346 = arith.constant 3840 : i32
    %add3A_347 = vector.broadcast %add3A_346 : i32 to vector<16xi32>
    %add3A_348 = arith.addi %get3A_345, %add3A_347 : vector<16xi32>
    %swap3A_349 = arith.constant 240 : index
    %swap3A_350 = tpu.vector_load %arg12[%swap3A_349] {strides = array<i32>} : memref<256xi32, #tpu.memory_space<vmem>>, vector<16xi32>,
    tpu.vector_store %arg12[%swap3A_349], %add3A_348 {strides = array<i32>} : memref<256xi32, #tpu.memory_space<vmem>>, vector<16xi32>,
    %dma_start3A_351 = arith.constant 0 : i32
    %dma_start3A_352 = arith.constant 0 : i32
    %dma_start3A_353 = tpu.memref_slice %arg16[%dma_start3A_351, %dma_start3A_352] : memref<256x128xbf16, #tpu.memory_space<vmem>> -> memref<128x128xbf16, #tpu.memory_space<vmem>>
    %dma_start3A_354 = arith.constant 0 : i32
    %dma_start3A_355 = tpu.memref_slice %arg12[%dma_start3A_354] : memref<256xi32, #tpu.memory_space<vmem>> -> memref<128xi32, #tpu.memory_space<vmem>>
    %dma_start3A_356 = arith.constant 0 : i32
    %dma_start3A_357 = arith.constant 0 : i32
    %dma_start3A_358 = tpu.memref_slice %arg4[%dma_start3A_356, %dma_start3A_357] : memref<4096x128xbf16, #tpu.memory_space<hbm>> -> memref<4096x128xbf16, #tpu.memory_space<hbm>>
    tpu.enqueue_indirect_dma source(%dma_start3A_358 : memref<4096x128xbf16, #tpu.memory_space<hbm>>) target(%dma_start3A_353 : memref<128x128xbf16, #tpu.memory_space<vmem>>) offsets(%dma_start3A_355 : memref<128xi32, #tpu.memory_space<vmem>>) semaphore(%arg20 : memref<!tpu.dma_semaphore, #tpu.memory_space<semaphore_mem>>)
    %dma_start3A_359 = arith.constant 128 : i32
    %dma_start3A_360 = arith.constant 0 : i32
    %dma_start3A_361 = tpu.memref_slice %arg16[%dma_start3A_359, %dma_start3A_360] : memref<256x128xbf16, #tpu.memory_space<vmem>> -> memref<128x128xbf16, #tpu.memory_space<vmem>>
    %dma_start3A_362 = arith.constant 128 : i32
    %dma_start3A_363 = tpu.memref_slice %arg12[%dma_start3A_362] : memref<256xi32, #tpu.memory_space<vmem>> -> memref<128xi32, #tpu.memory_space<vmem>>
    %dma_start3A_364 = arith.constant 0 : i32
    %dma_start3A_365 = arith.constant 0 : i32
    %dma_start3A_366 = tpu.memref_slice %arg4[%dma_start3A_364, %dma_start3A_365] : memref<4096x128xbf16, #tpu.memory_space<hbm>> -> memref<4096x128xbf16, #tpu.memory_space<hbm>>
    tpu.enqueue_indirect_dma source(%dma_start3A_366 : memref<4096x128xbf16, #tpu.memory_space<hbm>>) target(%dma_start3A_361 : memref<128x128xbf16, #tpu.memory_space<vmem>>) offsets(%dma_start3A_363 : memref<128xi32, #tpu.memory_space<vmem>>) semaphore(%arg20 : memref<!tpu.dma_semaphore, #tpu.memory_space<semaphore_mem>>)
    %scan3A = arith.constant 0 : i32
    %scan3A_367 = arith.constant 0 : i32
    %scan3A_368 = arith.constant 15 : i32
    %scan3A_369 = arith.addi %scan3A_367, %scan3A_368 : i32
    %scan3A_370 = arith.constant 1 : i32
    scf.for %scan3A_570 = %scan3A_367 to %scan3A_369 step %scan3A_370  : i32 {
      %mul3A_571 = arith.constant 2 : i32
      %mul3A_572 = arith.muli %scan3A_570, %mul3A_571 : i32
      %add3A_573 = arith.constant 0 : i32
      %add3A_574 = arith.addi %mul3A_572, %add3A_573 : i32
      %add3A_575 = arith.constant 1 : i32
      %add3A_576 = arith.addi %add3A_574, %add3A_575 : i32
      %dma_wait3A_577 = arith.constant 0 : i32
      %dma_wait3A_578 = tpu.memref_slice %arg11[%dma_wait3A_577] : memref<256xi32, #tpu.memory_space<vmem>> -> memref<128xi32, #tpu.memory_space<vmem>>
      %dma_wait3A_579 = arith.constant 0 : i32
      %dma_wait3A_580 = tpu.memref_slice %arg9[%dma_wait3A_579] : memref<256xi32, #tpu.memory_space<vmem>> -> memref<128xi32, #tpu.memory_space<vmem>>
      %dma_wait3A_581 = arith.constant 0 : i32
      %dma_wait3A_582 = tpu.memref_slice %arg3[%dma_wait3A_581] : memref<1600000xi32, #tpu.memory_space<hbm>> -> memref<1600000xi32, #tpu.memory_space<hbm>>
      tpu.wait_indirect_dma semaphore(%arg19 : memref<!tpu.dma_semaphore, #tpu.memory_space<semaphore_mem>>) src(%dma_wait3A_582 : memref<1600000xi32, #tpu.memory_space<hbm>>) dst(%dma_wait3A_578 : memref<128xi32, #tpu.memory_space<vmem>>)
      %dma_wait3A_583 = arith.constant 128 : i32
      %dma_wait3A_584 = tpu.memref_slice %arg11[%dma_wait3A_583] : memref<256xi32, #tpu.memory_space<vmem>> -> memref<128xi32, #tpu.memory_space<vmem>>
      %dma_wait3A_585 = arith.constant 128 : i32
      %dma_wait3A_586 = tpu.memref_slice %arg9[%dma_wait3A_585] : memref<256xi32, #tpu.memory_space<vmem>> -> memref<128xi32, #tpu.memory_space<vmem>>
      %dma_wait3A_587 = arith.constant 0 : i32
      %dma_wait3A_588 = tpu.memref_slice %arg3[%dma_wait3A_587] : memref<1600000xi32, #tpu.memory_space<hbm>> -> memref<1600000xi32, #tpu.memory_space<hbm>>
      tpu.wait_indirect_dma semaphore(%arg19 : memref<!tpu.dma_semaphore, #tpu.memory_space<semaphore_mem>>) src(%dma_wait3A_588 : memref<1600000xi32, #tpu.memory_space<hbm>>) dst(%dma_wait3A_584 : memref<128xi32, #tpu.memory_space<vmem>>)
      %get3A_589 = arith.constant 0 : index
      %get3A_590 = tpu.vector_load %arg11[%get3A_589] {strides = array<i32>} : memref<256xi32, #tpu.memory_space<vmem>>, vector<16xi32>,
      %add3A_591 = arith.constant 0 : i32
      %add3A_592 = vector.broadcast %add3A_591 : i32 to vector<16xi32>
      %add3A_593 = arith.addi %get3A_590, %add3A_592 : vector<16xi32>
      %swap3A_594 = arith.constant 0 : index
      %swap3A_595 = tpu.vector_load %arg13[%swap3A_594] {strides = array<i32>} : memref<256xi32, #tpu.memory_space<vmem>>, vector<16xi32>,
      tpu.vector_store %arg13[%swap3A_594], %add3A_593 {strides = array<i32>} : memref<256xi32, #tpu.memory_space<vmem>>, vector<16xi32>,
      %get3A_596 = arith.constant 16 : index
      %get3A_597 = tpu.vector_load %arg11[%get3A_596] {strides = array<i32>} : memref<256xi32, #tpu.memory_space<vmem>>, vector<16xi32>,
      %add3A_598 = arith.constant 256 : i32
      %add3A_599 = vector.broadcast %add3A_598 : i32 to vector<16xi32>
      %add3A_600 = arith.addi %get3A_597, %add3A_599 : vector<16xi32>
      %swap3A_601 = arith.constant 16 : index
      %swap3A_602 = tpu.vector_load %arg13[%swap3A_601] {strides = array<i32>} : memref<256xi32, #tpu.memory_space<vmem>>, vector<16xi32>,
      tpu.vector_store %arg13[%swap3A_601], %add3A_600 {strides = array<i32>} : memref<256xi32, #tpu.memory_space<vmem>>, vector<16xi32>,
      %get3A_603 = arith.constant 32 : index
      %get3A_604 = tpu.vector_load %arg11[%get3A_603] {strides = array<i32>} : memref<256xi32, #tpu.memory_space<vmem>>, vector<16xi32>,
      %add3A_605 = arith.constant 512 : i32
      %add3A_606 = vector.broadcast %add3A_605 : i32 to vector<16xi32>
      %add3A_607 = arith.addi %get3A_604, %add3A_606 : vector<16xi32>
      %swap3A_608 = arith.constant 32 : index
      %swap3A_609 = tpu.vector_load %arg13[%swap3A_608] {strides = array<i32>} : memref<256xi32, #tpu.memory_space<vmem>>, vector<16xi32>,
      tpu.vector_store %arg13[%swap3A_608], %add3A_607 {strides = array<i32>} : memref<256xi32, #tpu.memory_space<vmem>>, vector<16xi32>,
      %get3A_610 = arith.constant 48 : index
      %get3A_611 = tpu.vector_load %arg11[%get3A_610] {strides = array<i32>} : memref<256xi32, #tpu.memory_space<vmem>>, vector<16xi32>,
      %add3A_612 = arith.constant 768 : i32
      %add3A_613 = vector.broadcast %add3A_612 : i32 to vector<16xi32>
      %add3A_614 = arith.addi %get3A_611, %add3A_613 : vector<16xi32>
      %swap3A_615 = arith.constant 48 : index
      %swap3A_616 = tpu.vector_load %arg13[%swap3A_615] {strides = array<i32>} : memref<256xi32, #tpu.memory_space<vmem>>, vector<16xi32>,
      tpu.vector_store %arg13[%swap3A_615], %add3A_614 {strides = array<i32>} : memref<256xi32, #tpu.memory_space<vmem>>, vector<16xi32>,
      %get3A_617 = arith.constant 64 : index
      %get3A_618 = tpu.vector_load %arg11[%get3A_617] {strides = array<i32>} : memref<256xi32, #tpu.memory_space<vmem>>, vector<16xi32>,
      %add3A_619 = arith.constant 1024 : i32
      %add3A_620 = vector.broadcast %add3A_619 : i32 to vector<16xi32>
      %add3A_621 = arith.addi %get3A_618, %add3A_620 : vector<16xi32>
      %swap3A_622 = arith.constant 64 : index
      %swap3A_623 = tpu.vector_load %arg13[%swap3A_622] {strides = array<i32>} : memref<256xi32, #tpu.memory_space<vmem>>, vector<16xi32>,
      tpu.vector_store %arg13[%swap3A_622], %add3A_621 {strides = array<i32>} : memref<256xi32, #tpu.memory_space<vmem>>, vector<16xi32>,
      %get3A_624 = arith.constant 80 : index
      %get3A_625 = tpu.vector_load %arg11[%get3A_624] {strides = array<i32>} : memref<256xi32, #tpu.memory_space<vmem>>, vector<16xi32>,
      %add3A_626 = arith.constant 1280 : i32
      %add3A_627 = vector.broadcast %add3A_626 : i32 to vector<16xi32>
      %add3A_628 = arith.addi %get3A_625, %add3A_627 : vector<16xi32>
      %swap3A_629 = arith.constant 80 : index
      %swap3A_630 = tpu.vector_load %arg13[%swap3A_629] {strides = array<i32>} : memref<256xi32, #tpu.memory_space<vmem>>, vector<16xi32>,
      tpu.vector_store %arg13[%swap3A_629], %add3A_628 {strides = array<i32>} : memref<256xi32, #tpu.memory_space<vmem>>, vector<16xi32>,
      %get3A_631 = arith.constant 96 : index
      %get3A_632 = tpu.vector_load %arg11[%get3A_631] {strides = array<i32>} : memref<256xi32, #tpu.memory_space<vmem>>, vector<16xi32>,
      %add3A_633 = arith.constant 1536 : i32
      %add3A_634 = vector.broadcast %add3A_633 : i32 to vector<16xi32>
      %add3A_635 = arith.addi %get3A_632, %add3A_634 : vector<16xi32>
      %swap3A_636 = arith.constant 96 : index
      %swap3A_637 = tpu.vector_load %arg13[%swap3A_636] {strides = array<i32>} : memref<256xi32, #tpu.memory_space<vmem>>, vector<16xi32>,
      tpu.vector_store %arg13[%swap3A_636], %add3A_635 {strides = array<i32>} : memref<256xi32, #tpu.memory_space<vmem>>, vector<16xi32>,
      %get3A_638 = arith.constant 112 : index
      %get3A_639 = tpu.vector_load %arg11[%get3A_638] {strides = array<i32>} : memref<256xi32, #tpu.memory_space<vmem>>, vector<16xi32>,
      %add3A_640 = arith.constant 1792 : i32
      %add3A_641 = vector.broadcast %add3A_640 : i32 to vector<16xi32>
      %add3A_642 = arith.addi %get3A_639, %add3A_641 : vector<16xi32>
      %swap3A_643 = arith.constant 112 : index
      %swap3A_644 = tpu.vector_load %arg13[%swap3A_643] {strides = array<i32>} : memref<256xi32, #tpu.memory_space<vmem>>, vector<16xi32>,
      tpu.vector_store %arg13[%swap3A_643], %add3A_642 {strides = array<i32>} : memref<256xi32, #tpu.memory_space<vmem>>, vector<16xi32>,
      %get3A_645 = arith.constant 128 : index
      %get3A_646 = tpu.vector_load %arg11[%get3A_645] {strides = array<i32>} : memref<256xi32, #tpu.memory_space<vmem>>, vector<16xi32>,
      %add3A_647 = arith.constant 2048 : i32
      %add3A_648 = vector.broadcast %add3A_647 : i32 to vector<16xi32>
      %add3A_649 = arith.addi %get3A_646, %add3A_648 : vector<16xi32>
      %swap3A_650 = arith.constant 128 : index
      %swap3A_651 = tpu.vector_load %arg13[%swap3A_650] {strides = array<i32>} : memref<256xi32, #tpu.memory_space<vmem>>, vector<16xi32>,
      tpu.vector_store %arg13[%swap3A_650], %add3A_649 {strides = array<i32>} : memref<256xi32, #tpu.memory_space<vmem>>, vector<16xi32>,
      %get3A_652 = arith.constant 144 : index
      %get3A_653 = tpu.vector_load %arg11[%get3A_652] {strides = array<i32>} : memref<256xi32, #tpu.memory_space<vmem>>, vector<16xi32>,
      %add3A_654 = arith.constant 2304 : i32
      %add3A_655 = vector.broadcast %add3A_654 : i32 to vector<16xi32>
      %add3A_656 = arith.addi %get3A_653, %add3A_655 : vector<16xi32>
      %swap3A_657 = arith.constant 144 : index
      %swap3A_658 = tpu.vector_load %arg13[%swap3A_657] {strides = array<i32>} : memref<256xi32, #tpu.memory_space<vmem>>, vector<16xi32>,
      tpu.vector_store %arg13[%swap3A_657], %add3A_656 {strides = array<i32>} : memref<256xi32, #tpu.memory_space<vmem>>, vector<16xi32>,
      %get3A_659 = arith.constant 160 : index
      %get3A_660 = tpu.vector_load %arg11[%get3A_659] {strides = array<i32>} : memref<256xi32, #tpu.memory_space<vmem>>, vector<16xi32>,
      %add3A_661 = arith.constant 2560 : i32
      %add3A_662 = vector.broadcast %add3A_661 : i32 to vector<16xi32>
      %add3A_663 = arith.addi %get3A_660, %add3A_662 : vector<16xi32>
      %swap3A_664 = arith.constant 160 : index
      %swap3A_665 = tpu.vector_load %arg13[%swap3A_664] {strides = array<i32>} : memref<256xi32, #tpu.memory_space<vmem>>, vector<16xi32>,
      tpu.vector_store %arg13[%swap3A_664], %add3A_663 {strides = array<i32>} : memref<256xi32, #tpu.memory_space<vmem>>, vector<16xi32>,
      %get3A_666 = arith.constant 176 : index
      %get3A_667 = tpu.vector_load %arg11[%get3A_666] {strides = array<i32>} : memref<256xi32, #tpu.memory_space<vmem>>, vector<16xi32>,
      %add3A_668 = arith.constant 2816 : i32
      %add3A_669 = vector.broadcast %add3A_668 : i32 to vector<16xi32>
      %add3A_670 = arith.addi %get3A_667, %add3A_669 : vector<16xi32>
      %swap3A_671 = arith.constant 176 : index
      %swap3A_672 = tpu.vector_load %arg13[%swap3A_671] {strides = array<i32>} : memref<256xi32, #tpu.memory_space<vmem>>, vector<16xi32>,
      tpu.vector_store %arg13[%swap3A_671], %add3A_670 {strides = array<i32>} : memref<256xi32, #tpu.memory_space<vmem>>, vector<16xi32>,
      %get3A_673 = arith.constant 192 : index
      %get3A_674 = tpu.vector_load %arg11[%get3A_673] {strides = array<i32>} : memref<256xi32, #tpu.memory_space<vmem>>, vector<16xi32>,
      %add3A_675 = arith.constant 3072 : i32
      %add3A_676 = vector.broadcast %add3A_675 : i32 to vector<16xi32>
      %add3A_677 = arith.addi %get3A_674, %add3A_676 : vector<16xi32>
      %swap3A_678 = arith.constant 192 : index
      %swap3A_679 = tpu.vector_load %arg13[%swap3A_678] {strides = array<i32>} : memref<256xi32, #tpu.memory_space<vmem>>, vector<16xi32>,
      tpu.vector_store %arg13[%swap3A_678], %add3A_677 {strides = array<i32>} : memref<256xi32, #tpu.memory_space<vmem>>, vector<16xi32>,
      %get3A_680 = arith.constant 208 : index
      %get3A_681 = tpu.vector_load %arg11[%get3A_680] {strides = array<i32>} : memref<256xi32, #tpu.memory_space<vmem>>, vector<16xi32>,
      %add3A_682 = arith.constant 3328 : i32
      %add3A_683 = vector.broadcast %add3A_682 : i32 to vector<16xi32>
      %add3A_684 = arith.addi %get3A_681, %add3A_683 : vector<16xi32>
      %swap3A_685 = arith.constant 208 : index
      %swap3A_686 = tpu.vector_load %arg13[%swap3A_685] {strides = array<i32>} : memref<256xi32, #tpu.memory_space<vmem>>, vector<16xi32>,
      tpu.vector_store %arg13[%swap3A_685], %add3A_684 {strides = array<i32>} : memref<256xi32, #tpu.memory_space<vmem>>, vector<16xi32>,
      %get3A_687 = arith.constant 224 : index
      %get3A_688 = tpu.vector_load %arg11[%get3A_687] {strides = array<i32>} : memref<256xi32, #tpu.memory_space<vmem>>, vector<16xi32>,
      %add3A_689 = arith.constant 3584 : i32
      %add3A_690 = vector.broadcast %add3A_689 : i32 to vector<16xi32>
      %add3A_691 = arith.addi %get3A_688, %add3A_690 : vector<16xi32>
      %swap3A_692 = arith.constant 224 : index
      %swap3A_693 = tpu.vector_load %arg13[%swap3A_692] {strides = array<i32>} : memref<256xi32, #tpu.memory_space<vmem>>, vector<16xi32>,
      tpu.vector_store %arg13[%swap3A_692], %add3A_691 {strides = array<i32>} : memref<256xi32, #tpu.memory_space<vmem>>, vector<16xi32>,
      %get3A_694 = arith.constant 240 : index
      %get3A_695 = tpu.vector_load %arg11[%get3A_694] {strides = array<i32>} : memref<256xi32, #tpu.memory_space<vmem>>, vector<16xi32>,
      %add3A_696 = arith.constant 3840 : i32
      %add3A_697 = vector.broadcast %add3A_696 : i32 to vector<16xi32>
      %add3A_698 = arith.addi %get3A_695, %add3A_697 : vector<16xi32>
      %swap3A_699 = arith.constant 240 : index
      %swap3A_700 = tpu.vector_load %arg13[%swap3A_699] {strides = array<i32>} : memref<256xi32, #tpu.memory_space<vmem>>, vector<16xi32>,
      tpu.vector_store %arg13[%swap3A_699], %add3A_698 {strides = array<i32>} : memref<256xi32, #tpu.memory_space<vmem>>, vector<16xi32>,
      %dma_start3A_701 = arith.constant 0 : i32
      %dma_start3A_702 = arith.constant 0 : i32
      %dma_start3A_703 = tpu.memref_slice %arg17[%dma_start3A_701, %dma_start3A_702] : memref<256x128xbf16, #tpu.memory_space<vmem>> -> memref<128x128xbf16, #tpu.memory_space<vmem>>
      %dma_start3A_704 = arith.constant 0 : i32
      %dma_start3A_705 = tpu.memref_slice %arg13[%dma_start3A_704] : memref<256xi32, #tpu.memory_space<vmem>> -> memref<128xi32, #tpu.memory_space<vmem>>
      %dma_start3A_706 = arith.constant 0 : i32
      %dma_start3A_707 = arith.constant 0 : i32
      %dma_start3A_708 = tpu.memref_slice %arg4[%dma_start3A_706, %dma_start3A_707] : memref<4096x128xbf16, #tpu.memory_space<hbm>> -> memref<4096x128xbf16, #tpu.memory_space<hbm>>
      tpu.enqueue_indirect_dma source(%dma_start3A_708 : memref<4096x128xbf16, #tpu.memory_space<hbm>>) target(%dma_start3A_703 : memref<128x128xbf16, #tpu.memory_space<vmem>>) offsets(%dma_start3A_705 : memref<128xi32, #tpu.memory_space<vmem>>) semaphore(%arg21 : memref<!tpu.dma_semaphore, #tpu.memory_space<semaphore_mem>>)
      %dma_start3A_709 = arith.constant 128 : i32
      %dma_start3A_710 = arith.constant 0 : i32
      %dma_start3A_711 = tpu.memref_slice %arg17[%dma_start3A_709, %dma_start3A_710] : memref<256x128xbf16, #tpu.memory_space<vmem>> -> memref<128x128xbf16, #tpu.memory_space<vmem>>
      %dma_start3A_712 = arith.constant 128 : i32
      %dma_start3A_713 = tpu.memref_slice %arg13[%dma_start3A_712] : memref<256xi32, #tpu.memory_space<vmem>> -> memref<128xi32, #tpu.memory_space<vmem>>
      %dma_start3A_714 = arith.constant 0 : i32
      %dma_start3A_715 = arith.constant 0 : i32
      %dma_start3A_716 = tpu.memref_slice %arg4[%dma_start3A_714, %dma_start3A_715] : memref<4096x128xbf16, #tpu.memory_space<hbm>> -> memref<4096x128xbf16, #tpu.memory_space<hbm>>
      tpu.enqueue_indirect_dma source(%dma_start3A_716 : memref<4096x128xbf16, #tpu.memory_space<hbm>>) target(%dma_start3A_711 : memref<128x128xbf16, #tpu.memory_space<vmem>>) offsets(%dma_start3A_713 : memref<128xi32, #tpu.memory_space<vmem>>) semaphore(%arg21 : memref<!tpu.dma_semaphore, #tpu.memory_space<semaphore_mem>>)
      %add3A_717 = arith.constant 2 : i32
      %add3A_718 = arith.addi %add3A_574, %add3A_717 : i32
      %mul3A_719 = arith.constant 16 : i32
      %mul3A_720 = arith.muli %add3A_718, %mul3A_719 : i32
      %get3A_721 = arith.index_cast %mul3A_720 : i32 to index
      %get3A_722 = tpu.vector_load %arg7[%get3A_721] {strides = array<i32>} : memref<512xi32, #tpu.memory_space<vmem>>, vector<16xi32>,
      %add3A_723 = arith.constant 0 : i32
      %add3A_724 = vector.broadcast %add3A_723 : i32 to vector<16xi32>
      %add3A_725 = arith.addi %get3A_722, %add3A_724 : vector<16xi32>
      %swap3A_726 = arith.constant 0 : index
      %swap3A_727 = tpu.vector_load %arg8[%swap3A_726] {strides = array<i32>} : memref<256xi32, #tpu.memory_space<vmem>>, vector<16xi32>,
      tpu.vector_store %arg8[%swap3A_726], %add3A_725 {strides = array<i32>} : memref<256xi32, #tpu.memory_space<vmem>>, vector<16xi32>,
      %add3A_728 = arith.constant 100000 : i32
      %add3A_729 = vector.broadcast %add3A_728 : i32 to vector<16xi32>
      %add3A_730 = arith.addi %get3A_722, %add3A_729 : vector<16xi32>
      %swap3A_731 = arith.constant 16 : index
      %swap3A_732 = tpu.vector_load %arg8[%swap3A_731] {strides = array<i32>} : memref<256xi32, #tpu.memory_space<vmem>>, vector<16xi32>,
      tpu.vector_store %arg8[%swap3A_731], %add3A_730 {strides = array<i32>} : memref<256xi32, #tpu.memory_space<vmem>>, vector<16xi32>,
      %add3A_733 = arith.constant 200000 : i32
      %add3A_734 = vector.broadcast %add3A_733 : i32 to vector<16xi32>
      %add3A_735 = arith.addi %get3A_722, %add3A_734 : vector<16xi32>
      %swap3A_736 = arith.constant 32 : index
      %swap3A_737 = tpu.vector_load %arg8[%swap3A_736] {strides = array<i32>} : memref<256xi32, #tpu.memory_space<vmem>>, vector<16xi32>,
      tpu.vector_store %arg8[%swap3A_736], %add3A_735 {strides = array<i32>} : memref<256xi32, #tpu.memory_space<vmem>>, vector<16xi32>,
      %add3A_738 = arith.constant 300000 : i32
      %add3A_739 = vector.broadcast %add3A_738 : i32 to vector<16xi32>
      %add3A_740 = arith.addi %get3A_722, %add3A_739 : vector<16xi32>
      %swap3A_741 = arith.constant 48 : index
      %swap3A_742 = tpu.vector_load %arg8[%swap3A_741] {strides = array<i32>} : memref<256xi32, #tpu.memory_space<vmem>>, vector<16xi32>,
      tpu.vector_store %arg8[%swap3A_741], %add3A_740 {strides = array<i32>} : memref<256xi32, #tpu.memory_space<vmem>>, vector<16xi32>,
      %add3A_743 = arith.constant 400000 : i32
      %add3A_744 = vector.broadcast %add3A_743 : i32 to vector<16xi32>
      %add3A_745 = arith.addi %get3A_722, %add3A_744 : vector<16xi32>
      %swap3A_746 = arith.constant 64 : index
      %swap3A_747 = tpu.vector_load %arg8[%swap3A_746] {strides = array<i32>} : memref<256xi32, #tpu.memory_space<vmem>>, vector<16xi32>,
      tpu.vector_store %arg8[%swap3A_746], %add3A_745 {strides = array<i32>} : memref<256xi32, #tpu.memory_space<vmem>>, vector<16xi32>,
      %add3A_748 = arith.constant 500000 : i32
      %add3A_749 = vector.broadcast %add3A_748 : i32 to vector<16xi32>
      %add3A_750 = arith.addi %get3A_722, %add3A_749 : vector<16xi32>
      %swap3A_751 = arith.constant 80 : index
      %swap3A_752 = tpu.vector_load %arg8[%swap3A_751] {strides = array<i32>} : memref<256xi32, #tpu.memory_space<vmem>>, vector<16xi32>,
      tpu.vector_store %arg8[%swap3A_751], %add3A_750 {strides = array<i32>} : memref<256xi32, #tpu.memory_space<vmem>>, vector<16xi32>,
      %add3A_753 = arith.constant 600000 : i32
      %add3A_754 = vector.broadcast %add3A_753 : i32 to vector<16xi32>
      %add3A_755 = arith.addi %get3A_722, %add3A_754 : vector<16xi32>
      %swap3A_756 = arith.constant 96 : index
      %swap3A_757 = tpu.vector_load %arg8[%swap3A_756] {strides = array<i32>} : memref<256xi32, #tpu.memory_space<vmem>>, vector<16xi32>,
      tpu.vector_store %arg8[%swap3A_756], %add3A_755 {strides = array<i32>} : memref<256xi32, #tpu.memory_space<vmem>>, vector<16xi32>,
      %add3A_758 = arith.constant 700000 : i32
      %add3A_759 = vector.broadcast %add3A_758 : i32 to vector<16xi32>
      %add3A_760 = arith.addi %get3A_722, %add3A_759 : vector<16xi32>
      %swap3A_761 = arith.constant 112 : index
      %swap3A_762 = tpu.vector_load %arg8[%swap3A_761] {strides = array<i32>} : memref<256xi32, #tpu.memory_space<vmem>>, vector<16xi32>,
      tpu.vector_store %arg8[%swap3A_761], %add3A_760 {strides = array<i32>} : memref<256xi32, #tpu.memory_space<vmem>>, vector<16xi32>,
      %add3A_763 = arith.constant 800000 : i32
      %add3A_764 = vector.broadcast %add3A_763 : i32 to vector<16xi32>
      %add3A_765 = arith.addi %get3A_722, %add3A_764 : vector<16xi32>
      %swap3A_766 = arith.constant 128 : index
      %swap3A_767 = tpu.vector_load %arg8[%swap3A_766] {strides = array<i32>} : memref<256xi32, #tpu.memory_space<vmem>>, vector<16xi32>,
      tpu.vector_store %arg8[%swap3A_766], %add3A_765 {strides = array<i32>} : memref<256xi32, #tpu.memory_space<vmem>>, vector<16xi32>,
      %add3A_768 = arith.constant 900000 : i32
      %add3A_769 = vector.broadcast %add3A_768 : i32 to vector<16xi32>
      %add3A_770 = arith.addi %get3A_722, %add3A_769 : vector<16xi32>
      %swap3A_771 = arith.constant 144 : index
      %swap3A_772 = tpu.vector_load %arg8[%swap3A_771] {strides = array<i32>} : memref<256xi32, #tpu.memory_space<vmem>>, vector<16xi32>,
      tpu.vector_store %arg8[%swap3A_771], %add3A_770 {strides = array<i32>} : memref<256xi32, #tpu.memory_space<vmem>>, vector<16xi32>,
      %add3A_773 = arith.constant 1000000 : i32
      %add3A_774 = vector.broadcast %add3A_773 : i32 to vector<16xi32>
      %add3A_775 = arith.addi %get3A_722, %add3A_774 : vector<16xi32>
      %swap3A_776 = arith.constant 160 : index
      %swap3A_777 = tpu.vector_load %arg8[%swap3A_776] {strides = array<i32>} : memref<256xi32, #tpu.memory_space<vmem>>, vector<16xi32>,
      tpu.vector_store %arg8[%swap3A_776], %add3A_775 {strides = array<i32>} : memref<256xi32, #tpu.memory_space<vmem>>, vector<16xi32>,
      %add3A_778 = arith.constant 1100000 : i32
      %add3A_779 = vector.broadcast %add3A_778 : i32 to vector<16xi32>
      %add3A_780 = arith.addi %get3A_722, %add3A_779 : vector<16xi32>
      %swap3A_781 = arith.constant 176 : index
      %swap3A_782 = tpu.vector_load %arg8[%swap3A_781] {strides = array<i32>} : memref<256xi32, #tpu.memory_space<vmem>>, vector<16xi32>,
      tpu.vector_store %arg8[%swap3A_781], %add3A_780 {strides = array<i32>} : memref<256xi32, #tpu.memory_space<vmem>>, vector<16xi32>,
      %add3A_783 = arith.constant 1200000 : i32
      %add3A_784 = vector.broadcast %add3A_783 : i32 to vector<16xi32>
      %add3A_785 = arith.addi %get3A_722, %add3A_784 : vector<16xi32>
      %swap3A_786 = arith.constant 192 : index
      %swap3A_787 = tpu.vector_load %arg8[%swap3A_786] {strides = array<i32>} : memref<256xi32, #tpu.memory_space<vmem>>, vector<16xi32>,
      tpu.vector_store %arg8[%swap3A_786], %add3A_785 {strides = array<i32>} : memref<256xi32, #tpu.memory_space<vmem>>, vector<16xi32>,
      %add3A_788 = arith.constant 1300000 : i32
      %add3A_789 = vector.broadcast %add3A_788 : i32 to vector<16xi32>
      %add3A_790 = arith.addi %get3A_722, %add3A_789 : vector<16xi32>
      %swap3A_791 = arith.constant 208 : index
      %swap3A_792 = tpu.vector_load %arg8[%swap3A_791] {strides = array<i32>} : memref<256xi32, #tpu.memory_space<vmem>>, vector<16xi32>,
      tpu.vector_store %arg8[%swap3A_791], %add3A_790 {strides = array<i32>} : memref<256xi32, #tpu.memory_space<vmem>>, vector<16xi32>,
      %add3A_793 = arith.constant 1400000 : i32
      %add3A_794 = vector.broadcast %add3A_793 : i32 to vector<16xi32>
      %add3A_795 = arith.addi %get3A_722, %add3A_794 : vector<16xi32>
      %swap3A_796 = arith.constant 224 : index
      %swap3A_797 = tpu.vector_load %arg8[%swap3A_796] {strides = array<i32>} : memref<256xi32, #tpu.memory_space<vmem>>, vector<16xi32>,
      tpu.vector_store %arg8[%swap3A_796], %add3A_795 {strides = array<i32>} : memref<256xi32, #tpu.memory_space<vmem>>, vector<16xi32>,
      %add3A_798 = arith.constant 1500000 : i32
      %add3A_799 = vector.broadcast %add3A_798 : i32 to vector<16xi32>
      %add3A_800 = arith.addi %get3A_722, %add3A_799 : vector<16xi32>
      %swap3A_801 = arith.constant 240 : index
      %swap3A_802 = tpu.vector_load %arg8[%swap3A_801] {strides = array<i32>} : memref<256xi32, #tpu.memory_space<vmem>>, vector<16xi32>,
      tpu.vector_store %arg8[%swap3A_801], %add3A_800 {strides = array<i32>} : memref<256xi32, #tpu.memory_space<vmem>>, vector<16xi32>,
      %dma_start3A_803 = arith.constant 0 : i32
      %dma_start3A_804 = tpu.memref_slice %arg10[%dma_start3A_803] : memref<256xi32, #tpu.memory_space<vmem>> -> memref<128xi32, #tpu.memory_space<vmem>>
      %dma_start3A_805 = arith.constant 0 : i32
      %dma_start3A_806 = tpu.memref_slice %arg8[%dma_start3A_805] : memref<256xi32, #tpu.memory_space<vmem>> -> memref<128xi32, #tpu.memory_space<vmem>>
      %dma_start3A_807 = arith.constant 0 : i32
      %dma_start3A_808 = tpu.memref_slice %arg3[%dma_start3A_807] : memref<1600000xi32, #tpu.memory_space<hbm>> -> memref<1600000xi32, #tpu.memory_space<hbm>>
      tpu.enqueue_indirect_dma source(%dma_start3A_808 : memref<1600000xi32, #tpu.memory_space<hbm>>) target(%dma_start3A_804 : memref<128xi32, #tpu.memory_space<vmem>>) offsets(%dma_start3A_806 : memref<128xi32, #tpu.memory_space<vmem>>) semaphore(%arg18 : memref<!tpu.dma_semaphore, #tpu.memory_space<semaphore_mem>>)
      %dma_start3A_809 = arith.constant 128 : i32
      %dma_start3A_810 = tpu.memref_slice %arg10[%dma_start3A_809] : memref<256xi32, #tpu.memory_space<vmem>> -> memref<128xi32, #tpu.memory_space<vmem>>
      %dma_start3A_811 = arith.constant 128 : i32
      %dma_start3A_812 = tpu.memref_slice %arg8[%dma_start3A_811] : memref<256xi32, #tpu.memory_space<vmem>> -> memref<128xi32, #tpu.memory_space<vmem>>
      %dma_start3A_813 = arith.constant 0 : i32
      %dma_start3A_814 = tpu.memref_slice %arg3[%dma_start3A_813] : memref<1600000xi32, #tpu.memory_space<hbm>> -> memref<1600000xi32, #tpu.memory_space<hbm>>
      tpu.enqueue_indirect_dma source(%dma_start3A_814 : memref<1600000xi32, #tpu.memory_space<hbm>>) target(%dma_start3A_810 : memref<128xi32, #tpu.memory_space<vmem>>) offsets(%dma_start3A_812 : memref<128xi32, #tpu.memory_space<vmem>>) semaphore(%arg18 : memref<!tpu.dma_semaphore, #tpu.memory_space<semaphore_mem>>)
      %dma_wait3A_815 = arith.constant 0 : i32
      %dma_wait3A_816 = arith.constant 0 : i32
      %dma_wait3A_817 = tpu.memref_slice %arg16[%dma_wait3A_815, %dma_wait3A_816] : memref<256x128xbf16, #tpu.memory_space<vmem>> -> memref<128x128xbf16, #tpu.memory_space<vmem>>
      %dma_wait3A_818 = arith.constant 0 : i32
      %dma_wait3A_819 = tpu.memref_slice %arg12[%dma_wait3A_818] : memref<256xi32, #tpu.memory_space<vmem>> -> memref<128xi32, #tpu.memory_space<vmem>>
      %dma_wait3A_820 = arith.constant 0 : i32
      %dma_wait3A_821 = arith.constant 0 : i32
      %dma_wait3A_822 = tpu.memref_slice %arg4[%dma_wait3A_820, %dma_wait3A_821] : memref<4096x128xbf16, #tpu.memory_space<hbm>> -> memref<4096x128xbf16, #tpu.memory_space<hbm>>
      tpu.wait_indirect_dma semaphore(%arg20 : memref<!tpu.dma_semaphore, #tpu.memory_space<semaphore_mem>>) src(%dma_wait3A_822 : memref<4096x128xbf16, #tpu.memory_space<hbm>>) dst(%dma_wait3A_817 : memref<128x128xbf16, #tpu.memory_space<vmem>>)
      %dma_wait3A_823 = arith.constant 128 : i32
      %dma_wait3A_824 = arith.constant 0 : i32
      %dma_wait3A_825 = tpu.memref_slice %arg16[%dma_wait3A_823, %dma_wait3A_824] : memref<256x128xbf16, #tpu.memory_space<vmem>> -> memref<128x128xbf16, #tpu.memory_space<vmem>>
      %dma_wait3A_826 = arith.constant 128 : i32
      %dma_wait3A_827 = tpu.memref_slice %arg12[%dma_wait3A_826] : memref<256xi32, #tpu.memory_space<vmem>> -> memref<128xi32, #tpu.memory_space<vmem>>
      %dma_wait3A_828 = arith.constant 0 : i32
      %dma_wait3A_829 = arith.constant 0 : i32
      %dma_wait3A_830 = tpu.memref_slice %arg4[%dma_wait3A_828, %dma_wait3A_829] : memref<4096x128xbf16, #tpu.memory_space<hbm>> -> memref<4096x128xbf16, #tpu.memory_space<hbm>>
      tpu.wait_indirect_dma semaphore(%arg20 : memref<!tpu.dma_semaphore, #tpu.memory_space<semaphore_mem>>) src(%dma_wait3A_830 : memref<4096x128xbf16, #tpu.memory_space<hbm>>) dst(%dma_wait3A_825 : memref<128x128xbf16, #tpu.memory_space<vmem>>)
      %mul3A_831 = arith.constant 16 : i32
      %mul3A_832 = arith.muli %add3A_574, %mul3A_831 : i32
      %dma_wait3A_833 = tpu.memref_slice %arg7[%mul3A_832] : memref<512xi32, #tpu.memory_space<vmem>> -> memref<16xi32, #tpu.memory_space<vmem>>
      %dma_wait3A_834 = arith.constant 0 : i32
      %dma_wait3A_835 = arith.constant 0 : i32
      %dma_wait3A_836 = tpu.memref_slice %arg5[%dma_wait3A_834, %dma_wait3A_835] : memref<100000x128xf32, #tpu.memory_space<hbm>> -> memref<100000x128xf32, #tpu.memory_space<hbm>>
      tpu.wait_indirect_dma semaphore(%arg22 : memref<!tpu.dma_semaphore, #tpu.memory_space<semaphore_mem>>) src(%dma_wait3A_836 : memref<100000x128xf32, #tpu.memory_space<hbm>>) dst(%arg14 : memref<16x128xf32, #tpu.memory_space<vmem>>)
      %scan3A_837 = arith.constant 0 : i32
      %scan3A_838 = arith.constant 0 : i32
      %scan3A_839 = arith.constant 16 : i32
      %scan3A_840 = arith.addi %scan3A_838, %scan3A_839 : i32
      %scan3A_841 = arith.constant 1 : i32
      scf.for %scan3A_1135 = %scan3A_838 to %scan3A_840 step %scan3A_841  : i32 {
        %get3A_1136 = arith.index_cast %scan3A_1135 : i32 to index
        %get3A_1137 = arith.constant 0 : index
        %get3A_1138 = tpu.vector_load %arg14[%get3A_1136, %get3A_1137] {strides = array<i32>} : memref<16x128xf32, #tpu.memory_space<vmem>>, vector<16xf32>,
        %get3A_1139 = arith.index_cast %scan3A_1135 : i32 to index
        %get3A_1140 = arith.constant 16 : index
        %get3A_1141 = tpu.vector_load %arg14[%get3A_1139, %get3A_1140] {strides = array<i32>} : memref<16x128xf32, #tpu.memory_space<vmem>>, vector<16xf32>,
        %add3A_1142 = arith.constant 0 : i32
        %add3A_1143 = arith.addi %add3A_1142, %scan3A_1135 : i32
        %get3A_1144 = arith.index_cast %add3A_1143 : i32 to index
        %get3A_1145 = arith.constant 0 : index
        %get3A_1146 = tpu.vector_load %arg16[%get3A_1144, %get3A_1145] {strides = array<i32>} : memref<256x128xbf16, #tpu.memory_space<vmem>>, vector<32xbf16>,
        %add3A_1147 = arith.constant 16 : i32
        %add3A_1148 = arith.addi %add3A_1147, %scan3A_1135 : i32
        %get3A_1149 = arith.index_cast %add3A_1148 : i32 to index
        %get3A_1150 = arith.constant 0 : index
        %get3A_1151 = tpu.vector_load %arg16[%get3A_1149, %get3A_1150] {strides = array<i32>} : memref<256x128xbf16, #tpu.memory_space<vmem>>, vector<32xbf16>,
        %add3A_1152 = arith.addf %get3A_1146, %get3A_1151 : vector<32xbf16>
        %unpack3A = tpu.unpack_subelements %add3A_1152, 0 {pack_format = #tpu.pack_format<interleaved>} : vector<32xbf16> -> vector<16xf32>
        %unpack3A_1153 = tpu.unpack_subelements %add3A_1152, 1 {pack_format = #tpu.pack_format<interleaved>} : vector<32xbf16> -> vector<16xf32>
        %add3A_1154 = arith.addf %get3A_1138, %unpack3A : vector<16xf32>
        %add3A_1155 = arith.addf %get3A_1141, %unpack3A_1153 : vector<16xf32>
        %add3A_1156 = arith.constant 32 : i32
        %add3A_1157 = arith.addi %add3A_1156, %scan3A_1135 : i32
        %get3A_1158 = arith.index_cast %add3A_1157 : i32 to index
        %get3A_1159 = arith.constant 0 : index
        %get3A_1160 = tpu.vector_load %arg16[%get3A_1158, %get3A_1159] {strides = array<i32>} : memref<256x128xbf16, #tpu.memory_space<vmem>>, vector<32xbf16>,
        %add3A_1161 = arith.constant 48 : i32
        %add3A_1162 = arith.addi %add3A_1161, %scan3A_1135 : i32
        %get3A_1163 = arith.index_cast %add3A_1162 : i32 to index
        %get3A_1164 = arith.constant 0 : index
        %get3A_1165 = tpu.vector_load %arg16[%get3A_1163, %get3A_1164] {strides = array<i32>} : memref<256x128xbf16, #tpu.memory_space<vmem>>, vector<32xbf16>,
        %add3A_1166 = arith.addf %get3A_1160, %get3A_1165 : vector<32xbf16>
        %unpack3A_1167 = tpu.unpack_subelements %add3A_1166, 0 {pack_format = #tpu.pack_format<interleaved>} : vector<32xbf16> -> vector<16xf32>
        %unpack3A_1168 = tpu.unpack_subelements %add3A_1166, 1 {pack_format = #tpu.pack_format<interleaved>} : vector<32xbf16> -> vector<16xf32>
        %add3A_1169 = arith.addf %add3A_1154, %unpack3A_1167 : vector<16xf32>
        %add3A_1170 = arith.addf %add3A_1155, %unpack3A_1168 : vector<16xf32>
        %add3A_1171 = arith.constant 64 : i32
        %add3A_1172 = arith.addi %add3A_1171, %scan3A_1135 : i32
        %get3A_1173 = arith.index_cast %add3A_1172 : i32 to index
        %get3A_1174 = arith.constant 0 : index
        %get3A_1175 = tpu.vector_load %arg16[%get3A_1173, %get3A_1174] {strides = array<i32>} : memref<256x128xbf16, #tpu.memory_space<vmem>>, vector<32xbf16>,
        %add3A_1176 = arith.constant 80 : i32
        %add3A_1177 = arith.addi %add3A_1176, %scan3A_1135 : i32
        %get3A_1178 = arith.index_cast %add3A_1177 : i32 to index
        %get3A_1179 = arith.constant 0 : index
        %get3A_1180 = tpu.vector_load %arg16[%get3A_1178, %get3A_1179] {strides = array<i32>} : memref<256x128xbf16, #tpu.memory_space<vmem>>, vector<32xbf16>,
        %add3A_1181 = arith.addf %get3A_1175, %get3A_1180 : vector<32xbf16>
        %unpack3A_1182 = tpu.unpack_subelements %add3A_1181, 0 {pack_format = #tpu.pack_format<interleaved>} : vector<32xbf16> -> vector<16xf32>
        %unpack3A_1183 = tpu.unpack_subelements %add3A_1181, 1 {pack_format = #tpu.pack_format<interleaved>} : vector<32xbf16> -> vector<16xf32>
        %add3A_1184 = arith.addf %add3A_1169, %unpack3A_1182 : vector<16xf32>
        %add3A_1185 = arith.addf %add3A_1170, %unpack3A_1183 : vector<16xf32>
        %add3A_1186 = arith.constant 96 : i32
        %add3A_1187 = arith.addi %add3A_1186, %scan3A_1135 : i32
        %get3A_1188 = arith.index_cast %add3A_1187 : i32 to index
        %get3A_1189 = arith.constant 0 : index
        %get3A_1190 = tpu.vector_load %arg16[%get3A_1188, %get3A_1189] {strides = array<i32>} : memref<256x128xbf16, #tpu.memory_space<vmem>>, vector<32xbf16>,
        %add3A_1191 = arith.constant 112 : i32
        %add3A_1192 = arith.addi %add3A_1191, %scan3A_1135 : i32
        %get3A_1193 = arith.index_cast %add3A_1192 : i32 to index
        %get3A_1194 = arith.constant 0 : index
        %get3A_1195 = tpu.vector_load %arg16[%get3A_1193, %get3A_1194] {strides = array<i32>} : memref<256x128xbf16, #tpu.memory_space<vmem>>, vector<32xbf16>,
        %add3A_1196 = arith.addf %get3A_1190, %get3A_1195 : vector<32xbf16>
        %unpack3A_1197 = tpu.unpack_subelements %add3A_1196, 0 {pack_format = #tpu.pack_format<interleaved>} : vector<32xbf16> -> vector<16xf32>
        %unpack3A_1198 = tpu.unpack_subelements %add3A_1196, 1 {pack_format = #tpu.pack_format<interleaved>} : vector<32xbf16> -> vector<16xf32>
        %add3A_1199 = arith.addf %add3A_1184, %unpack3A_1197 : vector<16xf32>
        %add3A_1200 = arith.addf %add3A_1185, %unpack3A_1198 : vector<16xf32>
        %add3A_1201 = arith.constant 128 : i32
        %add3A_1202 = arith.addi %add3A_1201, %scan3A_1135 : i32
        %get3A_1203 = arith.index_cast %add3A_1202 : i32 to index
        %get3A_1204 = arith.constant 0 : index
        %get3A_1205 = tpu.vector_load %arg16[%get3A_1203, %get3A_1204] {strides = array<i32>} : memref<256x128xbf16, #tpu.memory_space<vmem>>, vector<32xbf16>,
        %add3A_1206 = arith.constant 144 : i32
        %add3A_1207 = arith.addi %add3A_1206, %scan3A_1135 : i32
        %get3A_1208 = arith.index_cast %add3A_1207 : i32 to index
        %get3A_1209 = arith.constant 0 : index
        %get3A_1210 = tpu.vector_load %arg16[%get3A_1208, %get3A_1209] {strides = array<i32>} : memref<256x128xbf16, #tpu.memory_space<vmem>>, vector<32xbf16>,
        %add3A_1211 = arith.addf %get3A_1205, %get3A_1210 : vector<32xbf16>
        %unpack3A_1212 = tpu.unpack_subelements %add3A_1211, 0 {pack_format = #tpu.pack_format<interleaved>} : vector<32xbf16> -> vector<16xf32>
        %unpack3A_1213 = tpu.unpack_subelements %add3A_1211, 1 {pack_format = #tpu.pack_format<interleaved>} : vector<32xbf16> -> vector<16xf32>
        %add3A_1214 = arith.addf %add3A_1199, %unpack3A_1212 : vector<16xf32>
        %add3A_1215 = arith.addf %add3A_1200, %unpack3A_1213 : vector<16xf32>
        %add3A_1216 = arith.constant 160 : i32
        %add3A_1217 = arith.addi %add3A_1216, %scan3A_1135 : i32
        %get3A_1218 = arith.index_cast %add3A_1217 : i32 to index
        %get3A_1219 = arith.constant 0 : index
        %get3A_1220 = tpu.vector_load %arg16[%get3A_1218, %get3A_1219] {strides = array<i32>} : memref<256x128xbf16, #tpu.memory_space<vmem>>, vector<32xbf16>,
        %add3A_1221 = arith.constant 176 : i32
        %add3A_1222 = arith.addi %add3A_1221, %scan3A_1135 : i32
        %get3A_1223 = arith.index_cast %add3A_1222 : i32 to index
        %get3A_1224 = arith.constant 0 : index
        %get3A_1225 = tpu.vector_load %arg16[%get3A_1223, %get3A_1224] {strides = array<i32>} : memref<256x128xbf16, #tpu.memory_space<vmem>>, vector<32xbf16>,
        %add3A_1226 = arith.addf %get3A_1220, %get3A_1225 : vector<32xbf16>
        %unpack3A_1227 = tpu.unpack_subelements %add3A_1226, 0 {pack_format = #tpu.pack_format<interleaved>} : vector<32xbf16> -> vector<16xf32>
        %unpack3A_1228 = tpu.unpack_subelements %add3A_1226, 1 {pack_format = #tpu.pack_format<interleaved>} : vector<32xbf16> -> vector<16xf32>
        %add3A_1229 = arith.addf %add3A_1214, %unpack3A_1227 : vector<16xf32>
        %add3A_1230 = arith.addf %add3A_1215, %unpack3A_1228 : vector<16xf32>
        %add3A_1231 = arith.constant 192 : i32
        %add3A_1232 = arith.addi %add3A_1231, %scan3A_1135 : i32
        %get3A_1233 = arith.index_cast %add3A_1232 : i32 to index
        %get3A_1234 = arith.constant 0 : index
        %get3A_1235 = tpu.vector_load %arg16[%get3A_1233, %get3A_1234] {strides = array<i32>} : memref<256x128xbf16, #tpu.memory_space<vmem>>, vector<32xbf16>,
        %add3A_1236 = arith.constant 208 : i32
        %add3A_1237 = arith.addi %add3A_1236, %scan3A_1135 : i32
        %get3A_1238 = arith.index_cast %add3A_1237 : i32 to index
        %get3A_1239 = arith.constant 0 : index
        %get3A_1240 = tpu.vector_load %arg16[%get3A_1238, %get3A_1239] {strides = array<i32>} : memref<256x128xbf16, #tpu.memory_space<vmem>>, vector<32xbf16>,
        %add3A_1241 = arith.addf %get3A_1235, %get3A_1240 : vector<32xbf16>
        %unpack3A_1242 = tpu.unpack_subelements %add3A_1241, 0 {pack_format = #tpu.pack_format<interleaved>} : vector<32xbf16> -> vector<16xf32>
        %unpack3A_1243 = tpu.unpack_subelements %add3A_1241, 1 {pack_format = #tpu.pack_format<interleaved>} : vector<32xbf16> -> vector<16xf32>
        %add3A_1244 = arith.addf %add3A_1229, %unpack3A_1242 : vector<16xf32>
        %add3A_1245 = arith.addf %add3A_1230, %unpack3A_1243 : vector<16xf32>
        %add3A_1246 = arith.constant 224 : i32
        %add3A_1247 = arith.addi %add3A_1246, %scan3A_1135 : i32
        %get3A_1248 = arith.index_cast %add3A_1247 : i32 to index
        %get3A_1249 = arith.constant 0 : index
        %get3A_1250 = tpu.vector_load %arg16[%get3A_1248, %get3A_1249] {strides = array<i32>} : memref<256x128xbf16, #tpu.memory_space<vmem>>, vector<32xbf16>,
        %add3A_1251 = arith.constant 240 : i32
        %add3A_1252 = arith.addi %add3A_1251, %scan3A_1135 : i32
        %get3A_1253 = arith.index_cast %add3A_1252 : i32 to index
        %get3A_1254 = arith.constant 0 : index
        %get3A_1255 = tpu.vector_load %arg16[%get3A_1253, %get3A_1254] {strides = array<i32>} : memref<256x128xbf16, #tpu.memory_space<vmem>>, vector<32xbf16>,
        %add3A_1256 = arith.addf %get3A_1250, %get3A_1255 : vector<32xbf16>
        %unpack3A_1257 = tpu.unpack_subelements %add3A_1256, 0 {pack_format = #tpu.pack_format<interleaved>} : vector<32xbf16> -> vector<16xf32>
        %unpack3A_1258 = tpu.unpack_subelements %add3A_1256, 1 {pack_format = #tpu.pack_format<interleaved>} : vector<32xbf16> -> vector<16xf32>
        %add3A_1259 = arith.addf %add3A_1244, %unpack3A_1257 : vector<16xf32>
        %add3A_1260 = arith.addf %add3A_1245, %unpack3A_1258 : vector<16xf32>
        %swap3A_1261 = arith.index_cast %scan3A_1135 : i32 to index
        %swap3A_1262 = arith.constant 0 : index
        %swap3A_1263 = tpu.vector_load %arg14[%swap3A_1261, %swap3A_1262] {strides = array<i32>} : memref<16x128xf32, #tpu.memory_space<vmem>>, vector<16xf32>,
        tpu.vector_store %arg14[%swap3A_1261, %swap3A_1262], %add3A_1259 {strides = array<i32>} : memref<16x128xf32, #tpu.memory_space<vmem>>, vector<16xf32>,
        %swap3A_1264 = arith.index_cast %scan3A_1135 : i32 to index
        %swap3A_1265 = arith.constant 16 : index
        %swap3A_1266 = tpu.vector_load %arg14[%swap3A_1264, %swap3A_1265] {strides = array<i32>} : memref<16x128xf32, #tpu.memory_space<vmem>>, vector<16xf32>,
        tpu.vector_store %arg14[%swap3A_1264, %swap3A_1265], %add3A_1260 {strides = array<i32>} : memref<16x128xf32, #tpu.memory_space<vmem>>, vector<16xf32>,
        %get3A_1267 = arith.index_cast %scan3A_1135 : i32 to index
        %get3A_1268 = arith.constant 32 : index
        %get3A_1269 = tpu.vector_load %arg14[%get3A_1267, %get3A_1268] {strides = array<i32>} : memref<16x128xf32, #tpu.memory_space<vmem>>, vector<16xf32>,
        %get3A_1270 = arith.index_cast %scan3A_1135 : i32 to index
        %get3A_1271 = arith.constant 48 : index
        %get3A_1272 = tpu.vector_load %arg14[%get3A_1270, %get3A_1271] {strides = array<i32>} : memref<16x128xf32, #tpu.memory_space<vmem>>, vector<16xf32>,
        %add3A_1273 = arith.constant 0 : i32
        %add3A_1274 = arith.addi %add3A_1273, %scan3A_1135 : i32
        %get3A_1275 = arith.index_cast %add3A_1274 : i32 to index
        %get3A_1276 = arith.constant 32 : index
        %get3A_1277 = tpu.vector_load %arg16[%get3A_1275, %get3A_1276] {strides = array<i32>} : memref<256x128xbf16, #tpu.memory_space<vmem>>, vector<32xbf16>,
        %add3A_1278 = arith.constant 16 : i32
        %add3A_1279 = arith.addi %add3A_1278, %scan3A_1135 : i32
        %get3A_1280 = arith.index_cast %add3A_1279 : i32 to index
        %get3A_1281 = arith.constant 32 : index
        %get3A_1282 = tpu.vector_load %arg16[%get3A_1280, %get3A_1281] {strides = array<i32>} : memref<256x128xbf16, #tpu.memory_space<vmem>>, vector<32xbf16>,
        %add3A_1283 = arith.addf %get3A_1277, %get3A_1282 : vector<32xbf16>
        %unpack3A_1284 = tpu.unpack_subelements %add3A_1283, 0 {pack_format = #tpu.pack_format<interleaved>} : vector<32xbf16> -> vector<16xf32>
        %unpack3A_1285 = tpu.unpack_subelements %add3A_1283, 1 {pack_format = #tpu.pack_format<interleaved>} : vector<32xbf16> -> vector<16xf32>
        %add3A_1286 = arith.addf %get3A_1269, %unpack3A_1284 : vector<16xf32>
        %add3A_1287 = arith.addf %get3A_1272, %unpack3A_1285 : vector<16xf32>
        %add3A_1288 = arith.constant 32 : i32
        %add3A_1289 = arith.addi %add3A_1288, %scan3A_1135 : i32
        %get3A_1290 = arith.index_cast %add3A_1289 : i32 to index
        %get3A_1291 = arith.constant 32 : index
        %get3A_1292 = tpu.vector_load %arg16[%get3A_1290, %get3A_1291] {strides = array<i32>} : memref<256x128xbf16, #tpu.memory_space<vmem>>, vector<32xbf16>,
        %add3A_1293 = arith.constant 48 : i32
        %add3A_1294 = arith.addi %add3A_1293, %scan3A_1135 : i32
        %get3A_1295 = arith.index_cast %add3A_1294 : i32 to index
        %get3A_1296 = arith.constant 32 : index
        %get3A_1297 = tpu.vector_load %arg16[%get3A_1295, %get3A_1296] {strides = array<i32>} : memref<256x128xbf16, #tpu.memory_space<vmem>>, vector<32xbf16>,
        %add3A_1298 = arith.addf %get3A_1292, %get3A_1297 : vector<32xbf16>
        %unpack3A_1299 = tpu.unpack_subelements %add3A_1298, 0 {pack_format = #tpu.pack_format<interleaved>} : vector<32xbf16> -> vector<16xf32>
        %unpack3A_1300 = tpu.unpack_subelements %add3A_1298, 1 {pack_format = #tpu.pack_format<interleaved>} : vector<32xbf16> -> vector<16xf32>
        %add3A_1301 = arith.addf %add3A_1286, %unpack3A_1299 : vector<16xf32>
        %add3A_1302 = arith.addf %add3A_1287, %unpack3A_1300 : vector<16xf32>
        %add3A_1303 = arith.constant 64 : i32
        %add3A_1304 = arith.addi %add3A_1303, %scan3A_1135 : i32
        %get3A_1305 = arith.index_cast %add3A_1304 : i32 to index
        %get3A_1306 = arith.constant 32 : index
        %get3A_1307 = tpu.vector_load %arg16[%get3A_1305, %get3A_1306] {strides = array<i32>} : memref<256x128xbf16, #tpu.memory_space<vmem>>, vector<32xbf16>,
        %add3A_1308 = arith.constant 80 : i32
        %add3A_1309 = arith.addi %add3A_1308, %scan3A_1135 : i32
        %get3A_1310 = arith.index_cast %add3A_1309 : i32 to index
        %get3A_1311 = arith.constant 32 : index
        %get3A_1312 = tpu.vector_load %arg16[%get3A_1310, %get3A_1311] {strides = array<i32>} : memref<256x128xbf16, #tpu.memory_space<vmem>>, vector<32xbf16>,
        %add3A_1313 = arith.addf %get3A_1307, %get3A_1312 : vector<32xbf16>
        %unpack3A_1314 = tpu.unpack_subelements %add3A_1313, 0 {pack_format = #tpu.pack_format<interleaved>} : vector<32xbf16> -> vector<16xf32>
        %unpack3A_1315 = tpu.unpack_subelements %add3A_1313, 1 {pack_format = #tpu.pack_format<interleaved>} : vector<32xbf16> -> vector<16xf32>
        %add3A_1316 = arith.addf %add3A_1301, %unpack3A_1314 : vector<16xf32>
        %add3A_1317 = arith.addf %add3A_1302, %unpack3A_1315 : vector<16xf32>
        %add3A_1318 = arith.constant 96 : i32
        %add3A_1319 = arith.addi %add3A_1318, %scan3A_1135 : i32
        %get3A_1320 = arith.index_cast %add3A_1319 : i32 to index
        %get3A_1321 = arith.constant 32 : index
        %get3A_1322 = tpu.vector_load %arg16[%get3A_1320, %get3A_1321] {strides = array<i32>} : memref<256x128xbf16, #tpu.memory_space<vmem>>, vector<32xbf16>,
        %add3A_1323 = arith.constant 112 : i32
        %add3A_1324 = arith.addi %add3A_1323, %scan3A_1135 : i32
        %get3A_1325 = arith.index_cast %add3A_1324 : i32 to index
        %get3A_1326 = arith.constant 32 : index
        %get3A_1327 = tpu.vector_load %arg16[%get3A_1325, %get3A_1326] {strides = array<i32>} : memref<256x128xbf16, #tpu.memory_space<vmem>>, vector<32xbf16>,
        %add3A_1328 = arith.addf %get3A_1322, %get3A_1327 : vector<32xbf16>
        %unpack3A_1329 = tpu.unpack_subelements %add3A_1328, 0 {pack_format = #tpu.pack_format<interleaved>} : vector<32xbf16> -> vector<16xf32>
        %unpack3A_1330 = tpu.unpack_subelements %add3A_1328, 1 {pack_format = #tpu.pack_format<interleaved>} : vector<32xbf16> -> vector<16xf32>
        %add3A_1331 = arith.addf %add3A_1316, %unpack3A_1329 : vector<16xf32>
        %add3A_1332 = arith.addf %add3A_1317, %unpack3A_1330 : vector<16xf32>
        %add3A_1333 = arith.constant 128 : i32
        %add3A_1334 = arith.addi %add3A_1333, %scan3A_1135 : i32
        %get3A_1335 = arith.index_cast %add3A_1334 : i32 to index
        %get3A_1336 = arith.constant 32 : index
        %get3A_1337 = tpu.vector_load %arg16[%get3A_1335, %get3A_1336] {strides = array<i32>} : memref<256x128xbf16, #tpu.memory_space<vmem>>, vector<32xbf16>,
        %add3A_1338 = arith.constant 144 : i32
        %add3A_1339 = arith.addi %add3A_1338, %scan3A_1135 : i32
        %get3A_1340 = arith.index_cast %add3A_1339 : i32 to index
        %get3A_1341 = arith.constant 32 : index
        %get3A_1342 = tpu.vector_load %arg16[%get3A_1340, %get3A_1341] {strides = array<i32>} : memref<256x128xbf16, #tpu.memory_space<vmem>>, vector<32xbf16>,
        %add3A_1343 = arith.addf %get3A_1337, %get3A_1342 : vector<32xbf16>
        %unpack3A_1344 = tpu.unpack_subelements %add3A_1343, 0 {pack_format = #tpu.pack_format<interleaved>} : vector<32xbf16> -> vector<16xf32>
        %unpack3A_1345 = tpu.unpack_subelements %add3A_1343, 1 {pack_format = #tpu.pack_format<interleaved>} : vector<32xbf16> -> vector<16xf32>
        %add3A_1346 = arith.addf %add3A_1331, %unpack3A_1344 : vector<16xf32>
        %add3A_1347 = arith.addf %add3A_1332, %unpack3A_1345 : vector<16xf32>
        %add3A_1348 = arith.constant 160 : i32
        %add3A_1349 = arith.addi %add3A_1348, %scan3A_1135 : i32
        %get3A_1350 = arith.index_cast %add3A_1349 : i32 to index
        %get3A_1351 = arith.constant 32 : index
        %get3A_1352 = tpu.vector_load %arg16[%get3A_1350, %get3A_1351] {strides = array<i32>} : memref<256x128xbf16, #tpu.memory_space<vmem>>, vector<32xbf16>,
        %add3A_1353 = arith.constant 176 : i32
        %add3A_1354 = arith.addi %add3A_1353, %scan3A_1135 : i32
        %get3A_1355 = arith.index_cast %add3A_1354 : i32 to index
        %get3A_1356 = arith.constant 32 : index
        %get3A_1357 = tpu.vector_load %arg16[%get3A_1355, %get3A_1356] {strides = array<i32>} : memref<256x128xbf16, #tpu.memory_space<vmem>>, vector<32xbf16>,
        %add3A_1358 = arith.addf %get3A_1352, %get3A_1357 : vector<32xbf16>
        %unpack3A_1359 = tpu.unpack_subelements %add3A_1358, 0 {pack_format = #tpu.pack_format<interleaved>} : vector<32xbf16> -> vector<16xf32>
        %unpack3A_1360 = tpu.unpack_subelements %add3A_1358, 1 {pack_format = #tpu.pack_format<interleaved>} : vector<32xbf16> -> vector<16xf32>
        %add3A_1361 = arith.addf %add3A_1346, %unpack3A_1359 : vector<16xf32>
        %add3A_1362 = arith.addf %add3A_1347, %unpack3A_1360 : vector<16xf32>
        %add3A_1363 = arith.constant 192 : i32
        %add3A_1364 = arith.addi %add3A_1363, %scan3A_1135 : i32
        %get3A_1365 = arith.index_cast %add3A_1364 : i32 to index
        %get3A_1366 = arith.constant 32 : index
        %get3A_1367 = tpu.vector_load %arg16[%get3A_1365, %get3A_1366] {strides = array<i32>} : memref<256x128xbf16, #tpu.memory_space<vmem>>, vector<32xbf16>,
        %add3A_1368 = arith.constant 208 : i32
        %add3A_1369 = arith.addi %add3A_1368, %scan3A_1135 : i32
        %get3A_1370 = arith.index_cast %add3A_1369 : i32 to index
        %get3A_1371 = arith.constant 32 : index
        %get3A_1372 = tpu.vector_load %arg16[%get3A_1370, %get3A_1371] {strides = array<i32>} : memref<256x128xbf16, #tpu.memory_space<vmem>>, vector<32xbf16>,
        %add3A_1373 = arith.addf %get3A_1367, %get3A_1372 : vector<32xbf16>
        %unpack3A_1374 = tpu.unpack_subelements %add3A_1373, 0 {pack_format = #tpu.pack_format<interleaved>} : vector<32xbf16> -> vector<16xf32>
        %unpack3A_1375 = tpu.unpack_subelements %add3A_1373, 1 {pack_format = #tpu.pack_format<interleaved>} : vector<32xbf16> -> vector<16xf32>
        %add3A_1376 = arith.addf %add3A_1361, %unpack3A_1374 : vector<16xf32>
        %add3A_1377 = arith.addf %add3A_1362, %unpack3A_1375 : vector<16xf32>
        %add3A_1378 = arith.constant 224 : i32
        %add3A_1379 = arith.addi %add3A_1378, %scan3A_1135 : i32
        %get3A_1380 = arith.index_cast %add3A_1379 : i32 to index
        %get3A_1381 = arith.constant 32 : index
        %get3A_1382 = tpu.vector_load %arg16[%get3A_1380, %get3A_1381] {strides = array<i32>} : memref<256x128xbf16, #tpu.memory_space<vmem>>, vector<32xbf16>,
        %add3A_1383 = arith.constant 240 : i32
        %add3A_1384 = arith.addi %add3A_1383, %scan3A_1135 : i32
        %get3A_1385 = arith.index_cast %add3A_1384 : i32 to index
        %get3A_1386 = arith.constant 32 : index
        %get3A_1387 = tpu.vector_load %arg16[%get3A_1385, %get3A_1386] {strides = array<i32>} : memref<256x128xbf16, #tpu.memory_space<vmem>>, vector<32xbf16>,
        %add3A_1388 = arith.addf %get3A_1382, %get3A_1387 : vector<32xbf16>
        %unpack3A_1389 = tpu.unpack_subelements %add3A_1388, 0 {pack_format = #tpu.pack_format<interleaved>} : vector<32xbf16> -> vector<16xf32>
        %unpack3A_1390 = tpu.unpack_subelements %add3A_1388, 1 {pack_format = #tpu.pack_format<interleaved>} : vector<32xbf16> -> vector<16xf32>
        %add3A_1391 = arith.addf %add3A_1376, %unpack3A_1389 : vector<16xf32>
        %add3A_1392 = arith.addf %add3A_1377, %unpack3A_1390 : vector<16xf32>
        %swap3A_1393 = arith.index_cast %scan3A_1135 : i32 to index
        %swap3A_1394 = arith.constant 32 : index
        %swap3A_1395 = tpu.vector_load %arg14[%swap3A_1393, %swap3A_1394] {strides = array<i32>} : memref<16x128xf32, #tpu.memory_space<vmem>>, vector<16xf32>,
        tpu.vector_store %arg14[%swap3A_1393, %swap3A_1394], %add3A_1391 {strides = array<i32>} : memref<16x128xf32, #tpu.memory_space<vmem>>, vector<16xf32>,
        %swap3A_1396 = arith.index_cast %scan3A_1135 : i32 to index
        %swap3A_1397 = arith.constant 48 : index
        %swap3A_1398 = tpu.vector_load %arg14[%swap3A_1396, %swap3A_1397] {strides = array<i32>} : memref<16x128xf32, #tpu.memory_space<vmem>>, vector<16xf32>,
        tpu.vector_store %arg14[%swap3A_1396, %swap3A_1397], %add3A_1392 {strides = array<i32>} : memref<16x128xf32, #tpu.memory_space<vmem>>, vector<16xf32>,
        %get3A_1399 = arith.index_cast %scan3A_1135 : i32 to index
        %get3A_1400 = arith.constant 64 : index
        %get3A_1401 = tpu.vector_load %arg14[%get3A_1399, %get3A_1400] {strides = array<i32>} : memref<16x128xf32, #tpu.memory_space<vmem>>, vector<16xf32>,
        %get3A_1402 = arith.index_cast %scan3A_1135 : i32 to index
        %get3A_1403 = arith.constant 80 : index
        %get3A_1404 = tpu.vector_load %arg14[%get3A_1402, %get3A_1403] {strides = array<i32>} : memref<16x128xf32, #tpu.memory_space<vmem>>, vector<16xf32>,
        %add3A_1405 = arith.constant 0 : i32
        %add3A_1406 = arith.addi %add3A_1405, %scan3A_1135 : i32
        %get3A_1407 = arith.index_cast %add3A_1406 : i32 to index
        %get3A_1408 = arith.constant 64 : index
        %get3A_1409 = tpu.vector_load %arg16[%get3A_1407, %get3A_1408] {strides = array<i32>} : memref<256x128xbf16, #tpu.memory_space<vmem>>, vector<32xbf16>,
        %add3A_1410 = arith.constant 16 : i32
        %add3A_1411 = arith.addi %add3A_1410, %scan3A_1135 : i32
        %get3A_1412 = arith.index_cast %add3A_1411 : i32 to index
        %get3A_1413 = arith.constant 64 : index
        %get3A_1414 = tpu.vector_load %arg16[%get3A_1412, %get3A_1413] {strides = array<i32>} : memref<256x128xbf16, #tpu.memory_space<vmem>>, vector<32xbf16>,
        %add3A_1415 = arith.addf %get3A_1409, %get3A_1414 : vector<32xbf16>
        %unpack3A_1416 = tpu.unpack_subelements %add3A_1415, 0 {pack_format = #tpu.pack_format<interleaved>} : vector<32xbf16> -> vector<16xf32>
        %unpack3A_1417 = tpu.unpack_subelements %add3A_1415, 1 {pack_format = #tpu.pack_format<interleaved>} : vector<32xbf16> -> vector<16xf32>
        %add3A_1418 = arith.addf %get3A_1401, %unpack3A_1416 : vector<16xf32>
        %add3A_1419 = arith.addf %get3A_1404, %unpack3A_1417 : vector<16xf32>
        %add3A_1420 = arith.constant 32 : i32
        %add3A_1421 = arith.addi %add3A_1420, %scan3A_1135 : i32
        %get3A_1422 = arith.index_cast %add3A_1421 : i32 to index
        %get3A_1423 = arith.constant 64 : index
        %get3A_1424 = tpu.vector_load %arg16[%get3A_1422, %get3A_1423] {strides = array<i32>} : memref<256x128xbf16, #tpu.memory_space<vmem>>, vector<32xbf16>,
        %add3A_1425 = arith.constant 48 : i32
        %add3A_1426 = arith.addi %add3A_1425, %scan3A_1135 : i32
        %get3A_1427 = arith.index_cast %add3A_1426 : i32 to index
        %get3A_1428 = arith.constant 64 : index
        %get3A_1429 = tpu.vector_load %arg16[%get3A_1427, %get3A_1428] {strides = array<i32>} : memref<256x128xbf16, #tpu.memory_space<vmem>>, vector<32xbf16>,
        %add3A_1430 = arith.addf %get3A_1424, %get3A_1429 : vector<32xbf16>
        %unpack3A_1431 = tpu.unpack_subelements %add3A_1430, 0 {pack_format = #tpu.pack_format<interleaved>} : vector<32xbf16> -> vector<16xf32>
        %unpack3A_1432 = tpu.unpack_subelements %add3A_1430, 1 {pack_format = #tpu.pack_format<interleaved>} : vector<32xbf16> -> vector<16xf32>
        %add3A_1433 = arith.addf %add3A_1418, %unpack3A_1431 : vector<16xf32>
        %add3A_1434 = arith.addf %add3A_1419, %unpack3A_1432 : vector<16xf32>
        %add3A_1435 = arith.constant 64 : i32
        %add3A_1436 = arith.addi %add3A_1435, %scan3A_1135 : i32
        %get3A_1437 = arith.index_cast %add3A_1436 : i32 to index
        %get3A_1438 = arith.constant 64 : index
        %get3A_1439 = tpu.vector_load %arg16[%get3A_1437, %get3A_1438] {strides = array<i32>} : memref<256x128xbf16, #tpu.memory_space<vmem>>, vector<32xbf16>,
        %add3A_1440 = arith.constant 80 : i32
        %add3A_1441 = arith.addi %add3A_1440, %scan3A_1135 : i32
        %get3A_1442 = arith.index_cast %add3A_1441 : i32 to index
        %get3A_1443 = arith.constant 64 : index
        %get3A_1444 = tpu.vector_load %arg16[%get3A_1442, %get3A_1443] {strides = array<i32>} : memref<256x128xbf16, #tpu.memory_space<vmem>>, vector<32xbf16>,
        %add3A_1445 = arith.addf %get3A_1439, %get3A_1444 : vector<32xbf16>
        %unpack3A_1446 = tpu.unpack_subelements %add3A_1445, 0 {pack_format = #tpu.pack_format<interleaved>} : vector<32xbf16> -> vector<16xf32>
        %unpack3A_1447 = tpu.unpack_subelements %add3A_1445, 1 {pack_format = #tpu.pack_format<interleaved>} : vector<32xbf16> -> vector<16xf32>
        %add3A_1448 = arith.addf %add3A_1433, %unpack3A_1446 : vector<16xf32>
        %add3A_1449 = arith.addf %add3A_1434, %unpack3A_1447 : vector<16xf32>
        %add3A_1450 = arith.constant 96 : i32
        %add3A_1451 = arith.addi %add3A_1450, %scan3A_1135 : i32
        %get3A_1452 = arith.index_cast %add3A_1451 : i32 to index
        %get3A_1453 = arith.constant 64 : index
        %get3A_1454 = tpu.vector_load %arg16[%get3A_1452, %get3A_1453] {strides = array<i32>} : memref<256x128xbf16, #tpu.memory_space<vmem>>, vector<32xbf16>,
        %add3A_1455 = arith.constant 112 : i32
        %add3A_1456 = arith.addi %add3A_1455, %scan3A_1135 : i32
        %get3A_1457 = arith.index_cast %add3A_1456 : i32 to index
        %get3A_1458 = arith.constant 64 : index
        %get3A_1459 = tpu.vector_load %arg16[%get3A_1457, %get3A_1458] {strides = array<i32>} : memref<256x128xbf16, #tpu.memory_space<vmem>>, vector<32xbf16>,
        %add3A_1460 = arith.addf %get3A_1454, %get3A_1459 : vector<32xbf16>
        %unpack3A_1461 = tpu.unpack_subelements %add3A_1460, 0 {pack_format = #tpu.pack_format<interleaved>} : vector<32xbf16> -> vector<16xf32>
        %unpack3A_1462 = tpu.unpack_subelements %add3A_1460, 1 {pack_format = #tpu.pack_format<interleaved>} : vector<32xbf16> -> vector<16xf32>
        %add3A_1463 = arith.addf %add3A_1448, %unpack3A_1461 : vector<16xf32>
        %add3A_1464 = arith.addf %add3A_1449, %unpack3A_1462 : vector<16xf32>
        %add3A_1465 = arith.constant 128 : i32
        %add3A_1466 = arith.addi %add3A_1465, %scan3A_1135 : i32
        %get3A_1467 = arith.index_cast %add3A_1466 : i32 to index
        %get3A_1468 = arith.constant 64 : index
        %get3A_1469 = tpu.vector_load %arg16[%get3A_1467, %get3A_1468] {strides = array<i32>} : memref<256x128xbf16, #tpu.memory_space<vmem>>, vector<32xbf16>,
        %add3A_1470 = arith.constant 144 : i32
        %add3A_1471 = arith.addi %add3A_1470, %scan3A_1135 : i32
        %get3A_1472 = arith.index_cast %add3A_1471 : i32 to index
        %get3A_1473 = arith.constant 64 : index
        %get3A_1474 = tpu.vector_load %arg16[%get3A_1472, %get3A_1473] {strides = array<i32>} : memref<256x128xbf16, #tpu.memory_space<vmem>>, vector<32xbf16>,
        %add3A_1475 = arith.addf %get3A_1469, %get3A_1474 : vector<32xbf16>
        %unpack3A_1476 = tpu.unpack_subelements %add3A_1475, 0 {pack_format = #tpu.pack_format<interleaved>} : vector<32xbf16> -> vector<16xf32>
        %unpack3A_1477 = tpu.unpack_subelements %add3A_1475, 1 {pack_format = #tpu.pack_format<interleaved>} : vector<32xbf16> -> vector<16xf32>
        %add3A_1478 = arith.addf %add3A_1463, %unpack3A_1476 : vector<16xf32>
        %add3A_1479 = arith.addf %add3A_1464, %unpack3A_1477 : vector<16xf32>
        %add3A_1480 = arith.constant 160 : i32
        %add3A_1481 = arith.addi %add3A_1480, %scan3A_1135 : i32
        %get3A_1482 = arith.index_cast %add3A_1481 : i32 to index
        %get3A_1483 = arith.constant 64 : index
        %get3A_1484 = tpu.vector_load %arg16[%get3A_1482, %get3A_1483] {strides = array<i32>} : memref<256x128xbf16, #tpu.memory_space<vmem>>, vector<32xbf16>,
        %add3A_1485 = arith.constant 176 : i32
        %add3A_1486 = arith.addi %add3A_1485, %scan3A_1135 : i32
        %get3A_1487 = arith.index_cast %add3A_1486 : i32 to index
        %get3A_1488 = arith.constant 64 : index
        %get3A_1489 = tpu.vector_load %arg16[%get3A_1487, %get3A_1488] {strides = array<i32>} : memref<256x128xbf16, #tpu.memory_space<vmem>>, vector<32xbf16>,
        %add3A_1490 = arith.addf %get3A_1484, %get3A_1489 : vector<32xbf16>
        %unpack3A_1491 = tpu.unpack_subelements %add3A_1490, 0 {pack_format = #tpu.pack_format<interleaved>} : vector<32xbf16> -> vector<16xf32>
        %unpack3A_1492 = tpu.unpack_subelements %add3A_1490, 1 {pack_format = #tpu.pack_format<interleaved>} : vector<32xbf16> -> vector<16xf32>
        %add3A_1493 = arith.addf %add3A_1478, %unpack3A_1491 : vector<16xf32>
        %add3A_1494 = arith.addf %add3A_1479, %unpack3A_1492 : vector<16xf32>
        %add3A_1495 = arith.constant 192 : i32
        %add3A_1496 = arith.addi %add3A_1495, %scan3A_1135 : i32
        %get3A_1497 = arith.index_cast %add3A_1496 : i32 to index
        %get3A_1498 = arith.constant 64 : index
        %get3A_1499 = tpu.vector_load %arg16[%get3A_1497, %get3A_1498] {strides = array<i32>} : memref<256x128xbf16, #tpu.memory_space<vmem>>, vector<32xbf16>,
        %add3A_1500 = arith.constant 208 : i32
        %add3A_1501 = arith.addi %add3A_1500, %scan3A_1135 : i32
        %get3A_1502 = arith.index_cast %add3A_1501 : i32 to index
        %get3A_1503 = arith.constant 64 : index
        %get3A_1504 = tpu.vector_load %arg16[%get3A_1502, %get3A_1503] {strides = array<i32>} : memref<256x128xbf16, #tpu.memory_space<vmem>>, vector<32xbf16>,
        %add3A_1505 = arith.addf %get3A_1499, %get3A_1504 : vector<32xbf16>
        %unpack3A_1506 = tpu.unpack_subelements %add3A_1505, 0 {pack_format = #tpu.pack_format<interleaved>} : vector<32xbf16> -> vector<16xf32>
        %unpack3A_1507 = tpu.unpack_subelements %add3A_1505, 1 {pack_format = #tpu.pack_format<interleaved>} : vector<32xbf16> -> vector<16xf32>
        %add3A_1508 = arith.addf %add3A_1493, %unpack3A_1506 : vector<16xf32>
        %add3A_1509 = arith.addf %add3A_1494, %unpack3A_1507 : vector<16xf32>
        %add3A_1510 = arith.constant 224 : i32
        %add3A_1511 = arith.addi %add3A_1510, %scan3A_1135 : i32
        %get3A_1512 = arith.index_cast %add3A_1511 : i32 to index
        %get3A_1513 = arith.constant 64 : index
        %get3A_1514 = tpu.vector_load %arg16[%get3A_1512, %get3A_1513] {strides = array<i32>} : memref<256x128xbf16, #tpu.memory_space<vmem>>, vector<32xbf16>,
        %add3A_1515 = arith.constant 240 : i32
        %add3A_1516 = arith.addi %add3A_1515, %scan3A_1135 : i32
        %get3A_1517 = arith.index_cast %add3A_1516 : i32 to index
        %get3A_1518 = arith.constant 64 : index
        %get3A_1519 = tpu.vector_load %arg16[%get3A_1517, %get3A_1518] {strides = array<i32>} : memref<256x128xbf16, #tpu.memory_space<vmem>>, vector<32xbf16>,
        %add3A_1520 = arith.addf %get3A_1514, %get3A_1519 : vector<32xbf16>
        %unpack3A_1521 = tpu.unpack_subelements %add3A_1520, 0 {pack_format = #tpu.pack_format<interleaved>} : vector<32xbf16> -> vector<16xf32>
        %unpack3A_1522 = tpu.unpack_subelements %add3A_1520, 1 {pack_format = #tpu.pack_format<interleaved>} : vector<32xbf16> -> vector<16xf32>
        %add3A_1523 = arith.addf %add3A_1508, %unpack3A_1521 : vector<16xf32>
        %add3A_1524 = arith.addf %add3A_1509, %unpack3A_1522 : vector<16xf32>
        %swap3A_1525 = arith.index_cast %scan3A_1135 : i32 to index
        %swap3A_1526 = arith.constant 64 : index
        %swap3A_1527 = tpu.vector_load %arg14[%swap3A_1525, %swap3A_1526] {strides = array<i32>} : memref<16x128xf32, #tpu.memory_space<vmem>>, vector<16xf32>,
        tpu.vector_store %arg14[%swap3A_1525, %swap3A_1526], %add3A_1523 {strides = array<i32>} : memref<16x128xf32, #tpu.memory_space<vmem>>, vector<16xf32>,
        %swap3A_1528 = arith.index_cast %scan3A_1135 : i32 to index
        %swap3A_1529 = arith.constant 80 : index
        %swap3A_1530 = tpu.vector_load %arg14[%swap3A_1528, %swap3A_1529] {strides = array<i32>} : memref<16x128xf32, #tpu.memory_space<vmem>>, vector<16xf32>,
        tpu.vector_store %arg14[%swap3A_1528, %swap3A_1529], %add3A_1524 {strides = array<i32>} : memref<16x128xf32, #tpu.memory_space<vmem>>, vector<16xf32>,
        %get3A_1531 = arith.index_cast %scan3A_1135 : i32 to index
        %get3A_1532 = arith.constant 96 : index
        %get3A_1533 = tpu.vector_load %arg14[%get3A_1531, %get3A_1532] {strides = array<i32>} : memref<16x128xf32, #tpu.memory_space<vmem>>, vector<16xf32>,
        %get3A_1534 = arith.index_cast %scan3A_1135 : i32 to index
        %get3A_1535 = arith.constant 112 : index
        %get3A_1536 = tpu.vector_load %arg14[%get3A_1534, %get3A_1535] {strides = array<i32>} : memref<16x128xf32, #tpu.memory_space<vmem>>, vector<16xf32>,
        %add3A_1537 = arith.constant 0 : i32
        %add3A_1538 = arith.addi %add3A_1537, %scan3A_1135 : i32
        %get3A_1539 = arith.index_cast %add3A_1538 : i32 to index
        %get3A_1540 = arith.constant 96 : index
        %get3A_1541 = tpu.vector_load %arg16[%get3A_1539, %get3A_1540] {strides = array<i32>} : memref<256x128xbf16, #tpu.memory_space<vmem>>, vector<32xbf16>,
        %add3A_1542 = arith.constant 16 : i32
        %add3A_1543 = arith.addi %add3A_1542, %scan3A_1135 : i32
        %get3A_1544 = arith.index_cast %add3A_1543 : i32 to index
        %get3A_1545 = arith.constant 96 : index
        %get3A_1546 = tpu.vector_load %arg16[%get3A_1544, %get3A_1545] {strides = array<i32>} : memref<256x128xbf16, #tpu.memory_space<vmem>>, vector<32xbf16>,
        %add3A_1547 = arith.addf %get3A_1541, %get3A_1546 : vector<32xbf16>
        %unpack3A_1548 = tpu.unpack_subelements %add3A_1547, 0 {pack_format = #tpu.pack_format<interleaved>} : vector<32xbf16> -> vector<16xf32>
        %unpack3A_1549 = tpu.unpack_subelements %add3A_1547, 1 {pack_format = #tpu.pack_format<interleaved>} : vector<32xbf16> -> vector<16xf32>
        %add3A_1550 = arith.addf %get3A_1533, %unpack3A_1548 : vector<16xf32>
        %add3A_1551 = arith.addf %get3A_1536, %unpack3A_1549 : vector<16xf32>
        %add3A_1552 = arith.constant 32 : i32
        %add3A_1553 = arith.addi %add3A_1552, %scan3A_1135 : i32
        %get3A_1554 = arith.index_cast %add3A_1553 : i32 to index
        %get3A_1555 = arith.constant 96 : index
        %get3A_1556 = tpu.vector_load %arg16[%get3A_1554, %get3A_1555] {strides = array<i32>} : memref<256x128xbf16, #tpu.memory_space<vmem>>, vector<32xbf16>,
        %add3A_1557 = arith.constant 48 : i32
        %add3A_1558 = arith.addi %add3A_1557, %scan3A_1135 : i32
        %get3A_1559 = arith.index_cast %add3A_1558 : i32 to index
        %get3A_1560 = arith.constant 96 : index
        %get3A_1561 = tpu.vector_load %arg16[%get3A_1559, %get3A_1560] {strides = array<i32>} : memref<256x128xbf16, #tpu.memory_space<vmem>>, vector<32xbf16>,
        %add3A_1562 = arith.addf %get3A_1556, %get3A_1561 : vector<32xbf16>
        %unpack3A_1563 = tpu.unpack_subelements %add3A_1562, 0 {pack_format = #tpu.pack_format<interleaved>} : vector<32xbf16> -> vector<16xf32>
        %unpack3A_1564 = tpu.unpack_subelements %add3A_1562, 1 {pack_format = #tpu.pack_format<interleaved>} : vector<32xbf16> -> vector<16xf32>
        %add3A_1565 = arith.addf %add3A_1550, %unpack3A_1563 : vector<16xf32>
        %add3A_1566 = arith.addf %add3A_1551, %unpack3A_1564 : vector<16xf32>
        %add3A_1567 = arith.constant 64 : i32
        %add3A_1568 = arith.addi %add3A_1567, %scan3A_1135 : i32
        %get3A_1569 = arith.index_cast %add3A_1568 : i32 to index
        %get3A_1570 = arith.constant 96 : index
        %get3A_1571 = tpu.vector_load %arg16[%get3A_1569, %get3A_1570] {strides = array<i32>} : memref<256x128xbf16, #tpu.memory_space<vmem>>, vector<32xbf16>,
        %add3A_1572 = arith.constant 80 : i32
        %add3A_1573 = arith.addi %add3A_1572, %scan3A_1135 : i32
        %get3A_1574 = arith.index_cast %add3A_1573 : i32 to index
        %get3A_1575 = arith.constant 96 : index
        %get3A_1576 = tpu.vector_load %arg16[%get3A_1574, %get3A_1575] {strides = array<i32>} : memref<256x128xbf16, #tpu.memory_space<vmem>>, vector<32xbf16>,
        %add3A_1577 = arith.addf %get3A_1571, %get3A_1576 : vector<32xbf16>
        %unpack3A_1578 = tpu.unpack_subelements %add3A_1577, 0 {pack_format = #tpu.pack_format<interleaved>} : vector<32xbf16> -> vector<16xf32>
        %unpack3A_1579 = tpu.unpack_subelements %add3A_1577, 1 {pack_format = #tpu.pack_format<interleaved>} : vector<32xbf16> -> vector<16xf32>
        %add3A_1580 = arith.addf %add3A_1565, %unpack3A_1578 : vector<16xf32>
        %add3A_1581 = arith.addf %add3A_1566, %unpack3A_1579 : vector<16xf32>
        %add3A_1582 = arith.constant 96 : i32
        %add3A_1583 = arith.addi %add3A_1582, %scan3A_1135 : i32
        %get3A_1584 = arith.index_cast %add3A_1583 : i32 to index
        %get3A_1585 = arith.constant 96 : index
        %get3A_1586 = tpu.vector_load %arg16[%get3A_1584, %get3A_1585] {strides = array<i32>} : memref<256x128xbf16, #tpu.memory_space<vmem>>, vector<32xbf16>,
        %add3A_1587 = arith.constant 112 : i32
        %add3A_1588 = arith.addi %add3A_1587, %scan3A_1135 : i32
        %get3A_1589 = arith.index_cast %add3A_1588 : i32 to index
        %get3A_1590 = arith.constant 96 : index
        %get3A_1591 = tpu.vector_load %arg16[%get3A_1589, %get3A_1590] {strides = array<i32>} : memref<256x128xbf16, #tpu.memory_space<vmem>>, vector<32xbf16>,
        %add3A_1592 = arith.addf %get3A_1586, %get3A_1591 : vector<32xbf16>
        %unpack3A_1593 = tpu.unpack_subelements %add3A_1592, 0 {pack_format = #tpu.pack_format<interleaved>} : vector<32xbf16> -> vector<16xf32>
        %unpack3A_1594 = tpu.unpack_subelements %add3A_1592, 1 {pack_format = #tpu.pack_format<interleaved>} : vector<32xbf16> -> vector<16xf32>
        %add3A_1595 = arith.addf %add3A_1580, %unpack3A_1593 : vector<16xf32>
        %add3A_1596 = arith.addf %add3A_1581, %unpack3A_1594 : vector<16xf32>
        %add3A_1597 = arith.constant 128 : i32
        %add3A_1598 = arith.addi %add3A_1597, %scan3A_1135 : i32
        %get3A_1599 = arith.index_cast %add3A_1598 : i32 to index
        %get3A_1600 = arith.constant 96 : index
        %get3A_1601 = tpu.vector_load %arg16[%get3A_1599, %get3A_1600] {strides = array<i32>} : memref<256x128xbf16, #tpu.memory_space<vmem>>, vector<32xbf16>,
        %add3A_1602 = arith.constant 144 : i32
        %add3A_1603 = arith.addi %add3A_1602, %scan3A_1135 : i32
        %get3A_1604 = arith.index_cast %add3A_1603 : i32 to index
        %get3A_1605 = arith.constant 96 : index
        %get3A_1606 = tpu.vector_load %arg16[%get3A_1604, %get3A_1605] {strides = array<i32>} : memref<256x128xbf16, #tpu.memory_space<vmem>>, vector<32xbf16>,
        %add3A_1607 = arith.addf %get3A_1601, %get3A_1606 : vector<32xbf16>
        %unpack3A_1608 = tpu.unpack_subelements %add3A_1607, 0 {pack_format = #tpu.pack_format<interleaved>} : vector<32xbf16> -> vector<16xf32>
        %unpack3A_1609 = tpu.unpack_subelements %add3A_1607, 1 {pack_format = #tpu.pack_format<interleaved>} : vector<32xbf16> -> vector<16xf32>
        %add3A_1610 = arith.addf %add3A_1595, %unpack3A_1608 : vector<16xf32>
        %add3A_1611 = arith.addf %add3A_1596, %unpack3A_1609 : vector<16xf32>
        %add3A_1612 = arith.constant 160 : i32
        %add3A_1613 = arith.addi %add3A_1612, %scan3A_1135 : i32
        %get3A_1614 = arith.index_cast %add3A_1613 : i32 to index
        %get3A_1615 = arith.constant 96 : index
        %get3A_1616 = tpu.vector_load %arg16[%get3A_1614, %get3A_1615] {strides = array<i32>} : memref<256x128xbf16, #tpu.memory_space<vmem>>, vector<32xbf16>,
        %add3A_1617 = arith.constant 176 : i32
        %add3A_1618 = arith.addi %add3A_1617, %scan3A_1135 : i32
        %get3A_1619 = arith.index_cast %add3A_1618 : i32 to index
        %get3A_1620 = arith.constant 96 : index
        %get3A_1621 = tpu.vector_load %arg16[%get3A_1619, %get3A_1620] {strides = array<i32>} : memref<256x128xbf16, #tpu.memory_space<vmem>>, vector<32xbf16>,
        %add3A_1622 = arith.addf %get3A_1616, %get3A_1621 : vector<32xbf16>
        %unpack3A_1623 = tpu.unpack_subelements %add3A_1622, 0 {pack_format = #tpu.pack_format<interleaved>} : vector<32xbf16> -> vector<16xf32>
        %unpack3A_1624 = tpu.unpack_subelements %add3A_1622, 1 {pack_format = #tpu.pack_format<interleaved>} : vector<32xbf16> -> vector<16xf32>
        %add3A_1625 = arith.addf %add3A_1610, %unpack3A_1623 : vector<16xf32>
        %add3A_1626 = arith.addf %add3A_1611, %unpack3A_1624 : vector<16xf32>
        %add3A_1627 = arith.constant 192 : i32
        %add3A_1628 = arith.addi %add3A_1627, %scan3A_1135 : i32
        %get3A_1629 = arith.index_cast %add3A_1628 : i32 to index
        %get3A_1630 = arith.constant 96 : index
        %get3A_1631 = tpu.vector_load %arg16[%get3A_1629, %get3A_1630] {strides = array<i32>} : memref<256x128xbf16, #tpu.memory_space<vmem>>, vector<32xbf16>,
        %add3A_1632 = arith.constant 208 : i32
        %add3A_1633 = arith.addi %add3A_1632, %scan3A_1135 : i32
        %get3A_1634 = arith.index_cast %add3A_1633 : i32 to index
        %get3A_1635 = arith.constant 96 : index
        %get3A_1636 = tpu.vector_load %arg16[%get3A_1634, %get3A_1635] {strides = array<i32>} : memref<256x128xbf16, #tpu.memory_space<vmem>>, vector<32xbf16>,
        %add3A_1637 = arith.addf %get3A_1631, %get3A_1636 : vector<32xbf16>
        %unpack3A_1638 = tpu.unpack_subelements %add3A_1637, 0 {pack_format = #tpu.pack_format<interleaved>} : vector<32xbf16> -> vector<16xf32>
        %unpack3A_1639 = tpu.unpack_subelements %add3A_1637, 1 {pack_format = #tpu.pack_format<interleaved>} : vector<32xbf16> -> vector<16xf32>
        %add3A_1640 = arith.addf %add3A_1625, %unpack3A_1638 : vector<16xf32>
        %add3A_1641 = arith.addf %add3A_1626, %unpack3A_1639 : vector<16xf32>
        %add3A_1642 = arith.constant 224 : i32
        %add3A_1643 = arith.addi %add3A_1642, %scan3A_1135 : i32
        %get3A_1644 = arith.index_cast %add3A_1643 : i32 to index
        %get3A_1645 = arith.constant 96 : index
        %get3A_1646 = tpu.vector_load %arg16[%get3A_1644, %get3A_1645] {strides = array<i32>} : memref<256x128xbf16, #tpu.memory_space<vmem>>, vector<32xbf16>,
        %add3A_1647 = arith.constant 240 : i32
        %add3A_1648 = arith.addi %add3A_1647, %scan3A_1135 : i32
        %get3A_1649 = arith.index_cast %add3A_1648 : i32 to index
        %get3A_1650 = arith.constant 96 : index
        %get3A_1651 = tpu.vector_load %arg16[%get3A_1649, %get3A_1650] {strides = array<i32>} : memref<256x128xbf16, #tpu.memory_space<vmem>>, vector<32xbf16>,
        %add3A_1652 = arith.addf %get3A_1646, %get3A_1651 : vector<32xbf16>
        %unpack3A_1653 = tpu.unpack_subelements %add3A_1652, 0 {pack_format = #tpu.pack_format<interleaved>} : vector<32xbf16> -> vector<16xf32>
        %unpack3A_1654 = tpu.unpack_subelements %add3A_1652, 1 {pack_format = #tpu.pack_format<interleaved>} : vector<32xbf16> -> vector<16xf32>
        %add3A_1655 = arith.addf %add3A_1640, %unpack3A_1653 : vector<16xf32>
        %add3A_1656 = arith.addf %add3A_1641, %unpack3A_1654 : vector<16xf32>
        %swap3A_1657 = arith.index_cast %scan3A_1135 : i32 to index
        %swap3A_1658 = arith.constant 96 : index
        %swap3A_1659 = tpu.vector_load %arg14[%swap3A_1657, %swap3A_1658] {strides = array<i32>} : memref<16x128xf32, #tpu.memory_space<vmem>>, vector<16xf32>,
        tpu.vector_store %arg14[%swap3A_1657, %swap3A_1658], %add3A_1655 {strides = array<i32>} : memref<16x128xf32, #tpu.memory_space<vmem>>, vector<16xf32>,
        %swap3A_1660 = arith.index_cast %scan3A_1135 : i32 to index
        %swap3A_1661 = arith.constant 112 : index
        %swap3A_1662 = tpu.vector_load %arg14[%swap3A_1660, %swap3A_1661] {strides = array<i32>} : memref<16x128xf32, #tpu.memory_space<vmem>>, vector<16xf32>,
        tpu.vector_store %arg14[%swap3A_1660, %swap3A_1661], %add3A_1656 {strides = array<i32>} : memref<16x128xf32, #tpu.memory_space<vmem>>, vector<16xf32>,
      }
      %scan3A_842 = arith.constant 16 : i32
      %mul3A_843 = arith.constant 16 : i32
      %mul3A_844 = arith.muli %add3A_574, %mul3A_843 : i32
      %add3A_845 = arith.addi %mul3A_32, %mul3A_844 : i32
      "tpu.region"() ({
        %run_scoped3A = tpu.sem_alloc : memref<!tpu.dma_semaphore, #tpu.memory_space<semaphore_mem>>
        %dma_start3A_1135 = arith.constant 0 : i32
        %dma_start3A_1136 = tpu.memref_slice %arg6[%select_n3A, %add3A_845, %dma_start3A_1135] : memref<4x4096x128xf32, #tpu.memory_space<hbm>> -> memref<1x16x128xf32, #tpu.memory_space<hbm>>
        %dma_start3A_1137 = tpu.memref_squeeze %dma_start3A_1136 : memref<1x16x128xf32, #tpu.memory_space<hbm>> -> memref<16x128xf32, #tpu.memory_space<hbm>>
        %dma_start3A_1138 = arith.constant 0 : i32
        %dma_start3A_1139 = tpu.memref_slice %arg6[%select_n3A, %add3A_845, %dma_start3A_1138] : memref<4x4096x128xf32, #tpu.memory_space<hbm>> -> memref<1x16x128xf32, #tpu.memory_space<hbm>>
        %dma_start3A_1140 = tpu.memref_squeeze %dma_start3A_1139 : memref<1x16x128xf32, #tpu.memory_space<hbm>> -> memref<16x128xf32, #tpu.memory_space<hbm>>
        tpu.enqueue_dma source(%arg14 : memref<16x128xf32, #tpu.memory_space<vmem>>) target(%dma_start3A_1140 : memref<16x128xf32, #tpu.memory_space<hbm>>) target_semaphore(%run_scoped3A : memref<!tpu.dma_semaphore, #tpu.memory_space<semaphore_mem>>)
        %dma_wait3A_1141 = arith.constant 0 : i32
        %dma_wait3A_1142 = tpu.memref_slice %arg6[%select_n3A, %add3A_845, %dma_wait3A_1141] : memref<4x4096x128xf32, #tpu.memory_space<hbm>> -> memref<1x16x128xf32, #tpu.memory_space<hbm>>
        %dma_wait3A_1143 = tpu.memref_squeeze %dma_wait3A_1142 : memref<1x16x128xf32, #tpu.memory_space<hbm>> -> memref<16x128xf32, #tpu.memory_space<hbm>>
        %dma_wait3A_1144 = arith.constant 0 : i32
        %dma_wait3A_1145 = tpu.memref_slice %arg6[%select_n3A, %add3A_845, %dma_wait3A_1144] : memref<4x4096x128xf32, #tpu.memory_space<hbm>> -> memref<1x16x128xf32, #tpu.memory_space<hbm>>
        %dma_wait3A_1146 = tpu.memref_squeeze %dma_wait3A_1145 : memref<1x16x128xf32, #tpu.memory_space<hbm>> -> memref<16x128xf32, #tpu.memory_space<hbm>>
        tpu.wait_dma2 semaphore(%run_scoped3A : memref<!tpu.dma_semaphore, #tpu.memory_space<semaphore_mem>>) src(%arg14 : memref<16x128xf32, #tpu.memory_space<vmem>>) dst(%dma_wait3A_1146 : memref<16x128xf32, #tpu.memory_space<hbm>>)
        tpu.yield
      }) : () -> ()
      %add3A_846 = arith.constant 2 : i32
      %add3A_847 = arith.addi %add3A_574, %add3A_846 : i32
      %mul3A_848 = arith.constant 16 : i32
      %mul3A_849 = arith.muli %add3A_847, %mul3A_848 : i32
      %dma_start3A_850 = tpu.memref_slice %arg7[%mul3A_849] : memref<512xi32, #tpu.memory_space<vmem>> -> memref<16xi32, #tpu.memory_space<vmem>>
      %dma_start3A_851 = arith.constant 0 : i32
      %dma_start3A_852 = arith.constant 0 : i32
      %dma_start3A_853 = tpu.memref_slice %arg5[%dma_start3A_851, %dma_start3A_852] : memref<100000x128xf32, #tpu.memory_space<hbm>> -> memref<100000x128xf32, #tpu.memory_space<hbm>>
      tpu.enqueue_indirect_dma source(%dma_start3A_853 : memref<100000x128xf32, #tpu.memory_space<hbm>>) target(%arg14 : memref<16x128xf32, #tpu.memory_space<vmem>>) offsets(%dma_start3A_850 : memref<16xi32, #tpu.memory_space<vmem>>) semaphore(%arg22 : memref<!tpu.dma_semaphore, #tpu.memory_space<semaphore_mem>>)
      %add3A_854 = arith.constant 1 : i32
      %add3A_855 = arith.addi %mul3A_572, %add3A_854 : i32
      %add3A_856 = arith.constant 1 : i32
      %add3A_857 = arith.addi %add3A_855, %add3A_856 : i32
      %dma_wait3A_858 = arith.constant 0 : i32
      %dma_wait3A_859 = tpu.memref_slice %arg10[%dma_wait3A_858] : memref<256xi32, #tpu.memory_space<vmem>> -> memref<128xi32, #tpu.memory_space<vmem>>
      %dma_wait3A_860 = arith.constant 0 : i32
      %dma_wait3A_861 = tpu.memref_slice %arg8[%dma_wait3A_860] : memref<256xi32, #tpu.memory_space<vmem>> -> memref<128xi32, #tpu.memory_space<vmem>>
      %dma_wait3A_862 = arith.constant 0 : i32
      %dma_wait3A_863 = tpu.memref_slice %arg3[%dma_wait3A_862] : memref<1600000xi32, #tpu.memory_space<hbm>> -> memref<1600000xi32, #tpu.memory_space<hbm>>
      tpu.wait_indirect_dma semaphore(%arg18 : memref<!tpu.dma_semaphore, #tpu.memory_space<semaphore_mem>>) src(%dma_wait3A_863 : memref<1600000xi32, #tpu.memory_space<hbm>>) dst(%dma_wait3A_859 : memref<128xi32, #tpu.memory_space<vmem>>)
      %dma_wait3A_864 = arith.constant 128 : i32
      %dma_wait3A_865 = tpu.memref_slice %arg10[%dma_wait3A_864] : memref<256xi32, #tpu.memory_space<vmem>> -> memref<128xi32, #tpu.memory_space<vmem>>
      %dma_wait3A_866 = arith.constant 128 : i32
      %dma_wait3A_867 = tpu.memref_slice %arg8[%dma_wait3A_866] : memref<256xi32, #tpu.memory_space<vmem>> -> memref<128xi32, #tpu.memory_space<vmem>>
      %dma_wait3A_868 = arith.constant 0 : i32
      %dma_wait3A_869 = tpu.memref_slice %arg3[%dma_wait3A_868] : memref<1600000xi32, #tpu.memory_space<hbm>> -> memref<1600000xi32, #tpu.memory_space<hbm>>
      tpu.wait_indirect_dma semaphore(%arg18 : memref<!tpu.dma_semaphore, #tpu.memory_space<semaphore_mem>>) src(%dma_wait3A_869 : memref<1600000xi32, #tpu.memory_space<hbm>>) dst(%dma_wait3A_865 : memref<128xi32, #tpu.memory_space<vmem>>)
      %get3A_870 = arith.constant 0 : index
      %get3A_871 = tpu.vector_load %arg10[%get3A_870] {strides = array<i32>} : memref<256xi32, #tpu.memory_space<vmem>>, vector<16xi32>,
      %add3A_872 = arith.constant 0 : i32
      %add3A_873 = vector.broadcast %add3A_872 : i32 to vector<16xi32>
      %add3A_874 = arith.addi %get3A_871, %add3A_873 : vector<16xi32>
      %swap3A_875 = arith.constant 0 : index
      %swap3A_876 = tpu.vector_load %arg12[%swap3A_875] {strides = array<i32>} : memref<256xi32, #tpu.memory_space<vmem>>, vector<16xi32>,
      tpu.vector_store %arg12[%swap3A_875], %add3A_874 {strides = array<i32>} : memref<256xi32, #tpu.memory_space<vmem>>, vector<16xi32>,
      %get3A_877 = arith.constant 16 : index
      %get3A_878 = tpu.vector_load %arg10[%get3A_877] {strides = array<i32>} : memref<256xi32, #tpu.memory_space<vmem>>, vector<16xi32>,
      %add3A_879 = arith.constant 256 : i32
      %add3A_880 = vector.broadcast %add3A_879 : i32 to vector<16xi32>
      %add3A_881 = arith.addi %get3A_878, %add3A_880 : vector<16xi32>
      %swap3A_882 = arith.constant 16 : index
      %swap3A_883 = tpu.vector_load %arg12[%swap3A_882] {strides = array<i32>} : memref<256xi32, #tpu.memory_space<vmem>>, vector<16xi32>,
      tpu.vector_store %arg12[%swap3A_882], %add3A_881 {strides = array<i32>} : memref<256xi32, #tpu.memory_space<vmem>>, vector<16xi32>,
      %get3A_884 = arith.constant 32 : index
      %get3A_885 = tpu.vector_load %arg10[%get3A_884] {strides = array<i32>} : memref<256xi32, #tpu.memory_space<vmem>>, vector<16xi32>,
      %add3A_886 = arith.constant 512 : i32
      %add3A_887 = vector.broadcast %add3A_886 : i32 to vector<16xi32>
      %add3A_888 = arith.addi %get3A_885, %add3A_887 : vector<16xi32>
      %swap3A_889 = arith.constant 32 : index
      %swap3A_890 = tpu.vector_load %arg12[%swap3A_889] {strides = array<i32>} : memref<256xi32, #tpu.memory_space<vmem>>, vector<16xi32>,
      tpu.vector_store %arg12[%swap3A_889], %add3A_888 {strides = array<i32>} : memref<256xi32, #tpu.memory_space<vmem>>, vector<16xi32>,
      %get3A_891 = arith.constant 48 : index
      %get3A_892 = tpu.vector_load %arg10[%get3A_891] {strides = array<i32>} : memref<256xi32, #tpu.memory_space<vmem>>, vector<16xi32>,
      %add3A_893 = arith.constant 768 : i32
      %add3A_894 = vector.broadcast %add3A_893 : i32 to vector<16xi32>
      %add3A_895 = arith.addi %get3A_892, %add3A_894 : vector<16xi32>
      %swap3A_896 = arith.constant 48 : index
      %swap3A_897 = tpu.vector_load %arg12[%swap3A_896] {strides = array<i32>} : memref<256xi32, #tpu.memory_space<vmem>>, vector<16xi32>,
      tpu.vector_store %arg12[%swap3A_896], %add3A_895 {strides = array<i32>} : memref<256xi32, #tpu.memory_space<vmem>>, vector<16xi32>,
      %get3A_898 = arith.constant 64 : index
      %get3A_899 = tpu.vector_load %arg10[%get3A_898] {strides = array<i32>} : memref<256xi32, #tpu.memory_space<vmem>>, vector<16xi32>,
      %add3A_900 = arith.constant 1024 : i32
      %add3A_901 = vector.broadcast %add3A_900 : i32 to vector<16xi32>
      %add3A_902 = arith.addi %get3A_899, %add3A_901 : vector<16xi32>
      %swap3A_903 = arith.constant 64 : index
      %swap3A_904 = tpu.vector_load %arg12[%swap3A_903] {strides = array<i32>} : memref<256xi32, #tpu.memory_space<vmem>>, vector<16xi32>,
      tpu.vector_store %arg12[%swap3A_903], %add3A_902 {strides = array<i32>} : memref<256xi32, #tpu.memory_space<vmem>>, vector<16xi32>,
      %get3A_905 = arith.constant 80 : index
      %get3A_906 = tpu.vector_load %arg10[%get3A_905] {strides = array<i32>} : memref<256xi32, #tpu.memory_space<vmem>>, vector<16xi32>,
      %add3A_907 = arith.constant 1280 : i32
      %add3A_908 = vector.broadcast %add3A_907 : i32 to vector<16xi32>
      %add3A_909 = arith.addi %get3A_906, %add3A_908 : vector<16xi32>
      %swap3A_910 = arith.constant 80 : index
      %swap3A_911 = tpu.vector_load %arg12[%swap3A_910] {strides = array<i32>} : memref<256xi32, #tpu.memory_space<vmem>>, vector<16xi32>,
      tpu.vector_store %arg12[%swap3A_910], %add3A_909 {strides = array<i32>} : memref<256xi32, #tpu.memory_space<vmem>>, vector<16xi32>,
      %get3A_912 = arith.constant 96 : index
      %get3A_913 = tpu.vector_load %arg10[%get3A_912] {strides = array<i32>} : memref<256xi32, #tpu.memory_space<vmem>>, vector<16xi32>,
      %add3A_914 = arith.constant 1536 : i32
      %add3A_915 = vector.broadcast %add3A_914 : i32 to vector<16xi32>
      %add3A_916 = arith.addi %get3A_913, %add3A_915 : vector<16xi32>
      %swap3A_917 = arith.constant 96 : index
      %swap3A_918 = tpu.vector_load %arg12[%swap3A_917] {strides = array<i32>} : memref<256xi32, #tpu.memory_space<vmem>>, vector<16xi32>,
      tpu.vector_store %arg12[%swap3A_917], %add3A_916 {strides = array<i32>} : memref<256xi32, #tpu.memory_space<vmem>>, vector<16xi32>,
      %get3A_919 = arith.constant 112 : index
      %get3A_920 = tpu.vector_load %arg10[%get3A_919] {strides = array<i32>} : memref<256xi32, #tpu.memory_space<vmem>>, vector<16xi32>,
      %add3A_921 = arith.constant 1792 : i32
      %add3A_922 = vector.broadcast %add3A_921 : i32 to vector<16xi32>
      %add3A_923 = arith.addi %get3A_920, %add3A_922 : vector<16xi32>
      %swap3A_924 = arith.constant 112 : index
      %swap3A_925 = tpu.vector_load %arg12[%swap3A_924] {strides = array<i32>} : memref<256xi32, #tpu.memory_space<vmem>>, vector<16xi32>,
      tpu.vector_store %arg12[%swap3A_924], %add3A_923 {strides = array<i32>} : memref<256xi32, #tpu.memory_space<vmem>>, vector<16xi32>,
      %get3A_926 = arith.constant 128 : index
      %get3A_927 = tpu.vector_load %arg10[%get3A_926] {strides = array<i32>} : memref<256xi32, #tpu.memory_space<vmem>>, vector<16xi32>,
      %add3A_928 = arith.constant 2048 : i32
      %add3A_929 = vector.broadcast %add3A_928 : i32 to vector<16xi32>
      %add3A_930 = arith.addi %get3A_927, %add3A_929 : vector<16xi32>
      %swap3A_931 = arith.constant 128 : index
      %swap3A_932 = tpu.vector_load %arg12[%swap3A_931] {strides = array<i32>} : memref<256xi32, #tpu.memory_space<vmem>>, vector<16xi32>,
      tpu.vector_store %arg12[%swap3A_931], %add3A_930 {strides = array<i32>} : memref<256xi32, #tpu.memory_space<vmem>>, vector<16xi32>,
      %get3A_933 = arith.constant 144 : index
      %get3A_934 = tpu.vector_load %arg10[%get3A_933] {strides = array<i32>} : memref<256xi32, #tpu.memory_space<vmem>>, vector<16xi32>,
      %add3A_935 = arith.constant 2304 : i32
      %add3A_936 = vector.broadcast %add3A_935 : i32 to vector<16xi32>
      %add3A_937 = arith.addi %get3A_934, %add3A_936 : vector<16xi32>
      %swap3A_938 = arith.constant 144 : index
      %swap3A_939 = tpu.vector_load %arg12[%swap3A_938] {strides = array<i32>} : memref<256xi32, #tpu.memory_space<vmem>>, vector<16xi32>,
      tpu.vector_store %arg12[%swap3A_938], %add3A_937 {strides = array<i32>} : memref<256xi32, #tpu.memory_space<vmem>>, vector<16xi32>,
      %get3A_940 = arith.constant 160 : index
      %get3A_941 = tpu.vector_load %arg10[%get3A_940] {strides = array<i32>} : memref<256xi32, #tpu.memory_space<vmem>>, vector<16xi32>,
      %add3A_942 = arith.constant 2560 : i32
      %add3A_943 = vector.broadcast %add3A_942 : i32 to vector<16xi32>
      %add3A_944 = arith.addi %get3A_941, %add3A_943 : vector<16xi32>
      %swap3A_945 = arith.constant 160 : index
      %swap3A_946 = tpu.vector_load %arg12[%swap3A_945] {strides = array<i32>} : memref<256xi32, #tpu.memory_space<vmem>>, vector<16xi32>,
      tpu.vector_store %arg12[%swap3A_945], %add3A_944 {strides = array<i32>} : memref<256xi32, #tpu.memory_space<vmem>>, vector<16xi32>,
      %get3A_947 = arith.constant 176 : index
      %get3A_948 = tpu.vector_load %arg10[%get3A_947] {strides = array<i32>} : memref<256xi32, #tpu.memory_space<vmem>>, vector<16xi32>,
      %add3A_949 = arith.constant 2816 : i32
      %add3A_950 = vector.broadcast %add3A_949 : i32 to vector<16xi32>
      %add3A_951 = arith.addi %get3A_948, %add3A_950 : vector<16xi32>
      %swap3A_952 = arith.constant 176 : index
      %swap3A_953 = tpu.vector_load %arg12[%swap3A_952] {strides = array<i32>} : memref<256xi32, #tpu.memory_space<vmem>>, vector<16xi32>,
      tpu.vector_store %arg12[%swap3A_952], %add3A_951 {strides = array<i32>} : memref<256xi32, #tpu.memory_space<vmem>>, vector<16xi32>,
      %get3A_954 = arith.constant 192 : index
      %get3A_955 = tpu.vector_load %arg10[%get3A_954] {strides = array<i32>} : memref<256xi32, #tpu.memory_space<vmem>>, vector<16xi32>,
      %add3A_956 = arith.constant 3072 : i32
      %add3A_957 = vector.broadcast %add3A_956 : i32 to vector<16xi32>
      %add3A_958 = arith.addi %get3A_955, %add3A_957 : vector<16xi32>
      %swap3A_959 = arith.constant 192 : index
      %swap3A_960 = tpu.vector_load %arg12[%swap3A_959] {strides = array<i32>} : memref<256xi32, #tpu.memory_space<vmem>>, vector<16xi32>,
      tpu.vector_store %arg12[%swap3A_959], %add3A_958 {strides = array<i32>} : memref<256xi32, #tpu.memory_space<vmem>>, vector<16xi32>,
      %get3A_961 = arith.constant 208 : index
      %get3A_962 = tpu.vector_load %arg10[%get3A_961] {strides = array<i32>} : memref<256xi32, #tpu.memory_space<vmem>>, vector<16xi32>,
      %add3A_963 = arith.constant 3328 : i32
      %add3A_964 = vector.broadcast %add3A_963 : i32 to vector<16xi32>
      %add3A_965 = arith.addi %get3A_962, %add3A_964 : vector<16xi32>
      %swap3A_966 = arith.constant 208 : index
      %swap3A_967 = tpu.vector_load %arg12[%swap3A_966] {strides = array<i32>} : memref<256xi32, #tpu.memory_space<vmem>>, vector<16xi32>,
      tpu.vector_store %arg12[%swap3A_966], %add3A_965 {strides = array<i32>} : memref<256xi32, #tpu.memory_space<vmem>>, vector<16xi32>,
      %get3A_968 = arith.constant 224 : index
      %get3A_969 = tpu.vector_load %arg10[%get3A_968] {strides = array<i32>} : memref<256xi32, #tpu.memory_space<vmem>>, vector<16xi32>,
      %add3A_970 = arith.constant 3584 : i32
      %add3A_971 = vector.broadcast %add3A_970 : i32 to vector<16xi32>
      %add3A_972 = arith.addi %get3A_969, %add3A_971 : vector<16xi32>
      %swap3A_973 = arith.constant 224 : index
      %swap3A_974 = tpu.vector_load %arg12[%swap3A_973] {strides = array<i32>} : memref<256xi32, #tpu.memory_space<vmem>>, vector<16xi32>,
      tpu.vector_store %arg12[%swap3A_973], %add3A_972 {strides = array<i32>} : memref<256xi32, #tpu.memory_space<vmem>>, vector<16xi32>,
      %get3A_975 = arith.constant 240 : index
      %get3A_976 = tpu.vector_load %arg10[%get3A_975] {strides = array<i32>} : memref<256xi32, #tpu.memory_space<vmem>>, vector<16xi32>,
      %add3A_977 = arith.constant 3840 : i32
      %add3A_978 = vector.broadcast %add3A_977 : i32 to vector<16xi32>
      %add3A_979 = arith.addi %get3A_976, %add3A_978 : vector<16xi32>
      %swap3A_980 = arith.constant 240 : index
      %swap3A_981 = tpu.vector_load %arg12[%swap3A_980] {strides = array<i32>} : memref<256xi32, #tpu.memory_space<vmem>>, vector<16xi32>,
      tpu.vector_store %arg12[%swap3A_980], %add3A_979 {strides = array<i32>} : memref<256xi32, #tpu.memory_space<vmem>>, vector<16xi32>,
      %dma_start3A_982 = arith.constant 0 : i32
      %dma_start3A_983 = arith.constant 0 : i32
      %dma_start3A_984 = tpu.memref_slice %arg16[%dma_start3A_982, %dma_start3A_983] : memref<256x128xbf16, #tpu.memory_space<vmem>> -> memref<128x128xbf16, #tpu.memory_space<vmem>>
      %dma_start3A_985 = arith.constant 0 : i32
      %dma_start3A_986 = tpu.memref_slice %arg12[%dma_start3A_985] : memref<256xi32, #tpu.memory_space<vmem>> -> memref<128xi32, #tpu.memory_space<vmem>>
      %dma_start3A_987 = arith.constant 0 : i32
      %dma_start3A_988 = arith.constant 0 : i32
      %dma_start3A_989 = tpu.memref_slice %arg4[%dma_start3A_987, %dma_start3A_988] : memref<4096x128xbf16, #tpu.memory_space<hbm>> -> memref<4096x128xbf16, #tpu.memory_space<hbm>>
      tpu.enqueue_indirect_dma source(%dma_start3A_989 : memref<4096x128xbf16, #tpu.memory_space<hbm>>) target(%dma_start3A_984 : memref<128x128xbf16, #tpu.memory_space<vmem>>) offsets(%dma_start3A_986 : memref<128xi32, #tpu.memory_space<vmem>>) semaphore(%arg20 : memref<!tpu.dma_semaphore, #tpu.memory_space<semaphore_mem>>)
      %dma_start3A_990 = arith.constant 128 : i32
      %dma_start3A_991 = arith.constant 0 : i32
      %dma_start3A_992 = tpu.memref_slice %arg16[%dma_start3A_990, %dma_start3A_991] : memref<256x128xbf16, #tpu.memory_space<vmem>> -> memref<128x128xbf16, #tpu.memory_space<vmem>>
      %dma_start3A_993 = arith.constant 128 : i32
      %dma_start3A_994 = tpu.memref_slice %arg12[%dma_start3A_993] : memref<256xi32, #tpu.memory_space<vmem>> -> memref<128xi32, #tpu.memory_space<vmem>>
      %dma_start3A_995 = arith.constant 0 : i32
      %dma_start3A_996 = arith.constant 0 : i32
      %dma_start3A_997 = tpu.memref_slice %arg4[%dma_start3A_995, %dma_start3A_996] : memref<4096x128xbf16, #tpu.memory_space<hbm>> -> memref<4096x128xbf16, #tpu.memory_space<hbm>>
      tpu.enqueue_indirect_dma source(%dma_start3A_997 : memref<4096x128xbf16, #tpu.memory_space<hbm>>) target(%dma_start3A_992 : memref<128x128xbf16, #tpu.memory_space<vmem>>) offsets(%dma_start3A_994 : memref<128xi32, #tpu.memory_space<vmem>>) semaphore(%arg20 : memref<!tpu.dma_semaphore, #tpu.memory_space<semaphore_mem>>)
      %add3A_998 = arith.constant 2 : i32
      %add3A_999 = arith.addi %add3A_855, %add3A_998 : i32
      %mul3A_1000 = arith.constant 16 : i32
      %mul3A_1001 = arith.muli %add3A_999, %mul3A_1000 : i32
      %get3A_1002 = arith.index_cast %mul3A_1001 : i32 to index
      %get3A_1003 = tpu.vector_load %arg7[%get3A_1002] {strides = array<i32>} : memref<512xi32, #tpu.memory_space<vmem>>, vector<16xi32>,
      %add3A_1004 = arith.constant 0 : i32
      %add3A_1005 = vector.broadcast %add3A_1004 : i32 to vector<16xi32>
      %add3A_1006 = arith.addi %get3A_1003, %add3A_1005 : vector<16xi32>
      %swap3A_1007 = arith.constant 0 : index
      %swap3A_1008 = tpu.vector_load %arg9[%swap3A_1007] {strides = array<i32>} : memref<256xi32, #tpu.memory_space<vmem>>, vector<16xi32>,
      tpu.vector_store %arg9[%swap3A_1007], %add3A_1006 {strides = array<i32>} : memref<256xi32, #tpu.memory_space<vmem>>, vector<16xi32>,
      %add3A_1009 = arith.constant 100000 : i32
      %add3A_1010 = vector.broadcast %add3A_1009 : i32 to vector<16xi32>
      %add3A_1011 = arith.addi %get3A_1003, %add3A_1010 : vector<16xi32>
      %swap3A_1012 = arith.constant 16 : index
      %swap3A_1013 = tpu.vector_load %arg9[%swap3A_1012] {strides = array<i32>} : memref<256xi32, #tpu.memory_space<vmem>>, vector<16xi32>,
      tpu.vector_store %arg9[%swap3A_1012], %add3A_1011 {strides = array<i32>} : memref<256xi32, #tpu.memory_space<vmem>>, vector<16xi32>,
      %add3A_1014 = arith.constant 200000 : i32
      %add3A_1015 = vector.broadcast %add3A_1014 : i32 to vector<16xi32>
      %add3A_1016 = arith.addi %get3A_1003, %add3A_1015 : vector<16xi32>
      %swap3A_1017 = arith.constant 32 : index
      %swap3A_1018 = tpu.vector_load %arg9[%swap3A_1017] {strides = array<i32>} : memref<256xi32, #tpu.memory_space<vmem>>, vector<16xi32>,
      tpu.vector_store %arg9[%swap3A_1017], %add3A_1016 {strides = array<i32>} : memref<256xi32, #tpu.memory_space<vmem>>, vector<16xi32>,
      %add3A_1019 = arith.constant 300000 : i32
      %add3A_1020 = vector.broadcast %add3A_1019 : i32 to vector<16xi32>
      %add3A_1021 = arith.addi %get3A_1003, %add3A_1020 : vector<16xi32>
      %swap3A_1022 = arith.constant 48 : index
      %swap3A_1023 = tpu.vector_load %arg9[%swap3A_1022] {strides = array<i32>} : memref<256xi32, #tpu.memory_space<vmem>>, vector<16xi32>,
      tpu.vector_store %arg9[%swap3A_1022], %add3A_1021 {strides = array<i32>} : memref<256xi32, #tpu.memory_space<vmem>>, vector<16xi32>,
      %add3A_1024 = arith.constant 400000 : i32
      %add3A_1025 = vector.broadcast %add3A_1024 : i32 to vector<16xi32>
      %add3A_1026 = arith.addi %get3A_1003, %add3A_1025 : vector<16xi32>
      %swap3A_1027 = arith.constant 64 : index
      %swap3A_1028 = tpu.vector_load %arg9[%swap3A_1027] {strides = array<i32>} : memref<256xi32, #tpu.memory_space<vmem>>, vector<16xi32>,
      tpu.vector_store %arg9[%swap3A_1027], %add3A_1026 {strides = array<i32>} : memref<256xi32, #tpu.memory_space<vmem>>, vector<16xi32>,
      %add3A_1029 = arith.constant 500000 : i32
      %add3A_1030 = vector.broadcast %add3A_1029 : i32 to vector<16xi32>
      %add3A_1031 = arith.addi %get3A_1003, %add3A_1030 : vector<16xi32>
      %swap3A_1032 = arith.constant 80 : index
      %swap3A_1033 = tpu.vector_load %arg9[%swap3A_1032] {strides = array<i32>} : memref<256xi32, #tpu.memory_space<vmem>>, vector<16xi32>,
      tpu.vector_store %arg9[%swap3A_1032], %add3A_1031 {strides = array<i32>} : memref<256xi32, #tpu.memory_space<vmem>>, vector<16xi32>,
      %add3A_1034 = arith.constant 600000 : i32
      %add3A_1035 = vector.broadcast %add3A_1034 : i32 to vector<16xi32>
      %add3A_1036 = arith.addi %get3A_1003, %add3A_1035 : vector<16xi32>
      %swap3A_1037 = arith.constant 96 : index
      %swap3A_1038 = tpu.vector_load %arg9[%swap3A_1037] {strides = array<i32>} : memref<256xi32, #tpu.memory_space<vmem>>, vector<16xi32>,
      tpu.vector_store %arg9[%swap3A_1037], %add3A_1036 {strides = array<i32>} : memref<256xi32, #tpu.memory_space<vmem>>, vector<16xi32>,
      %add3A_1039 = arith.constant 700000 : i32
      %add3A_1040 = vector.broadcast %add3A_1039 : i32 to vector<16xi32>
      %add3A_1041 = arith.addi %get3A_1003, %add3A_1040 : vector<16xi32>
      %swap3A_1042 = arith.constant 112 : index
      %swap3A_1043 = tpu.vector_load %arg9[%swap3A_1042] {strides = array<i32>} : memref<256xi32, #tpu.memory_space<vmem>>, vector<16xi32>,
      tpu.vector_store %arg9[%swap3A_1042], %add3A_1041 {strides = array<i32>} : memref<256xi32, #tpu.memory_space<vmem>>, vector<16xi32>,
      %add3A_1044 = arith.constant 800000 : i32
      %add3A_1045 = vector.broadcast %add3A_1044 : i32 to vector<16xi32>
      %add3A_1046 = arith.addi %get3A_1003, %add3A_1045 : vector<16xi32>
      %swap3A_1047 = arith.constant 128 : index
      %swap3A_1048 = tpu.vector_load %arg9[%swap3A_1047] {strides = array<i32>} : memref<256xi32, #tpu.memory_space<vmem>>, vector<16xi32>,
      tpu.vector_store %arg9[%swap3A_1047], %add3A_1046 {strides = array<i32>} : memref<256xi32, #tpu.memory_space<vmem>>, vector<16xi32>,
      %add3A_1049 = arith.constant 900000 : i32
      %add3A_1050 = vector.broadcast %add3A_1049 : i32 to vector<16xi32>
      %add3A_1051 = arith.addi %get3A_1003, %add3A_1050 : vector<16xi32>
      %swap3A_1052 = arith.constant 144 : index
      %swap3A_1053 = tpu.vector_load %arg9[%swap3A_1052] {strides = array<i32>} : memref<256xi32, #tpu.memory_space<vmem>>, vector<16xi32>,
      tpu.vector_store %arg9[%swap3A_1052], %add3A_1051 {strides = array<i32>} : memref<256xi32, #tpu.memory_space<vmem>>, vector<16xi32>,
      %add3A_1054 = arith.constant 1000000 : i32
      %add3A_1055 = vector.broadcast %add3A_1054 : i32 to vector<16xi32>
      %add3A_1056 = arith.addi %get3A_1003, %add3A_1055 : vector<16xi32>
      %swap3A_1057 = arith.constant 160 : index
      %swap3A_1058 = tpu.vector_load %arg9[%swap3A_1057] {strides = array<i32>} : memref<256xi32, #tpu.memory_space<vmem>>, vector<16xi32>,
      tpu.vector_store %arg9[%swap3A_1057], %add3A_1056 {strides = array<i32>} : memref<256xi32, #tpu.memory_space<vmem>>, vector<16xi32>,
      %add3A_1059 = arith.constant 1100000 : i32
      %add3A_1060 = vector.broadcast %add3A_1059 : i32 to vector<16xi32>
      %add3A_1061 = arith.addi %get3A_1003, %add3A_1060 : vector<16xi32>
      %swap3A_1062 = arith.constant 176 : index
      %swap3A_1063 = tpu.vector_load %arg9[%swap3A_1062] {strides = array<i32>} : memref<256xi32, #tpu.memory_space<vmem>>, vector<16xi32>,
      tpu.vector_store %arg9[%swap3A_1062], %add3A_1061 {strides = array<i32>} : memref<256xi32, #tpu.memory_space<vmem>>, vector<16xi32>,
      %add3A_1064 = arith.constant 1200000 : i32
      %add3A_1065 = vector.broadcast %add3A_1064 : i32 to vector<16xi32>
      %add3A_1066 = arith.addi %get3A_1003, %add3A_1065 : vector<16xi32>
      %swap3A_1067 = arith.constant 192 : index
      %swap3A_1068 = tpu.vector_load %arg9[%swap3A_1067] {strides = array<i32>} : memref<256xi32, #tpu.memory_space<vmem>>, vector<16xi32>,
      tpu.vector_store %arg9[%swap3A_1067], %add3A_1066 {strides = array<i32>} : memref<256xi32, #tpu.memory_space<vmem>>, vector<16xi32>,
      %add3A_1069 = arith.constant 1300000 : i32
      %add3A_1070 = vector.broadcast %add3A_1069 : i32 to vector<16xi32>
      %add3A_1071 = arith.addi %get3A_1003, %add3A_1070 : vector<16xi32>
      %swap3A_1072 = arith.constant 208 : index
      %swap3A_1073 = tpu.vector_load %arg9[%swap3A_1072] {strides = array<i32>} : memref<256xi32, #tpu.memory_space<vmem>>, vector<16xi32>,
      tpu.vector_store %arg9[%swap3A_1072], %add3A_1071 {strides = array<i32>} : memref<256xi32, #tpu.memory_space<vmem>>, vector<16xi32>,
      %add3A_1074 = arith.constant 1400000 : i32
      %add3A_1075 = vector.broadcast %add3A_1074 : i32 to vector<16xi32>
      %add3A_1076 = arith.addi %get3A_1003, %add3A_1075 : vector<16xi32>
      %swap3A_1077 = arith.constant 224 : index
      %swap3A_1078 = tpu.vector_load %arg9[%swap3A_1077] {strides = array<i32>} : memref<256xi32, #tpu.memory_space<vmem>>, vector<16xi32>,
      tpu.vector_store %arg9[%swap3A_1077], %add3A_1076 {strides = array<i32>} : memref<256xi32, #tpu.memory_space<vmem>>, vector<16xi32>,
      %add3A_1079 = arith.constant 1500000 : i32
      %add3A_1080 = vector.broadcast %add3A_1079 : i32 to vector<16xi32>
      %add3A_1081 = arith.addi %get3A_1003, %add3A_1080 : vector<16xi32>
      %swap3A_1082 = arith.constant 240 : index
      %swap3A_1083 = tpu.vector_load %arg9[%swap3A_1082] {strides = array<i32>} : memref<256xi32, #tpu.memory_space<vmem>>, vector<16xi32>,
      tpu.vector_store %arg9[%swap3A_1082], %add3A_1081 {strides = array<i32>} : memref<256xi32, #tpu.memory_space<vmem>>, vector<16xi32>,
      %dma_start3A_1084 = arith.constant 0 : i32
      %dma_start3A_1085 = tpu.memref_slice %arg11[%dma_start3A_1084] : memref<256xi32, #tpu.memory_space<vmem>> -> memref<128xi32, #tpu.memory_space<vmem>>
      %dma_start3A_1086 = arith.constant 0 : i32
      %dma_start3A_1087 = tpu.memref_slice %arg9[%dma_start3A_1086] : memref<256xi32, #tpu.memory_space<vmem>> -> memref<128xi32, #tpu.memory_space<vmem>>
      %dma_start3A_1088 = arith.constant 0 : i32
      %dma_start3A_1089 = tpu.memref_slice %arg3[%dma_start3A_1088] : memref<1600000xi32, #tpu.memory_space<hbm>> -> memref<1600000xi32, #tpu.memory_space<hbm>>
      tpu.enqueue_indirect_dma source(%dma_start3A_1089 : memref<1600000xi32, #tpu.memory_space<hbm>>) target(%dma_start3A_1085 : memref<128xi32, #tpu.memory_space<vmem>>) offsets(%dma_start3A_1087 : memref<128xi32, #tpu.memory_space<vmem>>) semaphore(%arg19 : memref<!tpu.dma_semaphore, #tpu.memory_space<semaphore_mem>>)
      %dma_start3A_1090 = arith.constant 128 : i32
      %dma_start3A_1091 = tpu.memref_slice %arg11[%dma_start3A_1090] : memref<256xi32, #tpu.memory_space<vmem>> -> memref<128xi32, #tpu.memory_space<vmem>>
      %dma_start3A_1092 = arith.constant 128 : i32
      %dma_start3A_1093 = tpu.memref_slice %arg9[%dma_start3A_1092] : memref<256xi32, #tpu.memory_space<vmem>> -> memref<128xi32, #tpu.memory_space<vmem>>
      %dma_start3A_1094 = arith.constant 0 : i32
      %dma_start3A_1095 = tpu.memref_slice %arg3[%dma_start3A_1094] : memref<1600000xi32, #tpu.memory_space<hbm>> -> memref<1600000xi32, #tpu.memory_space<hbm>>
      tpu.enqueue_indirect_dma source(%dma_start3A_1095 : memref<1600000xi32, #tpu.memory_space<hbm>>) target(%dma_start3A_1091 : memref<128xi32, #tpu.memory_space<vmem>>) offsets(%dma_start3A_1093 : memref<128xi32, #tpu.memory_space<vmem>>) semaphore(%arg19 : memref<!tpu.dma_semaphore, #tpu.memory_space<semaphore_mem>>)
      %dma_wait3A_1096 = arith.constant 0 : i32
      %dma_wait3A_1097 = arith.constant 0 : i32
      %dma_wait3A_1098 = tpu.memref_slice %arg17[%dma_wait3A_1096, %dma_wait3A_1097] : memref<256x128xbf16, #tpu.memory_space<vmem>> -> memref<128x128xbf16, #tpu.memory_space<vmem>>
      %dma_wait3A_1099 = arith.constant 0 : i32
      %dma_wait3A_1100 = tpu.memref_slice %arg13[%dma_wait3A_1099] : memref<256xi32, #tpu.memory_space<vmem>> -> memref<128xi32, #tpu.memory_space<vmem>>
      %dma_wait3A_1101 = arith.constant 0 : i32
      %dma_wait3A_1102 = arith.constant 0 : i32
      %dma_wait3A_1103 = tpu.memref_slice %arg4[%dma_wait3A_1101, %dma_wait3A_1102] : memref<4096x128xbf16, #tpu.memory_space<hbm>> -> memref<4096x128xbf16, #tpu.memory_space<hbm>>
      tpu.wait_indirect_dma semaphore(%arg21 : memref<!tpu.dma_semaphore, #tpu.memory_space<semaphore_mem>>) src(%dma_wait3A_1103 : memref<4096x128xbf16, #tpu.memory_space<hbm>>) dst(%dma_wait3A_1098 : memref<128x128xbf16, #tpu.memory_space<vmem>>)
      %dma_wait3A_1104 = arith.constant 128 : i32
      %dma_wait3A_1105 = arith.constant 0 : i32
      %dma_wait3A_1106 = tpu.memref_slice %arg17[%dma_wait3A_1104, %dma_wait3A_1105] : memref<256x128xbf16, #tpu.memory_space<vmem>> -> memref<128x128xbf16, #tpu.memory_space<vmem>>
      %dma_wait3A_1107 = arith.constant 128 : i32
      %dma_wait3A_1108 = tpu.memref_slice %arg13[%dma_wait3A_1107] : memref<256xi32, #tpu.memory_space<vmem>> -> memref<128xi32, #tpu.memory_space<vmem>>
      %dma_wait3A_1109 = arith.constant 0 : i32
      %dma_wait3A_1110 = arith.constant 0 : i32
      %dma_wait3A_1111 = tpu.memref_slice %arg4[%dma_wait3A_1109, %dma_wait3A_1110] : memref<4096x128xbf16, #tpu.memory_space<hbm>> -> memref<4096x128xbf16, #tpu.memory_space<hbm>>
      tpu.wait_indirect_dma semaphore(%arg21 : memref<!tpu.dma_semaphore, #tpu.memory_space<semaphore_mem>>) src(%dma_wait3A_1111 : memref<4096x128xbf16, #tpu.memory_space<hbm>>) dst(%dma_wait3A_1106 : memref<128x128xbf16, #tpu.memory_space<vmem>>)
      %mul3A_1112 = arith.constant 16 : i32
      %mul3A_1113 = arith.muli %add3A_855, %mul3A_1112 : i32
      %dma_wait3A_1114 = tpu.memref_slice %arg7[%mul3A_1113] : memref<512xi32, #tpu.memory_space<vmem>> -> memref<16xi32, #tpu.memory_space<vmem>>
      %dma_wait3A_1115 = arith.constant 0 : i32
      %dma_wait3A_1116 = arith.constant 0 : i32
      %dma_wait3A_1117 = tpu.memref_slice %arg5[%dma_wait3A_1115, %dma_wait3A_1116] : memref<100000x128xf32, #tpu.memory_space<hbm>> -> memref<100000x128xf32, #tpu.memory_space<hbm>>
      tpu.wait_indirect_dma semaphore(%arg23 : memref<!tpu.dma_semaphore, #tpu.memory_space<semaphore_mem>>) src(%dma_wait3A_1117 : memref<100000x128xf32, #tpu.memory_space<hbm>>) dst(%arg15 : memref<16x128xf32, #tpu.memory_space<vmem>>)
      %scan3A_1118 = arith.constant 0 : i32
      %scan3A_1119 = arith.constant 0 : i32
      %scan3A_1120 = arith.constant 16 : i32
      %scan3A_1121 = arith.addi %scan3A_1119, %scan3A_1120 : i32
      %scan3A_1122 = arith.constant 1 : i32
      scf.for %scan3A_1135 = %scan3A_1119 to %scan3A_1121 step %scan3A_1122  : i32 {
        %get3A_1136 = arith.index_cast %scan3A_1135 : i32 to index
        %get3A_1137 = arith.constant 0 : index
        %get3A_1138 = tpu.vector_load %arg15[%get3A_1136, %get3A_1137] {strides = array<i32>} : memref<16x128xf32, #tpu.memory_space<vmem>>, vector<16xf32>,
        %get3A_1139 = arith.index_cast %scan3A_1135 : i32 to index
        %get3A_1140 = arith.constant 16 : index
        %get3A_1141 = tpu.vector_load %arg15[%get3A_1139, %get3A_1140] {strides = array<i32>} : memref<16x128xf32, #tpu.memory_space<vmem>>, vector<16xf32>,
        %add3A_1142 = arith.constant 0 : i32
        %add3A_1143 = arith.addi %add3A_1142, %scan3A_1135 : i32
        %get3A_1144 = arith.index_cast %add3A_1143 : i32 to index
        %get3A_1145 = arith.constant 0 : index
        %get3A_1146 = tpu.vector_load %arg17[%get3A_1144, %get3A_1145] {strides = array<i32>} : memref<256x128xbf16, #tpu.memory_space<vmem>>, vector<32xbf16>,
        %add3A_1147 = arith.constant 16 : i32
        %add3A_1148 = arith.addi %add3A_1147, %scan3A_1135 : i32
        %get3A_1149 = arith.index_cast %add3A_1148 : i32 to index
        %get3A_1150 = arith.constant 0 : index
        %get3A_1151 = tpu.vector_load %arg17[%get3A_1149, %get3A_1150] {strides = array<i32>} : memref<256x128xbf16, #tpu.memory_space<vmem>>, vector<32xbf16>,
        %add3A_1152 = arith.addf %get3A_1146, %get3A_1151 : vector<32xbf16>
        %unpack3A = tpu.unpack_subelements %add3A_1152, 0 {pack_format = #tpu.pack_format<interleaved>} : vector<32xbf16> -> vector<16xf32>
        %unpack3A_1153 = tpu.unpack_subelements %add3A_1152, 1 {pack_format = #tpu.pack_format<interleaved>} : vector<32xbf16> -> vector<16xf32>
        %add3A_1154 = arith.addf %get3A_1138, %unpack3A : vector<16xf32>
        %add3A_1155 = arith.addf %get3A_1141, %unpack3A_1153 : vector<16xf32>
        %add3A_1156 = arith.constant 32 : i32
        %add3A_1157 = arith.addi %add3A_1156, %scan3A_1135 : i32
        %get3A_1158 = arith.index_cast %add3A_1157 : i32 to index
        %get3A_1159 = arith.constant 0 : index
        %get3A_1160 = tpu.vector_load %arg17[%get3A_1158, %get3A_1159] {strides = array<i32>} : memref<256x128xbf16, #tpu.memory_space<vmem>>, vector<32xbf16>,
        %add3A_1161 = arith.constant 48 : i32
        %add3A_1162 = arith.addi %add3A_1161, %scan3A_1135 : i32
        %get3A_1163 = arith.index_cast %add3A_1162 : i32 to index
        %get3A_1164 = arith.constant 0 : index
        %get3A_1165 = tpu.vector_load %arg17[%get3A_1163, %get3A_1164] {strides = array<i32>} : memref<256x128xbf16, #tpu.memory_space<vmem>>, vector<32xbf16>,
        %add3A_1166 = arith.addf %get3A_1160, %get3A_1165 : vector<32xbf16>
        %unpack3A_1167 = tpu.unpack_subelements %add3A_1166, 0 {pack_format = #tpu.pack_format<interleaved>} : vector<32xbf16> -> vector<16xf32>
        %unpack3A_1168 = tpu.unpack_subelements %add3A_1166, 1 {pack_format = #tpu.pack_format<interleaved>} : vector<32xbf16> -> vector<16xf32>
        %add3A_1169 = arith.addf %add3A_1154, %unpack3A_1167 : vector<16xf32>
        %add3A_1170 = arith.addf %add3A_1155, %unpack3A_1168 : vector<16xf32>
        %add3A_1171 = arith.constant 64 : i32
        %add3A_1172 = arith.addi %add3A_1171, %scan3A_1135 : i32
        %get3A_1173 = arith.index_cast %add3A_1172 : i32 to index
        %get3A_1174 = arith.constant 0 : index
        %get3A_1175 = tpu.vector_load %arg17[%get3A_1173, %get3A_1174] {strides = array<i32>} : memref<256x128xbf16, #tpu.memory_space<vmem>>, vector<32xbf16>,
        %add3A_1176 = arith.constant 80 : i32
        %add3A_1177 = arith.addi %add3A_1176, %scan3A_1135 : i32
        %get3A_1178 = arith.index_cast %add3A_1177 : i32 to index
        %get3A_1179 = arith.constant 0 : index
        %get3A_1180 = tpu.vector_load %arg17[%get3A_1178, %get3A_1179] {strides = array<i32>} : memref<256x128xbf16, #tpu.memory_space<vmem>>, vector<32xbf16>,
        %add3A_1181 = arith.addf %get3A_1175, %get3A_1180 : vector<32xbf16>
        %unpack3A_1182 = tpu.unpack_subelements %add3A_1181, 0 {pack_format = #tpu.pack_format<interleaved>} : vector<32xbf16> -> vector<16xf32>
        %unpack3A_1183 = tpu.unpack_subelements %add3A_1181, 1 {pack_format = #tpu.pack_format<interleaved>} : vector<32xbf16> -> vector<16xf32>
        %add3A_1184 = arith.addf %add3A_1169, %unpack3A_1182 : vector<16xf32>
        %add3A_1185 = arith.addf %add3A_1170, %unpack3A_1183 : vector<16xf32>
        %add3A_1186 = arith.constant 96 : i32
        %add3A_1187 = arith.addi %add3A_1186, %scan3A_1135 : i32
        %get3A_1188 = arith.index_cast %add3A_1187 : i32 to index
        %get3A_1189 = arith.constant 0 : index
        %get3A_1190 = tpu.vector_load %arg17[%get3A_1188, %get3A_1189] {strides = array<i32>} : memref<256x128xbf16, #tpu.memory_space<vmem>>, vector<32xbf16>,
        %add3A_1191 = arith.constant 112 : i32
        %add3A_1192 = arith.addi %add3A_1191, %scan3A_1135 : i32
        %get3A_1193 = arith.index_cast %add3A_1192 : i32 to index
        %get3A_1194 = arith.constant 0 : index
        %get3A_1195 = tpu.vector_load %arg17[%get3A_1193, %get3A_1194] {strides = array<i32>} : memref<256x128xbf16, #tpu.memory_space<vmem>>, vector<32xbf16>,
        %add3A_1196 = arith.addf %get3A_1190, %get3A_1195 : vector<32xbf16>
        %unpack3A_1197 = tpu.unpack_subelements %add3A_1196, 0 {pack_format = #tpu.pack_format<interleaved>} : vector<32xbf16> -> vector<16xf32>
        %unpack3A_1198 = tpu.unpack_subelements %add3A_1196, 1 {pack_format = #tpu.pack_format<interleaved>} : vector<32xbf16> -> vector<16xf32>
        %add3A_1199 = arith.addf %add3A_1184, %unpack3A_1197 : vector<16xf32>
        %add3A_1200 = arith.addf %add3A_1185, %unpack3A_1198 : vector<16xf32>
        %add3A_1201 = arith.constant 128 : i32
        %add3A_1202 = arith.addi %add3A_1201, %scan3A_1135 : i32
        %get3A_1203 = arith.index_cast %add3A_1202 : i32 to index
        %get3A_1204 = arith.constant 0 : index
        %get3A_1205 = tpu.vector_load %arg17[%get3A_1203, %get3A_1204] {strides = array<i32>} : memref<256x128xbf16, #tpu.memory_space<vmem>>, vector<32xbf16>,
        %add3A_1206 = arith.constant 144 : i32
        %add3A_1207 = arith.addi %add3A_1206, %scan3A_1135 : i32
        %get3A_1208 = arith.index_cast %add3A_1207 : i32 to index
        %get3A_1209 = arith.constant 0 : index
        %get3A_1210 = tpu.vector_load %arg17[%get3A_1208, %get3A_1209] {strides = array<i32>} : memref<256x128xbf16, #tpu.memory_space<vmem>>, vector<32xbf16>,
        %add3A_1211 = arith.addf %get3A_1205, %get3A_1210 : vector<32xbf16>
        %unpack3A_1212 = tpu.unpack_subelements %add3A_1211, 0 {pack_format = #tpu.pack_format<interleaved>} : vector<32xbf16> -> vector<16xf32>
        %unpack3A_1213 = tpu.unpack_subelements %add3A_1211, 1 {pack_format = #tpu.pack_format<interleaved>} : vector<32xbf16> -> vector<16xf32>
        %add3A_1214 = arith.addf %add3A_1199, %unpack3A_1212 : vector<16xf32>
        %add3A_1215 = arith.addf %add3A_1200, %unpack3A_1213 : vector<16xf32>
        %add3A_1216 = arith.constant 160 : i32
        %add3A_1217 = arith.addi %add3A_1216, %scan3A_1135 : i32
        %get3A_1218 = arith.index_cast %add3A_1217 : i32 to index
        %get3A_1219 = arith.constant 0 : index
        %get3A_1220 = tpu.vector_load %arg17[%get3A_1218, %get3A_1219] {strides = array<i32>} : memref<256x128xbf16, #tpu.memory_space<vmem>>, vector<32xbf16>,
        %add3A_1221 = arith.constant 176 : i32
        %add3A_1222 = arith.addi %add3A_1221, %scan3A_1135 : i32
        %get3A_1223 = arith.index_cast %add3A_1222 : i32 to index
        %get3A_1224 = arith.constant 0 : index
        %get3A_1225 = tpu.vector_load %arg17[%get3A_1223, %get3A_1224] {strides = array<i32>} : memref<256x128xbf16, #tpu.memory_space<vmem>>, vector<32xbf16>,
        %add3A_1226 = arith.addf %get3A_1220, %get3A_1225 : vector<32xbf16>
        %unpack3A_1227 = tpu.unpack_subelements %add3A_1226, 0 {pack_format = #tpu.pack_format<interleaved>} : vector<32xbf16> -> vector<16xf32>
        %unpack3A_1228 = tpu.unpack_subelements %add3A_1226, 1 {pack_format = #tpu.pack_format<interleaved>} : vector<32xbf16> -> vector<16xf32>
        %add3A_1229 = arith.addf %add3A_1214, %unpack3A_1227 : vector<16xf32>
        %add3A_1230 = arith.addf %add3A_1215, %unpack3A_1228 : vector<16xf32>
        %add3A_1231 = arith.constant 192 : i32
        %add3A_1232 = arith.addi %add3A_1231, %scan3A_1135 : i32
        %get3A_1233 = arith.index_cast %add3A_1232 : i32 to index
        %get3A_1234 = arith.constant 0 : index
        %get3A_1235 = tpu.vector_load %arg17[%get3A_1233, %get3A_1234] {strides = array<i32>} : memref<256x128xbf16, #tpu.memory_space<vmem>>, vector<32xbf16>,
        %add3A_1236 = arith.constant 208 : i32
        %add3A_1237 = arith.addi %add3A_1236, %scan3A_1135 : i32
        %get3A_1238 = arith.index_cast %add3A_1237 : i32 to index
        %get3A_1239 = arith.constant 0 : index
        %get3A_1240 = tpu.vector_load %arg17[%get3A_1238, %get3A_1239] {strides = array<i32>} : memref<256x128xbf16, #tpu.memory_space<vmem>>, vector<32xbf16>,
        %add3A_1241 = arith.addf %get3A_1235, %get3A_1240 : vector<32xbf16>
        %unpack3A_1242 = tpu.unpack_subelements %add3A_1241, 0 {pack_format = #tpu.pack_format<interleaved>} : vector<32xbf16> -> vector<16xf32>
        %unpack3A_1243 = tpu.unpack_subelements %add3A_1241, 1 {pack_format = #tpu.pack_format<interleaved>} : vector<32xbf16> -> vector<16xf32>
        %add3A_1244 = arith.addf %add3A_1229, %unpack3A_1242 : vector<16xf32>
        %add3A_1245 = arith.addf %add3A_1230, %unpack3A_1243 : vector<16xf32>
        %add3A_1246 = arith.constant 224 : i32
        %add3A_1247 = arith.addi %add3A_1246, %scan3A_1135 : i32
        %get3A_1248 = arith.index_cast %add3A_1247 : i32 to index
        %get3A_1249 = arith.constant 0 : index
        %get3A_1250 = tpu.vector_load %arg17[%get3A_1248, %get3A_1249] {strides = array<i32>} : memref<256x128xbf16, #tpu.memory_space<vmem>>, vector<32xbf16>,
        %add3A_1251 = arith.constant 240 : i32
        %add3A_1252 = arith.addi %add3A_1251, %scan3A_1135 : i32
        %get3A_1253 = arith.index_cast %add3A_1252 : i32 to index
        %get3A_1254 = arith.constant 0 : index
        %get3A_1255 = tpu.vector_load %arg17[%get3A_1253, %get3A_1254] {strides = array<i32>} : memref<256x128xbf16, #tpu.memory_space<vmem>>, vector<32xbf16>,
        %add3A_1256 = arith.addf %get3A_1250, %get3A_1255 : vector<32xbf16>
        %unpack3A_1257 = tpu.unpack_subelements %add3A_1256, 0 {pack_format = #tpu.pack_format<interleaved>} : vector<32xbf16> -> vector<16xf32>
        %unpack3A_1258 = tpu.unpack_subelements %add3A_1256, 1 {pack_format = #tpu.pack_format<interleaved>} : vector<32xbf16> -> vector<16xf32>
        %add3A_1259 = arith.addf %add3A_1244, %unpack3A_1257 : vector<16xf32>
        %add3A_1260 = arith.addf %add3A_1245, %unpack3A_1258 : vector<16xf32>
        %swap3A_1261 = arith.index_cast %scan3A_1135 : i32 to index
        %swap3A_1262 = arith.constant 0 : index
        %swap3A_1263 = tpu.vector_load %arg15[%swap3A_1261, %swap3A_1262] {strides = array<i32>} : memref<16x128xf32, #tpu.memory_space<vmem>>, vector<16xf32>,
        tpu.vector_store %arg15[%swap3A_1261, %swap3A_1262], %add3A_1259 {strides = array<i32>} : memref<16x128xf32, #tpu.memory_space<vmem>>, vector<16xf32>,
        %swap3A_1264 = arith.index_cast %scan3A_1135 : i32 to index
        %swap3A_1265 = arith.constant 16 : index
        %swap3A_1266 = tpu.vector_load %arg15[%swap3A_1264, %swap3A_1265] {strides = array<i32>} : memref<16x128xf32, #tpu.memory_space<vmem>>, vector<16xf32>,
        tpu.vector_store %arg15[%swap3A_1264, %swap3A_1265], %add3A_1260 {strides = array<i32>} : memref<16x128xf32, #tpu.memory_space<vmem>>, vector<16xf32>,
        %get3A_1267 = arith.index_cast %scan3A_1135 : i32 to index
        %get3A_1268 = arith.constant 32 : index
        %get3A_1269 = tpu.vector_load %arg15[%get3A_1267, %get3A_1268] {strides = array<i32>} : memref<16x128xf32, #tpu.memory_space<vmem>>, vector<16xf32>,
        %get3A_1270 = arith.index_cast %scan3A_1135 : i32 to index
        %get3A_1271 = arith.constant 48 : index
        %get3A_1272 = tpu.vector_load %arg15[%get3A_1270, %get3A_1271] {strides = array<i32>} : memref<16x128xf32, #tpu.memory_space<vmem>>, vector<16xf32>,
        %add3A_1273 = arith.constant 0 : i32
        %add3A_1274 = arith.addi %add3A_1273, %scan3A_1135 : i32
        %get3A_1275 = arith.index_cast %add3A_1274 : i32 to index
        %get3A_1276 = arith.constant 32 : index
        %get3A_1277 = tpu.vector_load %arg17[%get3A_1275, %get3A_1276] {strides = array<i32>} : memref<256x128xbf16, #tpu.memory_space<vmem>>, vector<32xbf16>,
        %add3A_1278 = arith.constant 16 : i32
        %add3A_1279 = arith.addi %add3A_1278, %scan3A_1135 : i32
        %get3A_1280 = arith.index_cast %add3A_1279 : i32 to index
        %get3A_1281 = arith.constant 32 : index
        %get3A_1282 = tpu.vector_load %arg17[%get3A_1280, %get3A_1281] {strides = array<i32>} : memref<256x128xbf16, #tpu.memory_space<vmem>>, vector<32xbf16>,
        %add3A_1283 = arith.addf %get3A_1277, %get3A_1282 : vector<32xbf16>
        %unpack3A_1284 = tpu.unpack_subelements %add3A_1283, 0 {pack_format = #tpu.pack_format<interleaved>} : vector<32xbf16> -> vector<16xf32>
        %unpack3A_1285 = tpu.unpack_subelements %add3A_1283, 1 {pack_format = #tpu.pack_format<interleaved>} : vector<32xbf16> -> vector<16xf32>
        %add3A_1286 = arith.addf %get3A_1269, %unpack3A_1284 : vector<16xf32>
        %add3A_1287 = arith.addf %get3A_1272, %unpack3A_1285 : vector<16xf32>
        %add3A_1288 = arith.constant 32 : i32
        %add3A_1289 = arith.addi %add3A_1288, %scan3A_1135 : i32
        %get3A_1290 = arith.index_cast %add3A_1289 : i32 to index
        %get3A_1291 = arith.constant 32 : index
        %get3A_1292 = tpu.vector_load %arg17[%get3A_1290, %get3A_1291] {strides = array<i32>} : memref<256x128xbf16, #tpu.memory_space<vmem>>, vector<32xbf16>,
        %add3A_1293 = arith.constant 48 : i32
        %add3A_1294 = arith.addi %add3A_1293, %scan3A_1135 : i32
        %get3A_1295 = arith.index_cast %add3A_1294 : i32 to index
        %get3A_1296 = arith.constant 32 : index
        %get3A_1297 = tpu.vector_load %arg17[%get3A_1295, %get3A_1296] {strides = array<i32>} : memref<256x128xbf16, #tpu.memory_space<vmem>>, vector<32xbf16>,
        %add3A_1298 = arith.addf %get3A_1292, %get3A_1297 : vector<32xbf16>
        %unpack3A_1299 = tpu.unpack_subelements %add3A_1298, 0 {pack_format = #tpu.pack_format<interleaved>} : vector<32xbf16> -> vector<16xf32>
        %unpack3A_1300 = tpu.unpack_subelements %add3A_1298, 1 {pack_format = #tpu.pack_format<interleaved>} : vector<32xbf16> -> vector<16xf32>
        %add3A_1301 = arith.addf %add3A_1286, %unpack3A_1299 : vector<16xf32>
        %add3A_1302 = arith.addf %add3A_1287, %unpack3A_1300 : vector<16xf32>
        %add3A_1303 = arith.constant 64 : i32
        %add3A_1304 = arith.addi %add3A_1303, %scan3A_1135 : i32
        %get3A_1305 = arith.index_cast %add3A_1304 : i32 to index
        %get3A_1306 = arith.constant 32 : index
        %get3A_1307 = tpu.vector_load %arg17[%get3A_1305, %get3A_1306] {strides = array<i32>} : memref<256x128xbf16, #tpu.memory_space<vmem>>, vector<32xbf16>,
        %add3A_1308 = arith.constant 80 : i32
        %add3A_1309 = arith.addi %add3A_1308, %scan3A_1135 : i32
        %get3A_1310 = arith.index_cast %add3A_1309 : i32 to index
        %get3A_1311 = arith.constant 32 : index
        %get3A_1312 = tpu.vector_load %arg17[%get3A_1310, %get3A_1311] {strides = array<i32>} : memref<256x128xbf16, #tpu.memory_space<vmem>>, vector<32xbf16>,
        %add3A_1313 = arith.addf %get3A_1307, %get3A_1312 : vector<32xbf16>
        %unpack3A_1314 = tpu.unpack_subelements %add3A_1313, 0 {pack_format = #tpu.pack_format<interleaved>} : vector<32xbf16> -> vector<16xf32>
        %unpack3A_1315 = tpu.unpack_subelements %add3A_1313, 1 {pack_format = #tpu.pack_format<interleaved>} : vector<32xbf16> -> vector<16xf32>
        %add3A_1316 = arith.addf %add3A_1301, %unpack3A_1314 : vector<16xf32>
        %add3A_1317 = arith.addf %add3A_1302, %unpack3A_1315 : vector<16xf32>
        %add3A_1318 = arith.constant 96 : i32
        %add3A_1319 = arith.addi %add3A_1318, %scan3A_1135 : i32
        %get3A_1320 = arith.index_cast %add3A_1319 : i32 to index
        %get3A_1321 = arith.constant 32 : index
        %get3A_1322 = tpu.vector_load %arg17[%get3A_1320, %get3A_1321] {strides = array<i32>} : memref<256x128xbf16, #tpu.memory_space<vmem>>, vector<32xbf16>,
        %add3A_1323 = arith.constant 112 : i32
        %add3A_1324 = arith.addi %add3A_1323, %scan3A_1135 : i32
        %get3A_1325 = arith.index_cast %add3A_1324 : i32 to index
        %get3A_1326 = arith.constant 32 : index
        %get3A_1327 = tpu.vector_load %arg17[%get3A_1325, %get3A_1326] {strides = array<i32>} : memref<256x128xbf16, #tpu.memory_space<vmem>>, vector<32xbf16>,
        %add3A_1328 = arith.addf %get3A_1322, %get3A_1327 : vector<32xbf16>
        %unpack3A_1329 = tpu.unpack_subelements %add3A_1328, 0 {pack_format = #tpu.pack_format<interleaved>} : vector<32xbf16> -> vector<16xf32>
        %unpack3A_1330 = tpu.unpack_subelements %add3A_1328, 1 {pack_format = #tpu.pack_format<interleaved>} : vector<32xbf16> -> vector<16xf32>
        %add3A_1331 = arith.addf %add3A_1316, %unpack3A_1329 : vector<16xf32>
        %add3A_1332 = arith.addf %add3A_1317, %unpack3A_1330 : vector<16xf32>
        %add3A_1333 = arith.constant 128 : i32
        %add3A_1334 = arith.addi %add3A_1333, %scan3A_1135 : i32
        %get3A_1335 = arith.index_cast %add3A_1334 : i32 to index
        %get3A_1336 = arith.constant 32 : index
        %get3A_1337 = tpu.vector_load %arg17[%get3A_1335, %get3A_1336] {strides = array<i32>} : memref<256x128xbf16, #tpu.memory_space<vmem>>, vector<32xbf16>,
        %add3A_1338 = arith.constant 144 : i32
        %add3A_1339 = arith.addi %add3A_1338, %scan3A_1135 : i32
        %get3A_1340 = arith.index_cast %add3A_1339 : i32 to index
        %get3A_1341 = arith.constant 32 : index
        %get3A_1342 = tpu.vector_load %arg17[%get3A_1340, %get3A_1341] {strides = array<i32>} : memref<256x128xbf16, #tpu.memory_space<vmem>>, vector<32xbf16>,
        %add3A_1343 = arith.addf %get3A_1337, %get3A_1342 : vector<32xbf16>
        %unpack3A_1344 = tpu.unpack_subelements %add3A_1343, 0 {pack_format = #tpu.pack_format<interleaved>} : vector<32xbf16> -> vector<16xf32>
        %unpack3A_1345 = tpu.unpack_subelements %add3A_1343, 1 {pack_format = #tpu.pack_format<interleaved>} : vector<32xbf16> -> vector<16xf32>
        %add3A_1346 = arith.addf %add3A_1331, %unpack3A_1344 : vector<16xf32>
        %add3A_1347 = arith.addf %add3A_1332, %unpack3A_1345 : vector<16xf32>
        %add3A_1348 = arith.constant 160 : i32
        %add3A_1349 = arith.addi %add3A_1348, %scan3A_1135 : i32
        %get3A_1350 = arith.index_cast %add3A_1349 : i32 to index
        %get3A_1351 = arith.constant 32 : index
        %get3A_1352 = tpu.vector_load %arg17[%get3A_1350, %get3A_1351] {strides = array<i32>} : memref<256x128xbf16, #tpu.memory_space<vmem>>, vector<32xbf16>,
        %add3A_1353 = arith.constant 176 : i32
        %add3A_1354 = arith.addi %add3A_1353, %scan3A_1135 : i32
        %get3A_1355 = arith.index_cast %add3A_1354 : i32 to index
        %get3A_1356 = arith.constant 32 : index
        %get3A_1357 = tpu.vector_load %arg17[%get3A_1355, %get3A_1356] {strides = array<i32>} : memref<256x128xbf16, #tpu.memory_space<vmem>>, vector<32xbf16>,
        %add3A_1358 = arith.addf %get3A_1352, %get3A_1357 : vector<32xbf16>
        %unpack3A_1359 = tpu.unpack_subelements %add3A_1358, 0 {pack_format = #tpu.pack_format<interleaved>} : vector<32xbf16> -> vector<16xf32>
        %unpack3A_1360 = tpu.unpack_subelements %add3A_1358, 1 {pack_format = #tpu.pack_format<interleaved>} : vector<32xbf16> -> vector<16xf32>
        %add3A_1361 = arith.addf %add3A_1346, %unpack3A_1359 : vector<16xf32>
        %add3A_1362 = arith.addf %add3A_1347, %unpack3A_1360 : vector<16xf32>
        %add3A_1363 = arith.constant 192 : i32
        %add3A_1364 = arith.addi %add3A_1363, %scan3A_1135 : i32
        %get3A_1365 = arith.index_cast %add3A_1364 : i32 to index
        %get3A_1366 = arith.constant 32 : index
        %get3A_1367 = tpu.vector_load %arg17[%get3A_1365, %get3A_1366] {strides = array<i32>} : memref<256x128xbf16, #tpu.memory_space<vmem>>, vector<32xbf16>,
        %add3A_1368 = arith.constant 208 : i32
        %add3A_1369 = arith.addi %add3A_1368, %scan3A_1135 : i32
        %get3A_1370 = arith.index_cast %add3A_1369 : i32 to index
        %get3A_1371 = arith.constant 32 : index
        %get3A_1372 = tpu.vector_load %arg17[%get3A_1370, %get3A_1371] {strides = array<i32>} : memref<256x128xbf16, #tpu.memory_space<vmem>>, vector<32xbf16>,
        %add3A_1373 = arith.addf %get3A_1367, %get3A_1372 : vector<32xbf16>
        %unpack3A_1374 = tpu.unpack_subelements %add3A_1373, 0 {pack_format = #tpu.pack_format<interleaved>} : vector<32xbf16> -> vector<16xf32>
        %unpack3A_1375 = tpu.unpack_subelements %add3A_1373, 1 {pack_format = #tpu.pack_format<interleaved>} : vector<32xbf16> -> vector<16xf32>
        %add3A_1376 = arith.addf %add3A_1361, %unpack3A_1374 : vector<16xf32>
        %add3A_1377 = arith.addf %add3A_1362, %unpack3A_1375 : vector<16xf32>
        %add3A_1378 = arith.constant 224 : i32
        %add3A_1379 = arith.addi %add3A_1378, %scan3A_1135 : i32
        %get3A_1380 = arith.index_cast %add3A_1379 : i32 to index
        %get3A_1381 = arith.constant 32 : index
        %get3A_1382 = tpu.vector_load %arg17[%get3A_1380, %get3A_1381] {strides = array<i32>} : memref<256x128xbf16, #tpu.memory_space<vmem>>, vector<32xbf16>,
        %add3A_1383 = arith.constant 240 : i32
        %add3A_1384 = arith.addi %add3A_1383, %scan3A_1135 : i32
        %get3A_1385 = arith.index_cast %add3A_1384 : i32 to index
        %get3A_1386 = arith.constant 32 : index
        %get3A_1387 = tpu.vector_load %arg17[%get3A_1385, %get3A_1386] {strides = array<i32>} : memref<256x128xbf16, #tpu.memory_space<vmem>>, vector<32xbf16>,
        %add3A_1388 = arith.addf %get3A_1382, %get3A_1387 : vector<32xbf16>
        %unpack3A_1389 = tpu.unpack_subelements %add3A_1388, 0 {pack_format = #tpu.pack_format<interleaved>} : vector<32xbf16> -> vector<16xf32>
        %unpack3A_1390 = tpu.unpack_subelements %add3A_1388, 1 {pack_format = #tpu.pack_format<interleaved>} : vector<32xbf16> -> vector<16xf32>
        %add3A_1391 = arith.addf %add3A_1376, %unpack3A_1389 : vector<16xf32>
        %add3A_1392 = arith.addf %add3A_1377, %unpack3A_1390 : vector<16xf32>
        %swap3A_1393 = arith.index_cast %scan3A_1135 : i32 to index
        %swap3A_1394 = arith.constant 32 : index
        %swap3A_1395 = tpu.vector_load %arg15[%swap3A_1393, %swap3A_1394] {strides = array<i32>} : memref<16x128xf32, #tpu.memory_space<vmem>>, vector<16xf32>,
        tpu.vector_store %arg15[%swap3A_1393, %swap3A_1394], %add3A_1391 {strides = array<i32>} : memref<16x128xf32, #tpu.memory_space<vmem>>, vector<16xf32>,
        %swap3A_1396 = arith.index_cast %scan3A_1135 : i32 to index
        %swap3A_1397 = arith.constant 48 : index
        %swap3A_1398 = tpu.vector_load %arg15[%swap3A_1396, %swap3A_1397] {strides = array<i32>} : memref<16x128xf32, #tpu.memory_space<vmem>>, vector<16xf32>,
        tpu.vector_store %arg15[%swap3A_1396, %swap3A_1397], %add3A_1392 {strides = array<i32>} : memref<16x128xf32, #tpu.memory_space<vmem>>, vector<16xf32>,
        %get3A_1399 = arith.index_cast %scan3A_1135 : i32 to index
        %get3A_1400 = arith.constant 64 : index
        %get3A_1401 = tpu.vector_load %arg15[%get3A_1399, %get3A_1400] {strides = array<i32>} : memref<16x128xf32, #tpu.memory_space<vmem>>, vector<16xf32>,
        %get3A_1402 = arith.index_cast %scan3A_1135 : i32 to index
        %get3A_1403 = arith.constant 80 : index
        %get3A_1404 = tpu.vector_load %arg15[%get3A_1402, %get3A_1403] {strides = array<i32>} : memref<16x128xf32, #tpu.memory_space<vmem>>, vector<16xf32>,
        %add3A_1405 = arith.constant 0 : i32
        %add3A_1406 = arith.addi %add3A_1405, %scan3A_1135 : i32
        %get3A_1407 = arith.index_cast %add3A_1406 : i32 to index
        %get3A_1408 = arith.constant 64 : index
        %get3A_1409 = tpu.vector_load %arg17[%get3A_1407, %get3A_1408] {strides = array<i32>} : memref<256x128xbf16, #tpu.memory_space<vmem>>, vector<32xbf16>,
        %add3A_1410 = arith.constant 16 : i32
        %add3A_1411 = arith.addi %add3A_1410, %scan3A_1135 : i32
        %get3A_1412 = arith.index_cast %add3A_1411 : i32 to index
        %get3A_1413 = arith.constant 64 : index
        %get3A_1414 = tpu.vector_load %arg17[%get3A_1412, %get3A_1413] {strides = array<i32>} : memref<256x128xbf16, #tpu.memory_space<vmem>>, vector<32xbf16>,
        %add3A_1415 = arith.addf %get3A_1409, %get3A_1414 : vector<32xbf16>
        %unpack3A_1416 = tpu.unpack_subelements %add3A_1415, 0 {pack_format = #tpu.pack_format<interleaved>} : vector<32xbf16> -> vector<16xf32>
        %unpack3A_1417 = tpu.unpack_subelements %add3A_1415, 1 {pack_format = #tpu.pack_format<interleaved>} : vector<32xbf16> -> vector<16xf32>
        %add3A_1418 = arith.addf %get3A_1401, %unpack3A_1416 : vector<16xf32>
        %add3A_1419 = arith.addf %get3A_1404, %unpack3A_1417 : vector<16xf32>
        %add3A_1420 = arith.constant 32 : i32
        %add3A_1421 = arith.addi %add3A_1420, %scan3A_1135 : i32
        %get3A_1422 = arith.index_cast %add3A_1421 : i32 to index
        %get3A_1423 = arith.constant 64 : index
        %get3A_1424 = tpu.vector_load %arg17[%get3A_1422, %get3A_1423] {strides = array<i32>} : memref<256x128xbf16, #tpu.memory_space<vmem>>, vector<32xbf16>,
        %add3A_1425 = arith.constant 48 : i32
        %add3A_1426 = arith.addi %add3A_1425, %scan3A_1135 : i32
        %get3A_1427 = arith.index_cast %add3A_1426 : i32 to index
        %get3A_1428 = arith.constant 64 : index
        %get3A_1429 = tpu.vector_load %arg17[%get3A_1427, %get3A_1428] {strides = array<i32>} : memref<256x128xbf16, #tpu.memory_space<vmem>>, vector<32xbf16>,
        %add3A_1430 = arith.addf %get3A_1424, %get3A_1429 : vector<32xbf16>
        %unpack3A_1431 = tpu.unpack_subelements %add3A_1430, 0 {pack_format = #tpu.pack_format<interleaved>} : vector<32xbf16> -> vector<16xf32>
        %unpack3A_1432 = tpu.unpack_subelements %add3A_1430, 1 {pack_format = #tpu.pack_format<interleaved>} : vector<32xbf16> -> vector<16xf32>
        %add3A_1433 = arith.addf %add3A_1418, %unpack3A_1431 : vector<16xf32>
        %add3A_1434 = arith.addf %add3A_1419, %unpack3A_1432 : vector<16xf32>
        %add3A_1435 = arith.constant 64 : i32
        %add3A_1436 = arith.addi %add3A_1435, %scan3A_1135 : i32
        %get3A_1437 = arith.index_cast %add3A_1436 : i32 to index
        %get3A_1438 = arith.constant 64 : index
        %get3A_1439 = tpu.vector_load %arg17[%get3A_1437, %get3A_1438] {strides = array<i32>} : memref<256x128xbf16, #tpu.memory_space<vmem>>, vector<32xbf16>,
        %add3A_1440 = arith.constant 80 : i32
        %add3A_1441 = arith.addi %add3A_1440, %scan3A_1135 : i32
        %get3A_1442 = arith.index_cast %add3A_1441 : i32 to index
        %get3A_1443 = arith.constant 64 : index
        %get3A_1444 = tpu.vector_load %arg17[%get3A_1442, %get3A_1443] {strides = array<i32>} : memref<256x128xbf16, #tpu.memory_space<vmem>>, vector<32xbf16>,
        %add3A_1445 = arith.addf %get3A_1439, %get3A_1444 : vector<32xbf16>
        %unpack3A_1446 = tpu.unpack_subelements %add3A_1445, 0 {pack_format = #tpu.pack_format<interleaved>} : vector<32xbf16> -> vector<16xf32>
        %unpack3A_1447 = tpu.unpack_subelements %add3A_1445, 1 {pack_format = #tpu.pack_format<interleaved>} : vector<32xbf16> -> vector<16xf32>
        %add3A_1448 = arith.addf %add3A_1433, %unpack3A_1446 : vector<16xf32>
        %add3A_1449 = arith.addf %add3A_1434, %unpack3A_1447 : vector<16xf32>
        %add3A_1450 = arith.constant 96 : i32
        %add3A_1451 = arith.addi %add3A_1450, %scan3A_1135 : i32
        %get3A_1452 = arith.index_cast %add3A_1451 : i32 to index
        %get3A_1453 = arith.constant 64 : index
        %get3A_1454 = tpu.vector_load %arg17[%get3A_1452, %get3A_1453] {strides = array<i32>} : memref<256x128xbf16, #tpu.memory_space<vmem>>, vector<32xbf16>,
        %add3A_1455 = arith.constant 112 : i32
        %add3A_1456 = arith.addi %add3A_1455, %scan3A_1135 : i32
        %get3A_1457 = arith.index_cast %add3A_1456 : i32 to index
        %get3A_1458 = arith.constant 64 : index
        %get3A_1459 = tpu.vector_load %arg17[%get3A_1457, %get3A_1458] {strides = array<i32>} : memref<256x128xbf16, #tpu.memory_space<vmem>>, vector<32xbf16>,
        %add3A_1460 = arith.addf %get3A_1454, %get3A_1459 : vector<32xbf16>
        %unpack3A_1461 = tpu.unpack_subelements %add3A_1460, 0 {pack_format = #tpu.pack_format<interleaved>} : vector<32xbf16> -> vector<16xf32>
        %unpack3A_1462 = tpu.unpack_subelements %add3A_1460, 1 {pack_format = #tpu.pack_format<interleaved>} : vector<32xbf16> -> vector<16xf32>
        %add3A_1463 = arith.addf %add3A_1448, %unpack3A_1461 : vector<16xf32>
        %add3A_1464 = arith.addf %add3A_1449, %unpack3A_1462 : vector<16xf32>
        %add3A_1465 = arith.constant 128 : i32
        %add3A_1466 = arith.addi %add3A_1465, %scan3A_1135 : i32
        %get3A_1467 = arith.index_cast %add3A_1466 : i32 to index
        %get3A_1468 = arith.constant 64 : index
        %get3A_1469 = tpu.vector_load %arg17[%get3A_1467, %get3A_1468] {strides = array<i32>} : memref<256x128xbf16, #tpu.memory_space<vmem>>, vector<32xbf16>,
        %add3A_1470 = arith.constant 144 : i32
        %add3A_1471 = arith.addi %add3A_1470, %scan3A_1135 : i32
        %get3A_1472 = arith.index_cast %add3A_1471 : i32 to index
        %get3A_1473 = arith.constant 64 : index
        %get3A_1474 = tpu.vector_load %arg17[%get3A_1472, %get3A_1473] {strides = array<i32>} : memref<256x128xbf16, #tpu.memory_space<vmem>>, vector<32xbf16>,
        %add3A_1475 = arith.addf %get3A_1469, %get3A_1474 : vector<32xbf16>
        %unpack3A_1476 = tpu.unpack_subelements %add3A_1475, 0 {pack_format = #tpu.pack_format<interleaved>} : vector<32xbf16> -> vector<16xf32>
        %unpack3A_1477 = tpu.unpack_subelements %add3A_1475, 1 {pack_format = #tpu.pack_format<interleaved>} : vector<32xbf16> -> vector<16xf32>
        %add3A_1478 = arith.addf %add3A_1463, %unpack3A_1476 : vector<16xf32>
        %add3A_1479 = arith.addf %add3A_1464, %unpack3A_1477 : vector<16xf32>
        %add3A_1480 = arith.constant 160 : i32
        %add3A_1481 = arith.addi %add3A_1480, %scan3A_1135 : i32
        %get3A_1482 = arith.index_cast %add3A_1481 : i32 to index
        %get3A_1483 = arith.constant 64 : index
        %get3A_1484 = tpu.vector_load %arg17[%get3A_1482, %get3A_1483] {strides = array<i32>} : memref<256x128xbf16, #tpu.memory_space<vmem>>, vector<32xbf16>,
        %add3A_1485 = arith.constant 176 : i32
        %add3A_1486 = arith.addi %add3A_1485, %scan3A_1135 : i32
        %get3A_1487 = arith.index_cast %add3A_1486 : i32 to index
        %get3A_1488 = arith.constant 64 : index
        %get3A_1489 = tpu.vector_load %arg17[%get3A_1487, %get3A_1488] {strides = array<i32>} : memref<256x128xbf16, #tpu.memory_space<vmem>>, vector<32xbf16>,
        %add3A_1490 = arith.addf %get3A_1484, %get3A_1489 : vector<32xbf16>
        %unpack3A_1491 = tpu.unpack_subelements %add3A_1490, 0 {pack_format = #tpu.pack_format<interleaved>} : vector<32xbf16> -> vector<16xf32>
        %unpack3A_1492 = tpu.unpack_subelements %add3A_1490, 1 {pack_format = #tpu.pack_format<interleaved>} : vector<32xbf16> -> vector<16xf32>
        %add3A_1493 = arith.addf %add3A_1478, %unpack3A_1491 : vector<16xf32>
        %add3A_1494 = arith.addf %add3A_1479, %unpack3A_1492 : vector<16xf32>
        %add3A_1495 = arith.constant 192 : i32
        %add3A_1496 = arith.addi %add3A_1495, %scan3A_1135 : i32
        %get3A_1497 = arith.index_cast %add3A_1496 : i32 to index
        %get3A_1498 = arith.constant 64 : index
        %get3A_1499 = tpu.vector_load %arg17[%get3A_1497, %get3A_1498] {strides = array<i32>} : memref<256x128xbf16, #tpu.memory_space<vmem>>, vector<32xbf16>,
        %add3A_1500 = arith.constant 208 : i32
        %add3A_1501 = arith.addi %add3A_1500, %scan3A_1135 : i32
        %get3A_1502 = arith.index_cast %add3A_1501 : i32 to index
        %get3A_1503 = arith.constant 64 : index
        %get3A_1504 = tpu.vector_load %arg17[%get3A_1502, %get3A_1503] {strides = array<i32>} : memref<256x128xbf16, #tpu.memory_space<vmem>>, vector<32xbf16>,
        %add3A_1505 = arith.addf %get3A_1499, %get3A_1504 : vector<32xbf16>
        %unpack3A_1506 = tpu.unpack_subelements %add3A_1505, 0 {pack_format = #tpu.pack_format<interleaved>} : vector<32xbf16> -> vector<16xf32>
        %unpack3A_1507 = tpu.unpack_subelements %add3A_1505, 1 {pack_format = #tpu.pack_format<interleaved>} : vector<32xbf16> -> vector<16xf32>
        %add3A_1508 = arith.addf %add3A_1493, %unpack3A_1506 : vector<16xf32>
        %add3A_1509 = arith.addf %add3A_1494, %unpack3A_1507 : vector<16xf32>
        %add3A_1510 = arith.constant 224 : i32
        %add3A_1511 = arith.addi %add3A_1510, %scan3A_1135 : i32
        %get3A_1512 = arith.index_cast %add3A_1511 : i32 to index
        %get3A_1513 = arith.constant 64 : index
        %get3A_1514 = tpu.vector_load %arg17[%get3A_1512, %get3A_1513] {strides = array<i32>} : memref<256x128xbf16, #tpu.memory_space<vmem>>, vector<32xbf16>,
        %add3A_1515 = arith.constant 240 : i32
        %add3A_1516 = arith.addi %add3A_1515, %scan3A_1135 : i32
        %get3A_1517 = arith.index_cast %add3A_1516 : i32 to index
        %get3A_1518 = arith.constant 64 : index
        %get3A_1519 = tpu.vector_load %arg17[%get3A_1517, %get3A_1518] {strides = array<i32>} : memref<256x128xbf16, #tpu.memory_space<vmem>>, vector<32xbf16>,
        %add3A_1520 = arith.addf %get3A_1514, %get3A_1519 : vector<32xbf16>
        %unpack3A_1521 = tpu.unpack_subelements %add3A_1520, 0 {pack_format = #tpu.pack_format<interleaved>} : vector<32xbf16> -> vector<16xf32>
        %unpack3A_1522 = tpu.unpack_subelements %add3A_1520, 1 {pack_format = #tpu.pack_format<interleaved>} : vector<32xbf16> -> vector<16xf32>
        %add3A_1523 = arith.addf %add3A_1508, %unpack3A_1521 : vector<16xf32>
        %add3A_1524 = arith.addf %add3A_1509, %unpack3A_1522 : vector<16xf32>
        %swap3A_1525 = arith.index_cast %scan3A_1135 : i32 to index
        %swap3A_1526 = arith.constant 64 : index
        %swap3A_1527 = tpu.vector_load %arg15[%swap3A_1525, %swap3A_1526] {strides = array<i32>} : memref<16x128xf32, #tpu.memory_space<vmem>>, vector<16xf32>,
        tpu.vector_store %arg15[%swap3A_1525, %swap3A_1526], %add3A_1523 {strides = array<i32>} : memref<16x128xf32, #tpu.memory_space<vmem>>, vector<16xf32>,
        %swap3A_1528 = arith.index_cast %scan3A_1135 : i32 to index
        %swap3A_1529 = arith.constant 80 : index
        %swap3A_1530 = tpu.vector_load %arg15[%swap3A_1528, %swap3A_1529] {strides = array<i32>} : memref<16x128xf32, #tpu.memory_space<vmem>>, vector<16xf32>,
        tpu.vector_store %arg15[%swap3A_1528, %swap3A_1529], %add3A_1524 {strides = array<i32>} : memref<16x128xf32, #tpu.memory_space<vmem>>, vector<16xf32>,
        %get3A_1531 = arith.index_cast %scan3A_1135 : i32 to index
        %get3A_1532 = arith.constant 96 : index
        %get3A_1533 = tpu.vector_load %arg15[%get3A_1531, %get3A_1532] {strides = array<i32>} : memref<16x128xf32, #tpu.memory_space<vmem>>, vector<16xf32>,
        %get3A_1534 = arith.index_cast %scan3A_1135 : i32 to index
        %get3A_1535 = arith.constant 112 : index
        %get3A_1536 = tpu.vector_load %arg15[%get3A_1534, %get3A_1535] {strides = array<i32>} : memref<16x128xf32, #tpu.memory_space<vmem>>, vector<16xf32>,
        %add3A_1537 = arith.constant 0 : i32
        %add3A_1538 = arith.addi %add3A_1537, %scan3A_1135 : i32
        %get3A_1539 = arith.index_cast %add3A_1538 : i32 to index
        %get3A_1540 = arith.constant 96 : index
        %get3A_1541 = tpu.vector_load %arg17[%get3A_1539, %get3A_1540] {strides = array<i32>} : memref<256x128xbf16, #tpu.memory_space<vmem>>, vector<32xbf16>,
        %add3A_1542 = arith.constant 16 : i32
        %add3A_1543 = arith.addi %add3A_1542, %scan3A_1135 : i32
        %get3A_1544 = arith.index_cast %add3A_1543 : i32 to index
        %get3A_1545 = arith.constant 96 : index
        %get3A_1546 = tpu.vector_load %arg17[%get3A_1544, %get3A_1545] {strides = array<i32>} : memref<256x128xbf16, #tpu.memory_space<vmem>>, vector<32xbf16>,
        %add3A_1547 = arith.addf %get3A_1541, %get3A_1546 : vector<32xbf16>
        %unpack3A_1548 = tpu.unpack_subelements %add3A_1547, 0 {pack_format = #tpu.pack_format<interleaved>} : vector<32xbf16> -> vector<16xf32>
        %unpack3A_1549 = tpu.unpack_subelements %add3A_1547, 1 {pack_format = #tpu.pack_format<interleaved>} : vector<32xbf16> -> vector<16xf32>
        %add3A_1550 = arith.addf %get3A_1533, %unpack3A_1548 : vector<16xf32>
        %add3A_1551 = arith.addf %get3A_1536, %unpack3A_1549 : vector<16xf32>
        %add3A_1552 = arith.constant 32 : i32
        %add3A_1553 = arith.addi %add3A_1552, %scan3A_1135 : i32
        %get3A_1554 = arith.index_cast %add3A_1553 : i32 to index
        %get3A_1555 = arith.constant 96 : index
        %get3A_1556 = tpu.vector_load %arg17[%get3A_1554, %get3A_1555] {strides = array<i32>} : memref<256x128xbf16, #tpu.memory_space<vmem>>, vector<32xbf16>,
        %add3A_1557 = arith.constant 48 : i32
        %add3A_1558 = arith.addi %add3A_1557, %scan3A_1135 : i32
        %get3A_1559 = arith.index_cast %add3A_1558 : i32 to index
        %get3A_1560 = arith.constant 96 : index
        %get3A_1561 = tpu.vector_load %arg17[%get3A_1559, %get3A_1560] {strides = array<i32>} : memref<256x128xbf16, #tpu.memory_space<vmem>>, vector<32xbf16>,
        %add3A_1562 = arith.addf %get3A_1556, %get3A_1561 : vector<32xbf16>
        %unpack3A_1563 = tpu.unpack_subelements %add3A_1562, 0 {pack_format = #tpu.pack_format<interleaved>} : vector<32xbf16> -> vector<16xf32>
        %unpack3A_1564 = tpu.unpack_subelements %add3A_1562, 1 {pack_format = #tpu.pack_format<interleaved>} : vector<32xbf16> -> vector<16xf32>
        %add3A_1565 = arith.addf %add3A_1550, %unpack3A_1563 : vector<16xf32>
        %add3A_1566 = arith.addf %add3A_1551, %unpack3A_1564 : vector<16xf32>
        %add3A_1567 = arith.constant 64 : i32
        %add3A_1568 = arith.addi %add3A_1567, %scan3A_1135 : i32
        %get3A_1569 = arith.index_cast %add3A_1568 : i32 to index
        %get3A_1570 = arith.constant 96 : index
        %get3A_1571 = tpu.vector_load %arg17[%get3A_1569, %get3A_1570] {strides = array<i32>} : memref<256x128xbf16, #tpu.memory_space<vmem>>, vector<32xbf16>,
        %add3A_1572 = arith.constant 80 : i32
        %add3A_1573 = arith.addi %add3A_1572, %scan3A_1135 : i32
        %get3A_1574 = arith.index_cast %add3A_1573 : i32 to index
        %get3A_1575 = arith.constant 96 : index
        %get3A_1576 = tpu.vector_load %arg17[%get3A_1574, %get3A_1575] {strides = array<i32>} : memref<256x128xbf16, #tpu.memory_space<vmem>>, vector<32xbf16>,
        %add3A_1577 = arith.addf %get3A_1571, %get3A_1576 : vector<32xbf16>
        %unpack3A_1578 = tpu.unpack_subelements %add3A_1577, 0 {pack_format = #tpu.pack_format<interleaved>} : vector<32xbf16> -> vector<16xf32>
        %unpack3A_1579 = tpu.unpack_subelements %add3A_1577, 1 {pack_format = #tpu.pack_format<interleaved>} : vector<32xbf16> -> vector<16xf32>
        %add3A_1580 = arith.addf %add3A_1565, %unpack3A_1578 : vector<16xf32>
        %add3A_1581 = arith.addf %add3A_1566, %unpack3A_1579 : vector<16xf32>
        %add3A_1582 = arith.constant 96 : i32
        %add3A_1583 = arith.addi %add3A_1582, %scan3A_1135 : i32
        %get3A_1584 = arith.index_cast %add3A_1583 : i32 to index
        %get3A_1585 = arith.constant 96 : index
        %get3A_1586 = tpu.vector_load %arg17[%get3A_1584, %get3A_1585] {strides = array<i32>} : memref<256x128xbf16, #tpu.memory_space<vmem>>, vector<32xbf16>,
        %add3A_1587 = arith.constant 112 : i32
        %add3A_1588 = arith.addi %add3A_1587, %scan3A_1135 : i32
        %get3A_1589 = arith.index_cast %add3A_1588 : i32 to index
        %get3A_1590 = arith.constant 96 : index
        %get3A_1591 = tpu.vector_load %arg17[%get3A_1589, %get3A_1590] {strides = array<i32>} : memref<256x128xbf16, #tpu.memory_space<vmem>>, vector<32xbf16>,
        %add3A_1592 = arith.addf %get3A_1586, %get3A_1591 : vector<32xbf16>
        %unpack3A_1593 = tpu.unpack_subelements %add3A_1592, 0 {pack_format = #tpu.pack_format<interleaved>} : vector<32xbf16> -> vector<16xf32>
        %unpack3A_1594 = tpu.unpack_subelements %add3A_1592, 1 {pack_format = #tpu.pack_format<interleaved>} : vector<32xbf16> -> vector<16xf32>
        %add3A_1595 = arith.addf %add3A_1580, %unpack3A_1593 : vector<16xf32>
        %add3A_1596 = arith.addf %add3A_1581, %unpack3A_1594 : vector<16xf32>
        %add3A_1597 = arith.constant 128 : i32
        %add3A_1598 = arith.addi %add3A_1597, %scan3A_1135 : i32
        %get3A_1599 = arith.index_cast %add3A_1598 : i32 to index
        %get3A_1600 = arith.constant 96 : index
        %get3A_1601 = tpu.vector_load %arg17[%get3A_1599, %get3A_1600] {strides = array<i32>} : memref<256x128xbf16, #tpu.memory_space<vmem>>, vector<32xbf16>,
        %add3A_1602 = arith.constant 144 : i32
        %add3A_1603 = arith.addi %add3A_1602, %scan3A_1135 : i32
        %get3A_1604 = arith.index_cast %add3A_1603 : i32 to index
        %get3A_1605 = arith.constant 96 : index
        %get3A_1606 = tpu.vector_load %arg17[%get3A_1604, %get3A_1605] {strides = array<i32>} : memref<256x128xbf16, #tpu.memory_space<vmem>>, vector<32xbf16>,
        %add3A_1607 = arith.addf %get3A_1601, %get3A_1606 : vector<32xbf16>
        %unpack3A_1608 = tpu.unpack_subelements %add3A_1607, 0 {pack_format = #tpu.pack_format<interleaved>} : vector<32xbf16> -> vector<16xf32>
        %unpack3A_1609 = tpu.unpack_subelements %add3A_1607, 1 {pack_format = #tpu.pack_format<interleaved>} : vector<32xbf16> -> vector<16xf32>
        %add3A_1610 = arith.addf %add3A_1595, %unpack3A_1608 : vector<16xf32>
        %add3A_1611 = arith.addf %add3A_1596, %unpack3A_1609 : vector<16xf32>
        %add3A_1612 = arith.constant 160 : i32
        %add3A_1613 = arith.addi %add3A_1612, %scan3A_1135 : i32
        %get3A_1614 = arith.index_cast %add3A_1613 : i32 to index
        %get3A_1615 = arith.constant 96 : index
        %get3A_1616 = tpu.vector_load %arg17[%get3A_1614, %get3A_1615] {strides = array<i32>} : memref<256x128xbf16, #tpu.memory_space<vmem>>, vector<32xbf16>,
        %add3A_1617 = arith.constant 176 : i32
        %add3A_1618 = arith.addi %add3A_1617, %scan3A_1135 : i32
        %get3A_1619 = arith.index_cast %add3A_1618 : i32 to index
        %get3A_1620 = arith.constant 96 : index
        %get3A_1621 = tpu.vector_load %arg17[%get3A_1619, %get3A_1620] {strides = array<i32>} : memref<256x128xbf16, #tpu.memory_space<vmem>>, vector<32xbf16>,
        %add3A_1622 = arith.addf %get3A_1616, %get3A_1621 : vector<32xbf16>
        %unpack3A_1623 = tpu.unpack_subelements %add3A_1622, 0 {pack_format = #tpu.pack_format<interleaved>} : vector<32xbf16> -> vector<16xf32>
        %unpack3A_1624 = tpu.unpack_subelements %add3A_1622, 1 {pack_format = #tpu.pack_format<interleaved>} : vector<32xbf16> -> vector<16xf32>
        %add3A_1625 = arith.addf %add3A_1610, %unpack3A_1623 : vector<16xf32>
        %add3A_1626 = arith.addf %add3A_1611, %unpack3A_1624 : vector<16xf32>
        %add3A_1627 = arith.constant 192 : i32
        %add3A_1628 = arith.addi %add3A_1627, %scan3A_1135 : i32
        %get3A_1629 = arith.index_cast %add3A_1628 : i32 to index
        %get3A_1630 = arith.constant 96 : index
        %get3A_1631 = tpu.vector_load %arg17[%get3A_1629, %get3A_1630] {strides = array<i32>} : memref<256x128xbf16, #tpu.memory_space<vmem>>, vector<32xbf16>,
        %add3A_1632 = arith.constant 208 : i32
        %add3A_1633 = arith.addi %add3A_1632, %scan3A_1135 : i32
        %get3A_1634 = arith.index_cast %add3A_1633 : i32 to index
        %get3A_1635 = arith.constant 96 : index
        %get3A_1636 = tpu.vector_load %arg17[%get3A_1634, %get3A_1635] {strides = array<i32>} : memref<256x128xbf16, #tpu.memory_space<vmem>>, vector<32xbf16>,
        %add3A_1637 = arith.addf %get3A_1631, %get3A_1636 : vector<32xbf16>
        %unpack3A_1638 = tpu.unpack_subelements %add3A_1637, 0 {pack_format = #tpu.pack_format<interleaved>} : vector<32xbf16> -> vector<16xf32>
        %unpack3A_1639 = tpu.unpack_subelements %add3A_1637, 1 {pack_format = #tpu.pack_format<interleaved>} : vector<32xbf16> -> vector<16xf32>
        %add3A_1640 = arith.addf %add3A_1625, %unpack3A_1638 : vector<16xf32>
        %add3A_1641 = arith.addf %add3A_1626, %unpack3A_1639 : vector<16xf32>
        %add3A_1642 = arith.constant 224 : i32
        %add3A_1643 = arith.addi %add3A_1642, %scan3A_1135 : i32
        %get3A_1644 = arith.index_cast %add3A_1643 : i32 to index
        %get3A_1645 = arith.constant 96 : index
        %get3A_1646 = tpu.vector_load %arg17[%get3A_1644, %get3A_1645] {strides = array<i32>} : memref<256x128xbf16, #tpu.memory_space<vmem>>, vector<32xbf16>,
        %add3A_1647 = arith.constant 240 : i32
        %add3A_1648 = arith.addi %add3A_1647, %scan3A_1135 : i32
        %get3A_1649 = arith.index_cast %add3A_1648 : i32 to index
        %get3A_1650 = arith.constant 96 : index
        %get3A_1651 = tpu.vector_load %arg17[%get3A_1649, %get3A_1650] {strides = array<i32>} : memref<256x128xbf16, #tpu.memory_space<vmem>>, vector<32xbf16>,
        %add3A_1652 = arith.addf %get3A_1646, %get3A_1651 : vector<32xbf16>
        %unpack3A_1653 = tpu.unpack_subelements %add3A_1652, 0 {pack_format = #tpu.pack_format<interleaved>} : vector<32xbf16> -> vector<16xf32>
        %unpack3A_1654 = tpu.unpack_subelements %add3A_1652, 1 {pack_format = #tpu.pack_format<interleaved>} : vector<32xbf16> -> vector<16xf32>
        %add3A_1655 = arith.addf %add3A_1640, %unpack3A_1653 : vector<16xf32>
        %add3A_1656 = arith.addf %add3A_1641, %unpack3A_1654 : vector<16xf32>
        %swap3A_1657 = arith.index_cast %scan3A_1135 : i32 to index
        %swap3A_1658 = arith.constant 96 : index
        %swap3A_1659 = tpu.vector_load %arg15[%swap3A_1657, %swap3A_1658] {strides = array<i32>} : memref<16x128xf32, #tpu.memory_space<vmem>>, vector<16xf32>,
        tpu.vector_store %arg15[%swap3A_1657, %swap3A_1658], %add3A_1655 {strides = array<i32>} : memref<16x128xf32, #tpu.memory_space<vmem>>, vector<16xf32>,
        %swap3A_1660 = arith.index_cast %scan3A_1135 : i32 to index
        %swap3A_1661 = arith.constant 112 : index
        %swap3A_1662 = tpu.vector_load %arg15[%swap3A_1660, %swap3A_1661] {strides = array<i32>} : memref<16x128xf32, #tpu.memory_space<vmem>>, vector<16xf32>,
        tpu.vector_store %arg15[%swap3A_1660, %swap3A_1661], %add3A_1656 {strides = array<i32>} : memref<16x128xf32, #tpu.memory_space<vmem>>, vector<16xf32>,
      }
      %scan3A_1123 = arith.constant 16 : i32
      %mul3A_1124 = arith.constant 16 : i32
      %mul3A_1125 = arith.muli %add3A_855, %mul3A_1124 : i32
      %add3A_1126 = arith.addi %mul3A_32, %mul3A_1125 : i32
      "tpu.region"() ({
        %run_scoped3A = tpu.sem_alloc : memref<!tpu.dma_semaphore, #tpu.memory_space<semaphore_mem>>
        %dma_start3A_1135 = arith.constant 0 : i32
        %dma_start3A_1136 = tpu.memref_slice %arg6[%select_n3A, %add3A_1126, %dma_start3A_1135] : memref<4x4096x128xf32, #tpu.memory_space<hbm>> -> memref<1x16x128xf32, #tpu.memory_space<hbm>>
        %dma_start3A_1137 = tpu.memref_squeeze %dma_start3A_1136 : memref<1x16x128xf32, #tpu.memory_space<hbm>> -> memref<16x128xf32, #tpu.memory_space<hbm>>
        %dma_start3A_1138 = arith.constant 0 : i32
        %dma_start3A_1139 = tpu.memref_slice %arg6[%select_n3A, %add3A_1126, %dma_start3A_1138] : memref<4x4096x128xf32, #tpu.memory_space<hbm>> -> memref<1x16x128xf32, #tpu.memory_space<hbm>>
        %dma_start3A_1140 = tpu.memref_squeeze %dma_start3A_1139 : memref<1x16x128xf32, #tpu.memory_space<hbm>> -> memref<16x128xf32, #tpu.memory_space<hbm>>
        tpu.enqueue_dma source(%arg15 : memref<16x128xf32, #tpu.memory_space<vmem>>) target(%dma_start3A_1140 : memref<16x128xf32, #tpu.memory_space<hbm>>) target_semaphore(%run_scoped3A : memref<!tpu.dma_semaphore, #tpu.memory_space<semaphore_mem>>)
        %dma_wait3A_1141 = arith.constant 0 : i32
        %dma_wait3A_1142 = tpu.memref_slice %arg6[%select_n3A, %add3A_1126, %dma_wait3A_1141] : memref<4x4096x128xf32, #tpu.memory_space<hbm>> -> memref<1x16x128xf32, #tpu.memory_space<hbm>>
        %dma_wait3A_1143 = tpu.memref_squeeze %dma_wait3A_1142 : memref<1x16x128xf32, #tpu.memory_space<hbm>> -> memref<16x128xf32, #tpu.memory_space<hbm>>
        %dma_wait3A_1144 = arith.constant 0 : i32
        %dma_wait3A_1145 = tpu.memref_slice %arg6[%select_n3A, %add3A_1126, %dma_wait3A_1144] : memref<4x4096x128xf32, #tpu.memory_space<hbm>> -> memref<1x16x128xf32, #tpu.memory_space<hbm>>
        %dma_wait3A_1146 = tpu.memref_squeeze %dma_wait3A_1145 : memref<1x16x128xf32, #tpu.memory_space<hbm>> -> memref<16x128xf32, #tpu.memory_space<hbm>>
        tpu.wait_dma2 semaphore(%run_scoped3A : memref<!tpu.dma_semaphore, #tpu.memory_space<semaphore_mem>>) src(%arg15 : memref<16x128xf32, #tpu.memory_space<vmem>>) dst(%dma_wait3A_1146 : memref<16x128xf32, #tpu.memory_space<hbm>>)
        tpu.yield
      }) : () -> ()
      %add3A_1127 = arith.constant 2 : i32
      %add3A_1128 = arith.addi %add3A_855, %add3A_1127 : i32
      %mul3A_1129 = arith.constant 16 : i32
      %mul3A_1130 = arith.muli %add3A_1128, %mul3A_1129 : i32
      %dma_start3A_1131 = tpu.memref_slice %arg7[%mul3A_1130] : memref<512xi32, #tpu.memory_space<vmem>> -> memref<16xi32, #tpu.memory_space<vmem>>
      %dma_start3A_1132 = arith.constant 0 : i32
      %dma_start3A_1133 = arith.constant 0 : i32
      %dma_start3A_1134 = tpu.memref_slice %arg5[%dma_start3A_1132, %dma_start3A_1133] : memref<100000x128xf32, #tpu.memory_space<hbm>> -> memref<100000x128xf32, #tpu.memory_space<hbm>>
      tpu.enqueue_indirect_dma source(%dma_start3A_1134 : memref<100000x128xf32, #tpu.memory_space<hbm>>) target(%arg15 : memref<16x128xf32, #tpu.memory_space<vmem>>) offsets(%dma_start3A_1131 : memref<16xi32, #tpu.memory_space<vmem>>) semaphore(%arg23 : memref<!tpu.dma_semaphore, #tpu.memory_space<semaphore_mem>>)
    }
    %scan3A_371 = arith.constant 15 : i32
    %dma_wait3A_372 = arith.constant 0 : i32
    %dma_wait3A_373 = tpu.memref_slice %arg11[%dma_wait3A_372] : memref<256xi32, #tpu.memory_space<vmem>> -> memref<128xi32, #tpu.memory_space<vmem>>
    %dma_wait3A_374 = arith.constant 0 : i32
    %dma_wait3A_375 = tpu.memref_slice %arg9[%dma_wait3A_374] : memref<256xi32, #tpu.memory_space<vmem>> -> memref<128xi32, #tpu.memory_space<vmem>>
    %dma_wait3A_376 = arith.constant 0 : i32
    %dma_wait3A_377 = tpu.memref_slice %arg3[%dma_wait3A_376] : memref<1600000xi32, #tpu.memory_space<hbm>> -> memref<1600000xi32, #tpu.memory_space<hbm>>
    tpu.wait_indirect_dma semaphore(%arg19 : memref<!tpu.dma_semaphore, #tpu.memory_space<semaphore_mem>>) src(%dma_wait3A_377 : memref<1600000xi32, #tpu.memory_space<hbm>>) dst(%dma_wait3A_373 : memref<128xi32, #tpu.memory_space<vmem>>)
    %dma_wait3A_378 = arith.constant 128 : i32
    %dma_wait3A_379 = tpu.memref_slice %arg11[%dma_wait3A_378] : memref<256xi32, #tpu.memory_space<vmem>> -> memref<128xi32, #tpu.memory_space<vmem>>
    %dma_wait3A_380 = arith.constant 128 : i32
    %dma_wait3A_381 = tpu.memref_slice %arg9[%dma_wait3A_380] : memref<256xi32, #tpu.memory_space<vmem>> -> memref<128xi32, #tpu.memory_space<vmem>>
    %dma_wait3A_382 = arith.constant 0 : i32
    %dma_wait3A_383 = tpu.memref_slice %arg3[%dma_wait3A_382] : memref<1600000xi32, #tpu.memory_space<hbm>> -> memref<1600000xi32, #tpu.memory_space<hbm>>
    tpu.wait_indirect_dma semaphore(%arg19 : memref<!tpu.dma_semaphore, #tpu.memory_space<semaphore_mem>>) src(%dma_wait3A_383 : memref<1600000xi32, #tpu.memory_space<hbm>>) dst(%dma_wait3A_379 : memref<128xi32, #tpu.memory_space<vmem>>)
    %get3A_384 = arith.constant 0 : index
    %get3A_385 = tpu.vector_load %arg11[%get3A_384] {strides = array<i32>} : memref<256xi32, #tpu.memory_space<vmem>>, vector<16xi32>,
    %add3A_386 = arith.constant 0 : i32
    %add3A_387 = vector.broadcast %add3A_386 : i32 to vector<16xi32>
    %add3A_388 = arith.addi %get3A_385, %add3A_387 : vector<16xi32>
    %swap3A_389 = arith.constant 0 : index
    %swap3A_390 = tpu.vector_load %arg13[%swap3A_389] {strides = array<i32>} : memref<256xi32, #tpu.memory_space<vmem>>, vector<16xi32>,
    tpu.vector_store %arg13[%swap3A_389], %add3A_388 {strides = array<i32>} : memref<256xi32, #tpu.memory_space<vmem>>, vector<16xi32>,
    %get3A_391 = arith.constant 16 : index
    %get3A_392 = tpu.vector_load %arg11[%get3A_391] {strides = array<i32>} : memref<256xi32, #tpu.memory_space<vmem>>, vector<16xi32>,
    %add3A_393 = arith.constant 256 : i32
    %add3A_394 = vector.broadcast %add3A_393 : i32 to vector<16xi32>
    %add3A_395 = arith.addi %get3A_392, %add3A_394 : vector<16xi32>
    %swap3A_396 = arith.constant 16 : index
    %swap3A_397 = tpu.vector_load %arg13[%swap3A_396] {strides = array<i32>} : memref<256xi32, #tpu.memory_space<vmem>>, vector<16xi32>,
    tpu.vector_store %arg13[%swap3A_396], %add3A_395 {strides = array<i32>} : memref<256xi32, #tpu.memory_space<vmem>>, vector<16xi32>,
    %get3A_398 = arith.constant 32 : index
    %get3A_399 = tpu.vector_load %arg11[%get3A_398] {strides = array<i32>} : memref<256xi32, #tpu.memory_space<vmem>>, vector<16xi32>,
    %add3A_400 = arith.constant 512 : i32
    %add3A_401 = vector.broadcast %add3A_400 : i32 to vector<16xi32>
    %add3A_402 = arith.addi %get3A_399, %add3A_401 : vector<16xi32>
    %swap3A_403 = arith.constant 32 : index
    %swap3A_404 = tpu.vector_load %arg13[%swap3A_403] {strides = array<i32>} : memref<256xi32, #tpu.memory_space<vmem>>, vector<16xi32>,
    tpu.vector_store %arg13[%swap3A_403], %add3A_402 {strides = array<i32>} : memref<256xi32, #tpu.memory_space<vmem>>, vector<16xi32>,
    %get3A_405 = arith.constant 48 : index
    %get3A_406 = tpu.vector_load %arg11[%get3A_405] {strides = array<i32>} : memref<256xi32, #tpu.memory_space<vmem>>, vector<16xi32>,
    %add3A_407 = arith.constant 768 : i32
    %add3A_408 = vector.broadcast %add3A_407 : i32 to vector<16xi32>
    %add3A_409 = arith.addi %get3A_406, %add3A_408 : vector<16xi32>
    %swap3A_410 = arith.constant 48 : index
    %swap3A_411 = tpu.vector_load %arg13[%swap3A_410] {strides = array<i32>} : memref<256xi32, #tpu.memory_space<vmem>>, vector<16xi32>,
    tpu.vector_store %arg13[%swap3A_410], %add3A_409 {strides = array<i32>} : memref<256xi32, #tpu.memory_space<vmem>>, vector<16xi32>,
    %get3A_412 = arith.constant 64 : index
    %get3A_413 = tpu.vector_load %arg11[%get3A_412] {strides = array<i32>} : memref<256xi32, #tpu.memory_space<vmem>>, vector<16xi32>,
    %add3A_414 = arith.constant 1024 : i32
    %add3A_415 = vector.broadcast %add3A_414 : i32 to vector<16xi32>
    %add3A_416 = arith.addi %get3A_413, %add3A_415 : vector<16xi32>
    %swap3A_417 = arith.constant 64 : index
    %swap3A_418 = tpu.vector_load %arg13[%swap3A_417] {strides = array<i32>} : memref<256xi32, #tpu.memory_space<vmem>>, vector<16xi32>,
    tpu.vector_store %arg13[%swap3A_417], %add3A_416 {strides = array<i32>} : memref<256xi32, #tpu.memory_space<vmem>>, vector<16xi32>,
    %get3A_419 = arith.constant 80 : index
    %get3A_420 = tpu.vector_load %arg11[%get3A_419] {strides = array<i32>} : memref<256xi32, #tpu.memory_space<vmem>>, vector<16xi32>,
    %add3A_421 = arith.constant 1280 : i32
    %add3A_422 = vector.broadcast %add3A_421 : i32 to vector<16xi32>
    %add3A_423 = arith.addi %get3A_420, %add3A_422 : vector<16xi32>
    %swap3A_424 = arith.constant 80 : index
    %swap3A_425 = tpu.vector_load %arg13[%swap3A_424] {strides = array<i32>} : memref<256xi32, #tpu.memory_space<vmem>>, vector<16xi32>,
    tpu.vector_store %arg13[%swap3A_424], %add3A_423 {strides = array<i32>} : memref<256xi32, #tpu.memory_space<vmem>>, vector<16xi32>,
    %get3A_426 = arith.constant 96 : index
    %get3A_427 = tpu.vector_load %arg11[%get3A_426] {strides = array<i32>} : memref<256xi32, #tpu.memory_space<vmem>>, vector<16xi32>,
    %add3A_428 = arith.constant 1536 : i32
    %add3A_429 = vector.broadcast %add3A_428 : i32 to vector<16xi32>
    %add3A_430 = arith.addi %get3A_427, %add3A_429 : vector<16xi32>
    %swap3A_431 = arith.constant 96 : index
    %swap3A_432 = tpu.vector_load %arg13[%swap3A_431] {strides = array<i32>} : memref<256xi32, #tpu.memory_space<vmem>>, vector<16xi32>,
    tpu.vector_store %arg13[%swap3A_431], %add3A_430 {strides = array<i32>} : memref<256xi32, #tpu.memory_space<vmem>>, vector<16xi32>,
    %get3A_433 = arith.constant 112 : index
    %get3A_434 = tpu.vector_load %arg11[%get3A_433] {strides = array<i32>} : memref<256xi32, #tpu.memory_space<vmem>>, vector<16xi32>,
    %add3A_435 = arith.constant 1792 : i32
    %add3A_436 = vector.broadcast %add3A_435 : i32 to vector<16xi32>
    %add3A_437 = arith.addi %get3A_434, %add3A_436 : vector<16xi32>
    %swap3A_438 = arith.constant 112 : index
    %swap3A_439 = tpu.vector_load %arg13[%swap3A_438] {strides = array<i32>} : memref<256xi32, #tpu.memory_space<vmem>>, vector<16xi32>,
    tpu.vector_store %arg13[%swap3A_438], %add3A_437 {strides = array<i32>} : memref<256xi32, #tpu.memory_space<vmem>>, vector<16xi32>,
    %get3A_440 = arith.constant 128 : index
    %get3A_441 = tpu.vector_load %arg11[%get3A_440] {strides = array<i32>} : memref<256xi32, #tpu.memory_space<vmem>>, vector<16xi32>,
    %add3A_442 = arith.constant 2048 : i32
    %add3A_443 = vector.broadcast %add3A_442 : i32 to vector<16xi32>
    %add3A_444 = arith.addi %get3A_441, %add3A_443 : vector<16xi32>
    %swap3A_445 = arith.constant 128 : index
    %swap3A_446 = tpu.vector_load %arg13[%swap3A_445] {strides = array<i32>} : memref<256xi32, #tpu.memory_space<vmem>>, vector<16xi32>,
    tpu.vector_store %arg13[%swap3A_445], %add3A_444 {strides = array<i32>} : memref<256xi32, #tpu.memory_space<vmem>>, vector<16xi32>,
    %get3A_447 = arith.constant 144 : index
    %get3A_448 = tpu.vector_load %arg11[%get3A_447] {strides = array<i32>} : memref<256xi32, #tpu.memory_space<vmem>>, vector<16xi32>,
    %add3A_449 = arith.constant 2304 : i32
    %add3A_450 = vector.broadcast %add3A_449 : i32 to vector<16xi32>
    %add3A_451 = arith.addi %get3A_448, %add3A_450 : vector<16xi32>
    %swap3A_452 = arith.constant 144 : index
    %swap3A_453 = tpu.vector_load %arg13[%swap3A_452] {strides = array<i32>} : memref<256xi32, #tpu.memory_space<vmem>>, vector<16xi32>,
    tpu.vector_store %arg13[%swap3A_452], %add3A_451 {strides = array<i32>} : memref<256xi32, #tpu.memory_space<vmem>>, vector<16xi32>,
    %get3A_454 = arith.constant 160 : index
    %get3A_455 = tpu.vector_load %arg11[%get3A_454] {strides = array<i32>} : memref<256xi32, #tpu.memory_space<vmem>>, vector<16xi32>,
    %add3A_456 = arith.constant 2560 : i32
    %add3A_457 = vector.broadcast %add3A_456 : i32 to vector<16xi32>
    %add3A_458 = arith.addi %get3A_455, %add3A_457 : vector<16xi32>
    %swap3A_459 = arith.constant 160 : index
    %swap3A_460 = tpu.vector_load %arg13[%swap3A_459] {strides = array<i32>} : memref<256xi32, #tpu.memory_space<vmem>>, vector<16xi32>,
    tpu.vector_store %arg13[%swap3A_459], %add3A_458 {strides = array<i32>} : memref<256xi32, #tpu.memory_space<vmem>>, vector<16xi32>,
    %get3A_461 = arith.constant 176 : index
    %get3A_462 = tpu.vector_load %arg11[%get3A_461] {strides = array<i32>} : memref<256xi32, #tpu.memory_space<vmem>>, vector<16xi32>,
    %add3A_463 = arith.constant 2816 : i32
    %add3A_464 = vector.broadcast %add3A_463 : i32 to vector<16xi32>
    %add3A_465 = arith.addi %get3A_462, %add3A_464 : vector<16xi32>
    %swap3A_466 = arith.constant 176 : index
    %swap3A_467 = tpu.vector_load %arg13[%swap3A_466] {strides = array<i32>} : memref<256xi32, #tpu.memory_space<vmem>>, vector<16xi32>,
    tpu.vector_store %arg13[%swap3A_466], %add3A_465 {strides = array<i32>} : memref<256xi32, #tpu.memory_space<vmem>>, vector<16xi32>,
    %get3A_468 = arith.constant 192 : index
    %get3A_469 = tpu.vector_load %arg11[%get3A_468] {strides = array<i32>} : memref<256xi32, #tpu.memory_space<vmem>>, vector<16xi32>,
    %add3A_470 = arith.constant 3072 : i32
    %add3A_471 = vector.broadcast %add3A_470 : i32 to vector<16xi32>
    %add3A_472 = arith.addi %get3A_469, %add3A_471 : vector<16xi32>
    %swap3A_473 = arith.constant 192 : index
    %swap3A_474 = tpu.vector_load %arg13[%swap3A_473] {strides = array<i32>} : memref<256xi32, #tpu.memory_space<vmem>>, vector<16xi32>,
    tpu.vector_store %arg13[%swap3A_473], %add3A_472 {strides = array<i32>} : memref<256xi32, #tpu.memory_space<vmem>>, vector<16xi32>,
    %get3A_475 = arith.constant 208 : index
    %get3A_476 = tpu.vector_load %arg11[%get3A_475] {strides = array<i32>} : memref<256xi32, #tpu.memory_space<vmem>>, vector<16xi32>,
    %add3A_477 = arith.constant 3328 : i32
    %add3A_478 = vector.broadcast %add3A_477 : i32 to vector<16xi32>
    %add3A_479 = arith.addi %get3A_476, %add3A_478 : vector<16xi32>
    %swap3A_480 = arith.constant 208 : index
    %swap3A_481 = tpu.vector_load %arg13[%swap3A_480] {strides = array<i32>} : memref<256xi32, #tpu.memory_space<vmem>>, vector<16xi32>,
    tpu.vector_store %arg13[%swap3A_480], %add3A_479 {strides = array<i32>} : memref<256xi32, #tpu.memory_space<vmem>>, vector<16xi32>,
    %get3A_482 = arith.constant 224 : index
    %get3A_483 = tpu.vector_load %arg11[%get3A_482] {strides = array<i32>} : memref<256xi32, #tpu.memory_space<vmem>>, vector<16xi32>,
    %add3A_484 = arith.constant 3584 : i32
    %add3A_485 = vector.broadcast %add3A_484 : i32 to vector<16xi32>
    %add3A_486 = arith.addi %get3A_483, %add3A_485 : vector<16xi32>
    %swap3A_487 = arith.constant 224 : index
    %swap3A_488 = tpu.vector_load %arg13[%swap3A_487] {strides = array<i32>} : memref<256xi32, #tpu.memory_space<vmem>>, vector<16xi32>,
    tpu.vector_store %arg13[%swap3A_487], %add3A_486 {strides = array<i32>} : memref<256xi32, #tpu.memory_space<vmem>>, vector<16xi32>,
    %get3A_489 = arith.constant 240 : index
    %get3A_490 = tpu.vector_load %arg11[%get3A_489] {strides = array<i32>} : memref<256xi32, #tpu.memory_space<vmem>>, vector<16xi32>,
    %add3A_491 = arith.constant 3840 : i32
    %add3A_492 = vector.broadcast %add3A_491 : i32 to vector<16xi32>
    %add3A_493 = arith.addi %get3A_490, %add3A_492 : vector<16xi32>
    %swap3A_494 = arith.constant 240 : index
    %swap3A_495 = tpu.vector_load %arg13[%swap3A_494] {strides = array<i32>} : memref<256xi32, #tpu.memory_space<vmem>>, vector<16xi32>,
    tpu.vector_store %arg13[%swap3A_494], %add3A_493 {strides = array<i32>} : memref<256xi32, #tpu.memory_space<vmem>>, vector<16xi32>,
    %dma_start3A_496 = arith.constant 0 : i32
    %dma_start3A_497 = arith.constant 0 : i32
    %dma_start3A_498 = tpu.memref_slice %arg17[%dma_start3A_496, %dma_start3A_497] : memref<256x128xbf16, #tpu.memory_space<vmem>> -> memref<128x128xbf16, #tpu.memory_space<vmem>>
    %dma_start3A_499 = arith.constant 0 : i32
    %dma_start3A_500 = tpu.memref_slice %arg13[%dma_start3A_499] : memref<256xi32, #tpu.memory_space<vmem>> -> memref<128xi32, #tpu.memory_space<vmem>>
    %dma_start3A_501 = arith.constant 0 : i32
    %dma_start3A_502 = arith.constant 0 : i32
    %dma_start3A_503 = tpu.memref_slice %arg4[%dma_start3A_501, %dma_start3A_502] : memref<4096x128xbf16, #tpu.memory_space<hbm>> -> memref<4096x128xbf16, #tpu.memory_space<hbm>>
    tpu.enqueue_indirect_dma source(%dma_start3A_503 : memref<4096x128xbf16, #tpu.memory_space<hbm>>) target(%dma_start3A_498 : memref<128x128xbf16, #tpu.memory_space<vmem>>) offsets(%dma_start3A_500 : memref<128xi32, #tpu.memory_space<vmem>>) semaphore(%arg21 : memref<!tpu.dma_semaphore, #tpu.memory_space<semaphore_mem>>)
    %dma_start3A_504 = arith.constant 128 : i32
    %dma_start3A_505 = arith.constant 0 : i32
    %dma_start3A_506 = tpu.memref_slice %arg17[%dma_start3A_504, %dma_start3A_505] : memref<256x128xbf16, #tpu.memory_space<vmem>> -> memref<128x128xbf16, #tpu.memory_space<vmem>>
    %dma_start3A_507 = arith.constant 128 : i32
    %dma_start3A_508 = tpu.memref_slice %arg13[%dma_start3A_507] : memref<256xi32, #tpu.memory_space<vmem>> -> memref<128xi32, #tpu.memory_space<vmem>>
    %dma_start3A_509 = arith.constant 0 : i32
    %dma_start3A_510 = arith.constant 0 : i32
    %dma_start3A_511 = tpu.memref_slice %arg4[%dma_start3A_509, %dma_start3A_510] : memref<4096x128xbf16, #tpu.memory_space<hbm>> -> memref<4096x128xbf16, #tpu.memory_space<hbm>>
    tpu.enqueue_indirect_dma source(%dma_start3A_511 : memref<4096x128xbf16, #tpu.memory_space<hbm>>) target(%dma_start3A_506 : memref<128x128xbf16, #tpu.memory_space<vmem>>) offsets(%dma_start3A_508 : memref<128xi32, #tpu.memory_space<vmem>>) semaphore(%arg21 : memref<!tpu.dma_semaphore, #tpu.memory_space<semaphore_mem>>)
    %dma_wait3A_512 = arith.constant 0 : i32
    %dma_wait3A_513 = arith.constant 0 : i32
    %dma_wait3A_514 = tpu.memref_slice %arg16[%dma_wait3A_512, %dma_wait3A_513] : memref<256x128xbf16, #tpu.memory_space<vmem>> -> memref<128x128xbf16, #tpu.memory_space<vmem>>
    %dma_wait3A_515 = arith.constant 0 : i32
    %dma_wait3A_516 = tpu.memref_slice %arg12[%dma_wait3A_515] : memref<256xi32, #tpu.memory_space<vmem>> -> memref<128xi32, #tpu.memory_space<vmem>>
    %dma_wait3A_517 = arith.constant 0 : i32
    %dma_wait3A_518 = arith.constant 0 : i32
    %dma_wait3A_519 = tpu.memref_slice %arg4[%dma_wait3A_517, %dma_wait3A_518] : memref<4096x128xbf16, #tpu.memory_space<hbm>> -> memref<4096x128xbf16, #tpu.memory_space<hbm>>
    tpu.wait_indirect_dma semaphore(%arg20 : memref<!tpu.dma_semaphore, #tpu.memory_space<semaphore_mem>>) src(%dma_wait3A_519 : memref<4096x128xbf16, #tpu.memory_space<hbm>>) dst(%dma_wait3A_514 : memref<128x128xbf16, #tpu.memory_space<vmem>>)
    %dma_wait3A_520 = arith.constant 128 : i32
    %dma_wait3A_521 = arith.constant 0 : i32
    %dma_wait3A_522 = tpu.memref_slice %arg16[%dma_wait3A_520, %dma_wait3A_521] : memref<256x128xbf16, #tpu.memory_space<vmem>> -> memref<128x128xbf16, #tpu.memory_space<vmem>>
    %dma_wait3A_523 = arith.constant 128 : i32
    %dma_wait3A_524 = tpu.memref_slice %arg12[%dma_wait3A_523] : memref<256xi32, #tpu.memory_space<vmem>> -> memref<128xi32, #tpu.memory_space<vmem>>
    %dma_wait3A_525 = arith.constant 0 : i32
    %dma_wait3A_526 = arith.constant 0 : i32
    %dma_wait3A_527 = tpu.memref_slice %arg4[%dma_wait3A_525, %dma_wait3A_526] : memref<4096x128xbf16, #tpu.memory_space<hbm>> -> memref<4096x128xbf16, #tpu.memory_space<hbm>>
    tpu.wait_indirect_dma semaphore(%arg20 : memref<!tpu.dma_semaphore, #tpu.memory_space<semaphore_mem>>) src(%dma_wait3A_527 : memref<4096x128xbf16, #tpu.memory_space<hbm>>) dst(%dma_wait3A_522 : memref<128x128xbf16, #tpu.memory_space<vmem>>)
    %dma_wait3A_528 = arith.constant 480 : i32
    %dma_wait3A_529 = tpu.memref_slice %arg7[%dma_wait3A_528] : memref<512xi32, #tpu.memory_space<vmem>> -> memref<16xi32, #tpu.memory_space<vmem>>
    %dma_wait3A_530 = arith.constant 0 : i32
    %dma_wait3A_531 = arith.constant 0 : i32
    %dma_wait3A_532 = tpu.memref_slice %arg5[%dma_wait3A_530, %dma_wait3A_531] : memref<100000x128xf32, #tpu.memory_space<hbm>> -> memref<100000x128xf32, #tpu.memory_space<hbm>>
    tpu.wait_indirect_dma semaphore(%arg22 : memref<!tpu.dma_semaphore, #tpu.memory_space<semaphore_mem>>) src(%dma_wait3A_532 : memref<100000x128xf32, #tpu.memory_space<hbm>>) dst(%arg14 : memref<16x128xf32, #tpu.memory_space<vmem>>)
    %scan3A_533 = arith.constant 0 : i32
    %scan3A_534 = arith.constant 0 : i32
    %scan3A_535 = arith.constant 16 : i32
    %scan3A_536 = arith.addi %scan3A_534, %scan3A_535 : i32
    %scan3A_537 = arith.constant 1 : i32
    scf.for %scan3A_570 = %scan3A_534 to %scan3A_536 step %scan3A_537  : i32 {
      %get3A_571 = arith.index_cast %scan3A_570 : i32 to index
      %get3A_572 = arith.constant 0 : index
      %get3A_573 = tpu.vector_load %arg14[%get3A_571, %get3A_572] {strides = array<i32>} : memref<16x128xf32, #tpu.memory_space<vmem>>, vector<16xf32>,
      %get3A_574 = arith.index_cast %scan3A_570 : i32 to index
      %get3A_575 = arith.constant 16 : index
      %get3A_576 = tpu.vector_load %arg14[%get3A_574, %get3A_575] {strides = array<i32>} : memref<16x128xf32, #tpu.memory_space<vmem>>, vector<16xf32>,
      %add3A_577 = arith.constant 0 : i32
      %add3A_578 = arith.addi %add3A_577, %scan3A_570 : i32
      %get3A_579 = arith.index_cast %add3A_578 : i32 to index
      %get3A_580 = arith.constant 0 : index
      %get3A_581 = tpu.vector_load %arg16[%get3A_579, %get3A_580] {strides = array<i32>} : memref<256x128xbf16, #tpu.memory_space<vmem>>, vector<32xbf16>,
      %add3A_582 = arith.constant 16 : i32
      %add3A_583 = arith.addi %add3A_582, %scan3A_570 : i32
      %get3A_584 = arith.index_cast %add3A_583 : i32 to index
      %get3A_585 = arith.constant 0 : index
      %get3A_586 = tpu.vector_load %arg16[%get3A_584, %get3A_585] {strides = array<i32>} : memref<256x128xbf16, #tpu.memory_space<vmem>>, vector<32xbf16>,
      %add3A_587 = arith.addf %get3A_581, %get3A_586 : vector<32xbf16>
      %unpack3A = tpu.unpack_subelements %add3A_587, 0 {pack_format = #tpu.pack_format<interleaved>} : vector<32xbf16> -> vector<16xf32>
      %unpack3A_588 = tpu.unpack_subelements %add3A_587, 1 {pack_format = #tpu.pack_format<interleaved>} : vector<32xbf16> -> vector<16xf32>
      %add3A_589 = arith.addf %get3A_573, %unpack3A : vector<16xf32>
      %add3A_590 = arith.addf %get3A_576, %unpack3A_588 : vector<16xf32>
      %add3A_591 = arith.constant 32 : i32
      %add3A_592 = arith.addi %add3A_591, %scan3A_570 : i32
      %get3A_593 = arith.index_cast %add3A_592 : i32 to index
      %get3A_594 = arith.constant 0 : index
      %get3A_595 = tpu.vector_load %arg16[%get3A_593, %get3A_594] {strides = array<i32>} : memref<256x128xbf16, #tpu.memory_space<vmem>>, vector<32xbf16>,
      %add3A_596 = arith.constant 48 : i32
      %add3A_597 = arith.addi %add3A_596, %scan3A_570 : i32
      %get3A_598 = arith.index_cast %add3A_597 : i32 to index
      %get3A_599 = arith.constant 0 : index
      %get3A_600 = tpu.vector_load %arg16[%get3A_598, %get3A_599] {strides = array<i32>} : memref<256x128xbf16, #tpu.memory_space<vmem>>, vector<32xbf16>,
      %add3A_601 = arith.addf %get3A_595, %get3A_600 : vector<32xbf16>
      %unpack3A_602 = tpu.unpack_subelements %add3A_601, 0 {pack_format = #tpu.pack_format<interleaved>} : vector<32xbf16> -> vector<16xf32>
      %unpack3A_603 = tpu.unpack_subelements %add3A_601, 1 {pack_format = #tpu.pack_format<interleaved>} : vector<32xbf16> -> vector<16xf32>
      %add3A_604 = arith.addf %add3A_589, %unpack3A_602 : vector<16xf32>
      %add3A_605 = arith.addf %add3A_590, %unpack3A_603 : vector<16xf32>
      %add3A_606 = arith.constant 64 : i32
      %add3A_607 = arith.addi %add3A_606, %scan3A_570 : i32
      %get3A_608 = arith.index_cast %add3A_607 : i32 to index
      %get3A_609 = arith.constant 0 : index
      %get3A_610 = tpu.vector_load %arg16[%get3A_608, %get3A_609] {strides = array<i32>} : memref<256x128xbf16, #tpu.memory_space<vmem>>, vector<32xbf16>,
      %add3A_611 = arith.constant 80 : i32
      %add3A_612 = arith.addi %add3A_611, %scan3A_570 : i32
      %get3A_613 = arith.index_cast %add3A_612 : i32 to index
      %get3A_614 = arith.constant 0 : index
      %get3A_615 = tpu.vector_load %arg16[%get3A_613, %get3A_614] {strides = array<i32>} : memref<256x128xbf16, #tpu.memory_space<vmem>>, vector<32xbf16>,
      %add3A_616 = arith.addf %get3A_610, %get3A_615 : vector<32xbf16>
      %unpack3A_617 = tpu.unpack_subelements %add3A_616, 0 {pack_format = #tpu.pack_format<interleaved>} : vector<32xbf16> -> vector<16xf32>
      %unpack3A_618 = tpu.unpack_subelements %add3A_616, 1 {pack_format = #tpu.pack_format<interleaved>} : vector<32xbf16> -> vector<16xf32>
      %add3A_619 = arith.addf %add3A_604, %unpack3A_617 : vector<16xf32>
      %add3A_620 = arith.addf %add3A_605, %unpack3A_618 : vector<16xf32>
      %add3A_621 = arith.constant 96 : i32
      %add3A_622 = arith.addi %add3A_621, %scan3A_570 : i32
      %get3A_623 = arith.index_cast %add3A_622 : i32 to index
      %get3A_624 = arith.constant 0 : index
      %get3A_625 = tpu.vector_load %arg16[%get3A_623, %get3A_624] {strides = array<i32>} : memref<256x128xbf16, #tpu.memory_space<vmem>>, vector<32xbf16>,
      %add3A_626 = arith.constant 112 : i32
      %add3A_627 = arith.addi %add3A_626, %scan3A_570 : i32
      %get3A_628 = arith.index_cast %add3A_627 : i32 to index
      %get3A_629 = arith.constant 0 : index
      %get3A_630 = tpu.vector_load %arg16[%get3A_628, %get3A_629] {strides = array<i32>} : memref<256x128xbf16, #tpu.memory_space<vmem>>, vector<32xbf16>,
      %add3A_631 = arith.addf %get3A_625, %get3A_630 : vector<32xbf16>
      %unpack3A_632 = tpu.unpack_subelements %add3A_631, 0 {pack_format = #tpu.pack_format<interleaved>} : vector<32xbf16> -> vector<16xf32>
      %unpack3A_633 = tpu.unpack_subelements %add3A_631, 1 {pack_format = #tpu.pack_format<interleaved>} : vector<32xbf16> -> vector<16xf32>
      %add3A_634 = arith.addf %add3A_619, %unpack3A_632 : vector<16xf32>
      %add3A_635 = arith.addf %add3A_620, %unpack3A_633 : vector<16xf32>
      %add3A_636 = arith.constant 128 : i32
      %add3A_637 = arith.addi %add3A_636, %scan3A_570 : i32
      %get3A_638 = arith.index_cast %add3A_637 : i32 to index
      %get3A_639 = arith.constant 0 : index
      %get3A_640 = tpu.vector_load %arg16[%get3A_638, %get3A_639] {strides = array<i32>} : memref<256x128xbf16, #tpu.memory_space<vmem>>, vector<32xbf16>,
      %add3A_641 = arith.constant 144 : i32
      %add3A_642 = arith.addi %add3A_641, %scan3A_570 : i32
      %get3A_643 = arith.index_cast %add3A_642 : i32 to index
      %get3A_644 = arith.constant 0 : index
      %get3A_645 = tpu.vector_load %arg16[%get3A_643, %get3A_644] {strides = array<i32>} : memref<256x128xbf16, #tpu.memory_space<vmem>>, vector<32xbf16>,
      %add3A_646 = arith.addf %get3A_640, %get3A_645 : vector<32xbf16>
      %unpack3A_647 = tpu.unpack_subelements %add3A_646, 0 {pack_format = #tpu.pack_format<interleaved>} : vector<32xbf16> -> vector<16xf32>
      %unpack3A_648 = tpu.unpack_subelements %add3A_646, 1 {pack_format = #tpu.pack_format<interleaved>} : vector<32xbf16> -> vector<16xf32>
      %add3A_649 = arith.addf %add3A_634, %unpack3A_647 : vector<16xf32>
      %add3A_650 = arith.addf %add3A_635, %unpack3A_648 : vector<16xf32>
      %add3A_651 = arith.constant 160 : i32
      %add3A_652 = arith.addi %add3A_651, %scan3A_570 : i32
      %get3A_653 = arith.index_cast %add3A_652 : i32 to index
      %get3A_654 = arith.constant 0 : index
      %get3A_655 = tpu.vector_load %arg16[%get3A_653, %get3A_654] {strides = array<i32>} : memref<256x128xbf16, #tpu.memory_space<vmem>>, vector<32xbf16>,
      %add3A_656 = arith.constant 176 : i32
      %add3A_657 = arith.addi %add3A_656, %scan3A_570 : i32
      %get3A_658 = arith.index_cast %add3A_657 : i32 to index
      %get3A_659 = arith.constant 0 : index
      %get3A_660 = tpu.vector_load %arg16[%get3A_658, %get3A_659] {strides = array<i32>} : memref<256x128xbf16, #tpu.memory_space<vmem>>, vector<32xbf16>,
      %add3A_661 = arith.addf %get3A_655, %get3A_660 : vector<32xbf16>
      %unpack3A_662 = tpu.unpack_subelements %add3A_661, 0 {pack_format = #tpu.pack_format<interleaved>} : vector<32xbf16> -> vector<16xf32>
      %unpack3A_663 = tpu.unpack_subelements %add3A_661, 1 {pack_format = #tpu.pack_format<interleaved>} : vector<32xbf16> -> vector<16xf32>
      %add3A_664 = arith.addf %add3A_649, %unpack3A_662 : vector<16xf32>
      %add3A_665 = arith.addf %add3A_650, %unpack3A_663 : vector<16xf32>
      %add3A_666 = arith.constant 192 : i32
      %add3A_667 = arith.addi %add3A_666, %scan3A_570 : i32
      %get3A_668 = arith.index_cast %add3A_667 : i32 to index
      %get3A_669 = arith.constant 0 : index
      %get3A_670 = tpu.vector_load %arg16[%get3A_668, %get3A_669] {strides = array<i32>} : memref<256x128xbf16, #tpu.memory_space<vmem>>, vector<32xbf16>,
      %add3A_671 = arith.constant 208 : i32
      %add3A_672 = arith.addi %add3A_671, %scan3A_570 : i32
      %get3A_673 = arith.index_cast %add3A_672 : i32 to index
      %get3A_674 = arith.constant 0 : index
      %get3A_675 = tpu.vector_load %arg16[%get3A_673, %get3A_674] {strides = array<i32>} : memref<256x128xbf16, #tpu.memory_space<vmem>>, vector<32xbf16>,
      %add3A_676 = arith.addf %get3A_670, %get3A_675 : vector<32xbf16>
      %unpack3A_677 = tpu.unpack_subelements %add3A_676, 0 {pack_format = #tpu.pack_format<interleaved>} : vector<32xbf16> -> vector<16xf32>
      %unpack3A_678 = tpu.unpack_subelements %add3A_676, 1 {pack_format = #tpu.pack_format<interleaved>} : vector<32xbf16> -> vector<16xf32>
      %add3A_679 = arith.addf %add3A_664, %unpack3A_677 : vector<16xf32>
      %add3A_680 = arith.addf %add3A_665, %unpack3A_678 : vector<16xf32>
      %add3A_681 = arith.constant 224 : i32
      %add3A_682 = arith.addi %add3A_681, %scan3A_570 : i32
      %get3A_683 = arith.index_cast %add3A_682 : i32 to index
      %get3A_684 = arith.constant 0 : index
      %get3A_685 = tpu.vector_load %arg16[%get3A_683, %get3A_684] {strides = array<i32>} : memref<256x128xbf16, #tpu.memory_space<vmem>>, vector<32xbf16>,
      %add3A_686 = arith.constant 240 : i32
      %add3A_687 = arith.addi %add3A_686, %scan3A_570 : i32
      %get3A_688 = arith.index_cast %add3A_687 : i32 to index
      %get3A_689 = arith.constant 0 : index
      %get3A_690 = tpu.vector_load %arg16[%get3A_688, %get3A_689] {strides = array<i32>} : memref<256x128xbf16, #tpu.memory_space<vmem>>, vector<32xbf16>,
      %add3A_691 = arith.addf %get3A_685, %get3A_690 : vector<32xbf16>
      %unpack3A_692 = tpu.unpack_subelements %add3A_691, 0 {pack_format = #tpu.pack_format<interleaved>} : vector<32xbf16> -> vector<16xf32>
      %unpack3A_693 = tpu.unpack_subelements %add3A_691, 1 {pack_format = #tpu.pack_format<interleaved>} : vector<32xbf16> -> vector<16xf32>
      %add3A_694 = arith.addf %add3A_679, %unpack3A_692 : vector<16xf32>
      %add3A_695 = arith.addf %add3A_680, %unpack3A_693 : vector<16xf32>
      %swap3A_696 = arith.index_cast %scan3A_570 : i32 to index
      %swap3A_697 = arith.constant 0 : index
      %swap3A_698 = tpu.vector_load %arg14[%swap3A_696, %swap3A_697] {strides = array<i32>} : memref<16x128xf32, #tpu.memory_space<vmem>>, vector<16xf32>,
      tpu.vector_store %arg14[%swap3A_696, %swap3A_697], %add3A_694 {strides = array<i32>} : memref<16x128xf32, #tpu.memory_space<vmem>>, vector<16xf32>,
      %swap3A_699 = arith.index_cast %scan3A_570 : i32 to index
      %swap3A_700 = arith.constant 16 : index
      %swap3A_701 = tpu.vector_load %arg14[%swap3A_699, %swap3A_700] {strides = array<i32>} : memref<16x128xf32, #tpu.memory_space<vmem>>, vector<16xf32>,
      tpu.vector_store %arg14[%swap3A_699, %swap3A_700], %add3A_695 {strides = array<i32>} : memref<16x128xf32, #tpu.memory_space<vmem>>, vector<16xf32>,
      %get3A_702 = arith.index_cast %scan3A_570 : i32 to index
      %get3A_703 = arith.constant 32 : index
      %get3A_704 = tpu.vector_load %arg14[%get3A_702, %get3A_703] {strides = array<i32>} : memref<16x128xf32, #tpu.memory_space<vmem>>, vector<16xf32>,
      %get3A_705 = arith.index_cast %scan3A_570 : i32 to index
      %get3A_706 = arith.constant 48 : index
      %get3A_707 = tpu.vector_load %arg14[%get3A_705, %get3A_706] {strides = array<i32>} : memref<16x128xf32, #tpu.memory_space<vmem>>, vector<16xf32>,
      %add3A_708 = arith.constant 0 : i32
      %add3A_709 = arith.addi %add3A_708, %scan3A_570 : i32
      %get3A_710 = arith.index_cast %add3A_709 : i32 to index
      %get3A_711 = arith.constant 32 : index
      %get3A_712 = tpu.vector_load %arg16[%get3A_710, %get3A_711] {strides = array<i32>} : memref<256x128xbf16, #tpu.memory_space<vmem>>, vector<32xbf16>,
      %add3A_713 = arith.constant 16 : i32
      %add3A_714 = arith.addi %add3A_713, %scan3A_570 : i32
      %get3A_715 = arith.index_cast %add3A_714 : i32 to index
      %get3A_716 = arith.constant 32 : index
      %get3A_717 = tpu.vector_load %arg16[%get3A_715, %get3A_716] {strides = array<i32>} : memref<256x128xbf16, #tpu.memory_space<vmem>>, vector<32xbf16>,
      %add3A_718 = arith.addf %get3A_712, %get3A_717 : vector<32xbf16>
      %unpack3A_719 = tpu.unpack_subelements %add3A_718, 0 {pack_format = #tpu.pack_format<interleaved>} : vector<32xbf16> -> vector<16xf32>
      %unpack3A_720 = tpu.unpack_subelements %add3A_718, 1 {pack_format = #tpu.pack_format<interleaved>} : vector<32xbf16> -> vector<16xf32>
      %add3A_721 = arith.addf %get3A_704, %unpack3A_719 : vector<16xf32>
      %add3A_722 = arith.addf %get3A_707, %unpack3A_720 : vector<16xf32>
      %add3A_723 = arith.constant 32 : i32
      %add3A_724 = arith.addi %add3A_723, %scan3A_570 : i32
      %get3A_725 = arith.index_cast %add3A_724 : i32 to index
      %get3A_726 = arith.constant 32 : index
      %get3A_727 = tpu.vector_load %arg16[%get3A_725, %get3A_726] {strides = array<i32>} : memref<256x128xbf16, #tpu.memory_space<vmem>>, vector<32xbf16>,
      %add3A_728 = arith.constant 48 : i32
      %add3A_729 = arith.addi %add3A_728, %scan3A_570 : i32
      %get3A_730 = arith.index_cast %add3A_729 : i32 to index
      %get3A_731 = arith.constant 32 : index
      %get3A_732 = tpu.vector_load %arg16[%get3A_730, %get3A_731] {strides = array<i32>} : memref<256x128xbf16, #tpu.memory_space<vmem>>, vector<32xbf16>,
      %add3A_733 = arith.addf %get3A_727, %get3A_732 : vector<32xbf16>
      %unpack3A_734 = tpu.unpack_subelements %add3A_733, 0 {pack_format = #tpu.pack_format<interleaved>} : vector<32xbf16> -> vector<16xf32>
      %unpack3A_735 = tpu.unpack_subelements %add3A_733, 1 {pack_format = #tpu.pack_format<interleaved>} : vector<32xbf16> -> vector<16xf32>
      %add3A_736 = arith.addf %add3A_721, %unpack3A_734 : vector<16xf32>
      %add3A_737 = arith.addf %add3A_722, %unpack3A_735 : vector<16xf32>
      %add3A_738 = arith.constant 64 : i32
      %add3A_739 = arith.addi %add3A_738, %scan3A_570 : i32
      %get3A_740 = arith.index_cast %add3A_739 : i32 to index
      %get3A_741 = arith.constant 32 : index
      %get3A_742 = tpu.vector_load %arg16[%get3A_740, %get3A_741] {strides = array<i32>} : memref<256x128xbf16, #tpu.memory_space<vmem>>, vector<32xbf16>,
      %add3A_743 = arith.constant 80 : i32
      %add3A_744 = arith.addi %add3A_743, %scan3A_570 : i32
      %get3A_745 = arith.index_cast %add3A_744 : i32 to index
      %get3A_746 = arith.constant 32 : index
      %get3A_747 = tpu.vector_load %arg16[%get3A_745, %get3A_746] {strides = array<i32>} : memref<256x128xbf16, #tpu.memory_space<vmem>>, vector<32xbf16>,
      %add3A_748 = arith.addf %get3A_742, %get3A_747 : vector<32xbf16>
      %unpack3A_749 = tpu.unpack_subelements %add3A_748, 0 {pack_format = #tpu.pack_format<interleaved>} : vector<32xbf16> -> vector<16xf32>
      %unpack3A_750 = tpu.unpack_subelements %add3A_748, 1 {pack_format = #tpu.pack_format<interleaved>} : vector<32xbf16> -> vector<16xf32>
      %add3A_751 = arith.addf %add3A_736, %unpack3A_749 : vector<16xf32>
      %add3A_752 = arith.addf %add3A_737, %unpack3A_750 : vector<16xf32>
      %add3A_753 = arith.constant 96 : i32
      %add3A_754 = arith.addi %add3A_753, %scan3A_570 : i32
      %get3A_755 = arith.index_cast %add3A_754 : i32 to index
      %get3A_756 = arith.constant 32 : index
      %get3A_757 = tpu.vector_load %arg16[%get3A_755, %get3A_756] {strides = array<i32>} : memref<256x128xbf16, #tpu.memory_space<vmem>>, vector<32xbf16>,
      %add3A_758 = arith.constant 112 : i32
      %add3A_759 = arith.addi %add3A_758, %scan3A_570 : i32
      %get3A_760 = arith.index_cast %add3A_759 : i32 to index
      %get3A_761 = arith.constant 32 : index
      %get3A_762 = tpu.vector_load %arg16[%get3A_760, %get3A_761] {strides = array<i32>} : memref<256x128xbf16, #tpu.memory_space<vmem>>, vector<32xbf16>,
      %add3A_763 = arith.addf %get3A_757, %get3A_762 : vector<32xbf16>
      %unpack3A_764 = tpu.unpack_subelements %add3A_763, 0 {pack_format = #tpu.pack_format<interleaved>} : vector<32xbf16> -> vector<16xf32>
      %unpack3A_765 = tpu.unpack_subelements %add3A_763, 1 {pack_format = #tpu.pack_format<interleaved>} : vector<32xbf16> -> vector<16xf32>
      %add3A_766 = arith.addf %add3A_751, %unpack3A_764 : vector<16xf32>
      %add3A_767 = arith.addf %add3A_752, %unpack3A_765 : vector<16xf32>
      %add3A_768 = arith.constant 128 : i32
      %add3A_769 = arith.addi %add3A_768, %scan3A_570 : i32
      %get3A_770 = arith.index_cast %add3A_769 : i32 to index
      %get3A_771 = arith.constant 32 : index
      %get3A_772 = tpu.vector_load %arg16[%get3A_770, %get3A_771] {strides = array<i32>} : memref<256x128xbf16, #tpu.memory_space<vmem>>, vector<32xbf16>,
      %add3A_773 = arith.constant 144 : i32
      %add3A_774 = arith.addi %add3A_773, %scan3A_570 : i32
      %get3A_775 = arith.index_cast %add3A_774 : i32 to index
      %get3A_776 = arith.constant 32 : index
      %get3A_777 = tpu.vector_load %arg16[%get3A_775, %get3A_776] {strides = array<i32>} : memref<256x128xbf16, #tpu.memory_space<vmem>>, vector<32xbf16>,
      %add3A_778 = arith.addf %get3A_772, %get3A_777 : vector<32xbf16>
      %unpack3A_779 = tpu.unpack_subelements %add3A_778, 0 {pack_format = #tpu.pack_format<interleaved>} : vector<32xbf16> -> vector<16xf32>
      %unpack3A_780 = tpu.unpack_subelements %add3A_778, 1 {pack_format = #tpu.pack_format<interleaved>} : vector<32xbf16> -> vector<16xf32>
      %add3A_781 = arith.addf %add3A_766, %unpack3A_779 : vector<16xf32>
      %add3A_782 = arith.addf %add3A_767, %unpack3A_780 : vector<16xf32>
      %add3A_783 = arith.constant 160 : i32
      %add3A_784 = arith.addi %add3A_783, %scan3A_570 : i32
      %get3A_785 = arith.index_cast %add3A_784 : i32 to index
      %get3A_786 = arith.constant 32 : index
      %get3A_787 = tpu.vector_load %arg16[%get3A_785, %get3A_786] {strides = array<i32>} : memref<256x128xbf16, #tpu.memory_space<vmem>>, vector<32xbf16>,
      %add3A_788 = arith.constant 176 : i32
      %add3A_789 = arith.addi %add3A_788, %scan3A_570 : i32
      %get3A_790 = arith.index_cast %add3A_789 : i32 to index
      %get3A_791 = arith.constant 32 : index
      %get3A_792 = tpu.vector_load %arg16[%get3A_790, %get3A_791] {strides = array<i32>} : memref<256x128xbf16, #tpu.memory_space<vmem>>, vector<32xbf16>,
      %add3A_793 = arith.addf %get3A_787, %get3A_792 : vector<32xbf16>
      %unpack3A_794 = tpu.unpack_subelements %add3A_793, 0 {pack_format = #tpu.pack_format<interleaved>} : vector<32xbf16> -> vector<16xf32>
      %unpack3A_795 = tpu.unpack_subelements %add3A_793, 1 {pack_format = #tpu.pack_format<interleaved>} : vector<32xbf16> -> vector<16xf32>
      %add3A_796 = arith.addf %add3A_781, %unpack3A_794 : vector<16xf32>
      %add3A_797 = arith.addf %add3A_782, %unpack3A_795 : vector<16xf32>
      %add3A_798 = arith.constant 192 : i32
      %add3A_799 = arith.addi %add3A_798, %scan3A_570 : i32
      %get3A_800 = arith.index_cast %add3A_799 : i32 to index
      %get3A_801 = arith.constant 32 : index
      %get3A_802 = tpu.vector_load %arg16[%get3A_800, %get3A_801] {strides = array<i32>} : memref<256x128xbf16, #tpu.memory_space<vmem>>, vector<32xbf16>,
      %add3A_803 = arith.constant 208 : i32
      %add3A_804 = arith.addi %add3A_803, %scan3A_570 : i32
      %get3A_805 = arith.index_cast %add3A_804 : i32 to index
      %get3A_806 = arith.constant 32 : index
      %get3A_807 = tpu.vector_load %arg16[%get3A_805, %get3A_806] {strides = array<i32>} : memref<256x128xbf16, #tpu.memory_space<vmem>>, vector<32xbf16>,
      %add3A_808 = arith.addf %get3A_802, %get3A_807 : vector<32xbf16>
      %unpack3A_809 = tpu.unpack_subelements %add3A_808, 0 {pack_format = #tpu.pack_format<interleaved>} : vector<32xbf16> -> vector<16xf32>
      %unpack3A_810 = tpu.unpack_subelements %add3A_808, 1 {pack_format = #tpu.pack_format<interleaved>} : vector<32xbf16> -> vector<16xf32>
      %add3A_811 = arith.addf %add3A_796, %unpack3A_809 : vector<16xf32>
      %add3A_812 = arith.addf %add3A_797, %unpack3A_810 : vector<16xf32>
      %add3A_813 = arith.constant 224 : i32
      %add3A_814 = arith.addi %add3A_813, %scan3A_570 : i32
      %get3A_815 = arith.index_cast %add3A_814 : i32 to index
      %get3A_816 = arith.constant 32 : index
      %get3A_817 = tpu.vector_load %arg16[%get3A_815, %get3A_816] {strides = array<i32>} : memref<256x128xbf16, #tpu.memory_space<vmem>>, vector<32xbf16>,
      %add3A_818 = arith.constant 240 : i32
      %add3A_819 = arith.addi %add3A_818, %scan3A_570 : i32
      %get3A_820 = arith.index_cast %add3A_819 : i32 to index
      %get3A_821 = arith.constant 32 : index
      %get3A_822 = tpu.vector_load %arg16[%get3A_820, %get3A_821] {strides = array<i32>} : memref<256x128xbf16, #tpu.memory_space<vmem>>, vector<32xbf16>,
      %add3A_823 = arith.addf %get3A_817, %get3A_822 : vector<32xbf16>
      %unpack3A_824 = tpu.unpack_subelements %add3A_823, 0 {pack_format = #tpu.pack_format<interleaved>} : vector<32xbf16> -> vector<16xf32>
      %unpack3A_825 = tpu.unpack_subelements %add3A_823, 1 {pack_format = #tpu.pack_format<interleaved>} : vector<32xbf16> -> vector<16xf32>
      %add3A_826 = arith.addf %add3A_811, %unpack3A_824 : vector<16xf32>
      %add3A_827 = arith.addf %add3A_812, %unpack3A_825 : vector<16xf32>
      %swap3A_828 = arith.index_cast %scan3A_570 : i32 to index
      %swap3A_829 = arith.constant 32 : index
      %swap3A_830 = tpu.vector_load %arg14[%swap3A_828, %swap3A_829] {strides = array<i32>} : memref<16x128xf32, #tpu.memory_space<vmem>>, vector<16xf32>,
      tpu.vector_store %arg14[%swap3A_828, %swap3A_829], %add3A_826 {strides = array<i32>} : memref<16x128xf32, #tpu.memory_space<vmem>>, vector<16xf32>,
      %swap3A_831 = arith.index_cast %scan3A_570 : i32 to index
      %swap3A_832 = arith.constant 48 : index
      %swap3A_833 = tpu.vector_load %arg14[%swap3A_831, %swap3A_832] {strides = array<i32>} : memref<16x128xf32, #tpu.memory_space<vmem>>, vector<16xf32>,
      tpu.vector_store %arg14[%swap3A_831, %swap3A_832], %add3A_827 {strides = array<i32>} : memref<16x128xf32, #tpu.memory_space<vmem>>, vector<16xf32>,
      %get3A_834 = arith.index_cast %scan3A_570 : i32 to index
      %get3A_835 = arith.constant 64 : index
      %get3A_836 = tpu.vector_load %arg14[%get3A_834, %get3A_835] {strides = array<i32>} : memref<16x128xf32, #tpu.memory_space<vmem>>, vector<16xf32>,
      %get3A_837 = arith.index_cast %scan3A_570 : i32 to index
      %get3A_838 = arith.constant 80 : index
      %get3A_839 = tpu.vector_load %arg14[%get3A_837, %get3A_838] {strides = array<i32>} : memref<16x128xf32, #tpu.memory_space<vmem>>, vector<16xf32>,
      %add3A_840 = arith.constant 0 : i32
      %add3A_841 = arith.addi %add3A_840, %scan3A_570 : i32
      %get3A_842 = arith.index_cast %add3A_841 : i32 to index
      %get3A_843 = arith.constant 64 : index
      %get3A_844 = tpu.vector_load %arg16[%get3A_842, %get3A_843] {strides = array<i32>} : memref<256x128xbf16, #tpu.memory_space<vmem>>, vector<32xbf16>,
      %add3A_845 = arith.constant 16 : i32
      %add3A_846 = arith.addi %add3A_845, %scan3A_570 : i32
      %get3A_847 = arith.index_cast %add3A_846 : i32 to index
      %get3A_848 = arith.constant 64 : index
      %get3A_849 = tpu.vector_load %arg16[%get3A_847, %get3A_848] {strides = array<i32>} : memref<256x128xbf16, #tpu.memory_space<vmem>>, vector<32xbf16>,
      %add3A_850 = arith.addf %get3A_844, %get3A_849 : vector<32xbf16>
      %unpack3A_851 = tpu.unpack_subelements %add3A_850, 0 {pack_format = #tpu.pack_format<interleaved>} : vector<32xbf16> -> vector<16xf32>
      %unpack3A_852 = tpu.unpack_subelements %add3A_850, 1 {pack_format = #tpu.pack_format<interleaved>} : vector<32xbf16> -> vector<16xf32>
      %add3A_853 = arith.addf %get3A_836, %unpack3A_851 : vector<16xf32>
      %add3A_854 = arith.addf %get3A_839, %unpack3A_852 : vector<16xf32>
      %add3A_855 = arith.constant 32 : i32
      %add3A_856 = arith.addi %add3A_855, %scan3A_570 : i32
      %get3A_857 = arith.index_cast %add3A_856 : i32 to index
      %get3A_858 = arith.constant 64 : index
      %get3A_859 = tpu.vector_load %arg16[%get3A_857, %get3A_858] {strides = array<i32>} : memref<256x128xbf16, #tpu.memory_space<vmem>>, vector<32xbf16>,
      %add3A_860 = arith.constant 48 : i32
      %add3A_861 = arith.addi %add3A_860, %scan3A_570 : i32
      %get3A_862 = arith.index_cast %add3A_861 : i32 to index
      %get3A_863 = arith.constant 64 : index
      %get3A_864 = tpu.vector_load %arg16[%get3A_862, %get3A_863] {strides = array<i32>} : memref<256x128xbf16, #tpu.memory_space<vmem>>, vector<32xbf16>,
      %add3A_865 = arith.addf %get3A_859, %get3A_864 : vector<32xbf16>
      %unpack3A_866 = tpu.unpack_subelements %add3A_865, 0 {pack_format = #tpu.pack_format<interleaved>} : vector<32xbf16> -> vector<16xf32>
      %unpack3A_867 = tpu.unpack_subelements %add3A_865, 1 {pack_format = #tpu.pack_format<interleaved>} : vector<32xbf16> -> vector<16xf32>
      %add3A_868 = arith.addf %add3A_853, %unpack3A_866 : vector<16xf32>
      %add3A_869 = arith.addf %add3A_854, %unpack3A_867 : vector<16xf32>
      %add3A_870 = arith.constant 64 : i32
      %add3A_871 = arith.addi %add3A_870, %scan3A_570 : i32
      %get3A_872 = arith.index_cast %add3A_871 : i32 to index
      %get3A_873 = arith.constant 64 : index
      %get3A_874 = tpu.vector_load %arg16[%get3A_872, %get3A_873] {strides = array<i32>} : memref<256x128xbf16, #tpu.memory_space<vmem>>, vector<32xbf16>,
      %add3A_875 = arith.constant 80 : i32
      %add3A_876 = arith.addi %add3A_875, %scan3A_570 : i32
      %get3A_877 = arith.index_cast %add3A_876 : i32 to index
      %get3A_878 = arith.constant 64 : index
      %get3A_879 = tpu.vector_load %arg16[%get3A_877, %get3A_878] {strides = array<i32>} : memref<256x128xbf16, #tpu.memory_space<vmem>>, vector<32xbf16>,
      %add3A_880 = arith.addf %get3A_874, %get3A_879 : vector<32xbf16>
      %unpack3A_881 = tpu.unpack_subelements %add3A_880, 0 {pack_format = #tpu.pack_format<interleaved>} : vector<32xbf16> -> vector<16xf32>
      %unpack3A_882 = tpu.unpack_subelements %add3A_880, 1 {pack_format = #tpu.pack_format<interleaved>} : vector<32xbf16> -> vector<16xf32>
      %add3A_883 = arith.addf %add3A_868, %unpack3A_881 : vector<16xf32>
      %add3A_884 = arith.addf %add3A_869, %unpack3A_882 : vector<16xf32>
      %add3A_885 = arith.constant 96 : i32
      %add3A_886 = arith.addi %add3A_885, %scan3A_570 : i32
      %get3A_887 = arith.index_cast %add3A_886 : i32 to index
      %get3A_888 = arith.constant 64 : index
      %get3A_889 = tpu.vector_load %arg16[%get3A_887, %get3A_888] {strides = array<i32>} : memref<256x128xbf16, #tpu.memory_space<vmem>>, vector<32xbf16>,
      %add3A_890 = arith.constant 112 : i32
      %add3A_891 = arith.addi %add3A_890, %scan3A_570 : i32
      %get3A_892 = arith.index_cast %add3A_891 : i32 to index
      %get3A_893 = arith.constant 64 : index
      %get3A_894 = tpu.vector_load %arg16[%get3A_892, %get3A_893] {strides = array<i32>} : memref<256x128xbf16, #tpu.memory_space<vmem>>, vector<32xbf16>,
      %add3A_895 = arith.addf %get3A_889, %get3A_894 : vector<32xbf16>
      %unpack3A_896 = tpu.unpack_subelements %add3A_895, 0 {pack_format = #tpu.pack_format<interleaved>} : vector<32xbf16> -> vector<16xf32>
      %unpack3A_897 = tpu.unpack_subelements %add3A_895, 1 {pack_format = #tpu.pack_format<interleaved>} : vector<32xbf16> -> vector<16xf32>
      %add3A_898 = arith.addf %add3A_883, %unpack3A_896 : vector<16xf32>
      %add3A_899 = arith.addf %add3A_884, %unpack3A_897 : vector<16xf32>
      %add3A_900 = arith.constant 128 : i32
      %add3A_901 = arith.addi %add3A_900, %scan3A_570 : i32
      %get3A_902 = arith.index_cast %add3A_901 : i32 to index
      %get3A_903 = arith.constant 64 : index
      %get3A_904 = tpu.vector_load %arg16[%get3A_902, %get3A_903] {strides = array<i32>} : memref<256x128xbf16, #tpu.memory_space<vmem>>, vector<32xbf16>,
      %add3A_905 = arith.constant 144 : i32
      %add3A_906 = arith.addi %add3A_905, %scan3A_570 : i32
      %get3A_907 = arith.index_cast %add3A_906 : i32 to index
      %get3A_908 = arith.constant 64 : index
      %get3A_909 = tpu.vector_load %arg16[%get3A_907, %get3A_908] {strides = array<i32>} : memref<256x128xbf16, #tpu.memory_space<vmem>>, vector<32xbf16>,
      %add3A_910 = arith.addf %get3A_904, %get3A_909 : vector<32xbf16>
      %unpack3A_911 = tpu.unpack_subelements %add3A_910, 0 {pack_format = #tpu.pack_format<interleaved>} : vector<32xbf16> -> vector<16xf32>
      %unpack3A_912 = tpu.unpack_subelements %add3A_910, 1 {pack_format = #tpu.pack_format<interleaved>} : vector<32xbf16> -> vector<16xf32>
      %add3A_913 = arith.addf %add3A_898, %unpack3A_911 : vector<16xf32>
      %add3A_914 = arith.addf %add3A_899, %unpack3A_912 : vector<16xf32>
      %add3A_915 = arith.constant 160 : i32
      %add3A_916 = arith.addi %add3A_915, %scan3A_570 : i32
      %get3A_917 = arith.index_cast %add3A_916 : i32 to index
      %get3A_918 = arith.constant 64 : index
      %get3A_919 = tpu.vector_load %arg16[%get3A_917, %get3A_918] {strides = array<i32>} : memref<256x128xbf16, #tpu.memory_space<vmem>>, vector<32xbf16>,
      %add3A_920 = arith.constant 176 : i32
      %add3A_921 = arith.addi %add3A_920, %scan3A_570 : i32
      %get3A_922 = arith.index_cast %add3A_921 : i32 to index
      %get3A_923 = arith.constant 64 : index
      %get3A_924 = tpu.vector_load %arg16[%get3A_922, %get3A_923] {strides = array<i32>} : memref<256x128xbf16, #tpu.memory_space<vmem>>, vector<32xbf16>,
      %add3A_925 = arith.addf %get3A_919, %get3A_924 : vector<32xbf16>
      %unpack3A_926 = tpu.unpack_subelements %add3A_925, 0 {pack_format = #tpu.pack_format<interleaved>} : vector<32xbf16> -> vector<16xf32>
      %unpack3A_927 = tpu.unpack_subelements %add3A_925, 1 {pack_format = #tpu.pack_format<interleaved>} : vector<32xbf16> -> vector<16xf32>
      %add3A_928 = arith.addf %add3A_913, %unpack3A_926 : vector<16xf32>
      %add3A_929 = arith.addf %add3A_914, %unpack3A_927 : vector<16xf32>
      %add3A_930 = arith.constant 192 : i32
      %add3A_931 = arith.addi %add3A_930, %scan3A_570 : i32
      %get3A_932 = arith.index_cast %add3A_931 : i32 to index
      %get3A_933 = arith.constant 64 : index
      %get3A_934 = tpu.vector_load %arg16[%get3A_932, %get3A_933] {strides = array<i32>} : memref<256x128xbf16, #tpu.memory_space<vmem>>, vector<32xbf16>,
      %add3A_935 = arith.constant 208 : i32
      %add3A_936 = arith.addi %add3A_935, %scan3A_570 : i32
      %get3A_937 = arith.index_cast %add3A_936 : i32 to index
      %get3A_938 = arith.constant 64 : index
      %get3A_939 = tpu.vector_load %arg16[%get3A_937, %get3A_938] {strides = array<i32>} : memref<256x128xbf16, #tpu.memory_space<vmem>>, vector<32xbf16>,
      %add3A_940 = arith.addf %get3A_934, %get3A_939 : vector<32xbf16>
      %unpack3A_941 = tpu.unpack_subelements %add3A_940, 0 {pack_format = #tpu.pack_format<interleaved>} : vector<32xbf16> -> vector<16xf32>
      %unpack3A_942 = tpu.unpack_subelements %add3A_940, 1 {pack_format = #tpu.pack_format<interleaved>} : vector<32xbf16> -> vector<16xf32>
      %add3A_943 = arith.addf %add3A_928, %unpack3A_941 : vector<16xf32>
      %add3A_944 = arith.addf %add3A_929, %unpack3A_942 : vector<16xf32>
      %add3A_945 = arith.constant 224 : i32
      %add3A_946 = arith.addi %add3A_945, %scan3A_570 : i32
      %get3A_947 = arith.index_cast %add3A_946 : i32 to index
      %get3A_948 = arith.constant 64 : index
      %get3A_949 = tpu.vector_load %arg16[%get3A_947, %get3A_948] {strides = array<i32>} : memref<256x128xbf16, #tpu.memory_space<vmem>>, vector<32xbf16>,
      %add3A_950 = arith.constant 240 : i32
      %add3A_951 = arith.addi %add3A_950, %scan3A_570 : i32
      %get3A_952 = arith.index_cast %add3A_951 : i32 to index
      %get3A_953 = arith.constant 64 : index
      %get3A_954 = tpu.vector_load %arg16[%get3A_952, %get3A_953] {strides = array<i32>} : memref<256x128xbf16, #tpu.memory_space<vmem>>, vector<32xbf16>,
      %add3A_955 = arith.addf %get3A_949, %get3A_954 : vector<32xbf16>
      %unpack3A_956 = tpu.unpack_subelements %add3A_955, 0 {pack_format = #tpu.pack_format<interleaved>} : vector<32xbf16> -> vector<16xf32>
      %unpack3A_957 = tpu.unpack_subelements %add3A_955, 1 {pack_format = #tpu.pack_format<interleaved>} : vector<32xbf16> -> vector<16xf32>
      %add3A_958 = arith.addf %add3A_943, %unpack3A_956 : vector<16xf32>
      %add3A_959 = arith.addf %add3A_944, %unpack3A_957 : vector<16xf32>
      %swap3A_960 = arith.index_cast %scan3A_570 : i32 to index
      %swap3A_961 = arith.constant 64 : index
      %swap3A_962 = tpu.vector_load %arg14[%swap3A_960, %swap3A_961] {strides = array<i32>} : memref<16x128xf32, #tpu.memory_space<vmem>>, vector<16xf32>,
      tpu.vector_store %arg14[%swap3A_960, %swap3A_961], %add3A_958 {strides = array<i32>} : memref<16x128xf32, #tpu.memory_space<vmem>>, vector<16xf32>,
      %swap3A_963 = arith.index_cast %scan3A_570 : i32 to index
      %swap3A_964 = arith.constant 80 : index
      %swap3A_965 = tpu.vector_load %arg14[%swap3A_963, %swap3A_964] {strides = array<i32>} : memref<16x128xf32, #tpu.memory_space<vmem>>, vector<16xf32>,
      tpu.vector_store %arg14[%swap3A_963, %swap3A_964], %add3A_959 {strides = array<i32>} : memref<16x128xf32, #tpu.memory_space<vmem>>, vector<16xf32>,
      %get3A_966 = arith.index_cast %scan3A_570 : i32 to index
      %get3A_967 = arith.constant 96 : index
      %get3A_968 = tpu.vector_load %arg14[%get3A_966, %get3A_967] {strides = array<i32>} : memref<16x128xf32, #tpu.memory_space<vmem>>, vector<16xf32>,
      %get3A_969 = arith.index_cast %scan3A_570 : i32 to index
      %get3A_970 = arith.constant 112 : index
      %get3A_971 = tpu.vector_load %arg14[%get3A_969, %get3A_970] {strides = array<i32>} : memref<16x128xf32, #tpu.memory_space<vmem>>, vector<16xf32>,
      %add3A_972 = arith.constant 0 : i32
      %add3A_973 = arith.addi %add3A_972, %scan3A_570 : i32
      %get3A_974 = arith.index_cast %add3A_973 : i32 to index
      %get3A_975 = arith.constant 96 : index
      %get3A_976 = tpu.vector_load %arg16[%get3A_974, %get3A_975] {strides = array<i32>} : memref<256x128xbf16, #tpu.memory_space<vmem>>, vector<32xbf16>,
      %add3A_977 = arith.constant 16 : i32
      %add3A_978 = arith.addi %add3A_977, %scan3A_570 : i32
      %get3A_979 = arith.index_cast %add3A_978 : i32 to index
      %get3A_980 = arith.constant 96 : index
      %get3A_981 = tpu.vector_load %arg16[%get3A_979, %get3A_980] {strides = array<i32>} : memref<256x128xbf16, #tpu.memory_space<vmem>>, vector<32xbf16>,
      %add3A_982 = arith.addf %get3A_976, %get3A_981 : vector<32xbf16>
      %unpack3A_983 = tpu.unpack_subelements %add3A_982, 0 {pack_format = #tpu.pack_format<interleaved>} : vector<32xbf16> -> vector<16xf32>
      %unpack3A_984 = tpu.unpack_subelements %add3A_982, 1 {pack_format = #tpu.pack_format<interleaved>} : vector<32xbf16> -> vector<16xf32>
      %add3A_985 = arith.addf %get3A_968, %unpack3A_983 : vector<16xf32>
      %add3A_986 = arith.addf %get3A_971, %unpack3A_984 : vector<16xf32>
      %add3A_987 = arith.constant 32 : i32
      %add3A_988 = arith.addi %add3A_987, %scan3A_570 : i32
      %get3A_989 = arith.index_cast %add3A_988 : i32 to index
      %get3A_990 = arith.constant 96 : index
      %get3A_991 = tpu.vector_load %arg16[%get3A_989, %get3A_990] {strides = array<i32>} : memref<256x128xbf16, #tpu.memory_space<vmem>>, vector<32xbf16>,
      %add3A_992 = arith.constant 48 : i32
      %add3A_993 = arith.addi %add3A_992, %scan3A_570 : i32
      %get3A_994 = arith.index_cast %add3A_993 : i32 to index
      %get3A_995 = arith.constant 96 : index
      %get3A_996 = tpu.vector_load %arg16[%get3A_994, %get3A_995] {strides = array<i32>} : memref<256x128xbf16, #tpu.memory_space<vmem>>, vector<32xbf16>,
      %add3A_997 = arith.addf %get3A_991, %get3A_996 : vector<32xbf16>
      %unpack3A_998 = tpu.unpack_subelements %add3A_997, 0 {pack_format = #tpu.pack_format<interleaved>} : vector<32xbf16> -> vector<16xf32>
      %unpack3A_999 = tpu.unpack_subelements %add3A_997, 1 {pack_format = #tpu.pack_format<interleaved>} : vector<32xbf16> -> vector<16xf32>
      %add3A_1000 = arith.addf %add3A_985, %unpack3A_998 : vector<16xf32>
      %add3A_1001 = arith.addf %add3A_986, %unpack3A_999 : vector<16xf32>
      %add3A_1002 = arith.constant 64 : i32
      %add3A_1003 = arith.addi %add3A_1002, %scan3A_570 : i32
      %get3A_1004 = arith.index_cast %add3A_1003 : i32 to index
      %get3A_1005 = arith.constant 96 : index
      %get3A_1006 = tpu.vector_load %arg16[%get3A_1004, %get3A_1005] {strides = array<i32>} : memref<256x128xbf16, #tpu.memory_space<vmem>>, vector<32xbf16>,
      %add3A_1007 = arith.constant 80 : i32
      %add3A_1008 = arith.addi %add3A_1007, %scan3A_570 : i32
      %get3A_1009 = arith.index_cast %add3A_1008 : i32 to index
      %get3A_1010 = arith.constant 96 : index
      %get3A_1011 = tpu.vector_load %arg16[%get3A_1009, %get3A_1010] {strides = array<i32>} : memref<256x128xbf16, #tpu.memory_space<vmem>>, vector<32xbf16>,
      %add3A_1012 = arith.addf %get3A_1006, %get3A_1011 : vector<32xbf16>
      %unpack3A_1013 = tpu.unpack_subelements %add3A_1012, 0 {pack_format = #tpu.pack_format<interleaved>} : vector<32xbf16> -> vector<16xf32>
      %unpack3A_1014 = tpu.unpack_subelements %add3A_1012, 1 {pack_format = #tpu.pack_format<interleaved>} : vector<32xbf16> -> vector<16xf32>
      %add3A_1015 = arith.addf %add3A_1000, %unpack3A_1013 : vector<16xf32>
      %add3A_1016 = arith.addf %add3A_1001, %unpack3A_1014 : vector<16xf32>
      %add3A_1017 = arith.constant 96 : i32
      %add3A_1018 = arith.addi %add3A_1017, %scan3A_570 : i32
      %get3A_1019 = arith.index_cast %add3A_1018 : i32 to index
      %get3A_1020 = arith.constant 96 : index
      %get3A_1021 = tpu.vector_load %arg16[%get3A_1019, %get3A_1020] {strides = array<i32>} : memref<256x128xbf16, #tpu.memory_space<vmem>>, vector<32xbf16>,
      %add3A_1022 = arith.constant 112 : i32
      %add3A_1023 = arith.addi %add3A_1022, %scan3A_570 : i32
      %get3A_1024 = arith.index_cast %add3A_1023 : i32 to index
      %get3A_1025 = arith.constant 96 : index
      %get3A_1026 = tpu.vector_load %arg16[%get3A_1024, %get3A_1025] {strides = array<i32>} : memref<256x128xbf16, #tpu.memory_space<vmem>>, vector<32xbf16>,
      %add3A_1027 = arith.addf %get3A_1021, %get3A_1026 : vector<32xbf16>
      %unpack3A_1028 = tpu.unpack_subelements %add3A_1027, 0 {pack_format = #tpu.pack_format<interleaved>} : vector<32xbf16> -> vector<16xf32>
      %unpack3A_1029 = tpu.unpack_subelements %add3A_1027, 1 {pack_format = #tpu.pack_format<interleaved>} : vector<32xbf16> -> vector<16xf32>
      %add3A_1030 = arith.addf %add3A_1015, %unpack3A_1028 : vector<16xf32>
      %add3A_1031 = arith.addf %add3A_1016, %unpack3A_1029 : vector<16xf32>
      %add3A_1032 = arith.constant 128 : i32
      %add3A_1033 = arith.addi %add3A_1032, %scan3A_570 : i32
      %get3A_1034 = arith.index_cast %add3A_1033 : i32 to index
      %get3A_1035 = arith.constant 96 : index
      %get3A_1036 = tpu.vector_load %arg16[%get3A_1034, %get3A_1035] {strides = array<i32>} : memref<256x128xbf16, #tpu.memory_space<vmem>>, vector<32xbf16>,
      %add3A_1037 = arith.constant 144 : i32
      %add3A_1038 = arith.addi %add3A_1037, %scan3A_570 : i32
      %get3A_1039 = arith.index_cast %add3A_1038 : i32 to index
      %get3A_1040 = arith.constant 96 : index
      %get3A_1041 = tpu.vector_load %arg16[%get3A_1039, %get3A_1040] {strides = array<i32>} : memref<256x128xbf16, #tpu.memory_space<vmem>>, vector<32xbf16>,
      %add3A_1042 = arith.addf %get3A_1036, %get3A_1041 : vector<32xbf16>
      %unpack3A_1043 = tpu.unpack_subelements %add3A_1042, 0 {pack_format = #tpu.pack_format<interleaved>} : vector<32xbf16> -> vector<16xf32>
      %unpack3A_1044 = tpu.unpack_subelements %add3A_1042, 1 {pack_format = #tpu.pack_format<interleaved>} : vector<32xbf16> -> vector<16xf32>
      %add3A_1045 = arith.addf %add3A_1030, %unpack3A_1043 : vector<16xf32>
      %add3A_1046 = arith.addf %add3A_1031, %unpack3A_1044 : vector<16xf32>
      %add3A_1047 = arith.constant 160 : i32
      %add3A_1048 = arith.addi %add3A_1047, %scan3A_570 : i32
      %get3A_1049 = arith.index_cast %add3A_1048 : i32 to index
      %get3A_1050 = arith.constant 96 : index
      %get3A_1051 = tpu.vector_load %arg16[%get3A_1049, %get3A_1050] {strides = array<i32>} : memref<256x128xbf16, #tpu.memory_space<vmem>>, vector<32xbf16>,
      %add3A_1052 = arith.constant 176 : i32
      %add3A_1053 = arith.addi %add3A_1052, %scan3A_570 : i32
      %get3A_1054 = arith.index_cast %add3A_1053 : i32 to index
      %get3A_1055 = arith.constant 96 : index
      %get3A_1056 = tpu.vector_load %arg16[%get3A_1054, %get3A_1055] {strides = array<i32>} : memref<256x128xbf16, #tpu.memory_space<vmem>>, vector<32xbf16>,
      %add3A_1057 = arith.addf %get3A_1051, %get3A_1056 : vector<32xbf16>
      %unpack3A_1058 = tpu.unpack_subelements %add3A_1057, 0 {pack_format = #tpu.pack_format<interleaved>} : vector<32xbf16> -> vector<16xf32>
      %unpack3A_1059 = tpu.unpack_subelements %add3A_1057, 1 {pack_format = #tpu.pack_format<interleaved>} : vector<32xbf16> -> vector<16xf32>
      %add3A_1060 = arith.addf %add3A_1045, %unpack3A_1058 : vector<16xf32>
      %add3A_1061 = arith.addf %add3A_1046, %unpack3A_1059 : vector<16xf32>
      %add3A_1062 = arith.constant 192 : i32
      %add3A_1063 = arith.addi %add3A_1062, %scan3A_570 : i32
      %get3A_1064 = arith.index_cast %add3A_1063 : i32 to index
      %get3A_1065 = arith.constant 96 : index
      %get3A_1066 = tpu.vector_load %arg16[%get3A_1064, %get3A_1065] {strides = array<i32>} : memref<256x128xbf16, #tpu.memory_space<vmem>>, vector<32xbf16>,
      %add3A_1067 = arith.constant 208 : i32
      %add3A_1068 = arith.addi %add3A_1067, %scan3A_570 : i32
      %get3A_1069 = arith.index_cast %add3A_1068 : i32 to index
      %get3A_1070 = arith.constant 96 : index
      %get3A_1071 = tpu.vector_load %arg16[%get3A_1069, %get3A_1070] {strides = array<i32>} : memref<256x128xbf16, #tpu.memory_space<vmem>>, vector<32xbf16>,
      %add3A_1072 = arith.addf %get3A_1066, %get3A_1071 : vector<32xbf16>
      %unpack3A_1073 = tpu.unpack_subelements %add3A_1072, 0 {pack_format = #tpu.pack_format<interleaved>} : vector<32xbf16> -> vector<16xf32>
      %unpack3A_1074 = tpu.unpack_subelements %add3A_1072, 1 {pack_format = #tpu.pack_format<interleaved>} : vector<32xbf16> -> vector<16xf32>
      %add3A_1075 = arith.addf %add3A_1060, %unpack3A_1073 : vector<16xf32>
      %add3A_1076 = arith.addf %add3A_1061, %unpack3A_1074 : vector<16xf32>
      %add3A_1077 = arith.constant 224 : i32
      %add3A_1078 = arith.addi %add3A_1077, %scan3A_570 : i32
      %get3A_1079 = arith.index_cast %add3A_1078 : i32 to index
      %get3A_1080 = arith.constant 96 : index
      %get3A_1081 = tpu.vector_load %arg16[%get3A_1079, %get3A_1080] {strides = array<i32>} : memref<256x128xbf16, #tpu.memory_space<vmem>>, vector<32xbf16>,
      %add3A_1082 = arith.constant 240 : i32
      %add3A_1083 = arith.addi %add3A_1082, %scan3A_570 : i32
      %get3A_1084 = arith.index_cast %add3A_1083 : i32 to index
      %get3A_1085 = arith.constant 96 : index
      %get3A_1086 = tpu.vector_load %arg16[%get3A_1084, %get3A_1085] {strides = array<i32>} : memref<256x128xbf16, #tpu.memory_space<vmem>>, vector<32xbf16>,
      %add3A_1087 = arith.addf %get3A_1081, %get3A_1086 : vector<32xbf16>
      %unpack3A_1088 = tpu.unpack_subelements %add3A_1087, 0 {pack_format = #tpu.pack_format<interleaved>} : vector<32xbf16> -> vector<16xf32>
      %unpack3A_1089 = tpu.unpack_subelements %add3A_1087, 1 {pack_format = #tpu.pack_format<interleaved>} : vector<32xbf16> -> vector<16xf32>
      %add3A_1090 = arith.addf %add3A_1075, %unpack3A_1088 : vector<16xf32>
      %add3A_1091 = arith.addf %add3A_1076, %unpack3A_1089 : vector<16xf32>
      %swap3A_1092 = arith.index_cast %scan3A_570 : i32 to index
      %swap3A_1093 = arith.constant 96 : index
      %swap3A_1094 = tpu.vector_load %arg14[%swap3A_1092, %swap3A_1093] {strides = array<i32>} : memref<16x128xf32, #tpu.memory_space<vmem>>, vector<16xf32>,
      tpu.vector_store %arg14[%swap3A_1092, %swap3A_1093], %add3A_1090 {strides = array<i32>} : memref<16x128xf32, #tpu.memory_space<vmem>>, vector<16xf32>,
      %swap3A_1095 = arith.index_cast %scan3A_570 : i32 to index
      %swap3A_1096 = arith.constant 112 : index
      %swap3A_1097 = tpu.vector_load %arg14[%swap3A_1095, %swap3A_1096] {strides = array<i32>} : memref<16x128xf32, #tpu.memory_space<vmem>>, vector<16xf32>,
      tpu.vector_store %arg14[%swap3A_1095, %swap3A_1096], %add3A_1091 {strides = array<i32>} : memref<16x128xf32, #tpu.memory_space<vmem>>, vector<16xf32>,
    }
    %scan3A_538 = arith.constant 16 : i32
    %add3A_539 = arith.constant 480 : i32
    %add3A_540 = arith.addi %mul3A_32, %add3A_539 : i32
    "tpu.region"() ({
      %run_scoped3A = tpu.sem_alloc : memref<!tpu.dma_semaphore, #tpu.memory_space<semaphore_mem>>
      %dma_start3A_570 = arith.constant 0 : i32
      %dma_start3A_571 = tpu.memref_slice %arg6[%select_n3A, %add3A_540, %dma_start3A_570] : memref<4x4096x128xf32, #tpu.memory_space<hbm>> -> memref<1x16x128xf32, #tpu.memory_space<hbm>>
      %dma_start3A_572 = tpu.memref_squeeze %dma_start3A_571 : memref<1x16x128xf32, #tpu.memory_space<hbm>> -> memref<16x128xf32, #tpu.memory_space<hbm>>
      %dma_start3A_573 = arith.constant 0 : i32
      %dma_start3A_574 = tpu.memref_slice %arg6[%select_n3A, %add3A_540, %dma_start3A_573] : memref<4x4096x128xf32, #tpu.memory_space<hbm>> -> memref<1x16x128xf32, #tpu.memory_space<hbm>>
      %dma_start3A_575 = tpu.memref_squeeze %dma_start3A_574 : memref<1x16x128xf32, #tpu.memory_space<hbm>> -> memref<16x128xf32, #tpu.memory_space<hbm>>
      tpu.enqueue_dma source(%arg14 : memref<16x128xf32, #tpu.memory_space<vmem>>) target(%dma_start3A_575 : memref<16x128xf32, #tpu.memory_space<hbm>>) target_semaphore(%run_scoped3A : memref<!tpu.dma_semaphore, #tpu.memory_space<semaphore_mem>>)
      %dma_wait3A_576 = arith.constant 0 : i32
      %dma_wait3A_577 = tpu.memref_slice %arg6[%select_n3A, %add3A_540, %dma_wait3A_576] : memref<4x4096x128xf32, #tpu.memory_space<hbm>> -> memref<1x16x128xf32, #tpu.memory_space<hbm>>
      %dma_wait3A_578 = tpu.memref_squeeze %dma_wait3A_577 : memref<1x16x128xf32, #tpu.memory_space<hbm>> -> memref<16x128xf32, #tpu.memory_space<hbm>>
      %dma_wait3A_579 = arith.constant 0 : i32
      %dma_wait3A_580 = tpu.memref_slice %arg6[%select_n3A, %add3A_540, %dma_wait3A_579] : memref<4x4096x128xf32, #tpu.memory_space<hbm>> -> memref<1x16x128xf32, #tpu.memory_space<hbm>>
      %dma_wait3A_581 = tpu.memref_squeeze %dma_wait3A_580 : memref<1x16x128xf32, #tpu.memory_space<hbm>> -> memref<16x128xf32, #tpu.memory_space<hbm>>
      tpu.wait_dma2 semaphore(%run_scoped3A : memref<!tpu.dma_semaphore, #tpu.memory_space<semaphore_mem>>) src(%arg14 : memref<16x128xf32, #tpu.memory_space<vmem>>) dst(%dma_wait3A_581 : memref<16x128xf32, #tpu.memory_space<hbm>>)
      tpu.yield
    }) : () -> ()
    %dma_wait3A_541 = arith.constant 0 : i32
    %dma_wait3A_542 = arith.constant 0 : i32
    %dma_wait3A_543 = tpu.memref_slice %arg17[%dma_wait3A_541, %dma_wait3A_542] : memref<256x128xbf16, #tpu.memory_space<vmem>> -> memref<128x128xbf16, #tpu.memory_space<vmem>>
    %dma_wait3A_544 = arith.constant 0 : i32
    %dma_wait3A_545 = tpu.memref_slice %arg13[%dma_wait3A_544] : memref<256xi32, #tpu.memory_space<vmem>> -> memref<128xi32, #tpu.memory_space<vmem>>
    %dma_wait3A_546 = arith.constant 0 : i32
    %dma_wait3A_547 = arith.constant 0 : i32
    %dma_wait3A_548 = tpu.memref_slice %arg4[%dma_wait3A_546, %dma_wait3A_547] : memref<4096x128xbf16, #tpu.memory_space<hbm>> -> memref<4096x128xbf16, #tpu.memory_space<hbm>>
    tpu.wait_indirect_dma semaphore(%arg21 : memref<!tpu.dma_semaphore, #tpu.memory_space<semaphore_mem>>) src(%dma_wait3A_548 : memref<4096x128xbf16, #tpu.memory_space<hbm>>) dst(%dma_wait3A_543 : memref<128x128xbf16, #tpu.memory_space<vmem>>)
    %dma_wait3A_549 = arith.constant 128 : i32
    %dma_wait3A_550 = arith.constant 0 : i32
    %dma_wait3A_551 = tpu.memref_slice %arg17[%dma_wait3A_549, %dma_wait3A_550] : memref<256x128xbf16, #tpu.memory_space<vmem>> -> memref<128x128xbf16, #tpu.memory_space<vmem>>
    %dma_wait3A_552 = arith.constant 128 : i32
    %dma_wait3A_553 = tpu.memref_slice %arg13[%dma_wait3A_552] : memref<256xi32, #tpu.memory_space<vmem>> -> memref<128xi32, #tpu.memory_space<vmem>>
    %dma_wait3A_554 = arith.constant 0 : i32
    %dma_wait3A_555 = arith.constant 0 : i32
    %dma_wait3A_556 = tpu.memref_slice %arg4[%dma_wait3A_554, %dma_wait3A_555] : memref<4096x128xbf16, #tpu.memory_space<hbm>> -> memref<4096x128xbf16, #tpu.memory_space<hbm>>
    tpu.wait_indirect_dma semaphore(%arg21 : memref<!tpu.dma_semaphore, #tpu.memory_space<semaphore_mem>>) src(%dma_wait3A_556 : memref<4096x128xbf16, #tpu.memory_space<hbm>>) dst(%dma_wait3A_551 : memref<128x128xbf16, #tpu.memory_space<vmem>>)
    %dma_wait3A_557 = arith.constant 496 : i32
    %dma_wait3A_558 = tpu.memref_slice %arg7[%dma_wait3A_557] : memref<512xi32, #tpu.memory_space<vmem>> -> memref<16xi32, #tpu.memory_space<vmem>>
    %dma_wait3A_559 = arith.constant 0 : i32
    %dma_wait3A_560 = arith.constant 0 : i32
    %dma_wait3A_561 = tpu.memref_slice %arg5[%dma_wait3A_559, %dma_wait3A_560] : memref<100000x128xf32, #tpu.memory_space<hbm>> -> memref<100000x128xf32, #tpu.memory_space<hbm>>
    tpu.wait_indirect_dma semaphore(%arg23 : memref<!tpu.dma_semaphore, #tpu.memory_space<semaphore_mem>>) src(%dma_wait3A_561 : memref<100000x128xf32, #tpu.memory_space<hbm>>) dst(%arg15 : memref<16x128xf32, #tpu.memory_space<vmem>>)
    %scan3A_562 = arith.constant 0 : i32
    %scan3A_563 = arith.constant 0 : i32
    %scan3A_564 = arith.constant 16 : i32
    %scan3A_565 = arith.addi %scan3A_563, %scan3A_564 : i32
    %scan3A_566 = arith.constant 1 : i32
    scf.for %scan3A_570 = %scan3A_563 to %scan3A_565 step %scan3A_566  : i32 {
      %get3A_571 = arith.index_cast %scan3A_570 : i32 to index
      %get3A_572 = arith.constant 0 : index
      %get3A_573 = tpu.vector_load %arg15[%get3A_571, %get3A_572] {strides = array<i32>} : memref<16x128xf32, #tpu.memory_space<vmem>>, vector<16xf32>,
      %get3A_574 = arith.index_cast %scan3A_570 : i32 to index
      %get3A_575 = arith.constant 16 : index
      %get3A_576 = tpu.vector_load %arg15[%get3A_574, %get3A_575] {strides = array<i32>} : memref<16x128xf32, #tpu.memory_space<vmem>>, vector<16xf32>,
      %add3A_577 = arith.constant 0 : i32
      %add3A_578 = arith.addi %add3A_577, %scan3A_570 : i32
      %get3A_579 = arith.index_cast %add3A_578 : i32 to index
      %get3A_580 = arith.constant 0 : index
      %get3A_581 = tpu.vector_load %arg17[%get3A_579, %get3A_580] {strides = array<i32>} : memref<256x128xbf16, #tpu.memory_space<vmem>>, vector<32xbf16>,
      %add3A_582 = arith.constant 16 : i32
      %add3A_583 = arith.addi %add3A_582, %scan3A_570 : i32
      %get3A_584 = arith.index_cast %add3A_583 : i32 to index
      %get3A_585 = arith.constant 0 : index
      %get3A_586 = tpu.vector_load %arg17[%get3A_584, %get3A_585] {strides = array<i32>} : memref<256x128xbf16, #tpu.memory_space<vmem>>, vector<32xbf16>,
      %add3A_587 = arith.addf %get3A_581, %get3A_586 : vector<32xbf16>
      %unpack3A = tpu.unpack_subelements %add3A_587, 0 {pack_format = #tpu.pack_format<interleaved>} : vector<32xbf16> -> vector<16xf32>
      %unpack3A_588 = tpu.unpack_subelements %add3A_587, 1 {pack_format = #tpu.pack_format<interleaved>} : vector<32xbf16> -> vector<16xf32>
      %add3A_589 = arith.addf %get3A_573, %unpack3A : vector<16xf32>
      %add3A_590 = arith.addf %get3A_576, %unpack3A_588 : vector<16xf32>
      %add3A_591 = arith.constant 32 : i32
      %add3A_592 = arith.addi %add3A_591, %scan3A_570 : i32
      %get3A_593 = arith.index_cast %add3A_592 : i32 to index
      %get3A_594 = arith.constant 0 : index
      %get3A_595 = tpu.vector_load %arg17[%get3A_593, %get3A_594] {strides = array<i32>} : memref<256x128xbf16, #tpu.memory_space<vmem>>, vector<32xbf16>,
      %add3A_596 = arith.constant 48 : i32
      %add3A_597 = arith.addi %add3A_596, %scan3A_570 : i32
      %get3A_598 = arith.index_cast %add3A_597 : i32 to index
      %get3A_599 = arith.constant 0 : index
      %get3A_600 = tpu.vector_load %arg17[%get3A_598, %get3A_599] {strides = array<i32>} : memref<256x128xbf16, #tpu.memory_space<vmem>>, vector<32xbf16>,
      %add3A_601 = arith.addf %get3A_595, %get3A_600 : vector<32xbf16>
      %unpack3A_602 = tpu.unpack_subelements %add3A_601, 0 {pack_format = #tpu.pack_format<interleaved>} : vector<32xbf16> -> vector<16xf32>
      %unpack3A_603 = tpu.unpack_subelements %add3A_601, 1 {pack_format = #tpu.pack_format<interleaved>} : vector<32xbf16> -> vector<16xf32>
      %add3A_604 = arith.addf %add3A_589, %unpack3A_602 : vector<16xf32>
      %add3A_605 = arith.addf %add3A_590, %unpack3A_603 : vector<16xf32>
      %add3A_606 = arith.constant 64 : i32
      %add3A_607 = arith.addi %add3A_606, %scan3A_570 : i32
      %get3A_608 = arith.index_cast %add3A_607 : i32 to index
      %get3A_609 = arith.constant 0 : index
      %get3A_610 = tpu.vector_load %arg17[%get3A_608, %get3A_609] {strides = array<i32>} : memref<256x128xbf16, #tpu.memory_space<vmem>>, vector<32xbf16>,
      %add3A_611 = arith.constant 80 : i32
      %add3A_612 = arith.addi %add3A_611, %scan3A_570 : i32
      %get3A_613 = arith.index_cast %add3A_612 : i32 to index
      %get3A_614 = arith.constant 0 : index
      %get3A_615 = tpu.vector_load %arg17[%get3A_613, %get3A_614] {strides = array<i32>} : memref<256x128xbf16, #tpu.memory_space<vmem>>, vector<32xbf16>,
      %add3A_616 = arith.addf %get3A_610, %get3A_615 : vector<32xbf16>
      %unpack3A_617 = tpu.unpack_subelements %add3A_616, 0 {pack_format = #tpu.pack_format<interleaved>} : vector<32xbf16> -> vector<16xf32>
      %unpack3A_618 = tpu.unpack_subelements %add3A_616, 1 {pack_format = #tpu.pack_format<interleaved>} : vector<32xbf16> -> vector<16xf32>
      %add3A_619 = arith.addf %add3A_604, %unpack3A_617 : vector<16xf32>
      %add3A_620 = arith.addf %add3A_605, %unpack3A_618 : vector<16xf32>
      %add3A_621 = arith.constant 96 : i32
      %add3A_622 = arith.addi %add3A_621, %scan3A_570 : i32
      %get3A_623 = arith.index_cast %add3A_622 : i32 to index
      %get3A_624 = arith.constant 0 : index
      %get3A_625 = tpu.vector_load %arg17[%get3A_623, %get3A_624] {strides = array<i32>} : memref<256x128xbf16, #tpu.memory_space<vmem>>, vector<32xbf16>,
      %add3A_626 = arith.constant 112 : i32
      %add3A_627 = arith.addi %add3A_626, %scan3A_570 : i32
      %get3A_628 = arith.index_cast %add3A_627 : i32 to index
      %get3A_629 = arith.constant 0 : index
      %get3A_630 = tpu.vector_load %arg17[%get3A_628, %get3A_629] {strides = array<i32>} : memref<256x128xbf16, #tpu.memory_space<vmem>>, vector<32xbf16>,
      %add3A_631 = arith.addf %get3A_625, %get3A_630 : vector<32xbf16>
      %unpack3A_632 = tpu.unpack_subelements %add3A_631, 0 {pack_format = #tpu.pack_format<interleaved>} : vector<32xbf16> -> vector<16xf32>
      %unpack3A_633 = tpu.unpack_subelements %add3A_631, 1 {pack_format = #tpu.pack_format<interleaved>} : vector<32xbf16> -> vector<16xf32>
      %add3A_634 = arith.addf %add3A_619, %unpack3A_632 : vector<16xf32>
      %add3A_635 = arith.addf %add3A_620, %unpack3A_633 : vector<16xf32>
      %add3A_636 = arith.constant 128 : i32
      %add3A_637 = arith.addi %add3A_636, %scan3A_570 : i32
      %get3A_638 = arith.index_cast %add3A_637 : i32 to index
      %get3A_639 = arith.constant 0 : index
      %get3A_640 = tpu.vector_load %arg17[%get3A_638, %get3A_639] {strides = array<i32>} : memref<256x128xbf16, #tpu.memory_space<vmem>>, vector<32xbf16>,
      %add3A_641 = arith.constant 144 : i32
      %add3A_642 = arith.addi %add3A_641, %scan3A_570 : i32
      %get3A_643 = arith.index_cast %add3A_642 : i32 to index
      %get3A_644 = arith.constant 0 : index
      %get3A_645 = tpu.vector_load %arg17[%get3A_643, %get3A_644] {strides = array<i32>} : memref<256x128xbf16, #tpu.memory_space<vmem>>, vector<32xbf16>,
      %add3A_646 = arith.addf %get3A_640, %get3A_645 : vector<32xbf16>
      %unpack3A_647 = tpu.unpack_subelements %add3A_646, 0 {pack_format = #tpu.pack_format<interleaved>} : vector<32xbf16> -> vector<16xf32>
      %unpack3A_648 = tpu.unpack_subelements %add3A_646, 1 {pack_format = #tpu.pack_format<interleaved>} : vector<32xbf16> -> vector<16xf32>
      %add3A_649 = arith.addf %add3A_634, %unpack3A_647 : vector<16xf32>
      %add3A_650 = arith.addf %add3A_635, %unpack3A_648 : vector<16xf32>
      %add3A_651 = arith.constant 160 : i32
      %add3A_652 = arith.addi %add3A_651, %scan3A_570 : i32
      %get3A_653 = arith.index_cast %add3A_652 : i32 to index
      %get3A_654 = arith.constant 0 : index
      %get3A_655 = tpu.vector_load %arg17[%get3A_653, %get3A_654] {strides = array<i32>} : memref<256x128xbf16, #tpu.memory_space<vmem>>, vector<32xbf16>,
      %add3A_656 = arith.constant 176 : i32
      %add3A_657 = arith.addi %add3A_656, %scan3A_570 : i32
      %get3A_658 = arith.index_cast %add3A_657 : i32 to index
      %get3A_659 = arith.constant 0 : index
      %get3A_660 = tpu.vector_load %arg17[%get3A_658, %get3A_659] {strides = array<i32>} : memref<256x128xbf16, #tpu.memory_space<vmem>>, vector<32xbf16>,
      %add3A_661 = arith.addf %get3A_655, %get3A_660 : vector<32xbf16>
      %unpack3A_662 = tpu.unpack_subelements %add3A_661, 0 {pack_format = #tpu.pack_format<interleaved>} : vector<32xbf16> -> vector<16xf32>
      %unpack3A_663 = tpu.unpack_subelements %add3A_661, 1 {pack_format = #tpu.pack_format<interleaved>} : vector<32xbf16> -> vector<16xf32>
      %add3A_664 = arith.addf %add3A_649, %unpack3A_662 : vector<16xf32>
      %add3A_665 = arith.addf %add3A_650, %unpack3A_663 : vector<16xf32>
      %add3A_666 = arith.constant 192 : i32
      %add3A_667 = arith.addi %add3A_666, %scan3A_570 : i32
      %get3A_668 = arith.index_cast %add3A_667 : i32 to index
      %get3A_669 = arith.constant 0 : index
      %get3A_670 = tpu.vector_load %arg17[%get3A_668, %get3A_669] {strides = array<i32>} : memref<256x128xbf16, #tpu.memory_space<vmem>>, vector<32xbf16>,
      %add3A_671 = arith.constant 208 : i32
      %add3A_672 = arith.addi %add3A_671, %scan3A_570 : i32
      %get3A_673 = arith.index_cast %add3A_672 : i32 to index
      %get3A_674 = arith.constant 0 : index
      %get3A_675 = tpu.vector_load %arg17[%get3A_673, %get3A_674] {strides = array<i32>} : memref<256x128xbf16, #tpu.memory_space<vmem>>, vector<32xbf16>,
      %add3A_676 = arith.addf %get3A_670, %get3A_675 : vector<32xbf16>
      %unpack3A_677 = tpu.unpack_subelements %add3A_676, 0 {pack_format = #tpu.pack_format<interleaved>} : vector<32xbf16> -> vector<16xf32>
      %unpack3A_678 = tpu.unpack_subelements %add3A_676, 1 {pack_format = #tpu.pack_format<interleaved>} : vector<32xbf16> -> vector<16xf32>
      %add3A_679 = arith.addf %add3A_664, %unpack3A_677 : vector<16xf32>
      %add3A_680 = arith.addf %add3A_665, %unpack3A_678 : vector<16xf32>
      %add3A_681 = arith.constant 224 : i32
      %add3A_682 = arith.addi %add3A_681, %scan3A_570 : i32
      %get3A_683 = arith.index_cast %add3A_682 : i32 to index
      %get3A_684 = arith.constant 0 : index
      %get3A_685 = tpu.vector_load %arg17[%get3A_683, %get3A_684] {strides = array<i32>} : memref<256x128xbf16, #tpu.memory_space<vmem>>, vector<32xbf16>,
      %add3A_686 = arith.constant 240 : i32
      %add3A_687 = arith.addi %add3A_686, %scan3A_570 : i32
      %get3A_688 = arith.index_cast %add3A_687 : i32 to index
      %get3A_689 = arith.constant 0 : index
      %get3A_690 = tpu.vector_load %arg17[%get3A_688, %get3A_689] {strides = array<i32>} : memref<256x128xbf16, #tpu.memory_space<vmem>>, vector<32xbf16>,
      %add3A_691 = arith.addf %get3A_685, %get3A_690 : vector<32xbf16>
      %unpack3A_692 = tpu.unpack_subelements %add3A_691, 0 {pack_format = #tpu.pack_format<interleaved>} : vector<32xbf16> -> vector<16xf32>
      %unpack3A_693 = tpu.unpack_subelements %add3A_691, 1 {pack_format = #tpu.pack_format<interleaved>} : vector<32xbf16> -> vector<16xf32>
      %add3A_694 = arith.addf %add3A_679, %unpack3A_692 : vector<16xf32>
      %add3A_695 = arith.addf %add3A_680, %unpack3A_693 : vector<16xf32>
      %swap3A_696 = arith.index_cast %scan3A_570 : i32 to index
      %swap3A_697 = arith.constant 0 : index
      %swap3A_698 = tpu.vector_load %arg15[%swap3A_696, %swap3A_697] {strides = array<i32>} : memref<16x128xf32, #tpu.memory_space<vmem>>, vector<16xf32>,
      tpu.vector_store %arg15[%swap3A_696, %swap3A_697], %add3A_694 {strides = array<i32>} : memref<16x128xf32, #tpu.memory_space<vmem>>, vector<16xf32>,
      %swap3A_699 = arith.index_cast %scan3A_570 : i32 to index
      %swap3A_700 = arith.constant 16 : index
      %swap3A_701 = tpu.vector_load %arg15[%swap3A_699, %swap3A_700] {strides = array<i32>} : memref<16x128xf32, #tpu.memory_space<vmem>>, vector<16xf32>,
      tpu.vector_store %arg15[%swap3A_699, %swap3A_700], %add3A_695 {strides = array<i32>} : memref<16x128xf32, #tpu.memory_space<vmem>>, vector<16xf32>,
      %get3A_702 = arith.index_cast %scan3A_570 : i32 to index
      %get3A_703 = arith.constant 32 : index
      %get3A_704 = tpu.vector_load %arg15[%get3A_702, %get3A_703] {strides = array<i32>} : memref<16x128xf32, #tpu.memory_space<vmem>>, vector<16xf32>,
      %get3A_705 = arith.index_cast %scan3A_570 : i32 to index
      %get3A_706 = arith.constant 48 : index
      %get3A_707 = tpu.vector_load %arg15[%get3A_705, %get3A_706] {strides = array<i32>} : memref<16x128xf32, #tpu.memory_space<vmem>>, vector<16xf32>,
      %add3A_708 = arith.constant 0 : i32
      %add3A_709 = arith.addi %add3A_708, %scan3A_570 : i32
      %get3A_710 = arith.index_cast %add3A_709 : i32 to index
      %get3A_711 = arith.constant 32 : index
      %get3A_712 = tpu.vector_load %arg17[%get3A_710, %get3A_711] {strides = array<i32>} : memref<256x128xbf16, #tpu.memory_space<vmem>>, vector<32xbf16>,
      %add3A_713 = arith.constant 16 : i32
      %add3A_714 = arith.addi %add3A_713, %scan3A_570 : i32
      %get3A_715 = arith.index_cast %add3A_714 : i32 to index
      %get3A_716 = arith.constant 32 : index
      %get3A_717 = tpu.vector_load %arg17[%get3A_715, %get3A_716] {strides = array<i32>} : memref<256x128xbf16, #tpu.memory_space<vmem>>, vector<32xbf16>,
      %add3A_718 = arith.addf %get3A_712, %get3A_717 : vector<32xbf16>
      %unpack3A_719 = tpu.unpack_subelements %add3A_718, 0 {pack_format = #tpu.pack_format<interleaved>} : vector<32xbf16> -> vector<16xf32>
      %unpack3A_720 = tpu.unpack_subelements %add3A_718, 1 {pack_format = #tpu.pack_format<interleaved>} : vector<32xbf16> -> vector<16xf32>
      %add3A_721 = arith.addf %get3A_704, %unpack3A_719 : vector<16xf32>
      %add3A_722 = arith.addf %get3A_707, %unpack3A_720 : vector<16xf32>
      %add3A_723 = arith.constant 32 : i32
      %add3A_724 = arith.addi %add3A_723, %scan3A_570 : i32
      %get3A_725 = arith.index_cast %add3A_724 : i32 to index
      %get3A_726 = arith.constant 32 : index
      %get3A_727 = tpu.vector_load %arg17[%get3A_725, %get3A_726] {strides = array<i32>} : memref<256x128xbf16, #tpu.memory_space<vmem>>, vector<32xbf16>,
      %add3A_728 = arith.constant 48 : i32
      %add3A_729 = arith.addi %add3A_728, %scan3A_570 : i32
      %get3A_730 = arith.index_cast %add3A_729 : i32 to index
      %get3A_731 = arith.constant 32 : index
      %get3A_732 = tpu.vector_load %arg17[%get3A_730, %get3A_731] {strides = array<i32>} : memref<256x128xbf16, #tpu.memory_space<vmem>>, vector<32xbf16>,
      %add3A_733 = arith.addf %get3A_727, %get3A_732 : vector<32xbf16>
      %unpack3A_734 = tpu.unpack_subelements %add3A_733, 0 {pack_format = #tpu.pack_format<interleaved>} : vector<32xbf16> -> vector<16xf32>
      %unpack3A_735 = tpu.unpack_subelements %add3A_733, 1 {pack_format = #tpu.pack_format<interleaved>} : vector<32xbf16> -> vector<16xf32>
      %add3A_736 = arith.addf %add3A_721, %unpack3A_734 : vector<16xf32>
      %add3A_737 = arith.addf %add3A_722, %unpack3A_735 : vector<16xf32>
      %add3A_738 = arith.constant 64 : i32
      %add3A_739 = arith.addi %add3A_738, %scan3A_570 : i32
      %get3A_740 = arith.index_cast %add3A_739 : i32 to index
      %get3A_741 = arith.constant 32 : index
      %get3A_742 = tpu.vector_load %arg17[%get3A_740, %get3A_741] {strides = array<i32>} : memref<256x128xbf16, #tpu.memory_space<vmem>>, vector<32xbf16>,
      %add3A_743 = arith.constant 80 : i32
      %add3A_744 = arith.addi %add3A_743, %scan3A_570 : i32
      %get3A_745 = arith.index_cast %add3A_744 : i32 to index
      %get3A_746 = arith.constant 32 : index
      %get3A_747 = tpu.vector_load %arg17[%get3A_745, %get3A_746] {strides = array<i32>} : memref<256x128xbf16, #tpu.memory_space<vmem>>, vector<32xbf16>,
      %add3A_748 = arith.addf %get3A_742, %get3A_747 : vector<32xbf16>
      %unpack3A_749 = tpu.unpack_subelements %add3A_748, 0 {pack_format = #tpu.pack_format<interleaved>} : vector<32xbf16> -> vector<16xf32>
      %unpack3A_750 = tpu.unpack_subelements %add3A_748, 1 {pack_format = #tpu.pack_format<interleaved>} : vector<32xbf16> -> vector<16xf32>
      %add3A_751 = arith.addf %add3A_736, %unpack3A_749 : vector<16xf32>
      %add3A_752 = arith.addf %add3A_737, %unpack3A_750 : vector<16xf32>
      %add3A_753 = arith.constant 96 : i32
      %add3A_754 = arith.addi %add3A_753, %scan3A_570 : i32
      %get3A_755 = arith.index_cast %add3A_754 : i32 to index
      %get3A_756 = arith.constant 32 : index
      %get3A_757 = tpu.vector_load %arg17[%get3A_755, %get3A_756] {strides = array<i32>} : memref<256x128xbf16, #tpu.memory_space<vmem>>, vector<32xbf16>,
      %add3A_758 = arith.constant 112 : i32
      %add3A_759 = arith.addi %add3A_758, %scan3A_570 : i32
      %get3A_760 = arith.index_cast %add3A_759 : i32 to index
      %get3A_761 = arith.constant 32 : index
      %get3A_762 = tpu.vector_load %arg17[%get3A_760, %get3A_761] {strides = array<i32>} : memref<256x128xbf16, #tpu.memory_space<vmem>>, vector<32xbf16>,
      %add3A_763 = arith.addf %get3A_757, %get3A_762 : vector<32xbf16>
      %unpack3A_764 = tpu.unpack_subelements %add3A_763, 0 {pack_format = #tpu.pack_format<interleaved>} : vector<32xbf16> -> vector<16xf32>
      %unpack3A_765 = tpu.unpack_subelements %add3A_763, 1 {pack_format = #tpu.pack_format<interleaved>} : vector<32xbf16> -> vector<16xf32>
      %add3A_766 = arith.addf %add3A_751, %unpack3A_764 : vector<16xf32>
      %add3A_767 = arith.addf %add3A_752, %unpack3A_765 : vector<16xf32>
      %add3A_768 = arith.constant 128 : i32
      %add3A_769 = arith.addi %add3A_768, %scan3A_570 : i32
      %get3A_770 = arith.index_cast %add3A_769 : i32 to index
      %get3A_771 = arith.constant 32 : index
      %get3A_772 = tpu.vector_load %arg17[%get3A_770, %get3A_771] {strides = array<i32>} : memref<256x128xbf16, #tpu.memory_space<vmem>>, vector<32xbf16>,
      %add3A_773 = arith.constant 144 : i32
      %add3A_774 = arith.addi %add3A_773, %scan3A_570 : i32
      %get3A_775 = arith.index_cast %add3A_774 : i32 to index
      %get3A_776 = arith.constant 32 : index
      %get3A_777 = tpu.vector_load %arg17[%get3A_775, %get3A_776] {strides = array<i32>} : memref<256x128xbf16, #tpu.memory_space<vmem>>, vector<32xbf16>,
      %add3A_778 = arith.addf %get3A_772, %get3A_777 : vector<32xbf16>
      %unpack3A_779 = tpu.unpack_subelements %add3A_778, 0 {pack_format = #tpu.pack_format<interleaved>} : vector<32xbf16> -> vector<16xf32>
      %unpack3A_780 = tpu.unpack_subelements %add3A_778, 1 {pack_format = #tpu.pack_format<interleaved>} : vector<32xbf16> -> vector<16xf32>
      %add3A_781 = arith.addf %add3A_766, %unpack3A_779 : vector<16xf32>
      %add3A_782 = arith.addf %add3A_767, %unpack3A_780 : vector<16xf32>
      %add3A_783 = arith.constant 160 : i32
      %add3A_784 = arith.addi %add3A_783, %scan3A_570 : i32
      %get3A_785 = arith.index_cast %add3A_784 : i32 to index
      %get3A_786 = arith.constant 32 : index
      %get3A_787 = tpu.vector_load %arg17[%get3A_785, %get3A_786] {strides = array<i32>} : memref<256x128xbf16, #tpu.memory_space<vmem>>, vector<32xbf16>,
      %add3A_788 = arith.constant 176 : i32
      %add3A_789 = arith.addi %add3A_788, %scan3A_570 : i32
      %get3A_790 = arith.index_cast %add3A_789 : i32 to index
      %get3A_791 = arith.constant 32 : index
      %get3A_792 = tpu.vector_load %arg17[%get3A_790, %get3A_791] {strides = array<i32>} : memref<256x128xbf16, #tpu.memory_space<vmem>>, vector<32xbf16>,
      %add3A_793 = arith.addf %get3A_787, %get3A_792 : vector<32xbf16>
      %unpack3A_794 = tpu.unpack_subelements %add3A_793, 0 {pack_format = #tpu.pack_format<interleaved>} : vector<32xbf16> -> vector<16xf32>
      %unpack3A_795 = tpu.unpack_subelements %add3A_793, 1 {pack_format = #tpu.pack_format<interleaved>} : vector<32xbf16> -> vector<16xf32>
      %add3A_796 = arith.addf %add3A_781, %unpack3A_794 : vector<16xf32>
      %add3A_797 = arith.addf %add3A_782, %unpack3A_795 : vector<16xf32>
      %add3A_798 = arith.constant 192 : i32
      %add3A_799 = arith.addi %add3A_798, %scan3A_570 : i32
      %get3A_800 = arith.index_cast %add3A_799 : i32 to index
      %get3A_801 = arith.constant 32 : index
      %get3A_802 = tpu.vector_load %arg17[%get3A_800, %get3A_801] {strides = array<i32>} : memref<256x128xbf16, #tpu.memory_space<vmem>>, vector<32xbf16>,
      %add3A_803 = arith.constant 208 : i32
      %add3A_804 = arith.addi %add3A_803, %scan3A_570 : i32
      %get3A_805 = arith.index_cast %add3A_804 : i32 to index
      %get3A_806 = arith.constant 32 : index
      %get3A_807 = tpu.vector_load %arg17[%get3A_805, %get3A_806] {strides = array<i32>} : memref<256x128xbf16, #tpu.memory_space<vmem>>, vector<32xbf16>,
      %add3A_808 = arith.addf %get3A_802, %get3A_807 : vector<32xbf16>
      %unpack3A_809 = tpu.unpack_subelements %add3A_808, 0 {pack_format = #tpu.pack_format<interleaved>} : vector<32xbf16> -> vector<16xf32>
      %unpack3A_810 = tpu.unpack_subelements %add3A_808, 1 {pack_format = #tpu.pack_format<interleaved>} : vector<32xbf16> -> vector<16xf32>
      %add3A_811 = arith.addf %add3A_796, %unpack3A_809 : vector<16xf32>
      %add3A_812 = arith.addf %add3A_797, %unpack3A_810 : vector<16xf32>
      %add3A_813 = arith.constant 224 : i32
      %add3A_814 = arith.addi %add3A_813, %scan3A_570 : i32
      %get3A_815 = arith.index_cast %add3A_814 : i32 to index
      %get3A_816 = arith.constant 32 : index
      %get3A_817 = tpu.vector_load %arg17[%get3A_815, %get3A_816] {strides = array<i32>} : memref<256x128xbf16, #tpu.memory_space<vmem>>, vector<32xbf16>,
      %add3A_818 = arith.constant 240 : i32
      %add3A_819 = arith.addi %add3A_818, %scan3A_570 : i32
      %get3A_820 = arith.index_cast %add3A_819 : i32 to index
      %get3A_821 = arith.constant 32 : index
      %get3A_822 = tpu.vector_load %arg17[%get3A_820, %get3A_821] {strides = array<i32>} : memref<256x128xbf16, #tpu.memory_space<vmem>>, vector<32xbf16>,
      %add3A_823 = arith.addf %get3A_817, %get3A_822 : vector<32xbf16>
      %unpack3A_824 = tpu.unpack_subelements %add3A_823, 0 {pack_format = #tpu.pack_format<interleaved>} : vector<32xbf16> -> vector<16xf32>
      %unpack3A_825 = tpu.unpack_subelements %add3A_823, 1 {pack_format = #tpu.pack_format<interleaved>} : vector<32xbf16> -> vector<16xf32>
      %add3A_826 = arith.addf %add3A_811, %unpack3A_824 : vector<16xf32>
      %add3A_827 = arith.addf %add3A_812, %unpack3A_825 : vector<16xf32>
      %swap3A_828 = arith.index_cast %scan3A_570 : i32 to index
      %swap3A_829 = arith.constant 32 : index
      %swap3A_830 = tpu.vector_load %arg15[%swap3A_828, %swap3A_829] {strides = array<i32>} : memref<16x128xf32, #tpu.memory_space<vmem>>, vector<16xf32>,
      tpu.vector_store %arg15[%swap3A_828, %swap3A_829], %add3A_826 {strides = array<i32>} : memref<16x128xf32, #tpu.memory_space<vmem>>, vector<16xf32>,
      %swap3A_831 = arith.index_cast %scan3A_570 : i32 to index
      %swap3A_832 = arith.constant 48 : index
      %swap3A_833 = tpu.vector_load %arg15[%swap3A_831, %swap3A_832] {strides = array<i32>} : memref<16x128xf32, #tpu.memory_space<vmem>>, vector<16xf32>,
      tpu.vector_store %arg15[%swap3A_831, %swap3A_832], %add3A_827 {strides = array<i32>} : memref<16x128xf32, #tpu.memory_space<vmem>>, vector<16xf32>,
      %get3A_834 = arith.index_cast %scan3A_570 : i32 to index
      %get3A_835 = arith.constant 64 : index
      %get3A_836 = tpu.vector_load %arg15[%get3A_834, %get3A_835] {strides = array<i32>} : memref<16x128xf32, #tpu.memory_space<vmem>>, vector<16xf32>,
      %get3A_837 = arith.index_cast %scan3A_570 : i32 to index
      %get3A_838 = arith.constant 80 : index
      %get3A_839 = tpu.vector_load %arg15[%get3A_837, %get3A_838] {strides = array<i32>} : memref<16x128xf32, #tpu.memory_space<vmem>>, vector<16xf32>,
      %add3A_840 = arith.constant 0 : i32
      %add3A_841 = arith.addi %add3A_840, %scan3A_570 : i32
      %get3A_842 = arith.index_cast %add3A_841 : i32 to index
      %get3A_843 = arith.constant 64 : index
      %get3A_844 = tpu.vector_load %arg17[%get3A_842, %get3A_843] {strides = array<i32>} : memref<256x128xbf16, #tpu.memory_space<vmem>>, vector<32xbf16>,
      %add3A_845 = arith.constant 16 : i32
      %add3A_846 = arith.addi %add3A_845, %scan3A_570 : i32
      %get3A_847 = arith.index_cast %add3A_846 : i32 to index
      %get3A_848 = arith.constant 64 : index
      %get3A_849 = tpu.vector_load %arg17[%get3A_847, %get3A_848] {strides = array<i32>} : memref<256x128xbf16, #tpu.memory_space<vmem>>, vector<32xbf16>,
      %add3A_850 = arith.addf %get3A_844, %get3A_849 : vector<32xbf16>
      %unpack3A_851 = tpu.unpack_subelements %add3A_850, 0 {pack_format = #tpu.pack_format<interleaved>} : vector<32xbf16> -> vector<16xf32>
      %unpack3A_852 = tpu.unpack_subelements %add3A_850, 1 {pack_format = #tpu.pack_format<interleaved>} : vector<32xbf16> -> vector<16xf32>
      %add3A_853 = arith.addf %get3A_836, %unpack3A_851 : vector<16xf32>
      %add3A_854 = arith.addf %get3A_839, %unpack3A_852 : vector<16xf32>
      %add3A_855 = arith.constant 32 : i32
      %add3A_856 = arith.addi %add3A_855, %scan3A_570 : i32
      %get3A_857 = arith.index_cast %add3A_856 : i32 to index
      %get3A_858 = arith.constant 64 : index
      %get3A_859 = tpu.vector_load %arg17[%get3A_857, %get3A_858] {strides = array<i32>} : memref<256x128xbf16, #tpu.memory_space<vmem>>, vector<32xbf16>,
      %add3A_860 = arith.constant 48 : i32
      %add3A_861 = arith.addi %add3A_860, %scan3A_570 : i32
      %get3A_862 = arith.index_cast %add3A_861 : i32 to index
      %get3A_863 = arith.constant 64 : index
      %get3A_864 = tpu.vector_load %arg17[%get3A_862, %get3A_863] {strides = array<i32>} : memref<256x128xbf16, #tpu.memory_space<vmem>>, vector<32xbf16>,
      %add3A_865 = arith.addf %get3A_859, %get3A_864 : vector<32xbf16>
      %unpack3A_866 = tpu.unpack_subelements %add3A_865, 0 {pack_format = #tpu.pack_format<interleaved>} : vector<32xbf16> -> vector<16xf32>
      %unpack3A_867 = tpu.unpack_subelements %add3A_865, 1 {pack_format = #tpu.pack_format<interleaved>} : vector<32xbf16> -> vector<16xf32>
      %add3A_868 = arith.addf %add3A_853, %unpack3A_866 : vector<16xf32>
      %add3A_869 = arith.addf %add3A_854, %unpack3A_867 : vector<16xf32>
      %add3A_870 = arith.constant 64 : i32
      %add3A_871 = arith.addi %add3A_870, %scan3A_570 : i32
      %get3A_872 = arith.index_cast %add3A_871 : i32 to index
      %get3A_873 = arith.constant 64 : index
      %get3A_874 = tpu.vector_load %arg17[%get3A_872, %get3A_873] {strides = array<i32>} : memref<256x128xbf16, #tpu.memory_space<vmem>>, vector<32xbf16>,
      %add3A_875 = arith.constant 80 : i32
      %add3A_876 = arith.addi %add3A_875, %scan3A_570 : i32
      %get3A_877 = arith.index_cast %add3A_876 : i32 to index
      %get3A_878 = arith.constant 64 : index
      %get3A_879 = tpu.vector_load %arg17[%get3A_877, %get3A_878] {strides = array<i32>} : memref<256x128xbf16, #tpu.memory_space<vmem>>, vector<32xbf16>,
      %add3A_880 = arith.addf %get3A_874, %get3A_879 : vector<32xbf16>
      %unpack3A_881 = tpu.unpack_subelements %add3A_880, 0 {pack_format = #tpu.pack_format<interleaved>} : vector<32xbf16> -> vector<16xf32>
      %unpack3A_882 = tpu.unpack_subelements %add3A_880, 1 {pack_format = #tpu.pack_format<interleaved>} : vector<32xbf16> -> vector<16xf32>
      %add3A_883 = arith.addf %add3A_868, %unpack3A_881 : vector<16xf32>
      %add3A_884 = arith.addf %add3A_869, %unpack3A_882 : vector<16xf32>
      %add3A_885 = arith.constant 96 : i32
      %add3A_886 = arith.addi %add3A_885, %scan3A_570 : i32
      %get3A_887 = arith.index_cast %add3A_886 : i32 to index
      %get3A_888 = arith.constant 64 : index
      %get3A_889 = tpu.vector_load %arg17[%get3A_887, %get3A_888] {strides = array<i32>} : memref<256x128xbf16, #tpu.memory_space<vmem>>, vector<32xbf16>,
      %add3A_890 = arith.constant 112 : i32
      %add3A_891 = arith.addi %add3A_890, %scan3A_570 : i32
      %get3A_892 = arith.index_cast %add3A_891 : i32 to index
      %get3A_893 = arith.constant 64 : index
      %get3A_894 = tpu.vector_load %arg17[%get3A_892, %get3A_893] {strides = array<i32>} : memref<256x128xbf16, #tpu.memory_space<vmem>>, vector<32xbf16>,
      %add3A_895 = arith.addf %get3A_889, %get3A_894 : vector<32xbf16>
      %unpack3A_896 = tpu.unpack_subelements %add3A_895, 0 {pack_format = #tpu.pack_format<interleaved>} : vector<32xbf16> -> vector<16xf32>
      %unpack3A_897 = tpu.unpack_subelements %add3A_895, 1 {pack_format = #tpu.pack_format<interleaved>} : vector<32xbf16> -> vector<16xf32>
      %add3A_898 = arith.addf %add3A_883, %unpack3A_896 : vector<16xf32>
      %add3A_899 = arith.addf %add3A_884, %unpack3A_897 : vector<16xf32>
      %add3A_900 = arith.constant 128 : i32
      %add3A_901 = arith.addi %add3A_900, %scan3A_570 : i32
      %get3A_902 = arith.index_cast %add3A_901 : i32 to index
      %get3A_903 = arith.constant 64 : index
      %get3A_904 = tpu.vector_load %arg17[%get3A_902, %get3A_903] {strides = array<i32>} : memref<256x128xbf16, #tpu.memory_space<vmem>>, vector<32xbf16>,
      %add3A_905 = arith.constant 144 : i32
      %add3A_906 = arith.addi %add3A_905, %scan3A_570 : i32
      %get3A_907 = arith.index_cast %add3A_906 : i32 to index
      %get3A_908 = arith.constant 64 : index
      %get3A_909 = tpu.vector_load %arg17[%get3A_907, %get3A_908] {strides = array<i32>} : memref<256x128xbf16, #tpu.memory_space<vmem>>, vector<32xbf16>,
      %add3A_910 = arith.addf %get3A_904, %get3A_909 : vector<32xbf16>
      %unpack3A_911 = tpu.unpack_subelements %add3A_910, 0 {pack_format = #tpu.pack_format<interleaved>} : vector<32xbf16> -> vector<16xf32>
      %unpack3A_912 = tpu.unpack_subelements %add3A_910, 1 {pack_format = #tpu.pack_format<interleaved>} : vector<32xbf16> -> vector<16xf32>
      %add3A_913 = arith.addf %add3A_898, %unpack3A_911 : vector<16xf32>
      %add3A_914 = arith.addf %add3A_899, %unpack3A_912 : vector<16xf32>
      %add3A_915 = arith.constant 160 : i32
      %add3A_916 = arith.addi %add3A_915, %scan3A_570 : i32
      %get3A_917 = arith.index_cast %add3A_916 : i32 to index
      %get3A_918 = arith.constant 64 : index
      %get3A_919 = tpu.vector_load %arg17[%get3A_917, %get3A_918] {strides = array<i32>} : memref<256x128xbf16, #tpu.memory_space<vmem>>, vector<32xbf16>,
      %add3A_920 = arith.constant 176 : i32
      %add3A_921 = arith.addi %add3A_920, %scan3A_570 : i32
      %get3A_922 = arith.index_cast %add3A_921 : i32 to index
      %get3A_923 = arith.constant 64 : index
      %get3A_924 = tpu.vector_load %arg17[%get3A_922, %get3A_923] {strides = array<i32>} : memref<256x128xbf16, #tpu.memory_space<vmem>>, vector<32xbf16>,
      %add3A_925 = arith.addf %get3A_919, %get3A_924 : vector<32xbf16>
      %unpack3A_926 = tpu.unpack_subelements %add3A_925, 0 {pack_format = #tpu.pack_format<interleaved>} : vector<32xbf16> -> vector<16xf32>
      %unpack3A_927 = tpu.unpack_subelements %add3A_925, 1 {pack_format = #tpu.pack_format<interleaved>} : vector<32xbf16> -> vector<16xf32>
      %add3A_928 = arith.addf %add3A_913, %unpack3A_926 : vector<16xf32>
      %add3A_929 = arith.addf %add3A_914, %unpack3A_927 : vector<16xf32>
      %add3A_930 = arith.constant 192 : i32
      %add3A_931 = arith.addi %add3A_930, %scan3A_570 : i32
      %get3A_932 = arith.index_cast %add3A_931 : i32 to index
      %get3A_933 = arith.constant 64 : index
      %get3A_934 = tpu.vector_load %arg17[%get3A_932, %get3A_933] {strides = array<i32>} : memref<256x128xbf16, #tpu.memory_space<vmem>>, vector<32xbf16>,
      %add3A_935 = arith.constant 208 : i32
      %add3A_936 = arith.addi %add3A_935, %scan3A_570 : i32
      %get3A_937 = arith.index_cast %add3A_936 : i32 to index
      %get3A_938 = arith.constant 64 : index
      %get3A_939 = tpu.vector_load %arg17[%get3A_937, %get3A_938] {strides = array<i32>} : memref<256x128xbf16, #tpu.memory_space<vmem>>, vector<32xbf16>,
      %add3A_940 = arith.addf %get3A_934, %get3A_939 : vector<32xbf16>
      %unpack3A_941 = tpu.unpack_subelements %add3A_940, 0 {pack_format = #tpu.pack_format<interleaved>} : vector<32xbf16> -> vector<16xf32>
      %unpack3A_942 = tpu.unpack_subelements %add3A_940, 1 {pack_format = #tpu.pack_format<interleaved>} : vector<32xbf16> -> vector<16xf32>
      %add3A_943 = arith.addf %add3A_928, %unpack3A_941 : vector<16xf32>
      %add3A_944 = arith.addf %add3A_929, %unpack3A_942 : vector<16xf32>
      %add3A_945 = arith.constant 224 : i32
      %add3A_946 = arith.addi %add3A_945, %scan3A_570 : i32
      %get3A_947 = arith.index_cast %add3A_946 : i32 to index
      %get3A_948 = arith.constant 64 : index
      %get3A_949 = tpu.vector_load %arg17[%get3A_947, %get3A_948] {strides = array<i32>} : memref<256x128xbf16, #tpu.memory_space<vmem>>, vector<32xbf16>,
      %add3A_950 = arith.constant 240 : i32
      %add3A_951 = arith.addi %add3A_950, %scan3A_570 : i32
      %get3A_952 = arith.index_cast %add3A_951 : i32 to index
      %get3A_953 = arith.constant 64 : index
      %get3A_954 = tpu.vector_load %arg17[%get3A_952, %get3A_953] {strides = array<i32>} : memref<256x128xbf16, #tpu.memory_space<vmem>>, vector<32xbf16>,
      %add3A_955 = arith.addf %get3A_949, %get3A_954 : vector<32xbf16>
      %unpack3A_956 = tpu.unpack_subelements %add3A_955, 0 {pack_format = #tpu.pack_format<interleaved>} : vector<32xbf16> -> vector<16xf32>
      %unpack3A_957 = tpu.unpack_subelements %add3A_955, 1 {pack_format = #tpu.pack_format<interleaved>} : vector<32xbf16> -> vector<16xf32>
      %add3A_958 = arith.addf %add3A_943, %unpack3A_956 : vector<16xf32>
      %add3A_959 = arith.addf %add3A_944, %unpack3A_957 : vector<16xf32>
      %swap3A_960 = arith.index_cast %scan3A_570 : i32 to index
      %swap3A_961 = arith.constant 64 : index
      %swap3A_962 = tpu.vector_load %arg15[%swap3A_960, %swap3A_961] {strides = array<i32>} : memref<16x128xf32, #tpu.memory_space<vmem>>, vector<16xf32>,
      tpu.vector_store %arg15[%swap3A_960, %swap3A_961], %add3A_958 {strides = array<i32>} : memref<16x128xf32, #tpu.memory_space<vmem>>, vector<16xf32>,
      %swap3A_963 = arith.index_cast %scan3A_570 : i32 to index
      %swap3A_964 = arith.constant 80 : index
      %swap3A_965 = tpu.vector_load %arg15[%swap3A_963, %swap3A_964] {strides = array<i32>} : memref<16x128xf32, #tpu.memory_space<vmem>>, vector<16xf32>,
      tpu.vector_store %arg15[%swap3A_963, %swap3A_964], %add3A_959 {strides = array<i32>} : memref<16x128xf32, #tpu.memory_space<vmem>>, vector<16xf32>,
      %get3A_966 = arith.index_cast %scan3A_570 : i32 to index
      %get3A_967 = arith.constant 96 : index
      %get3A_968 = tpu.vector_load %arg15[%get3A_966, %get3A_967] {strides = array<i32>} : memref<16x128xf32, #tpu.memory_space<vmem>>, vector<16xf32>,
      %get3A_969 = arith.index_cast %scan3A_570 : i32 to index
      %get3A_970 = arith.constant 112 : index
      %get3A_971 = tpu.vector_load %arg15[%get3A_969, %get3A_970] {strides = array<i32>} : memref<16x128xf32, #tpu.memory_space<vmem>>, vector<16xf32>,
      %add3A_972 = arith.constant 0 : i32
      %add3A_973 = arith.addi %add3A_972, %scan3A_570 : i32
      %get3A_974 = arith.index_cast %add3A_973 : i32 to index
      %get3A_975 = arith.constant 96 : index
      %get3A_976 = tpu.vector_load %arg17[%get3A_974, %get3A_975] {strides = array<i32>} : memref<256x128xbf16, #tpu.memory_space<vmem>>, vector<32xbf16>,
      %add3A_977 = arith.constant 16 : i32
      %add3A_978 = arith.addi %add3A_977, %scan3A_570 : i32
      %get3A_979 = arith.index_cast %add3A_978 : i32 to index
      %get3A_980 = arith.constant 96 : index
      %get3A_981 = tpu.vector_load %arg17[%get3A_979, %get3A_980] {strides = array<i32>} : memref<256x128xbf16, #tpu.memory_space<vmem>>, vector<32xbf16>,
      %add3A_982 = arith.addf %get3A_976, %get3A_981 : vector<32xbf16>
      %unpack3A_983 = tpu.unpack_subelements %add3A_982, 0 {pack_format = #tpu.pack_format<interleaved>} : vector<32xbf16> -> vector<16xf32>
      %unpack3A_984 = tpu.unpack_subelements %add3A_982, 1 {pack_format = #tpu.pack_format<interleaved>} : vector<32xbf16> -> vector<16xf32>
      %add3A_985 = arith.addf %get3A_968, %unpack3A_983 : vector<16xf32>
      %add3A_986 = arith.addf %get3A_971, %unpack3A_984 : vector<16xf32>
      %add3A_987 = arith.constant 32 : i32
      %add3A_988 = arith.addi %add3A_987, %scan3A_570 : i32
      %get3A_989 = arith.index_cast %add3A_988 : i32 to index
      %get3A_990 = arith.constant 96 : index
      %get3A_991 = tpu.vector_load %arg17[%get3A_989, %get3A_990] {strides = array<i32>} : memref<256x128xbf16, #tpu.memory_space<vmem>>, vector<32xbf16>,
      %add3A_992 = arith.constant 48 : i32
      %add3A_993 = arith.addi %add3A_992, %scan3A_570 : i32
      %get3A_994 = arith.index_cast %add3A_993 : i32 to index
      %get3A_995 = arith.constant 96 : index
      %get3A_996 = tpu.vector_load %arg17[%get3A_994, %get3A_995] {strides = array<i32>} : memref<256x128xbf16, #tpu.memory_space<vmem>>, vector<32xbf16>,
      %add3A_997 = arith.addf %get3A_991, %get3A_996 : vector<32xbf16>
      %unpack3A_998 = tpu.unpack_subelements %add3A_997, 0 {pack_format = #tpu.pack_format<interleaved>} : vector<32xbf16> -> vector<16xf32>
      %unpack3A_999 = tpu.unpack_subelements %add3A_997, 1 {pack_format = #tpu.pack_format<interleaved>} : vector<32xbf16> -> vector<16xf32>
      %add3A_1000 = arith.addf %add3A_985, %unpack3A_998 : vector<16xf32>
      %add3A_1001 = arith.addf %add3A_986, %unpack3A_999 : vector<16xf32>
      %add3A_1002 = arith.constant 64 : i32
      %add3A_1003 = arith.addi %add3A_1002, %scan3A_570 : i32
      %get3A_1004 = arith.index_cast %add3A_1003 : i32 to index
      %get3A_1005 = arith.constant 96 : index
      %get3A_1006 = tpu.vector_load %arg17[%get3A_1004, %get3A_1005] {strides = array<i32>} : memref<256x128xbf16, #tpu.memory_space<vmem>>, vector<32xbf16>,
      %add3A_1007 = arith.constant 80 : i32
      %add3A_1008 = arith.addi %add3A_1007, %scan3A_570 : i32
      %get3A_1009 = arith.index_cast %add3A_1008 : i32 to index
      %get3A_1010 = arith.constant 96 : index
      %get3A_1011 = tpu.vector_load %arg17[%get3A_1009, %get3A_1010] {strides = array<i32>} : memref<256x128xbf16, #tpu.memory_space<vmem>>, vector<32xbf16>,
      %add3A_1012 = arith.addf %get3A_1006, %get3A_1011 : vector<32xbf16>
      %unpack3A_1013 = tpu.unpack_subelements %add3A_1012, 0 {pack_format = #tpu.pack_format<interleaved>} : vector<32xbf16> -> vector<16xf32>
      %unpack3A_1014 = tpu.unpack_subelements %add3A_1012, 1 {pack_format = #tpu.pack_format<interleaved>} : vector<32xbf16> -> vector<16xf32>
      %add3A_1015 = arith.addf %add3A_1000, %unpack3A_1013 : vector<16xf32>
      %add3A_1016 = arith.addf %add3A_1001, %unpack3A_1014 : vector<16xf32>
      %add3A_1017 = arith.constant 96 : i32
      %add3A_1018 = arith.addi %add3A_1017, %scan3A_570 : i32
      %get3A_1019 = arith.index_cast %add3A_1018 : i32 to index
      %get3A_1020 = arith.constant 96 : index
      %get3A_1021 = tpu.vector_load %arg17[%get3A_1019, %get3A_1020] {strides = array<i32>} : memref<256x128xbf16, #tpu.memory_space<vmem>>, vector<32xbf16>,
      %add3A_1022 = arith.constant 112 : i32
      %add3A_1023 = arith.addi %add3A_1022, %scan3A_570 : i32
      %get3A_1024 = arith.index_cast %add3A_1023 : i32 to index
      %get3A_1025 = arith.constant 96 : index
      %get3A_1026 = tpu.vector_load %arg17[%get3A_1024, %get3A_1025] {strides = array<i32>} : memref<256x128xbf16, #tpu.memory_space<vmem>>, vector<32xbf16>,
      %add3A_1027 = arith.addf %get3A_1021, %get3A_1026 : vector<32xbf16>
      %unpack3A_1028 = tpu.unpack_subelements %add3A_1027, 0 {pack_format = #tpu.pack_format<interleaved>} : vector<32xbf16> -> vector<16xf32>
      %unpack3A_1029 = tpu.unpack_subelements %add3A_1027, 1 {pack_format = #tpu.pack_format<interleaved>} : vector<32xbf16> -> vector<16xf32>
      %add3A_1030 = arith.addf %add3A_1015, %unpack3A_1028 : vector<16xf32>
      %add3A_1031 = arith.addf %add3A_1016, %unpack3A_1029 : vector<16xf32>
      %add3A_1032 = arith.constant 128 : i32
      %add3A_1033 = arith.addi %add3A_1032, %scan3A_570 : i32
      %get3A_1034 = arith.index_cast %add3A_1033 : i32 to index
      %get3A_1035 = arith.constant 96 : index
      %get3A_1036 = tpu.vector_load %arg17[%get3A_1034, %get3A_1035] {strides = array<i32>} : memref<256x128xbf16, #tpu.memory_space<vmem>>, vector<32xbf16>,
      %add3A_1037 = arith.constant 144 : i32
      %add3A_1038 = arith.addi %add3A_1037, %scan3A_570 : i32
      %get3A_1039 = arith.index_cast %add3A_1038 : i32 to index
      %get3A_1040 = arith.constant 96 : index
      %get3A_1041 = tpu.vector_load %arg17[%get3A_1039, %get3A_1040] {strides = array<i32>} : memref<256x128xbf16, #tpu.memory_space<vmem>>, vector<32xbf16>,
      %add3A_1042 = arith.addf %get3A_1036, %get3A_1041 : vector<32xbf16>
      %unpack3A_1043 = tpu.unpack_subelements %add3A_1042, 0 {pack_format = #tpu.pack_format<interleaved>} : vector<32xbf16> -> vector<16xf32>
      %unpack3A_1044 = tpu.unpack_subelements %add3A_1042, 1 {pack_format = #tpu.pack_format<interleaved>} : vector<32xbf16> -> vector<16xf32>
      %add3A_1045 = arith.addf %add3A_1030, %unpack3A_1043 : vector<16xf32>
      %add3A_1046 = arith.addf %add3A_1031, %unpack3A_1044 : vector<16xf32>
      %add3A_1047 = arith.constant 160 : i32
      %add3A_1048 = arith.addi %add3A_1047, %scan3A_570 : i32
      %get3A_1049 = arith.index_cast %add3A_1048 : i32 to index
      %get3A_1050 = arith.constant 96 : index
      %get3A_1051 = tpu.vector_load %arg17[%get3A_1049, %get3A_1050] {strides = array<i32>} : memref<256x128xbf16, #tpu.memory_space<vmem>>, vector<32xbf16>,
      %add3A_1052 = arith.constant 176 : i32
      %add3A_1053 = arith.addi %add3A_1052, %scan3A_570 : i32
      %get3A_1054 = arith.index_cast %add3A_1053 : i32 to index
      %get3A_1055 = arith.constant 96 : index
      %get3A_1056 = tpu.vector_load %arg17[%get3A_1054, %get3A_1055] {strides = array<i32>} : memref<256x128xbf16, #tpu.memory_space<vmem>>, vector<32xbf16>,
      %add3A_1057 = arith.addf %get3A_1051, %get3A_1056 : vector<32xbf16>
      %unpack3A_1058 = tpu.unpack_subelements %add3A_1057, 0 {pack_format = #tpu.pack_format<interleaved>} : vector<32xbf16> -> vector<16xf32>
      %unpack3A_1059 = tpu.unpack_subelements %add3A_1057, 1 {pack_format = #tpu.pack_format<interleaved>} : vector<32xbf16> -> vector<16xf32>
      %add3A_1060 = arith.addf %add3A_1045, %unpack3A_1058 : vector<16xf32>
      %add3A_1061 = arith.addf %add3A_1046, %unpack3A_1059 : vector<16xf32>
      %add3A_1062 = arith.constant 192 : i32
      %add3A_1063 = arith.addi %add3A_1062, %scan3A_570 : i32
      %get3A_1064 = arith.index_cast %add3A_1063 : i32 to index
      %get3A_1065 = arith.constant 96 : index
      %get3A_1066 = tpu.vector_load %arg17[%get3A_1064, %get3A_1065] {strides = array<i32>} : memref<256x128xbf16, #tpu.memory_space<vmem>>, vector<32xbf16>,
      %add3A_1067 = arith.constant 208 : i32
      %add3A_1068 = arith.addi %add3A_1067, %scan3A_570 : i32
      %get3A_1069 = arith.index_cast %add3A_1068 : i32 to index
      %get3A_1070 = arith.constant 96 : index
      %get3A_1071 = tpu.vector_load %arg17[%get3A_1069, %get3A_1070] {strides = array<i32>} : memref<256x128xbf16, #tpu.memory_space<vmem>>, vector<32xbf16>,
      %add3A_1072 = arith.addf %get3A_1066, %get3A_1071 : vector<32xbf16>
      %unpack3A_1073 = tpu.unpack_subelements %add3A_1072, 0 {pack_format = #tpu.pack_format<interleaved>} : vector<32xbf16> -> vector<16xf32>
      %unpack3A_1074 = tpu.unpack_subelements %add3A_1072, 1 {pack_format = #tpu.pack_format<interleaved>} : vector<32xbf16> -> vector<16xf32>
      %add3A_1075 = arith.addf %add3A_1060, %unpack3A_1073 : vector<16xf32>
      %add3A_1076 = arith.addf %add3A_1061, %unpack3A_1074 : vector<16xf32>
      %add3A_1077 = arith.constant 224 : i32
      %add3A_1078 = arith.addi %add3A_1077, %scan3A_570 : i32
      %get3A_1079 = arith.index_cast %add3A_1078 : i32 to index
      %get3A_1080 = arith.constant 96 : index
      %get3A_1081 = tpu.vector_load %arg17[%get3A_1079, %get3A_1080] {strides = array<i32>} : memref<256x128xbf16, #tpu.memory_space<vmem>>, vector<32xbf16>,
      %add3A_1082 = arith.constant 240 : i32
      %add3A_1083 = arith.addi %add3A_1082, %scan3A_570 : i32
      %get3A_1084 = arith.index_cast %add3A_1083 : i32 to index
      %get3A_1085 = arith.constant 96 : index
      %get3A_1086 = tpu.vector_load %arg17[%get3A_1084, %get3A_1085] {strides = array<i32>} : memref<256x128xbf16, #tpu.memory_space<vmem>>, vector<32xbf16>,
      %add3A_1087 = arith.addf %get3A_1081, %get3A_1086 : vector<32xbf16>
      %unpack3A_1088 = tpu.unpack_subelements %add3A_1087, 0 {pack_format = #tpu.pack_format<interleaved>} : vector<32xbf16> -> vector<16xf32>
      %unpack3A_1089 = tpu.unpack_subelements %add3A_1087, 1 {pack_format = #tpu.pack_format<interleaved>} : vector<32xbf16> -> vector<16xf32>
      %add3A_1090 = arith.addf %add3A_1075, %unpack3A_1088 : vector<16xf32>
      %add3A_1091 = arith.addf %add3A_1076, %unpack3A_1089 : vector<16xf32>
      %swap3A_1092 = arith.index_cast %scan3A_570 : i32 to index
      %swap3A_1093 = arith.constant 96 : index
      %swap3A_1094 = tpu.vector_load %arg15[%swap3A_1092, %swap3A_1093] {strides = array<i32>} : memref<16x128xf32, #tpu.memory_space<vmem>>, vector<16xf32>,
      tpu.vector_store %arg15[%swap3A_1092, %swap3A_1093], %add3A_1090 {strides = array<i32>} : memref<16x128xf32, #tpu.memory_space<vmem>>, vector<16xf32>,
      %swap3A_1095 = arith.index_cast %scan3A_570 : i32 to index
      %swap3A_1096 = arith.constant 112 : index
      %swap3A_1097 = tpu.vector_load %arg15[%swap3A_1095, %swap3A_1096] {strides = array<i32>} : memref<16x128xf32, #tpu.memory_space<vmem>>, vector<16xf32>,
      tpu.vector_store %arg15[%swap3A_1095, %swap3A_1096], %add3A_1091 {strides = array<i32>} : memref<16x128xf32, #tpu.memory_space<vmem>>, vector<16xf32>,
    }
    %scan3A_567 = arith.constant 16 : i32
    %add3A_568 = arith.constant 496 : i32
    %add3A_569 = arith.addi %mul3A_32, %add3A_568 : i32
    "tpu.region"() ({
      %run_scoped3A = tpu.sem_alloc : memref<!tpu.dma_semaphore, #tpu.memory_space<semaphore_mem>>
      %dma_start3A_570 = arith.constant 0 : i32
      %dma_start3A_571 = tpu.memref_slice %arg6[%select_n3A, %add3A_569, %dma_start3A_570] : memref<4x4096x128xf32, #tpu.memory_space<hbm>> -> memref<1x16x128xf32, #tpu.memory_space<hbm>>
      %dma_start3A_572 = tpu.memref_squeeze %dma_start3A_571 : memref<1x16x128xf32, #tpu.memory_space<hbm>> -> memref<16x128xf32, #tpu.memory_space<hbm>>
      %dma_start3A_573 = arith.constant 0 : i32
      %dma_start3A_574 = tpu.memref_slice %arg6[%select_n3A, %add3A_569, %dma_start3A_573] : memref<4x4096x128xf32, #tpu.memory_space<hbm>> -> memref<1x16x128xf32, #tpu.memory_space<hbm>>
      %dma_start3A_575 = tpu.memref_squeeze %dma_start3A_574 : memref<1x16x128xf32, #tpu.memory_space<hbm>> -> memref<16x128xf32, #tpu.memory_space<hbm>>
      tpu.enqueue_dma source(%arg15 : memref<16x128xf32, #tpu.memory_space<vmem>>) target(%dma_start3A_575 : memref<16x128xf32, #tpu.memory_space<hbm>>) target_semaphore(%run_scoped3A : memref<!tpu.dma_semaphore, #tpu.memory_space<semaphore_mem>>)
      %dma_wait3A_576 = arith.constant 0 : i32
      %dma_wait3A_577 = tpu.memref_slice %arg6[%select_n3A, %add3A_569, %dma_wait3A_576] : memref<4x4096x128xf32, #tpu.memory_space<hbm>> -> memref<1x16x128xf32, #tpu.memory_space<hbm>>
      %dma_wait3A_578 = tpu.memref_squeeze %dma_wait3A_577 : memref<1x16x128xf32, #tpu.memory_space<hbm>> -> memref<16x128xf32, #tpu.memory_space<hbm>>
      %dma_wait3A_579 = arith.constant 0 : i32
      %dma_wait3A_580 = tpu.memref_slice %arg6[%select_n3A, %add3A_569, %dma_wait3A_579] : memref<4x4096x128xf32, #tpu.memory_space<hbm>> -> memref<1x16x128xf32, #tpu.memory_space<hbm>>
      %dma_wait3A_581 = tpu.memref_squeeze %dma_wait3A_580 : memref<1x16x128xf32, #tpu.memory_space<hbm>> -> memref<16x128xf32, #tpu.memory_space<hbm>>
      tpu.wait_dma2 semaphore(%run_scoped3A : memref<!tpu.dma_semaphore, #tpu.memory_space<semaphore_mem>>) src(%arg15 : memref<16x128xf32, #tpu.memory_space<vmem>>) dst(%dma_wait3A_581 : memref<16x128xf32, #tpu.memory_space<hbm>>)
      tpu.yield
    }) : () -> ()
    return
  }
}

module attributes {stable_mosaic.version = 14 : i64} {
  func.func @_rot_table_body(%arg0: memref<256x128xf32, #tpu.memory_space<vmem>>, %arg1: memref<4096x128xbf16, #tpu.memory_space<vmem>>) attributes {dimension_semantics = [], scalar_prefetch = 0 : i64, scratch_operands = 0 : i64, tpu.core_type = #tpu.core_type<tc>} {
    %get3A = arith.constant 0 : index
    %get3A_0 = arith.constant 0 : index
    %get3A_1 = vector.load %arg0[%get3A, %get3A_0] : memref<256x128xf32, #tpu.memory_space<vmem>>, vector<256x128xf32>
    %iota3A = tpu.iota {dimensions = array<i32: 1>} : vector<1x128xi32>
    %jit3A = arith.constant 32 : i32
    %eq3A = arith.constant 0 : i32
    %eq3A_2 = arith.cmpi eq, %jit3A, %eq3A : i32
    %jit3A_3 = arith.constant 1 : i32
    %select_n3A = arith.select %eq3A_2, %jit3A_3, %jit3A : i32
    %rem3A = vector.broadcast %select_n3A : i32 to vector<1x128xi32>
    %rem3A_4 = arith.remsi %iota3A, %rem3A : vector<1x128xi32>
    %ne3A = arith.constant 0 : i32
    %ne3A_5 = vector.broadcast %ne3A : i32 to vector<1x128xi32>
    %ne3A_6 = arith.cmpi ne, %rem3A_4, %ne3A_5 : vector<1x128xi32>
    %lt3A = arith.constant 0 : i32
    %lt3A_7 = vector.broadcast %lt3A : i32 to vector<1x128xi32>
    %lt3A_8 = arith.cmpi slt, %rem3A_4, %lt3A_7 : vector<1x128xi32>
    %lt3A_9 = arith.constant 0 : i32
    %lt3A_10 = arith.cmpi slt, %select_n3A, %lt3A_9 : i32
    %ne3A_11 = vector.broadcast %lt3A_10 : i1 to vector<1x128xi1>
    %ne3A_12 = vector.broadcast %ne3A_11 : vector<1x128xi1> to vector<1x128xi1>
    %ne3A_13 = arith.xori %lt3A_8, %ne3A_12 : vector<1x128xi1>
    %and3A = arith.andi %ne3A_13, %ne3A_6 : vector<1x128xi1>
    %add3A = vector.broadcast %select_n3A : i32 to vector<1x128xi32>
    %add3A_14 = arith.addi %rem3A_4, %add3A : vector<1x128xi32>
    %select_n3A_15 = arith.select %and3A, %add3A_14, %rem3A_4 : vector<1x128xi1>, vector<1x128xi32>
    %sub3A = arith.subi %iota3A, %select_n3A_15 : vector<1x128xi32>
    %jit3A_16 = arith.constant 2 : i32
    %eq3A_17 = arith.constant 0 : i32
    %eq3A_18 = arith.cmpi eq, %jit3A_16, %eq3A_17 : i32
    %jit3A_19 = arith.constant 1 : i32
    %select_n3A_20 = arith.select %eq3A_18, %jit3A_19, %jit3A_16 : i32
    %rem3A_21 = vector.broadcast %select_n3A_20 : i32 to vector<1x128xi32>
    %rem3A_22 = arith.remsi %select_n3A_15, %rem3A_21 : vector<1x128xi32>
    %ne3A_23 = arith.constant 0 : i32
    %ne3A_24 = vector.broadcast %ne3A_23 : i32 to vector<1x128xi32>
    %ne3A_25 = arith.cmpi ne, %rem3A_22, %ne3A_24 : vector<1x128xi32>
    %lt3A_26 = arith.constant 0 : i32
    %lt3A_27 = vector.broadcast %lt3A_26 : i32 to vector<1x128xi32>
    %lt3A_28 = arith.cmpi slt, %rem3A_22, %lt3A_27 : vector<1x128xi32>
    %lt3A_29 = arith.constant 0 : i32
    %lt3A_30 = arith.cmpi slt, %select_n3A_20, %lt3A_29 : i32
    %ne3A_31 = vector.broadcast %lt3A_30 : i1 to vector<1x128xi1>
    %ne3A_32 = vector.broadcast %ne3A_31 : vector<1x128xi1> to vector<1x128xi1>
    %ne3A_33 = arith.xori %lt3A_28, %ne3A_32 : vector<1x128xi1>
    %and3A_34 = arith.andi %ne3A_33, %ne3A_25 : vector<1x128xi1>
    %add3A_35 = vector.broadcast %select_n3A_20 : i32 to vector<1x128xi32>
    %add3A_36 = arith.addi %rem3A_22, %add3A_35 : vector<1x128xi32>
    %select_n3A_37 = arith.select %and3A_34, %add3A_36, %rem3A_22 : vector<1x128xi1>, vector<1x128xi32>
    %mul3A = arith.constant 16 : i32
    %mul3A_38 = vector.broadcast %mul3A : i32 to vector<1x128xi32>
    %mul3A_39 = arith.muli %select_n3A_37, %mul3A_38 : vector<1x128xi32>
    %add3A_40 = arith.addi %sub3A, %mul3A_39 : vector<1x128xi32>
    %jit3A_41 = arith.constant 2 : i32
    %div3A = vector.broadcast %jit3A_41 : i32 to vector<1x128xi32>
    %div3A_42 = arith.divsi %select_n3A_15, %div3A : vector<1x128xi32>
    %sign3A = arith.constant 0 : i32
    %sign3A_43 = vector.broadcast %sign3A : i32 to vector<1x128xi32>
    %sign3A_44 = arith.cmpi sgt, %select_n3A_15, %sign3A_43 : vector<1x128xi32>
    %sign3A_45 = arith.extui %sign3A_44 : vector<1x128xi1> to vector<1x128xi32>
    %sign3A_46 = arith.constant 0 : i32
    %sign3A_47 = vector.broadcast %sign3A_46 : i32 to vector<1x128xi32>
    %sign3A_48 = arith.cmpi slt, %select_n3A_15, %sign3A_47 : vector<1x128xi32>
    %sign3A_49 = arith.extui %sign3A_48 : vector<1x128xi1> to vector<1x128xi32>
    %sign3A_50 = arith.subi %sign3A_45, %sign3A_49 : vector<1x128xi32>
    %sign3A_51 = arith.constant 0 : i32
    %sign3A_52 = arith.cmpi sgt, %jit3A_41, %sign3A_51 : i32
    %sign3A_53 = arith.extui %sign3A_52 : i1 to i32
    %sign3A_54 = arith.constant 0 : i32
    %sign3A_55 = arith.cmpi slt, %jit3A_41, %sign3A_54 : i32
    %sign3A_56 = arith.extui %sign3A_55 : i1 to i32
    %sign3A_57 = arith.subi %sign3A_53, %sign3A_56 : i32
    %ne3A_58 = vector.broadcast %sign3A_57 : i32 to vector<1x128xi32>
    %ne3A_59 = arith.cmpi ne, %sign3A_50, %ne3A_58 : vector<1x128xi32>
    %rem3A_60 = vector.broadcast %jit3A_41 : i32 to vector<1x128xi32>
    %rem3A_61 = arith.remsi %select_n3A_15, %rem3A_60 : vector<1x128xi32>
    %ne3A_62 = arith.constant 0 : i32
    %ne3A_63 = vector.broadcast %ne3A_62 : i32 to vector<1x128xi32>
    %ne3A_64 = arith.cmpi ne, %rem3A_61, %ne3A_63 : vector<1x128xi32>
    %and3A_65 = arith.andi %ne3A_59, %ne3A_64 : vector<1x128xi1>
    %sub3A_66 = arith.constant 1 : i32
    %sub3A_67 = vector.broadcast %sub3A_66 : i32 to vector<1x128xi32>
    %sub3A_68 = arith.subi %div3A_42, %sub3A_67 : vector<1x128xi32>
    %select_n3A_69 = arith.select %and3A_65, %sub3A_68, %div3A_42 : vector<1x128xi1>, vector<1x128xi32>
    %add3A_70 = arith.addi %add3A_40, %select_n3A_69 : vector<1x128xi32>
    %jit3A_71 = arith.constant 2 : i32
    %eq3A_72 = arith.constant 0 : i32
    %eq3A_73 = arith.cmpi eq, %jit3A_71, %eq3A_72 : i32
    %jit3A_74 = arith.constant 1 : i32
    %select_n3A_75 = arith.select %eq3A_73, %jit3A_74, %jit3A_71 : i32
    %rem3A_76 = vector.broadcast %select_n3A_75 : i32 to vector<1x128xi32>
    %rem3A_77 = arith.remsi %add3A_70, %rem3A_76 : vector<1x128xi32>
    %ne3A_78 = arith.constant 0 : i32
    %ne3A_79 = vector.broadcast %ne3A_78 : i32 to vector<1x128xi32>
    %ne3A_80 = arith.cmpi ne, %rem3A_77, %ne3A_79 : vector<1x128xi32>
    %lt3A_81 = arith.constant 0 : i32
    %lt3A_82 = vector.broadcast %lt3A_81 : i32 to vector<1x128xi32>
    %lt3A_83 = arith.cmpi slt, %rem3A_77, %lt3A_82 : vector<1x128xi32>
    %lt3A_84 = arith.constant 0 : i32
    %lt3A_85 = arith.cmpi slt, %select_n3A_75, %lt3A_84 : i32
    %ne3A_86 = vector.broadcast %lt3A_85 : i1 to vector<1x128xi1>
    %ne3A_87 = vector.broadcast %ne3A_86 : vector<1x128xi1> to vector<1x128xi1>
    %ne3A_88 = arith.xori %lt3A_83, %ne3A_87 : vector<1x128xi1>
    %and3A_89 = arith.andi %ne3A_88, %ne3A_80 : vector<1x128xi1>
    %add3A_90 = vector.broadcast %select_n3A_75 : i32 to vector<1x128xi32>
    %add3A_91 = arith.addi %rem3A_77, %add3A_90 : vector<1x128xi32>
    %select_n3A_92 = arith.select %and3A_89, %add3A_91, %rem3A_77 : vector<1x128xi1>, vector<1x128xi32>
    %sub3A_93 = arith.subi %add3A_70, %select_n3A_92 : vector<1x128xi32>
    %convert_element_type3A = arith.sitofp %sub3A_93 : vector<1x128xi32> to vector<1x128xf32>
    %mul3A_94 = arith.constant -0.0719557852 : f32
    %mul3A_95 = vector.broadcast %mul3A_94 : f32 to vector<1x128xf32>
    %mul3A_96 = arith.mulf %convert_element_type3A, %mul3A_95 : vector<1x128xf32>
    %exp3A = math.exp %mul3A_96 : vector<1x128xf32>
    %jit3A_97 = arith.constant 2 : i32
    %eq3A_98 = arith.constant 0 : i32
    %eq3A_99 = arith.cmpi eq, %jit3A_97, %eq3A_98 : i32
    %jit3A_100 = arith.constant 1 : i32
    %select_n3A_101 = arith.select %eq3A_99, %jit3A_100, %jit3A_97 : i32
    %rem3A_102 = vector.broadcast %select_n3A_101 : i32 to vector<1x128xi32>
    %rem3A_103 = arith.remsi %add3A_70, %rem3A_102 : vector<1x128xi32>
    %ne3A_104 = arith.constant 0 : i32
    %ne3A_105 = vector.broadcast %ne3A_104 : i32 to vector<1x128xi32>
    %ne3A_106 = arith.cmpi ne, %rem3A_103, %ne3A_105 : vector<1x128xi32>
    %lt3A_107 = arith.constant 0 : i32
    %lt3A_108 = vector.broadcast %lt3A_107 : i32 to vector<1x128xi32>
    %lt3A_109 = arith.cmpi slt, %rem3A_103, %lt3A_108 : vector<1x128xi32>
    %lt3A_110 = arith.constant 0 : i32
    %lt3A_111 = arith.cmpi slt, %select_n3A_101, %lt3A_110 : i32
    %ne3A_112 = vector.broadcast %lt3A_111 : i1 to vector<1x128xi1>
    %ne3A_113 = vector.broadcast %ne3A_112 : vector<1x128xi1> to vector<1x128xi1>
    %ne3A_114 = arith.xori %lt3A_109, %ne3A_113 : vector<1x128xi1>
    %and3A_115 = arith.andi %ne3A_114, %ne3A_106 : vector<1x128xi1>
    %add3A_116 = vector.broadcast %select_n3A_101 : i32 to vector<1x128xi32>
    %add3A_117 = arith.addi %rem3A_103, %add3A_116 : vector<1x128xi32>
    %select_n3A_118 = arith.select %and3A_115, %add3A_117, %rem3A_103 : vector<1x128xi1>, vector<1x128xi32>
    %eq3A_119 = arith.constant 1 : i32
    %eq3A_120 = vector.broadcast %eq3A_119 : i32 to vector<1x128xi32>
    %eq3A_121 = arith.cmpi eq, %select_n3A_118, %eq3A_120 : vector<1x128xi32>
    %jit3A_122 = arith.constant 1.000000e+00 : f32
    %jit3A_123 = arith.constant -1.000000e+00 : f32
    %broadcast_in_dim3A = vector.broadcast %jit3A_122 : f32 to vector<1x128xf32>
    %broadcast_in_dim3A_124 = vector.broadcast %jit3A_123 : f32 to vector<1x128xf32>
    %select_n3A_125 = arith.select %eq3A_121, %broadcast_in_dim3A, %broadcast_in_dim3A_124 : vector<1x128xi1>, vector<1x128xf32>
    %iota3A_126 = tpu.iota {dimensions = array<i32: 0>} : vector<128x128xi32>
    %eq3A_127 = vector.broadcast %add3A_70 : vector<1x128xi32> to vector<128x128xi32>
    %eq3A_128 = arith.cmpi eq, %iota3A_126, %eq3A_127 : vector<128x128xi32>
    %convert_element_type3A_129 = arith.extui %eq3A_128 : vector<128x128xi1> to vector<128x128xi32>
    %convert_element_type3A_130 = arith.sitofp %convert_element_type3A_129 : vector<128x128xi32> to vector<128x128xf32>
    %xor3A = arith.constant 1 : i32
    %xor3A_131 = vector.broadcast %xor3A : i32 to vector<1x128xi32>
    %xor3A_132 = arith.xori %add3A_70, %xor3A_131 : vector<1x128xi32>
    %eq3A_133 = vector.broadcast %xor3A_132 : vector<1x128xi32> to vector<128x128xi32>
    %eq3A_134 = arith.cmpi eq, %iota3A_126, %eq3A_133 : vector<128x128xi32>
    %convert_element_type3A_135 = arith.extui %eq3A_134 : vector<128x128xi1> to vector<128x128xi32>
    %convert_element_type3A_136 = arith.sitofp %convert_element_type3A_135 : vector<128x128xi32> to vector<128x128xf32>
    %dot_general3A = arith.constant dense<0.000000e+00> : vector<256x128xf32>
    %dot_general3A_137 = tpu.matmul %get3A_1, %convert_element_type3A_130, %dot_general3A {dimension_numbers = #tpu.dot_dimension_numbers<[1], [0], [0], [1], [0, 0, 1, 1], [], []>, transpose_lhs_hint = false} : vector<256x128xf32>, vector<128x128xf32>, vector<256x128xf32> -> vector<256x128xf32>
    %dot_general3A_138 = arith.constant dense<0.000000e+00> : vector<256x128xf32>
    %dot_general3A_139 = tpu.matmul %get3A_1, %convert_element_type3A_136, %dot_general3A_138 {dimension_numbers = #tpu.dot_dimension_numbers<[1], [0], [0], [1], [0, 0, 1, 1], [], []>, transpose_lhs_hint = false} : vector<256x128xf32>, vector<128x128xf32>, vector<256x128xf32> -> vector<256x128xf32>
    %mul3A_140 = arith.constant 0.000000e+00 : f32
    %mul3A_141 = vector.broadcast %mul3A_140 : f32 to vector<1x128xf32>
    %mul3A_142 = arith.mulf %mul3A_141, %exp3A : vector<1x128xf32>
    %cos3A = math.cos %mul3A_142 : vector<1x128xf32>
    %sin3A = math.sin %mul3A_142 : vector<1x128xf32>
    %mul3A_143 = arith.mulf %sin3A, %select_n3A_125 : vector<1x128xf32>
    %mul3A_144 = vector.broadcast %cos3A : vector<1x128xf32> to vector<256x128xf32>
    %mul3A_145 = arith.mulf %dot_general3A_137, %mul3A_144 : vector<256x128xf32>
    %mul3A_146 = vector.broadcast %mul3A_143 : vector<1x128xf32> to vector<256x128xf32>
    %mul3A_147 = arith.mulf %dot_general3A_139, %mul3A_146 : vector<256x128xf32>
    %add3A_148 = arith.addf %mul3A_145, %mul3A_147 : vector<256x128xf32>
    %convert_element_type3A_149 = arith.truncf %add3A_148 : vector<256x128xf32> to vector<256x128xbf16>
    %swap3A = arith.constant 0 : index
    %swap3A_150 = arith.constant 0 : index
    %swap3A_151 = vector.load %arg1[%swap3A, %swap3A_150] : memref<4096x128xbf16, #tpu.memory_space<vmem>>, vector<256x128xbf16>
    tpu.vector_store %arg1[%swap3A, %swap3A_150], %convert_element_type3A_149 {strides = array<i32>} : memref<4096x128xbf16, #tpu.memory_space<vmem>>, vector<256x128xbf16>,
    %mul3A_152 = arith.constant 1.000000e+00 : f32
    %mul3A_153 = vector.broadcast %mul3A_152 : f32 to vector<1x128xf32>
    %mul3A_154 = arith.mulf %mul3A_153, %exp3A : vector<1x128xf32>
    %cos3A_155 = math.cos %mul3A_154 : vector<1x128xf32>
    %sin3A_156 = math.sin %mul3A_154 : vector<1x128xf32>
    %mul3A_157 = arith.mulf %sin3A_156, %select_n3A_125 : vector<1x128xf32>
    %mul3A_158 = vector.broadcast %cos3A_155 : vector<1x128xf32> to vector<256x128xf32>
    %mul3A_159 = arith.mulf %dot_general3A_137, %mul3A_158 : vector<256x128xf32>
    %mul3A_160 = vector.broadcast %mul3A_157 : vector<1x128xf32> to vector<256x128xf32>
    %mul3A_161 = arith.mulf %dot_general3A_139, %mul3A_160 : vector<256x128xf32>
    %add3A_162 = arith.addf %mul3A_159, %mul3A_161 : vector<256x128xf32>
    %convert_element_type3A_163 = arith.truncf %add3A_162 : vector<256x128xf32> to vector<256x128xbf16>
    %swap3A_164 = arith.constant 256 : index
    %swap3A_165 = arith.constant 0 : index
    %swap3A_166 = vector.load %arg1[%swap3A_164, %swap3A_165] : memref<4096x128xbf16, #tpu.memory_space<vmem>>, vector<256x128xbf16>
    tpu.vector_store %arg1[%swap3A_164, %swap3A_165], %convert_element_type3A_163 {strides = array<i32>} : memref<4096x128xbf16, #tpu.memory_space<vmem>>, vector<256x128xbf16>,
    %mul3A_167 = arith.constant 2.000000e+00 : f32
    %mul3A_168 = vector.broadcast %mul3A_167 : f32 to vector<1x128xf32>
    %mul3A_169 = arith.mulf %mul3A_168, %exp3A : vector<1x128xf32>
    %cos3A_170 = math.cos %mul3A_169 : vector<1x128xf32>
    %sin3A_171 = math.sin %mul3A_169 : vector<1x128xf32>
    %mul3A_172 = arith.mulf %sin3A_171, %select_n3A_125 : vector<1x128xf32>
    %mul3A_173 = vector.broadcast %cos3A_170 : vector<1x128xf32> to vector<256x128xf32>
    %mul3A_174 = arith.mulf %dot_general3A_137, %mul3A_173 : vector<256x128xf32>
    %mul3A_175 = vector.broadcast %mul3A_172 : vector<1x128xf32> to vector<256x128xf32>
    %mul3A_176 = arith.mulf %dot_general3A_139, %mul3A_175 : vector<256x128xf32>
    %add3A_177 = arith.addf %mul3A_174, %mul3A_176 : vector<256x128xf32>
    %convert_element_type3A_178 = arith.truncf %add3A_177 : vector<256x128xf32> to vector<256x128xbf16>
    %swap3A_179 = arith.constant 512 : index
    %swap3A_180 = arith.constant 0 : index
    %swap3A_181 = vector.load %arg1[%swap3A_179, %swap3A_180] : memref<4096x128xbf16, #tpu.memory_space<vmem>>, vector<256x128xbf16>
    tpu.vector_store %arg1[%swap3A_179, %swap3A_180], %convert_element_type3A_178 {strides = array<i32>} : memref<4096x128xbf16, #tpu.memory_space<vmem>>, vector<256x128xbf16>,
    %mul3A_182 = arith.constant 3.000000e+00 : f32
    %mul3A_183 = vector.broadcast %mul3A_182 : f32 to vector<1x128xf32>
    %mul3A_184 = arith.mulf %mul3A_183, %exp3A : vector<1x128xf32>
    %cos3A_185 = math.cos %mul3A_184 : vector<1x128xf32>
    %sin3A_186 = math.sin %mul3A_184 : vector<1x128xf32>
    %mul3A_187 = arith.mulf %sin3A_186, %select_n3A_125 : vector<1x128xf32>
    %mul3A_188 = vector.broadcast %cos3A_185 : vector<1x128xf32> to vector<256x128xf32>
    %mul3A_189 = arith.mulf %dot_general3A_137, %mul3A_188 : vector<256x128xf32>
    %mul3A_190 = vector.broadcast %mul3A_187 : vector<1x128xf32> to vector<256x128xf32>
    %mul3A_191 = arith.mulf %dot_general3A_139, %mul3A_190 : vector<256x128xf32>
    %add3A_192 = arith.addf %mul3A_189, %mul3A_191 : vector<256x128xf32>
    %convert_element_type3A_193 = arith.truncf %add3A_192 : vector<256x128xf32> to vector<256x128xbf16>
    %swap3A_194 = arith.constant 768 : index
    %swap3A_195 = arith.constant 0 : index
    %swap3A_196 = vector.load %arg1[%swap3A_194, %swap3A_195] : memref<4096x128xbf16, #tpu.memory_space<vmem>>, vector<256x128xbf16>
    tpu.vector_store %arg1[%swap3A_194, %swap3A_195], %convert_element_type3A_193 {strides = array<i32>} : memref<4096x128xbf16, #tpu.memory_space<vmem>>, vector<256x128xbf16>,
    %mul3A_197 = arith.constant 4.000000e+00 : f32
    %mul3A_198 = vector.broadcast %mul3A_197 : f32 to vector<1x128xf32>
    %mul3A_199 = arith.mulf %mul3A_198, %exp3A : vector<1x128xf32>
    %cos3A_200 = math.cos %mul3A_199 : vector<1x128xf32>
    %sin3A_201 = math.sin %mul3A_199 : vector<1x128xf32>
    %mul3A_202 = arith.mulf %sin3A_201, %select_n3A_125 : vector<1x128xf32>
    %mul3A_203 = vector.broadcast %cos3A_200 : vector<1x128xf32> to vector<256x128xf32>
    %mul3A_204 = arith.mulf %dot_general3A_137, %mul3A_203 : vector<256x128xf32>
    %mul3A_205 = vector.broadcast %mul3A_202 : vector<1x128xf32> to vector<256x128xf32>
    %mul3A_206 = arith.mulf %dot_general3A_139, %mul3A_205 : vector<256x128xf32>
    %add3A_207 = arith.addf %mul3A_204, %mul3A_206 : vector<256x128xf32>
    %convert_element_type3A_208 = arith.truncf %add3A_207 : vector<256x128xf32> to vector<256x128xbf16>
    %swap3A_209 = arith.constant 1024 : index
    %swap3A_210 = arith.constant 0 : index
    %swap3A_211 = vector.load %arg1[%swap3A_209, %swap3A_210] : memref<4096x128xbf16, #tpu.memory_space<vmem>>, vector<256x128xbf16>
    tpu.vector_store %arg1[%swap3A_209, %swap3A_210], %convert_element_type3A_208 {strides = array<i32>} : memref<4096x128xbf16, #tpu.memory_space<vmem>>, vector<256x128xbf16>,
    %mul3A_212 = arith.constant 5.000000e+00 : f32
    %mul3A_213 = vector.broadcast %mul3A_212 : f32 to vector<1x128xf32>
    %mul3A_214 = arith.mulf %mul3A_213, %exp3A : vector<1x128xf32>
    %cos3A_215 = math.cos %mul3A_214 : vector<1x128xf32>
    %sin3A_216 = math.sin %mul3A_214 : vector<1x128xf32>
    %mul3A_217 = arith.mulf %sin3A_216, %select_n3A_125 : vector<1x128xf32>
    %mul3A_218 = vector.broadcast %cos3A_215 : vector<1x128xf32> to vector<256x128xf32>
    %mul3A_219 = arith.mulf %dot_general3A_137, %mul3A_218 : vector<256x128xf32>
    %mul3A_220 = vector.broadcast %mul3A_217 : vector<1x128xf32> to vector<256x128xf32>
    %mul3A_221 = arith.mulf %dot_general3A_139, %mul3A_220 : vector<256x128xf32>
    %add3A_222 = arith.addf %mul3A_219, %mul3A_221 : vector<256x128xf32>
    %convert_element_type3A_223 = arith.truncf %add3A_222 : vector<256x128xf32> to vector<256x128xbf16>
    %swap3A_224 = arith.constant 1280 : index
    %swap3A_225 = arith.constant 0 : index
    %swap3A_226 = vector.load %arg1[%swap3A_224, %swap3A_225] : memref<4096x128xbf16, #tpu.memory_space<vmem>>, vector<256x128xbf16>
    tpu.vector_store %arg1[%swap3A_224, %swap3A_225], %convert_element_type3A_223 {strides = array<i32>} : memref<4096x128xbf16, #tpu.memory_space<vmem>>, vector<256x128xbf16>,
    %mul3A_227 = arith.constant 6.000000e+00 : f32
    %mul3A_228 = vector.broadcast %mul3A_227 : f32 to vector<1x128xf32>
    %mul3A_229 = arith.mulf %mul3A_228, %exp3A : vector<1x128xf32>
    %cos3A_230 = math.cos %mul3A_229 : vector<1x128xf32>
    %sin3A_231 = math.sin %mul3A_229 : vector<1x128xf32>
    %mul3A_232 = arith.mulf %sin3A_231, %select_n3A_125 : vector<1x128xf32>
    %mul3A_233 = vector.broadcast %cos3A_230 : vector<1x128xf32> to vector<256x128xf32>
    %mul3A_234 = arith.mulf %dot_general3A_137, %mul3A_233 : vector<256x128xf32>
    %mul3A_235 = vector.broadcast %mul3A_232 : vector<1x128xf32> to vector<256x128xf32>
    %mul3A_236 = arith.mulf %dot_general3A_139, %mul3A_235 : vector<256x128xf32>
    %add3A_237 = arith.addf %mul3A_234, %mul3A_236 : vector<256x128xf32>
    %convert_element_type3A_238 = arith.truncf %add3A_237 : vector<256x128xf32> to vector<256x128xbf16>
    %swap3A_239 = arith.constant 1536 : index
    %swap3A_240 = arith.constant 0 : index
    %swap3A_241 = vector.load %arg1[%swap3A_239, %swap3A_240] : memref<4096x128xbf16, #tpu.memory_space<vmem>>, vector<256x128xbf16>
    tpu.vector_store %arg1[%swap3A_239, %swap3A_240], %convert_element_type3A_238 {strides = array<i32>} : memref<4096x128xbf16, #tpu.memory_space<vmem>>, vector<256x128xbf16>,
    %mul3A_242 = arith.constant 7.000000e+00 : f32
    %mul3A_243 = vector.broadcast %mul3A_242 : f32 to vector<1x128xf32>
    %mul3A_244 = arith.mulf %mul3A_243, %exp3A : vector<1x128xf32>
    %cos3A_245 = math.cos %mul3A_244 : vector<1x128xf32>
    %sin3A_246 = math.sin %mul3A_244 : vector<1x128xf32>
    %mul3A_247 = arith.mulf %sin3A_246, %select_n3A_125 : vector<1x128xf32>
    %mul3A_248 = vector.broadcast %cos3A_245 : vector<1x128xf32> to vector<256x128xf32>
    %mul3A_249 = arith.mulf %dot_general3A_137, %mul3A_248 : vector<256x128xf32>
    %mul3A_250 = vector.broadcast %mul3A_247 : vector<1x128xf32> to vector<256x128xf32>
    %mul3A_251 = arith.mulf %dot_general3A_139, %mul3A_250 : vector<256x128xf32>
    %add3A_252 = arith.addf %mul3A_249, %mul3A_251 : vector<256x128xf32>
    %convert_element_type3A_253 = arith.truncf %add3A_252 : vector<256x128xf32> to vector<256x128xbf16>
    %swap3A_254 = arith.constant 1792 : index
    %swap3A_255 = arith.constant 0 : index
    %swap3A_256 = vector.load %arg1[%swap3A_254, %swap3A_255] : memref<4096x128xbf16, #tpu.memory_space<vmem>>, vector<256x128xbf16>
    tpu.vector_store %arg1[%swap3A_254, %swap3A_255], %convert_element_type3A_253 {strides = array<i32>} : memref<4096x128xbf16, #tpu.memory_space<vmem>>, vector<256x128xbf16>,
    %mul3A_257 = arith.constant 8.000000e+00 : f32
    %mul3A_258 = vector.broadcast %mul3A_257 : f32 to vector<1x128xf32>
    %mul3A_259 = arith.mulf %mul3A_258, %exp3A : vector<1x128xf32>
    %cos3A_260 = math.cos %mul3A_259 : vector<1x128xf32>
    %sin3A_261 = math.sin %mul3A_259 : vector<1x128xf32>
    %mul3A_262 = arith.mulf %sin3A_261, %select_n3A_125 : vector<1x128xf32>
    %mul3A_263 = vector.broadcast %cos3A_260 : vector<1x128xf32> to vector<256x128xf32>
    %mul3A_264 = arith.mulf %dot_general3A_137, %mul3A_263 : vector<256x128xf32>
    %mul3A_265 = vector.broadcast %mul3A_262 : vector<1x128xf32> to vector<256x128xf32>
    %mul3A_266 = arith.mulf %dot_general3A_139, %mul3A_265 : vector<256x128xf32>
    %add3A_267 = arith.addf %mul3A_264, %mul3A_266 : vector<256x128xf32>
    %convert_element_type3A_268 = arith.truncf %add3A_267 : vector<256x128xf32> to vector<256x128xbf16>
    %swap3A_269 = arith.constant 2048 : index
    %swap3A_270 = arith.constant 0 : index
    %swap3A_271 = vector.load %arg1[%swap3A_269, %swap3A_270] : memref<4096x128xbf16, #tpu.memory_space<vmem>>, vector<256x128xbf16>
    tpu.vector_store %arg1[%swap3A_269, %swap3A_270], %convert_element_type3A_268 {strides = array<i32>} : memref<4096x128xbf16, #tpu.memory_space<vmem>>, vector<256x128xbf16>,
    %mul3A_272 = arith.constant 9.000000e+00 : f32
    %mul3A_273 = vector.broadcast %mul3A_272 : f32 to vector<1x128xf32>
    %mul3A_274 = arith.mulf %mul3A_273, %exp3A : vector<1x128xf32>
    %cos3A_275 = math.cos %mul3A_274 : vector<1x128xf32>
    %sin3A_276 = math.sin %mul3A_274 : vector<1x128xf32>
    %mul3A_277 = arith.mulf %sin3A_276, %select_n3A_125 : vector<1x128xf32>
    %mul3A_278 = vector.broadcast %cos3A_275 : vector<1x128xf32> to vector<256x128xf32>
    %mul3A_279 = arith.mulf %dot_general3A_137, %mul3A_278 : vector<256x128xf32>
    %mul3A_280 = vector.broadcast %mul3A_277 : vector<1x128xf32> to vector<256x128xf32>
    %mul3A_281 = arith.mulf %dot_general3A_139, %mul3A_280 : vector<256x128xf32>
    %add3A_282 = arith.addf %mul3A_279, %mul3A_281 : vector<256x128xf32>
    %convert_element_type3A_283 = arith.truncf %add3A_282 : vector<256x128xf32> to vector<256x128xbf16>
    %swap3A_284 = arith.constant 2304 : index
    %swap3A_285 = arith.constant 0 : index
    %swap3A_286 = vector.load %arg1[%swap3A_284, %swap3A_285] : memref<4096x128xbf16, #tpu.memory_space<vmem>>, vector<256x128xbf16>
    tpu.vector_store %arg1[%swap3A_284, %swap3A_285], %convert_element_type3A_283 {strides = array<i32>} : memref<4096x128xbf16, #tpu.memory_space<vmem>>, vector<256x128xbf16>,
    %mul3A_287 = arith.constant 1.000000e+01 : f32
    %mul3A_288 = vector.broadcast %mul3A_287 : f32 to vector<1x128xf32>
    %mul3A_289 = arith.mulf %mul3A_288, %exp3A : vector<1x128xf32>
    %cos3A_290 = math.cos %mul3A_289 : vector<1x128xf32>
    %sin3A_291 = math.sin %mul3A_289 : vector<1x128xf32>
    %mul3A_292 = arith.mulf %sin3A_291, %select_n3A_125 : vector<1x128xf32>
    %mul3A_293 = vector.broadcast %cos3A_290 : vector<1x128xf32> to vector<256x128xf32>
    %mul3A_294 = arith.mulf %dot_general3A_137, %mul3A_293 : vector<256x128xf32>
    %mul3A_295 = vector.broadcast %mul3A_292 : vector<1x128xf32> to vector<256x128xf32>
    %mul3A_296 = arith.mulf %dot_general3A_139, %mul3A_295 : vector<256x128xf32>
    %add3A_297 = arith.addf %mul3A_294, %mul3A_296 : vector<256x128xf32>
    %convert_element_type3A_298 = arith.truncf %add3A_297 : vector<256x128xf32> to vector<256x128xbf16>
    %swap3A_299 = arith.constant 2560 : index
    %swap3A_300 = arith.constant 0 : index
    %swap3A_301 = vector.load %arg1[%swap3A_299, %swap3A_300] : memref<4096x128xbf16, #tpu.memory_space<vmem>>, vector<256x128xbf16>
    tpu.vector_store %arg1[%swap3A_299, %swap3A_300], %convert_element_type3A_298 {strides = array<i32>} : memref<4096x128xbf16, #tpu.memory_space<vmem>>, vector<256x128xbf16>,
    %mul3A_302 = arith.constant 1.100000e+01 : f32
    %mul3A_303 = vector.broadcast %mul3A_302 : f32 to vector<1x128xf32>
    %mul3A_304 = arith.mulf %mul3A_303, %exp3A : vector<1x128xf32>
    %cos3A_305 = math.cos %mul3A_304 : vector<1x128xf32>
    %sin3A_306 = math.sin %mul3A_304 : vector<1x128xf32>
    %mul3A_307 = arith.mulf %sin3A_306, %select_n3A_125 : vector<1x128xf32>
    %mul3A_308 = vector.broadcast %cos3A_305 : vector<1x128xf32> to vector<256x128xf32>
    %mul3A_309 = arith.mulf %dot_general3A_137, %mul3A_308 : vector<256x128xf32>
    %mul3A_310 = vector.broadcast %mul3A_307 : vector<1x128xf32> to vector<256x128xf32>
    %mul3A_311 = arith.mulf %dot_general3A_139, %mul3A_310 : vector<256x128xf32>
    %add3A_312 = arith.addf %mul3A_309, %mul3A_311 : vector<256x128xf32>
    %convert_element_type3A_313 = arith.truncf %add3A_312 : vector<256x128xf32> to vector<256x128xbf16>
    %swap3A_314 = arith.constant 2816 : index
    %swap3A_315 = arith.constant 0 : index
    %swap3A_316 = vector.load %arg1[%swap3A_314, %swap3A_315] : memref<4096x128xbf16, #tpu.memory_space<vmem>>, vector<256x128xbf16>
    tpu.vector_store %arg1[%swap3A_314, %swap3A_315], %convert_element_type3A_313 {strides = array<i32>} : memref<4096x128xbf16, #tpu.memory_space<vmem>>, vector<256x128xbf16>,
    %mul3A_317 = arith.constant 1.200000e+01 : f32
    %mul3A_318 = vector.broadcast %mul3A_317 : f32 to vector<1x128xf32>
    %mul3A_319 = arith.mulf %mul3A_318, %exp3A : vector<1x128xf32>
    %cos3A_320 = math.cos %mul3A_319 : vector<1x128xf32>
    %sin3A_321 = math.sin %mul3A_319 : vector<1x128xf32>
    %mul3A_322 = arith.mulf %sin3A_321, %select_n3A_125 : vector<1x128xf32>
    %mul3A_323 = vector.broadcast %cos3A_320 : vector<1x128xf32> to vector<256x128xf32>
    %mul3A_324 = arith.mulf %dot_general3A_137, %mul3A_323 : vector<256x128xf32>
    %mul3A_325 = vector.broadcast %mul3A_322 : vector<1x128xf32> to vector<256x128xf32>
    %mul3A_326 = arith.mulf %dot_general3A_139, %mul3A_325 : vector<256x128xf32>
    %add3A_327 = arith.addf %mul3A_324, %mul3A_326 : vector<256x128xf32>
    %convert_element_type3A_328 = arith.truncf %add3A_327 : vector<256x128xf32> to vector<256x128xbf16>
    %swap3A_329 = arith.constant 3072 : index
    %swap3A_330 = arith.constant 0 : index
    %swap3A_331 = vector.load %arg1[%swap3A_329, %swap3A_330] : memref<4096x128xbf16, #tpu.memory_space<vmem>>, vector<256x128xbf16>
    tpu.vector_store %arg1[%swap3A_329, %swap3A_330], %convert_element_type3A_328 {strides = array<i32>} : memref<4096x128xbf16, #tpu.memory_space<vmem>>, vector<256x128xbf16>,
    %mul3A_332 = arith.constant 1.300000e+01 : f32
    %mul3A_333 = vector.broadcast %mul3A_332 : f32 to vector<1x128xf32>
    %mul3A_334 = arith.mulf %mul3A_333, %exp3A : vector<1x128xf32>
    %cos3A_335 = math.cos %mul3A_334 : vector<1x128xf32>
    %sin3A_336 = math.sin %mul3A_334 : vector<1x128xf32>
    %mul3A_337 = arith.mulf %sin3A_336, %select_n3A_125 : vector<1x128xf32>
    %mul3A_338 = vector.broadcast %cos3A_335 : vector<1x128xf32> to vector<256x128xf32>
    %mul3A_339 = arith.mulf %dot_general3A_137, %mul3A_338 : vector<256x128xf32>
    %mul3A_340 = vector.broadcast %mul3A_337 : vector<1x128xf32> to vector<256x128xf32>
    %mul3A_341 = arith.mulf %dot_general3A_139, %mul3A_340 : vector<256x128xf32>
    %add3A_342 = arith.addf %mul3A_339, %mul3A_341 : vector<256x128xf32>
    %convert_element_type3A_343 = arith.truncf %add3A_342 : vector<256x128xf32> to vector<256x128xbf16>
    %swap3A_344 = arith.constant 3328 : index
    %swap3A_345 = arith.constant 0 : index
    %swap3A_346 = vector.load %arg1[%swap3A_344, %swap3A_345] : memref<4096x128xbf16, #tpu.memory_space<vmem>>, vector<256x128xbf16>
    tpu.vector_store %arg1[%swap3A_344, %swap3A_345], %convert_element_type3A_343 {strides = array<i32>} : memref<4096x128xbf16, #tpu.memory_space<vmem>>, vector<256x128xbf16>,
    %mul3A_347 = arith.constant 1.400000e+01 : f32
    %mul3A_348 = vector.broadcast %mul3A_347 : f32 to vector<1x128xf32>
    %mul3A_349 = arith.mulf %mul3A_348, %exp3A : vector<1x128xf32>
    %cos3A_350 = math.cos %mul3A_349 : vector<1x128xf32>
    %sin3A_351 = math.sin %mul3A_349 : vector<1x128xf32>
    %mul3A_352 = arith.mulf %sin3A_351, %select_n3A_125 : vector<1x128xf32>
    %mul3A_353 = vector.broadcast %cos3A_350 : vector<1x128xf32> to vector<256x128xf32>
    %mul3A_354 = arith.mulf %dot_general3A_137, %mul3A_353 : vector<256x128xf32>
    %mul3A_355 = vector.broadcast %mul3A_352 : vector<1x128xf32> to vector<256x128xf32>
    %mul3A_356 = arith.mulf %dot_general3A_139, %mul3A_355 : vector<256x128xf32>
    %add3A_357 = arith.addf %mul3A_354, %mul3A_356 : vector<256x128xf32>
    %convert_element_type3A_358 = arith.truncf %add3A_357 : vector<256x128xf32> to vector<256x128xbf16>
    %swap3A_359 = arith.constant 3584 : index
    %swap3A_360 = arith.constant 0 : index
    %swap3A_361 = vector.load %arg1[%swap3A_359, %swap3A_360] : memref<4096x128xbf16, #tpu.memory_space<vmem>>, vector<256x128xbf16>
    tpu.vector_store %arg1[%swap3A_359, %swap3A_360], %convert_element_type3A_358 {strides = array<i32>} : memref<4096x128xbf16, #tpu.memory_space<vmem>>, vector<256x128xbf16>,
    %mul3A_362 = arith.constant 1.500000e+01 : f32
    %mul3A_363 = vector.broadcast %mul3A_362 : f32 to vector<1x128xf32>
    %mul3A_364 = arith.mulf %mul3A_363, %exp3A : vector<1x128xf32>
    %cos3A_365 = math.cos %mul3A_364 : vector<1x128xf32>
    %sin3A_366 = math.sin %mul3A_364 : vector<1x128xf32>
    %mul3A_367 = arith.mulf %sin3A_366, %select_n3A_125 : vector<1x128xf32>
    %mul3A_368 = vector.broadcast %cos3A_365 : vector<1x128xf32> to vector<256x128xf32>
    %mul3A_369 = arith.mulf %dot_general3A_137, %mul3A_368 : vector<256x128xf32>
    %mul3A_370 = vector.broadcast %mul3A_367 : vector<1x128xf32> to vector<256x128xf32>
    %mul3A_371 = arith.mulf %dot_general3A_139, %mul3A_370 : vector<256x128xf32>
    %add3A_372 = arith.addf %mul3A_369, %mul3A_371 : vector<256x128xf32>
    %convert_element_type3A_373 = arith.truncf %add3A_372 : vector<256x128xf32> to vector<256x128xbf16>
    %swap3A_374 = arith.constant 3840 : index
    %swap3A_375 = arith.constant 0 : index
    %swap3A_376 = vector.load %arg1[%swap3A_374, %swap3A_375] : memref<4096x128xbf16, #tpu.memory_space<vmem>>, vector<256x128xbf16>
    tpu.vector_store %arg1[%swap3A_374, %swap3A_375], %convert_element_type3A_373 {strides = array<i32>} : memref<4096x128xbf16, #tpu.memory_space<vmem>>, vector<256x128xbf16>,
    return
  }
}

</mosaic_0001>

<sc_bundles>
// kernel: kernel.4.cloned.1.call-start
scs
__scs_entry_jumppad:
0x0: {  	(pc) =	sbr.rel $0x88, $3  }
0x1: {  	(tag) =	ssettag $0x0;
	lr =	simm.s32 $0x1  }
0x2: {  	[smem:$0x3F9D] =	sst lr;
	_ =	strace $0xD0000000  }
0x3: {  	_ = 	snop  }
0x4: {  	_ = 	snop  }
0x5: {  	_ = 	snop  }
0x6: {  	_ = 	snop  }
0x7: {  	_ = 	snop  }
__scs_overlays_trampoline_lowered:
0x8: {  	[smem:$0x3FAC] =	sst s0  }
0x9: {  	[smem:$0x3FAD] =	sst s1  }
0xa: {  	[smem:$0x3FAE] =	sst s2  }
0xb: {  	[smem:$0x3FAF] =	sst s3  }
0xc: {  	[smem:$0x3FB0] =	sst s4  }
0xd: {  	[smem:$0x3FB1] =	sst s5  }
0xe: {  	[smem:$0x3FB2] =	sst s6  }
0xf: {  	[smem:$0x3FB3] =	sst s7  }
0x10: {  	[smem:$0x3FB4] =	sst s8  }
0x11: {  	[smem:$0x3FB5] =	sst s9;
	s0 =	simm.s32 @!p0 $0x0  }
0x12: {  	s1 =	sld [smem:$0x3F9B];
	s0 =	simm.s32 @p0 $0x1  }
0x13: {  	[smem:$0x3FB6] =	sst s0;
	s0 =	simm.s32 @!p1 $0x0  }
0x14: {  	s2 =	sld [smem:$0x3F9A];
	s0 =	simm.s32 @p1 $0x1  }
0x15: {  	[smem:$0x3FB7] =	sst s0;
	s0 =	simm.s32 @!p2 $0x0  }
0x16: {  	s3 =	sld [smem:$0x3FDB];
	s0 =	simm.s32 @p2 $0x1  }
0x17: {  	s4 =	simm.s32 $0x1BF5;
	[smem:$0x3FB9] =	sst s0  }
0x18: {  	s0 =	sld [smem:$0x3F9C];
	_ =	swait.ge [sflag:s4], $0x0  }
0x19: {  	s7 =	sld [smem:$0x3F9D]  }
0x1a: {  	s8 =	sadd.s32 $0xFFFFE003, lr  }
0x1b: {  	s9 =	sadd.s32 $0xFFFFFEF7, lr;
	s5 =	simm.s32 $0xFFFFFFFF;
	p2 =	slt.u32 s8, $0xFFFFF086  }
0x1c: {  	p1 =	slt.u32 s9, $0xF7A;
	s5 =	simm.s32 @!p2 $0x0  }
0x1d: {  	s5 =	simm.s32 @p1 $0x1;
	p0 =	seq.s32 s7, s2  }
0x1e: {  	s7 =	smul.u32 @!p0 $0xF7A, s2;
	p2 =	seq.s32 @!p0 s5, $0x0  }
0x1f: {  	s9 =	smul.u32 $0xF7A, s1;
	s8 =	simm.s32 @!p0 $0x1BF5;
	p2 =	por !p2, p0  }
0x20: {  	[sflag:s8] =	ssyncset.s32 @!p0 $0xFFFFF086;
	s6 =	sadd.s32 @!p0 s3, s7;
	s7 =	simm.s32 @!p0 $0x108  }
0x21: {  	s3 =	sadd.s32 s3, s9;
	s6 =	sadd.s32 @!p0 $0x88, s6;
	s7 =	simm.s32 @p2 $0x1082  }
0x22: {  	[simem:s7], [sflag:s8] =	dma.local @!p0 [hbm:s6], $0xF7A  }
0x23: {  	s9 =	sor.u32 $0xD0000000, s2;
	s6 =	simm.s32 $0x108;
	_ =	swait.ge @!p0 [sflag:s8], $0x0  }
0x24: {  	s3 =	sadd.s32 $0x88, s3;
	s6 =	simm.s32 @!p1 $0x1082;
	[sflag:s4] =	ssyncset.s32 $0xFFFFF086  }
0x25: {  	[simem:s6], [sflag:s4] =	dma.local [hbm:s3], $0xF7A  }
0x26: {  	[smem:$0x3F9D] =	sst s1;
	(tag) =	ssettag s2;
	_ =	strace s9  }
0x27: {  	s1 =	sld [smem:$0x3FAD]  }
0x28: {  	s2 =	sld [smem:$0x3FAE]  }
0x29: {  	s4 =	sld [smem:$0x3FB0]  }
0x2a: {  	p0 =	seq.s32 s5, $0x0;
	s5 =	sld [smem:$0x3FB1]  }
0x2b: {  	s6 =	sld [smem:$0x3FB2]  }
0x2c: {  	s7 =	sld [smem:$0x3FB3]  }
0x2d: {  	s3 =	simm.s32 $0x108;
	s8 =	sld [smem:$0x3FB4]  }
0x2e: {  	s3 =	simm.s32 @!p0 $0x1082;
	s9 =	sld [smem:$0x3FB5]  }
0x2f: {  	lr =	sadd.s32 s0, s3;
	s0 =	sld [smem:$0x3FAC]  }
0x30: {  	s3 =	sld [smem:$0x3FAF]  }
0x31: {  	[smem:$0x3FB8] =	sst s10  }
0x32: {  	s10 =	sld [smem:$0x3FB6];
	_ =	sdelay $0x3  }
0x33: {  	p0 =	seq.s32 s10, $0x1;
	s10 =	sld [smem:$0x3FB8];
	_ =	sdelay $0x3  }
0x34: {  	[smem:$0x3FB8] =	sst s10  }
0x35: {  	s10 =	sld [smem:$0x3FB7];
	_ =	sdelay $0x3  }
0x36: {  	p1 =	seq.s32 s10, $0x1;
	s10 =	sld [smem:$0x3FB8];
	_ =	sdelay $0x3  }
0x37: {  	[smem:$0x3FB8] =	sst s10  }
0x38: {  	s10 =	sld [smem:$0x3FB9]  }
0x39: {  	_ = 	snop;
	(pc) =	sbr.ind lr, $3  }
0x3a: {  	_ = 	snop  }
0x3b: {  	_ = 	snop  }
0x3c: {  	p2 =	seq.s32 s10, $0x1;
	s10 =	sld [smem:$0x3FB8]  }
0x3d: {  	_ =	shalt  }
0x3e: {  	_ =	shalt  }
0x3f: {  	_ =	shalt  }
0x40: {  	_ =	shalt  }
0x41: {  	_ =	shalt  }
0x42: {  	_ =	shalt  }
0x43: {  	_ =	shalt  }
0x44: {  	_ =	shalt  }
0x45: {  	_ =	shalt  }
0x46: {  	_ =	shalt  }
0x47: {  	_ =	shalt  }
0x48: {  	_ =	shalt  }
0x49: {  	_ =	shalt  }
0x4a: {  	_ =	shalt  }
0x4b: {  	_ =	shalt  }
0x4c: {  	_ =	shalt  }
0x4d: {  	_ =	shalt  }
0x4e: {  	_ =	shalt  }
0x4f: {  	_ =	shalt  }
0x50: {  	_ =	shalt  }
0x51: {  	_ =	shalt  }
0x52: {  	_ =	shalt  }
0x53: {  	_ =	shalt  }
0x54: {  	_ =	shalt  }
0x55: {  	_ =	shalt  }
0x56: {  	_ =	shalt  }
0x57: {  	_ =	shalt  }
0x58: {  	_ =	shalt  }
0x59: {  	_ =	shalt  }
0x5a: {  	_ =	shalt  }
0x5b: {  	_ =	shalt  }
0x5c: {  	_ =	shalt  }
0x5d: {  	_ =	shalt  }
0x5e: {  	_ =	shalt  }
0x5f: {  	_ =	shalt  }
0x60: {  	_ =	shalt  }
0x61: {  	_ =	shalt  }
0x62: {  	_ =	shalt  }
0x63: {  	_ =	shalt  }
0x64: {  	_ =	shalt  }
0x65: {  	_ =	shalt  }
0x66: {  	_ =	shalt  }
0x67: {  	_ =	shalt  }
0x68: {  	_ =	shalt  }
0x69: {  	_ =	shalt  }
0x6a: {  	_ =	shalt  }
0x6b: {  	_ =	shalt  }
0x6c: {  	_ =	shalt  }
0x6d: {  	_ =	shalt  }
0x6e: {  	_ =	shalt  }
0x6f: {  	_ =	shalt  }
0x70: {  	_ =	shalt  }
0x71: {  	_ =	shalt  }
0x72: {  	_ =	shalt  }
0x73: {  	_ =	shalt  }
0x74: {  	_ =	shalt  }
0x75: {  	_ =	shalt  }
0x76: {  	_ =	shalt  }
0x77: {  	_ =	shalt  }
0x78: {  	_ =	shalt  }
0x79: {  	_ =	shalt  }
0x7a: {  	_ =	shalt  }
0x7b: {  	_ =	shalt  }
0x7c: {  	_ =	shalt  }
0x7d: {  	_ =	shalt  }
0x7e: {  	_ =	shalt  }
0x7f: {  	_ =	shalt  }
0x80: {  	_ =	shalt  }
0x81: {  	_ =	shalt  }
0x82: {  	_ =	shalt  }
0x83: {  	_ =	shalt  }
0x84: {  	_ =	shalt  }
0x85: {  	_ =	shalt  }
0x86: {  	_ =	shalt  }
0x87: {  	_ =	shalt  }
.Lfunc_end0:
.L_simem_size_0:
called_computation_lowered:
.L_overlay_start_0:
0x88: {  	s2 =	sld [smem:$0x3FD9]  }
0x89: {  	s3 =	sld [smem:$0x3FFE];
	_ =	sdelay $0x1  }
0x8a: {  	s1 =	srdreg.scid  }
0x8b: {  	s0 =	sand.u32 $0x1, s1  }
0x8c: {  	s17 =	sshll.u32 s0, $0xA;
	s2 =	sadd.s32 s3, s2  }
0x8d: {  	s2 =	sadd.s32 s2, s17  }
0x8e: {  	[smem:$0x3FC4] =	sst s2  }
0x8f: {  	_ = 	snop  }
0x90: {  	s2 =	sld [smem:$0x3FC6]  }
0x91: {  	s18 =	sld [smem:$0x3FD0];
	(tm) =	ssettm $0x1  }
0x92: {  	s4 =	sld [smem:$0x3FFB];
	_ =	sdelay $0x3  }
0x93: {  	_ =	strace s4  }
0x94: {  	s4 =	sld [smem:$0x3FFC];
	_ =	sdelay $0x3  }
0x95: {  	_ =	strace s4  }
0x96: {  	s4 =	sld [smem:$0x3FFD];
	_ =	sdelay $0x3  }
0x97: {  	_ =	strace s4  }
0x98: {  	_ =	strace $0x8FFFFFFF  }
0x99: {  	s19 =	sld [smem:$0x3FDB];
	_ =	sdelay $0x1  }
0x9a: {  	s5 =	simm.s32 $_scs_section_size  }
0x9b: {  	s6 =	simm.s32 $_size__tile_overlayer_lowered;
	s7 =	simm.s32 $_tile_overlayer_lowered  }
0x9c: {  	s22 =	simm.s32 $0x1BFF;
	s21 =	sshll.u32 s7, $0x1;
	s4 =	sadd.s32 s5, s19  }
0x9d: {  	s8 =	simm.s32 $0x0;
	s20 =	sshll.u32 s6, $0x1;
	s6 =	sadd.s32 s21, s4  }
0x9e: {  	[timem:s8], [sflag:s22] =	dma.local [hbm:s6], s20  }
0x9f: {  	_ =	swait.ge [sflag:s22], s20  }
0xa0: {  	s5 =	ssub.s32 $0x0, s20;
	[sflag:s22] =	ssyncset.done $0x0  }
0xa1: {  	[sflag:s22] =	ssyncadd.s32 s5;
	_ =	sdelay $0x1  }
0xa2: {  	s23 =	simm.s32 $0x1B8B  }
0xa3: {  	_ =	swait.ge [sflag:s23], $0x1  }
0xa4: {  	[sflag:s23] =	ssyncset.done $0x0  }
0xa5: {  	s25 =	simm.s32 $0x1B8E;
	s24 =	sld [smem:$0x3FFE];
	[sflag:s23] =	ssyncadd.s32 $0xFFFFFFFF  }
0xa6: {  	s26 =	simm.s32 $execute0_lowered;
	[smem:$0x3FD2] =	sst s25  }
0xa7: {  	s6 =	sshll.u32 s26, $0x1;
	_ =	strace $0x80000046;
	[dreg:$0x1] =	wrdreg $0xFFFFFFFF  }
0xa8: {  	s28 =	simm.s32 $_size_execute0_lowered;
	s4 =	sadd.s32 s4, s6;
	[dreg:$0x0] =	wrdreg $0x0  }
0xa9: {  	s6 =	sshll.u32 s28, $0x1;
	[dreg:$0x2] =	wrdreg s4  }
0xaa: {  	[dreg:$0x3] =	wrdreg s6  }
0xab: {  	[dreg:$0x4] =	wrdreg $0xC0  }
0xac: {  	_ =	task [dreg:s8], $0x5FFFF  }
0xad: {  	[dreg:$0x1] =	wrdreg $0xFFFFFFFF  }
0xae: {  	[dreg:$0x0] =	wrdreg $0x60  }
0xaf: {  	[dreg:$0x2] =	wrdreg s24  }
0xb0: {  	[dreg:$0x3] =	wrdreg s2  }
0xb1: {  	[dreg:$0x4] =	wrdreg s18  }
0xb2: {  	[dreg:$0x5] =	wrdreg $0x9  }
0xb3: {  	_ =	task.clear_ibuf [dreg:s8], $0x6FFFF;
	_ =	strace $0x90000046  }
0xb4: {  	s29 =	simm.s32 $0x9;
	_ =	strace $0x80000048  }
0xb5: {  	_ =	swait.ge [sflag:s29], $0x1  }
0xb6: {  	[sflag:s29] =	ssyncadd.s32 $0xFFFFFFFF  }
0xb7: {  	_ =	strace $0x90000048  }
0xb8: {  	_ =	sfence  }
0xb9: {  	s30 =	sld [smem:$0x0];
	_ =	sdelay $0x2  }
0xba: {  	s31 =	sshll.u32 s1, $0xD;
	s1 =	sshrl.u32 s1, $0x2  }
0xbb: {  	s3 =	sand.u32 $0x4000, s31;
	s1 =	sadd.s32 s1, s30  }
0xbc: {  	s0 =	sor.u32 s3, s0;
	s1 =	sshll.u32 s1, $0x11  }
0xbd: {  	s0 =	sor.u32 s1, s0  }
0xbe: {  	s0 =	sadd.s32 $0x8F2B, s0  }
0xbf: {  	[sflag:s0] =	ssyncadd.remote.s32 $0x1  }
0xc0: {  	_ =	sfence.sel $0xFFFF  }
0xc1: {  	[dreg:$0x0] =	wrdreg $0xFFFFFFFF;
	(pc) =	sbr.abs _section_cstart, $3  }
0xc2: {  	[dreg:$0x1] =	wrdreg $0xFFFFFFFF  }
0xc3: {  	_ =	task.clear_ibuf [dreg:s8], $0x2FFFF;
	_ =	strace $0x9FFFFFFF  }
0xc4: {  	(tm) =	ssettm $0x7FFFFFFF  }
0xc5: {  	_ =	shalt  }
tec
execute0_lowered:
.L_overlay_start_1:
0x0: {  	(tag) =	ssettag $0x1  }
0x1: {  	s0 =	rddreg [dreg:$0x0]  }
0x2: {  	s2 =	rddreg [dreg:$0x1]  }
0x3: {  	s3 =	rddreg [dreg:$0x2]  }
0x4: {  	s6 =	stileid.u32;
	s1 =	srdreg.scid  }
0x5: {  	s4 =	simm.s32 $0x0;
	s13 =	simm.s32 $0x7;
	s14 =	simm.s32 $0x80  }
0x6: {  	s19 =	simm.s32 $0x10;
	s20 =	simm.s32 $0x800;
	s25 =	simm.s32 $0x1000  }
0x7: {  	s26 =	simm.s32 $0x1;
	s31 =	simm.s32 $0x3800;
	s11 =	simm.s32 $0x3  }
0x8: {  	s15 =	simm.s32 $0x5;
	s16 =	simm.s32 $0x4;
	s17 =	simm.s32 $0x6  }
0x9: {  	s21 =	simm.s32 $0x0;
	s5 =	sshll.u32 s6, $0x1;
	s1 =	sand.u32 $0x1, s1  }
0xa: {  	[smem:$0x7FF] =	sst s4;
	s6 =	sshrl.u32 s6, $0x2;
	s5 =	sand.u32 $0x6, s5  }
0xb: {  	_ =	strace $0x80000047;
	s8 =	sshll.u32 s6, $0x9;
	s5 =	sor.u32 s1, s5  }
0xc: {  	s6 =	sshll.u32 s6, $0x13;
	s1 =	ssub.s32 $0x2, s1;
	s7 =	sshll.u32 s5, $0x6  }
0xd: {  	s5 =	sshll.u32 s5, $0x10;
	s9 =	sshrl.u32 s1, $0x1;
	s7 =	sor.u32 s8, s7  }
0xe: {  	s5 =	sor.u32 s6, s5;
	s6 =	sadd.s32 $0x9000, s0;
	s28 =	ssub.s32 s1, s9  }
0xf: {  	s9 =	simm.s32 $0x780;
	s8 =	sadd.s32 s7, s0;
	s10 =	sshrl.u32 s5, $0x3  }
0x10: {  	s7 =	sadd.s32 $0x1000, s0;
	s0 =	smax.u32 s28, $0x1;
	s12 =	sor.u32 $0x800, s5  }
0x11: {  	s29 =	sadd.s32 s10, s3;
	s8 =	sadd.s32 $0x800, s8;
	[dreg:$0x7] =	wrdreg s0  }
0x12: {  	s0 =	simm.s32 $0x2;
	[dreg:$0x4] =	wrdreg s8;
	s30 =	sadd.s32 $0x1E00, s29  }
0x13: {  	s10 =	simm.s32 $0x7800;
	s1 =	sadd.s32 $0x1F00, s29;
	[dreg:$0x5] =	wrdreg s30  }
0x14: {  	s8 =	simm.s32 $0x5800;
	[dreg:$0x6] =	wrdreg s1;
	s1 =	simm.s32 $0x700  }
.LBB2_1:
0x15: {  	[dreg:$0x8] =	wrdreg s21  }
0x16: {  	s18 =	rddreg [dreg:$0x4]  }
0x17: {  	[tilespmem:s4], [sflag:$0x7] =	stream.linear.gather [hbm4b:s18+s4], $0x200, $0x38;
	[tilespmem:$0x9800] =	vst v63  }
0x18: {  	_ =	swait.ge [sflag:s13], $0x200  }
0x19: {  	[sflag:s13] =	ssyncset.done $0x0  }
0x1a: {  	[sflag:s13] =	ssyncadd.s32 $0xFFFFFE00  }
0x1b: {  	v0 =	vld [tilespmem:$0x0];
	_ =	sdelay $0x4  }
0x1c: {  	[tilespmem:$0x200] =	vst v0;
	v1 =	vadd.s32 $0x186A0, v0  }
0x1d: {  	v9 =	vadd.s32 $0x30D40, v0;
	[tilespmem:$0x210] =	vst v1  }
0x1e: {  	v10 =	vadd.s32 $0x493E0, v0;
	[tilespmem:$0x220] =	vst v9  }
0x1f: {  	v11 =	vadd.s32 $0x61A80, v0;
	[tilespmem:$0x230] =	vst v10  }
0x20: {  	v12 =	vadd.s32 $0x7A120, v0;
	[tilespmem:$0x240] =	vst v11  }
0x21: {  	v13 =	vadd.s32 $0x927C0, v0;
	[tilespmem:$0x250] =	vst v12  }
0x22: {  	v14 =	vadd.s32 $0xAAE60, v0;
	[tilespmem:$0x260] =	vst v13  }
0x23: {  	v15 =	vadd.s32 $0xC3500, v0;
	[tilespmem:$0x270] =	vst v14  }
0x24: {  	v16 =	vadd.s32 $0xDBBA0, v0;
	[tilespmem:$0x280] =	vst v15  }
0x25: {  	v17 =	vadd.s32 $0xF4240, v0;
	[tilespmem:$0x290] =	vst v16  }
0x26: {  	v18 =	vadd.s32 $0x10C8E0, v0;
	[tilespmem:$0x2A0] =	vst v17  }
0x27: {  	v19 =	vadd.s32 $0x124F80, v0;
	[tilespmem:$0x2B0] =	vst v18  }
0x28: {  	v20 =	vadd.s32 $0x13D620, v0;
	[tilespmem:$0x2C0] =	vst v19  }
0x29: {  	v21 =	vadd.s32 $0x155CC0, v0;
	[tilespmem:$0x2D0] =	vst v20  }
0x2a: {  	v0 =	vadd.s32 $0x16E360, v0;
	[tilespmem:$0x2E0] =	vst v21  }
0x2b: {  	s24 =	simm.s32 $0x200;
	s28 =	simm.s32 $0x400;
	[tilespmem:$0x2F0] =	vst v0  }
0x2c: {  	[tilespmem:s28], [sflag:$0x1] =	stream.indirect.gather [hbm4b:s6+s14], $0x1, s24, s14, $0xb8;
	[tilespmem:$0x9800] =	vst v63  }
0x2d: {  	s29 =	simm.s32 $0x280;
	s30 =	simm.s32 $0x480  }
0x2e: {  	[tilespmem:s30], [sflag:$0x1] =	stream.indirect.gather [hbm4b:s6+s14], $0x1, s29, s14, $0xb8;
	[tilespmem:$0x9800] =	vst v63  }
0x2f: {  	_ = 	snop  }
0x30: {  	[tilespmem:s20], [sflag:$0x5] =	stream.indirect.gather [hbm4b:s2+s19], $0x80, s4, s19, $0xb8;
	[tilespmem:$0x9800] =	vst v63  }
0x31: {  	v22 =	vld [tilespmem:$0x10];
	_ =	sdelay $0x4  }
0x32: {  	[tilespmem:$0x300] =	vst v22;
	v23 =	vadd.s32 $0x186A0, v22  }
0x33: {  	v24 =	vadd.s32 $0x30D40, v22;
	[tilespmem:$0x310] =	vst v23  }
0x34: {  	v25 =	vadd.s32 $0x493E0, v22;
	[tilespmem:$0x320] =	vst v24  }
0x35: {  	v26 =	vadd.s32 $0x61A80, v22;
	[tilespmem:$0x330] =	vst v25  }
0x36: {  	v27 =	vadd.s32 $0x7A120, v22;
	[tilespmem:$0x340] =	vst v26  }
0x37: {  	v28 =	vadd.s32 $0x927C0, v22;
	[tilespmem:$0x350] =	vst v27  }
0x38: {  	v29 =	vadd.s32 $0xAAE60, v22;
	[tilespmem:$0x360] =	vst v28  }
0x39: {  	v30 =	vadd.s32 $0xC3500, v22;
	[tilespmem:$0x370] =	vst v29  }
0x3a: {  	v31 =	vadd.s32 $0xDBBA0, v22;
	[tilespmem:$0x380] =	vst v30  }
0x3b: {  	v32 =	vadd.s32 $0xF4240, v22;
	[tilespmem:$0x390] =	vst v31  }
0x3c: {  	v33 =	vadd.s32 $0x10C8E0, v22;
	[tilespmem:$0x3A0] =	vst v32  }
0x3d: {  	v34 =	vadd.s32 $0x124F80, v22;
	[tilespmem:$0x3B0] =	vst v33  }
0x3e: {  	v35 =	vadd.s32 $0x13D620, v22;
	[tilespmem:$0x3C0] =	vst v34  }
0x3f: {  	v36 =	vadd.s32 $0x155CC0, v22;
	[tilespmem:$0x3D0] =	vst v35  }
0x40: {  	v0 =	vadd.s32 $0x16E360, v22;
	[tilespmem:$0x3E0] =	vst v36  }
0x41: {  	s21 =	simm.s32 $0x300;
	s22 =	simm.s32 $0x500;
	[tilespmem:$0x3F0] =	vst v0  }
0x42: {  	[tilespmem:s22], [sflag:$0x2] =	stream.indirect.gather [hbm4b:s6+s14], $0x1, s21, s14, $0xb8;
	[tilespmem:$0x9800] =	vst v63  }
0x43: {  	s23 =	simm.s32 $0x380;
	s24 =	simm.s32 $0x580  }
0x44: {  	[tilespmem:s24], [sflag:$0x2] =	stream.indirect.gather [hbm4b:s6+s14], $0x1, s23, s14, $0xb8;
	[tilespmem:$0x9800] =	vst v63  }
0x45: {  	_ = 	snop  }
0x46: {  	[tilespmem:s25], [sflag:$0x6] =	stream.indirect.gather [hbm4b:s2+s19], $0x80, s19, s19, $0xb8;
	[tilespmem:$0x9800] =	vst v63  }
0x47: {  	_ =	swait.ge [sflag:s26], $0x80  }
0x48: {  	[sflag:s26] =	ssyncset.done $0x0  }
0x49: {  	[sflag:s26] =	ssyncadd.s32 $0xFFFFFF80  }
0x4a: {  	_ =	swait.ge [sflag:s26], $0x80  }
0x4b: {  	[sflag:s26] =	ssyncset.done $0x0  }
0x4c: {  	[sflag:s26] =	ssyncadd.s32 $0xFFFFFF80  }
0x4d: {  	v37 =	vld [tilespmem:$0x400]  }
0x4e: {  	v38 =	vld [tilespmem:$0x410]  }
0x4f: {  	v2 =	vld [tilespmem:$0x420]  }
0x50: {  	v3 =	vld [tilespmem:$0x430]  }
0x51: {  	v4 =	vld [tilespmem:$0x440]  }
0x52: {  	v5 =	vld [tilespmem:$0x450]  }
0x53: {  	v40 =	vld [tilespmem:$0x460];
	[tilespmem:$0x600] =	vst v37;
	v39 =	vadd.s32 $0x100, v38  }
0x54: {  	v42 =	vld [tilespmem:$0x470];
	v41 =	vadd.s32 $0x200, v2;
	[tilespmem:$0x610] =	vst v39  }
0x55: {  	v44 =	vld [tilespmem:$0x480];
	v43 =	vadd.s32 $0x300, v3;
	[tilespmem:$0x620] =	vst v41  }
0x56: {  	v46 =	vld [tilespmem:$0x490];
	v45 =	vadd.s32 $0x400, v4;
	[tilespmem:$0x630] =	vst v43  }
0x57: {  	v48 =	vld [tilespmem:$0x4A0];
	v47 =	vadd.s32 $0x500, v5;
	[tilespmem:$0x640] =	vst v45  }
0x58: {  	v50 =	vld [tilespmem:$0x4B0];
	v49 =	vadd.s32 $0x600, v40;
	[tilespmem:$0x650] =	vst v47  }
0x59: {  	v52 =	vld [tilespmem:$0x4C0];
	v51 =	vadd.s32 $0x700, v42;
	[tilespmem:$0x660] =	vst v49  }
0x5a: {  	v54 =	vld [tilespmem:$0x4D0];
	v53 =	vadd.s32 $0x800, v44;
	[tilespmem:$0x670] =	vst v51  }
0x5b: {  	v56 =	vld [tilespmem:$0x4E0];
	v55 =	vadd.s32 $0x900, v46;
	[tilespmem:$0x680] =	vst v53  }
0x5c: {  	v58 =	vld [tilespmem:$0x4F0];
	v57 =	vadd.s32 $0xA00, v48;
	[tilespmem:$0x690] =	vst v55  }
0x5d: {  	v59 =	vadd.s32 $0xB00, v50;
	[tilespmem:$0x6A0] =	vst v57  }
0x5e: {  	v60 =	vadd.s32 $0xC00, v52;
	[tilespmem:$0x6B0] =	vst v59  }
0x5f: {  	v61 =	vadd.s32 $0xD00, v54;
	[tilespmem:$0x6C0] =	vst v60  }
0x60: {  	v62 =	vadd.s32 $0xE00, v56;
	[tilespmem:$0x6D0] =	vst v61  }
0x61: {  	v63 =	vadd.s32 $0xF00, v58;
	[tilespmem:$0x6E0] =	vst v62  }
0x62: {  	s28 =	simm.s32 $0x600;
	s29 =	simm.s32 $0x1800;
	[tilespmem:$0x6F0] =	vst v63  }
0x63: {  	[tilespmem:s29], [sflag:$0x3] =	stream.indirect.gather [hbm4b:s7+s14], $0x40, s28, s14, $0xb8;
	[tilespmem:$0x9800] =	vst v63  }
0x64: {  	s18 =	simm.s32 $0x0;
	s30 =	simm.s32 $0x680  }
0x65: {  	[tilespmem:s31], [sflag:$0x3] =	stream.indirect.gather [hbm4b:s7+s14], $0x40, s30, s14, $0xb8;
	[tilespmem:$0x9800] =	vst v63  }
.LBB2_2:
0x66: {  	_ =	swait.ge [sflag:s0], $0x80  }
0x67: {  	[sflag:s0] =	ssyncset.done $0x0  }
0x68: {  	[sflag:s0] =	ssyncadd.s32 $0xFFFFFF80  }
0x69: {  	_ =	swait.ge [sflag:s0], $0x80  }
0x6a: {  	[sflag:s0] =	ssyncset.done $0x0  }
0x6b: {  	[sflag:s0] =	ssyncadd.s32 $0xFFFFFF80  }
0x6c: {  	v0 =	vld [tilespmem:$0x500]  }
0x6d: {  	v1 =	vld [tilespmem:$0x510]  }
0x6e: {  	v2 =	vld [tilespmem:$0x520]  }
0x6f: {  	v3 =	vld [tilespmem:$0x530]  }
0x70: {  	v4 =	vld [tilespmem:$0x540]  }
0x71: {  	v5 =	vld [tilespmem:$0x550]  }
0x72: {  	[tilespmem:$0x700] =	vst v0;
	v0 =	vadd.s32 $0x100, v1;
	v1 =	vld [tilespmem:$0x560]  }
0x73: {  	[tilespmem:$0x710] =	vst v0;
	v0 =	vadd.s32 $0x200, v2;
	v2 =	vld [tilespmem:$0x570]  }
0x74: {  	[tilespmem:$0x720] =	vst v0;
	v0 =	vadd.s32 $0x300, v3;
	v3 =	vld [tilespmem:$0x580]  }
0x75: {  	[tilespmem:$0x730] =	vst v0;
	v0 =	vadd.s32 $0x400, v4;
	v4 =	vld [tilespmem:$0x590]  }
0x76: {  	[tilespmem:$0x740] =	vst v0;
	v0 =	vadd.s32 $0x500, v5;
	v5 =	vld [tilespmem:$0x5A0]  }
0x77: {  	[tilespmem:$0x750] =	vst v0;
	v0 =	vadd.s32 $0x600, v1;
	v1 =	vld [tilespmem:$0x5B0]  }
0x78: {  	[tilespmem:$0x760] =	vst v0;
	v0 =	vadd.s32 $0x700, v2;
	v2 =	vld [tilespmem:$0x5C0]  }
0x79: {  	[tilespmem:$0x770] =	vst v0;
	v0 =	vadd.s32 $0x800, v3;
	v3 =	vld [tilespmem:$0x5D0]  }
0x7a: {  	[tilespmem:$0x780] =	vst v0;
	v0 =	vadd.s32 $0x900, v4;
	v4 =	vld [tilespmem:$0x5E0]  }
0x7b: {  	[tilespmem:$0x790] =	vst v0;
	v0 =	vadd.s32 $0xA00, v5;
	v5 =	vld [tilespmem:$0x5F0]  }
0x7c: {  	[tilespmem:$0x7A0] =	vst v0;
	v0 =	vadd.s32 $0xB00, v1  }
0x7d: {  	[tilespmem:$0x7B0] =	vst v0;
	v0 =	vadd.s32 $0xC00, v2  }
0x7e: {  	[tilespmem:$0x7C0] =	vst v0;
	v0 =	vadd.s32 $0xD00, v3  }
0x7f: {  	[tilespmem:$0x7D0] =	vst v0;
	v0 =	vadd.s32 $0xE00, v4  }
0x80: {  	[tilespmem:$0x7E0] =	vst v0;
	v0 =	vadd.s32 $0xF00, v5  }
0x81: {  	s21 =	sshll.u32 s18, $0x5;
	[tilespmem:$0x7F0] =	vst v0  }
0x82: {  	[tilespmem:s8], [sflag:$0x4] =	stream.indirect.gather [hbm4b:s7+s14], $0x40, s1, s14, $0xb8;
	[tilespmem:$0x9800] =	vst v63  }
0x83: {  	s21 =	sand.u32 $0x3FFFFFE0, s21  }
0x84: {  	[tilespmem:s10], [sflag:$0x4] =	stream.indirect.gather [hbm4b:s7+s14], $0x40, s9, s14, $0xb8;
	[tilespmem:$0x9800] =	vst v63  }
0x85: {  	v0 =	vld [tilespmem:s21+$0x20];
	_ =	sdelay $0x4  }
0x86: {  	[tilespmem:$0x200] =	vst v0;
	v1 =	vadd.s32 $0x186A0, v0  }
0x87: {  	[tilespmem:$0x210] =	vst v1;
	v1 =	vadd.s32 $0x30D40, v0  }
0x88: {  	[tilespmem:$0x220] =	vst v1;
	v1 =	vadd.s32 $0x493E0, v0  }
0x89: {  	[tilespmem:$0x230] =	vst v1;
	v1 =	vadd.s32 $0x61A80, v0  }
0x8a: {  	[tilespmem:$0x240] =	vst v1;
	v1 =	vadd.s32 $0x7A120, v0  }
0x8b: {  	[tilespmem:$0x250] =	vst v1;
	v1 =	vadd.s32 $0x927C0, v0  }
0x8c: {  	[tilespmem:$0x260] =	vst v1;
	v1 =	vadd.s32 $0xAAE60, v0  }
0x8d: {  	[tilespmem:$0x270] =	vst v1;
	v1 =	vadd.s32 $0xC3500, v0  }
0x8e: {  	[tilespmem:$0x280] =	vst v1;
	v1 =	vadd.s32 $0xDBBA0, v0  }
0x8f: {  	[tilespmem:$0x290] =	vst v1;
	v1 =	vadd.s32 $0xF4240, v0  }
0x90: {  	[tilespmem:$0x2A0] =	vst v1;
	v1 =	vadd.s32 $0x10C8E0, v0  }
0x91: {  	[tilespmem:$0x2B0] =	vst v1;
	v1 =	vadd.s32 $0x124F80, v0  }
0x92: {  	[tilespmem:$0x2C0] =	vst v1;
	v1 =	vadd.s32 $0x13D620, v0  }
0x93: {  	[tilespmem:$0x2D0] =	vst v1;
	v1 =	vadd.s32 $0x155CC0, v0  }
0x94: {  	v0 =	vadd.s32 $0x16E360, v0;
	[tilespmem:$0x2E0] =	vst v1  }
0x95: {  	s22 =	simm.s32 $0x200;
	s23 =	simm.s32 $0x400;
	[tilespmem:$0x2F0] =	vst v0  }
0x96: {  	[tilespmem:s23], [sflag:$0x1] =	stream.indirect.gather [hbm4b:s6+s14], $0x1, s22, s14, $0xb8;
	[tilespmem:$0x9800] =	vst v63  }
0x97: {  	s24 =	simm.s32 $0x280;
	s30 =	simm.s32 $0x480  }
0x98: {  	[tilespmem:s30], [sflag:$0x1] =	stream.indirect.gather [hbm4b:s6+s14], $0x1, s24, s14, $0xb8;
	[tilespmem:$0x9800] =	vst v63  }
0x99: {  	_ =	swait.ge [sflag:s11], $0x2000  }
0x9a: {  	[sflag:s11] =	ssyncset.done $0x0  }
0x9b: {  	[sflag:s11] =	ssyncadd.s32 $0xFFFFE000  }
0x9c: {  	_ =	swait.ge [sflag:s11], $0x2000  }
0x9d: {  	[sflag:s11] =	ssyncset.done $0x0  }
0x9e: {  	[sflag:s11] =	ssyncadd.s32 $0xFFFFE000  }
0x9f: {  	_ =	swait.ge [sflag:s15], $0x800  }
0xa0: {  	[sflag:s15] =	ssyncset.done $0x0  }
0xa1: {  	s23 =	simm.s32 $0x0;
	[sflag:s15] =	ssyncadd.s32 $0xFFFFF800  }
0xa2: {  	s22 =	simm.s32 $0x3800;
	v0 =	vld [tilespmem:s23+$0x810]  }
0xa3: {  	v1 =	vld [tilespmem:s22+$0xFFFFE000]  }
0xa4: {  	v2 =	vld [tilespmem:s22+$0xFFFFF400]  }
0xa5: {  	v3 =	vld [tilespmem:s22+$0xFFFFE400]  }
0xa6: {  	v4 =	vld [tilespmem:s22+$0xFFFFE800]  }
0xa7: {  	v5 =	vld [tilespmem:s22+$0xFFFFEC00]  }
0xa8: {  	v6 =	vld [tilespmem:s23+$0x800]  }
0xa9: {  	v7 =	vld [tilespmem:s22+$0xFFFFF000]  }
0xaa: {  	v8 =	vld [tilespmem:s22+$0xFFFFF800];
	v1 =	vadd.bf16 v3, v1  }
0xab: {  	v3 =	vld [tilespmem:s22+$0xFFFFFC00]  }
0xac: {  	v4 =	vadd.bf16 v5, v4;
	v5 =	vld [tilespmem:s22+$0x400];
	v9 =	vunpack.i.l.bf16.f32 v1  }
0xad: {  	v1 =	vunpack.i.u.bf16.f32 v1;
	v6 =	vadd.f32 v9, v6;
	v9 =	vld [tilespmem:s22+$0x0]  }
0xae: {  	v2 =	vadd.bf16 v2, v7;
	v7 =	vld [tilespmem:s22+$0xC00];
	v10 =	vunpack.i.l.bf16.f32 v4;
	v0 =	vadd.f32 v1, v0  }
0xaf: {  	v4 =	vunpack.i.u.bf16.f32 v4;
	v1 =	vadd.f32 v10, v6;
	v6 =	vld [tilespmem:s22+$0x800]  }
0xb0: {  	v10 =	vunpack.i.l.bf16.f32 v2;
	v3 =	vadd.bf16 v3, v8;
	v8 =	vld [tilespmem:s22+$0x1400];
	v0 =	vadd.f32 v4, v0  }
0xb1: {  	v4 =	vld [tilespmem:s22+$0x1000];
	v2 =	vunpack.i.u.bf16.f32 v2;
	v1 =	vadd.f32 v10, v1  }
0xb2: {  	v10 =	vunpack.i.l.bf16.f32 v3;
	v0 =	vadd.f32 v2, v0;
	v2 =	vld [tilespmem:s22+$0x1800];
	v5 =	vadd.bf16 v5, v9  }
0xb3: {  	v3 =	vunpack.i.u.bf16.f32 v3;
	v9 =	vld [tilespmem:s22+$0x1C00];
	v1 =	vadd.f32 v10, v1  }
0xb4: {  	v0 =	vadd.f32 v3, v0;
	v6 =	vadd.bf16 v7, v6;
	v7 =	vunpack.i.l.bf16.f32 v5  }
0xb5: {  	v3 =	vunpack.i.u.bf16.f32 v5;
	v1 =	vadd.f32 v7, v1  }
0xb6: {  	v4 =	vadd.bf16 v8, v4;
	v0 =	vadd.f32 v3, v0;
	v5 =	vunpack.i.l.bf16.f32 v6  }
0xb7: {  	v3 =	vunpack.i.u.bf16.f32 v6;
	v1 =	vadd.f32 v5, v1  }
0xb8: {  	v5 =	vunpack.i.l.bf16.f32 v4;
	v2 =	vadd.bf16 v9, v2;
	v0 =	vadd.f32 v3, v0  }
0xb9: {  	v3 =	vunpack.i.u.bf16.f32 v4;
	v1 =	vadd.f32 v5, v1  }
0xba: {  	v4 =	vunpack.i.l.bf16.f32 v2;
	v0 =	vadd.f32 v3, v0  }
0xbb: {  	v2 =	vunpack.i.u.bf16.f32 v2;
	v1 =	vadd.f32 v4, v1  }
0xbc: {  	v0 =	vadd.f32 v2, v0  }
0xbd: {  	v2 =	vld [tilespmem:s23+$0x820];
	[tilespmem:s23+$0x800] =	vst v1  }
0xbe: {  	[tilespmem:s23+$0x810] =	vst v0;
	v0 =	vld [tilespmem:s23+$0x830]  }
0xbf: {  	v1 =	vld [tilespmem:s22+$0xFFFFE010]  }
0xc0: {  	v3 =	vld [tilespmem:s22+$0xFFFFE410]  }
0xc1: {  	v4 =	vld [tilespmem:s22+$0xFFFFE810]  }
0xc2: {  	v5 =	vld [tilespmem:s22+$0xFFFFEC10]  }
0xc3: {  	v6 =	vld [tilespmem:s22+$0xFFFFF410]  }
0xc4: {  	v7 =	vld [tilespmem:s22+$0xFFFFF010]  }
0xc5: {  	v8 =	vld [tilespmem:s22+$0xFFFFFC10];
	v1 =	vadd.bf16 v3, v1  }
0xc6: {  	v9 =	vld [tilespmem:s22+$0xFFFFF810]  }
0xc7: {  	v5 =	vadd.bf16 v5, v4;
	v4 =	vld [tilespmem:s22+$0x10];
	v3 =	vunpack.i.u.bf16.f32 v1;
	v10 =	vunpack.i.l.bf16.f32 v1  }
0xc8: {  	v1 =	vld [tilespmem:s22+$0x410];
	v2 =	vadd.f32 v10, v2;
	v3 =	vadd.f32 v3, v0  }
0xc9: {  	v6 =	vadd.bf16 v6, v7;
	v10 =	vunpack.i.u.bf16.f32 v5;
	v5 =	vunpack.i.l.bf16.f32 v5;
	v0 =	vld [tilespmem:s22+$0xC10]  }
0xca: {  	v5 =	vadd.f32 v5, v2;
	v10 =	vadd.f32 v10, v3;
	v3 =	vld [tilespmem:s22+$0x810]  }
0xcb: {  	v7 =	vadd.bf16 v8, v9;
	v11 =	vunpack.i.u.bf16.f32 v6;
	v6 =	vunpack.i.l.bf16.f32 v6;
	v2 =	vld [tilespmem:s22+$0x1410]  }
0xcc: {  	s28 =	simm.s32 $0x200;
	s29 =	simm.s32 $0x3800;
	s24 =	sadd.s32 $0x20, s21;
	v8 =	vadd.f32 v6, v5;
	v6 =	vadd.f32 v11, v10;
	v5 =	vld [tilespmem:s22+$0x1010]  }
.LBB2_3:
0xcd: {  	p0 =	sne.s32 s28, $0x1E00  }
0xce: {  	v9 =	vunpack.i.u.bf16.f32 v7;
	v7 =	vunpack.i.l.bf16.f32 v7;
	v1 =	vadd.bf16 v1, v4;
	v4 =	vld [tilespmem:s22+$0x1C10];
	s29 =	sadd.s32 $0x40, s29;
	s30 =	smov.u32 s28;
	s28 =	sadd.s32 $0x200, s28  }
0xcf: {  	v7 =	vadd.f32 v7, v8;
	v6 =	vadd.f32 v9, v6;
	v8 =	vld [tilespmem:s22+$0x1810]  }
0xd0: {  	v9 =	vunpack.i.u.bf16.f32 v1;
	v1 =	vunpack.i.l.bf16.f32 v1;
	v0 =	vadd.bf16 v0, v3  }
0xd1: {  	v1 =	vadd.f32 v1, v7;
	v3 =	vadd.f32 v9, v6  }
0xd2: {  	v6 =	vunpack.i.u.bf16.f32 v0;
	v0 =	vunpack.i.l.bf16.f32 v0;
	v2 =	vadd.bf16 v2, v5  }
0xd3: {  	v0 =	vadd.f32 v0, v1;
	v1 =	vadd.f32 v6, v3  }
0xd4: {  	v3 =	vunpack.i.u.bf16.f32 v2;
	v2 =	vunpack.i.l.bf16.f32 v2;
	v4 =	vadd.bf16 v4, v8  }
0xd5: {  	v0 =	vadd.f32 v2, v0;
	v1 =	vadd.f32 v3, v1  }
0xd6: {  	v2 =	vunpack.i.u.bf16.f32 v4;
	v3 =	vunpack.i.l.bf16.f32 v4  }
0xd7: {  	v0 =	vadd.f32 v3, v0;
	v1 =	vadd.f32 v2, v1;
	_ =	sdelay $0x1  }
0xd8: {  	[tilespmem:s23+$0x820] =	vst v0;
	v0 =	vld [tilespmem:s23+$0x850]  }
0xd9: {  	s30 =	sshra.s32 s30, $0x2;
	[tilespmem:s23+$0x830] =	vst v1;
	v1 =	vld [tilespmem:s23+$0x840]  }
0xda: {  	v2 =	vld [tilespmem:s22+$0xFFFFE020]  }
0xdb: {  	v3 =	vld [tilespmem:s22+$0xFFFFE420]  }
0xdc: {  	v4 =	vld [tilespmem:s22+$0xFFFFEC20]  }
0xdd: {  	v5 =	vld [tilespmem:s22+$0xFFFFE820]  }
0xde: {  	v6 =	vld [tilespmem:s22+$0xFFFFF420]  }
0xdf: {  	v7 =	vld [tilespmem:s22+$0xFFFFF020]  }
0xe0: {  	v2 =	vadd.bf16 v3, v2;
	v3 =	vld [tilespmem:s22+$0xFFFFFC20]  }
0xe1: {  	v8 =	vld [tilespmem:s22+$0xFFFFF820]  }
0xe2: {  	v9 =	vunpack.i.u.bf16.f32 v2;
	v2 =	vunpack.i.l.bf16.f32 v2;
	v4 =	vadd.bf16 v4, v5;
	v5 =	vld [tilespmem:s22+$0x420]  }
0xe3: {  	v1 =	vadd.f32 v2, v1;
	v0 =	vadd.f32 v9, v0;
	v2 =	vld [tilespmem:s22+$0x20]  }
0xe4: {  	v9 =	vunpack.i.u.bf16.f32 v4;
	v4 =	vunpack.i.l.bf16.f32 v4;
	v6 =	vadd.bf16 v6, v7;
	v7 =	vld [tilespmem:s22+$0xC20]  }
0xe5: {  	v1 =	vadd.f32 v4, v1;
	v0 =	vadd.f32 v9, v0;
	v4 =	vld [tilespmem:s22+$0x820]  }
0xe6: {  	v9 =	vunpack.i.u.bf16.f32 v6;
	v6 =	vunpack.i.l.bf16.f32 v6;
	v3 =	vadd.bf16 v3, v8;
	v8 =	vld [tilespmem:s22+$0x1420]  }
0xe7: {  	v1 =	vadd.f32 v6, v1;
	v0 =	vadd.f32 v9, v0;
	v6 =	vld [tilespmem:s22+$0x1020]  }
0xe8: {  	v9 =	vunpack.i.u.bf16.f32 v3;
	v3 =	vunpack.i.l.bf16.f32 v3;
	v2 =	vadd.bf16 v5, v2;
	v5 =	vld [tilespmem:s22+$0x1C20]  }
0xe9: {  	v1 =	vadd.f32 v3, v1;
	v0 =	vadd.f32 v9, v0;
	v3 =	vld [tilespmem:s22+$0x1820]  }
0xea: {  	v9 =	vunpack.i.u.bf16.f32 v2;
	v2 =	vunpack.i.l.bf16.f32 v2;
	v4 =	vadd.bf16 v7, v4  }
0xeb: {  	v1 =	vadd.f32 v2, v1;
	v0 =	vadd.f32 v9, v0  }
0xec: {  	v2 =	vunpack.i.u.bf16.f32 v4;
	v4 =	vunpack.i.l.bf16.f32 v4;
	v6 =	vadd.bf16 v8, v6  }
0xed: {  	v1 =	vadd.f32 v4, v1;
	v0 =	vadd.f32 v2, v0  }
0xee: {  	v2 =	vunpack.i.u.bf16.f32 v6;
	v4 =	vunpack.i.l.bf16.f32 v6;
	v3 =	vadd.bf16 v5, v3  }
0xef: {  	v1 =	vadd.f32 v4, v1;
	v0 =	vadd.f32 v2, v0  }
0xf0: {  	v2 =	vunpack.i.u.bf16.f32 v3;
	v3 =	vunpack.i.l.bf16.f32 v3  }
0xf1: {  	v1 =	vadd.f32 v3, v1;
	v0 =	vadd.f32 v2, v0;
	_ =	sdelay $0x1  }
0xf2: {  	[tilespmem:s23+$0x840] =	vst v1;
	v1 =	vld [tilespmem:s23+$0x870]  }
0xf3: {  	[tilespmem:s23+$0x850] =	vst v0;
	v0 =	vld [tilespmem:s23+$0x860]  }
0xf4: {  	v2 =	vld [tilespmem:s22+$0xFFFFE030]  }
0xf5: {  	v3 =	vld [tilespmem:s22+$0xFFFFE430]  }
0xf6: {  	v4 =	vld [tilespmem:s22+$0xFFFFEC30]  }
0xf7: {  	v5 =	vld [tilespmem:s22+$0xFFFFE830]  }
0xf8: {  	v6 =	vld [tilespmem:s22+$0xFFFFF030]  }
0xf9: {  	v7 =	vld [tilespmem:s22+$0xFFFFF430]  }
0xfa: {  	v2 =	vadd.bf16 v3, v2;
	v3 =	vld [tilespmem:s22+$0xFFFFF830]  }
0xfb: {  	v8 =	vld [tilespmem:s22+$0xFFFFFC30]  }
0xfc: {  	v9 =	vunpack.i.u.bf16.f32 v2;
	v2 =	vunpack.i.l.bf16.f32 v2;
	v4 =	vadd.bf16 v4, v5;
	v5 =	vld [tilespmem:s22+$0x30]  }
0xfd: {  	v0 =	vadd.f32 v2, v0;
	v1 =	vadd.f32 v9, v1;
	v2 =	vld [tilespmem:s22+$0x430]  }
0xfe: {  	v9 =	vunpack.i.u.bf16.f32 v4;
	v4 =	vunpack.i.l.bf16.f32 v4;
	v6 =	vadd.bf16 v7, v6;
	v7 =	vld [tilespmem:s22+$0x830]  }
0xff: {  	v0 =	vadd.f32 v4, v0;
	v1 =	vadd.f32 v9, v1;
	v4 =	vld [tilespmem:s22+$0xC30]  }
0x100: {  	v9 =	vunpack.i.u.bf16.f32 v6;
	v6 =	vunpack.i.l.bf16.f32 v6;
	v3 =	vadd.bf16 v8, v3;
	v8 =	vld [tilespmem:s22+$0x1030]  }
0x101: {  	v0 =	vadd.f32 v6, v0;
	v1 =	vadd.f32 v9, v1;
	v6 =	vld [tilespmem:s22+$0x1430]  }
0x102: {  	v9 =	vunpack.i.u.bf16.f32 v3;
	v3 =	vunpack.i.l.bf16.f32 v3;
	v2 =	vadd.bf16 v2, v5;
	v5 =	vld [tilespmem:s22+$0x1830]  }
0x103: {  	v0 =	vadd.f32 v3, v0;
	v1 =	vadd.f32 v9, v1;
	v3 =	vld [tilespmem:s22+$0x1C30];
	s22 =	smov.u32 s29  }
0x104: {  	v9 =	vunpack.i.u.bf16.f32 v2;
	v2 =	vunpack.i.l.bf16.f32 v2;
	v4 =	vadd.bf16 v4, v7  }
0x105: {  	v0 =	vadd.f32 v2, v0;
	v1 =	vadd.f32 v9, v1  }
0x106: {  	v2 =	vunpack.i.u.bf16.f32 v4;
	v4 =	vunpack.i.l.bf16.f32 v4;
	v6 =	vadd.bf16 v6, v8  }
0x107: {  	v0 =	vadd.f32 v4, v0;
	v1 =	vadd.f32 v2, v1  }
0x108: {  	v2 =	vunpack.i.u.bf16.f32 v6;
	v4 =	vunpack.i.l.bf16.f32 v6;
	v3 =	vadd.bf16 v3, v5  }
0x109: {  	v0 =	vadd.f32 v4, v0;
	v1 =	vadd.f32 v2, v1  }
0x10a: {  	v2 =	vunpack.i.u.bf16.f32 v3;
	v3 =	vunpack.i.l.bf16.f32 v3  }
0x10b: {  	v0 =	vadd.f32 v3, v0;
	v1 =	vadd.f32 v2, v1;
	_ =	sdelay $0x1  }
0x10c: {  	[tilespmem:s23+$0x860] =	vst v0  }
0x10d: {  	v0 =	vld [tilespmem:s30+$0x810];
	[tilespmem:s23+$0x870] =	vst v1;
	s23 =	smov.u32 s30  }
0x10e: {  	v1 =	vld [tilespmem:s29+$0xFFFFE000]  }
0x10f: {  	v2 =	vld [tilespmem:s29+$0xFFFFF400]  }
0x110: {  	v3 =	vld [tilespmem:s29+$0xFFFFE400]  }
0x111: {  	v4 =	vld [tilespmem:s29+$0xFFFFE800]  }
0x112: {  	v5 =	vld [tilespmem:s29+$0xFFFFEC00]  }
0x113: {  	v6 =	vld [tilespmem:s23+$0x800]  }
0x114: {  	v7 =	vld [tilespmem:s29+$0xFFFFF000]  }
0x115: {  	v1 =	vadd.bf16 v3, v1;
	v3 =	vld [tilespmem:s29+$0xFFFFFC00]  }
0x116: {  	v8 =	vld [tilespmem:s29+$0xFFFFF800]  }
0x117: {  	v9 =	vunpack.i.u.bf16.f32 v1;
	v1 =	vunpack.i.l.bf16.f32 v1;
	v4 =	vadd.bf16 v5, v4;
	v5 =	vld [tilespmem:s29+$0x400]  }
0x118: {  	v1 =	vadd.f32 v1, v6;
	v0 =	vadd.f32 v9, v0;
	v6 =	vld [tilespmem:s29+$0x0]  }
0x119: {  	v9 =	vunpack.i.u.bf16.f32 v4;
	v4 =	vunpack.i.l.bf16.f32 v4;
	v2 =	vadd.bf16 v2, v7;
	v7 =	vld [tilespmem:s29+$0xC00]  }
0x11a: {  	v1 =	vadd.f32 v4, v1;
	v0 =	vadd.f32 v9, v0;
	v4 =	vld [tilespmem:s29+$0x800]  }
0x11b: {  	v9 =	vunpack.i.u.bf16.f32 v2;
	v2 =	vunpack.i.l.bf16.f32 v2;
	v3 =	vadd.bf16 v3, v8;
	v8 =	vld [tilespmem:s29+$0x1400]  }
0x11c: {  	v1 =	vadd.f32 v2, v1;
	v0 =	vadd.f32 v9, v0;
	v2 =	vld [tilespmem:s29+$0x1000]  }
0x11d: {  	v9 =	vunpack.i.u.bf16.f32 v3;
	v3 =	vunpack.i.l.bf16.f32 v3;
	v5 =	vadd.bf16 v5, v6;
	v6 =	vld [tilespmem:s29+$0x1C00]  }
0x11e: {  	v1 =	vadd.f32 v3, v1;
	v0 =	vadd.f32 v9, v0;
	v3 =	vld [tilespmem:s29+$0x1800]  }
0x11f: {  	v9 =	vunpack.i.u.bf16.f32 v5;
	v5 =	vunpack.i.l.bf16.f32 v5;
	v4 =	vadd.bf16 v7, v4  }
0x120: {  	v1 =	vadd.f32 v5, v1;
	v0 =	vadd.f32 v9, v0  }
0x121: {  	v5 =	vunpack.i.u.bf16.f32 v4;
	v4 =	vunpack.i.l.bf16.f32 v4;
	v2 =	vadd.bf16 v8, v2  }
0x122: {  	v1 =	vadd.f32 v4, v1;
	v0 =	vadd.f32 v5, v0  }
0x123: {  	v4 =	vunpack.i.u.bf16.f32 v2;
	v2 =	vunpack.i.l.bf16.f32 v2;
	v3 =	vadd.bf16 v6, v3  }
0x124: {  	v1 =	vadd.f32 v2, v1;
	v0 =	vadd.f32 v4, v0  }
0x125: {  	v2 =	vunpack.i.u.bf16.f32 v3;
	v3 =	vunpack.i.l.bf16.f32 v3  }
0x126: {  	v1 =	vadd.f32 v3, v1;
	v0 =	vadd.f32 v2, v0;
	_ =	sdelay $0x1  }
0x127: {  	[tilespmem:s23+$0x800] =	vst v1;
	v2 =	vld [tilespmem:s23+$0x820]  }
0x128: {  	[tilespmem:s23+$0x810] =	vst v0;
	v0 =	vld [tilespmem:s23+$0x830]  }
0x129: {  	v1 =	vld [tilespmem:s29+$0xFFFFE010]  }
0x12a: {  	v3 =	vld [tilespmem:s29+$0xFFFFE410]  }
0x12b: {  	v4 =	vld [tilespmem:s29+$0xFFFFE810]  }
0x12c: {  	v5 =	vld [tilespmem:s29+$0xFFFFEC10]  }
0x12d: {  	v6 =	vld [tilespmem:s29+$0xFFFFF410]  }
0x12e: {  	v7 =	vld [tilespmem:s29+$0xFFFFF010]  }
0x12f: {  	v1 =	vadd.bf16 v3, v1;
	v8 =	vld [tilespmem:s29+$0xFFFFFC10]  }
0x130: {  	v9 =	vld [tilespmem:s29+$0xFFFFF810]  }
0x131: {  	v3 =	vunpack.i.u.bf16.f32 v1;
	v10 =	vunpack.i.l.bf16.f32 v1;
	v5 =	vadd.bf16 v5, v4;
	v1 =	vld [tilespmem:s29+$0x410]  }
.Ltmp0:
0x132: {  	v2 =	vadd.f32 v10, v2;
	v3 =	vadd.f32 v3, v0;
	v4 =	vld [tilespmem:s29+$0x10];
	(pc) =	sbr.rel @p0 .LBB2_3-.Ltmp0, $4  }
0x133: {  	v10 =	vunpack.i.u.bf16.f32 v5;
	v5 =	vunpack.i.l.bf16.f32 v5;
	v6 =	vadd.bf16 v6, v7;
	v0 =	vld [tilespmem:s29+$0xC10]  }
0x134: {  	v5 =	vadd.f32 v5, v2;
	v10 =	vadd.f32 v10, v3;
	v3 =	vld [tilespmem:s29+$0x810]  }
0x135: {  	v11 =	vunpack.i.u.bf16.f32 v6;
	v6 =	vunpack.i.l.bf16.f32 v6;
	v7 =	vadd.bf16 v8, v9;
	v2 =	vld [tilespmem:s29+$0x1410]  }
0x136: {  	v8 =	vadd.f32 v6, v5;
	v6 =	vadd.f32 v11, v10;
	v5 =	vld [tilespmem:s29+$0x1010]  }
0x137: {  	v9 =	vunpack.i.l.bf16.f32 v7;
	v1 =	vadd.bf16 v1, v4;
	v4 =	vld [tilespmem:s22+$0x1C10]  }
0x138: {  	v7 =	vunpack.i.u.bf16.f32 v7;
	v8 =	vadd.f32 v9, v8;
	v9 =	vld [tilespmem:s22+$0x1810]  }
0x139: {  	v10 =	vunpack.i.l.bf16.f32 v1;
	v0 =	vadd.bf16 v0, v3;
	v3 =	vadd.f32 v7, v6  }
0x13a: {  	v1 =	vunpack.i.u.bf16.f32 v1;
	v6 =	vadd.f32 v10, v8  }
0x13b: {  	v7 =	vunpack.i.l.bf16.f32 v0;
	v2 =	vadd.bf16 v2, v5;
	v1 =	vadd.f32 v1, v3  }
0x13c: {  	v0 =	vunpack.i.u.bf16.f32 v0;
	v3 =	vadd.f32 v7, v6  }
0x13d: {  	v5 =	vunpack.i.l.bf16.f32 v2;
	v4 =	vadd.bf16 v4, v9;
	v0 =	vadd.f32 v0, v1  }
0x13e: {  	v2 =	vunpack.i.u.bf16.f32 v2;
	v1 =	vadd.f32 v5, v3  }
0x13f: {  	v3 =	vunpack.i.l.bf16.f32 v4;
	v0 =	vadd.f32 v2, v0  }
0x140: {  	v2 =	vunpack.i.u.bf16.f32 v4;
	v1 =	vadd.f32 v3, v1  }
0x141: {  	v0 =	vadd.f32 v2, v0  }
0x142: {  	[tilespmem:s23+$0x820] =	vst v1;
	v1 =	vld [tilespmem:s23+$0x850]  }
0x143: {  	[tilespmem:s23+$0x830] =	vst v0;
	v0 =	vld [tilespmem:s23+$0x840]  }
0x144: {  	v2 =	vld [tilespmem:s22+$0xFFFFE020]  }
0x145: {  	v3 =	vld [tilespmem:s22+$0xFFFFE420]  }
0x146: {  	v4 =	vld [tilespmem:s22+$0xFFFFEC20]  }
0x147: {  	v5 =	vld [tilespmem:s22+$0xFFFFE820]  }
0x148: {  	v6 =	vld [tilespmem:s22+$0xFFFFF420]  }
0x149: {  	v7 =	vld [tilespmem:s22+$0xFFFFF020]  }
0x14a: {  	v8 =	vld [tilespmem:s22+$0xFFFFF820];
	v2 =	vadd.bf16 v3, v2  }
0x14b: {  	v3 =	vld [tilespmem:s22+$0xFFFFFC20]  }
0x14c: {  	v4 =	vadd.bf16 v4, v5;
	v5 =	vld [tilespmem:s22+$0x420];
	v9 =	vunpack.i.l.bf16.f32 v2  }
0x14d: {  	v2 =	vunpack.i.u.bf16.f32 v2;
	v0 =	vadd.f32 v9, v0;
	v9 =	vld [tilespmem:s22+$0x20]  }
0x14e: {  	v6 =	vadd.bf16 v6, v7;
	v7 =	vld [tilespmem:s22+$0xC20];
	v10 =	vunpack.i.l.bf16.f32 v4;
	v1 =	vadd.f32 v2, v1  }
0x14f: {  	v4 =	vunpack.i.u.bf16.f32 v4;
	v2 =	vld [tilespmem:s22+$0x820];
	v0 =	vadd.f32 v10, v0  }
0x150: {  	v10 =	vunpack.i.l.bf16.f32 v6;
	v3 =	vadd.bf16 v3, v8;
	v8 =	vld [tilespmem:s22+$0x1420];
	v1 =	vadd.f32 v4, v1  }
0x151: {  	v4 =	vld [tilespmem:s22+$0x1020];
	v6 =	vunpack.i.u.bf16.f32 v6;
	v0 =	vadd.f32 v10, v0  }
0x152: {  	v10 =	vunpack.i.l.bf16.f32 v3;
	v1 =	vadd.f32 v6, v1;
	v6 =	vld [tilespmem:s22+$0x1820];
	v5 =	vadd.bf16 v5, v9  }
0x153: {  	v3 =	vunpack.i.u.bf16.f32 v3;
	v9 =	vld [tilespmem:s22+$0x1C20];
	v0 =	vadd.f32 v10, v0  }
0x154: {  	v2 =	vadd.bf16 v7, v2;
	v1 =	vadd.f32 v3, v1;
	v10 =	vunpack.i.l.bf16.f32 v5  }
0x155: {  	v3 =	vunpack.i.u.bf16.f32 v5;
	v0 =	vadd.f32 v10, v0  }
0x156: {  	v5 =	vunpack.i.l.bf16.f32 v2;
	v4 =	vadd.bf16 v8, v4;
	v1 =	vadd.f32 v3, v1  }
0x157: {  	v2 =	vunpack.i.u.bf16.f32 v2;
	v0 =	vadd.f32 v5, v0  }
0x158: {  	v3 =	vunpack.i.l.bf16.f32 v4;
	v5 =	vadd.bf16 v9, v6;
	v1 =	vadd.f32 v2, v1  }
0x159: {  	v2 =	vunpack.i.u.bf16.f32 v4;
	v0 =	vadd.f32 v3, v0  }
0x15a: {  	v3 =	vunpack.i.l.bf16.f32 v5;
	v1 =	vadd.f32 v2, v1  }
0x15b: {  	v2 =	vunpack.i.u.bf16.f32 v5;
	v0 =	vadd.f32 v3, v0  }
0x15c: {  	v1 =	vadd.f32 v2, v1  }
0x15d: {  	[tilespmem:s23+$0x840] =	vst v0;
	v0 =	vld [tilespmem:s23+$0x870]  }
0x15e: {  	[tilespmem:s23+$0x850] =	vst v1;
	v1 =	vld [tilespmem:s23+$0x860]  }
0x15f: {  	v2 =	vld [tilespmem:s22+$0xFFFFE030]  }
0x160: {  	v3 =	vld [tilespmem:s22+$0xFFFFE430]  }
0x161: {  	v4 =	vld [tilespmem:s22+$0xFFFFEC30]  }
0x162: {  	v5 =	vld [tilespmem:s22+$0xFFFFE830]  }
0x163: {  	v6 =	vld [tilespmem:s22+$0xFFFFF030]  }
0x164: {  	v7 =	vld [tilespmem:s22+$0xFFFFF430]  }
0x165: {  	v8 =	vld [tilespmem:s22+$0xFFFFFC30];
	v2 =	vadd.bf16 v3, v2  }
0x166: {  	v3 =	vld [tilespmem:s22+$0xFFFFF830]  }
0x167: {  	v4 =	vadd.bf16 v4, v5;
	v5 =	vld [tilespmem:s22+$0x30];
	v9 =	vunpack.i.l.bf16.f32 v2  }
0x168: {  	v2 =	vunpack.i.u.bf16.f32 v2;
	v1 =	vadd.f32 v9, v1;
	v9 =	vld [tilespmem:s22+$0x430]  }
0x169: {  	v6 =	vadd.bf16 v7, v6;
	v7 =	vld [tilespmem:s22+$0x830];
	v0 =	vadd.f32 v2, v0;
	v2 =	vunpack.i.l.bf16.f32 v4  }
0x16a: {  	v4 =	vunpack.i.u.bf16.f32 v4;
	v1 =	vadd.f32 v2, v1;
	v2 =	vld [tilespmem:s22+$0xC30]  }
0x16b: {  	v0 =	vadd.f32 v4, v0;
	v4 =	vunpack.i.l.bf16.f32 v6;
	v3 =	vadd.bf16 v8, v3;
	v8 =	vld [tilespmem:s22+$0x1030]  }
0x16c: {  	v6 =	vunpack.i.u.bf16.f32 v6;
	v1 =	vadd.f32 v4, v1;
	v4 =	vld [tilespmem:s22+$0x1430]  }
0x16d: {  	v0 =	vadd.f32 v6, v0;
	v6 =	vunpack.i.l.bf16.f32 v3;
	v5 =	vadd.bf16 v9, v5;
	v9 =	vld [tilespmem:s22+$0x1830]  }
0x16e: {  	v3 =	vunpack.i.u.bf16.f32 v3;
	v1 =	vadd.f32 v6, v1;
	v6 =	vld [tilespmem:s22+$0x1C30]  }
0x16f: {  	v0 =	vadd.f32 v3, v0;
	v3 =	vunpack.i.l.bf16.f32 v5;
	v2 =	vadd.bf16 v2, v7  }
0x170: {  	v5 =	vunpack.i.u.bf16.f32 v5;
	v1 =	vadd.f32 v3, v1  }
0x171: {  	v0 =	vadd.f32 v5, v0;
	v3 =	vunpack.i.l.bf16.f32 v2;
	v4 =	vadd.bf16 v4, v8  }
0x172: {  	v2 =	vunpack.i.u.bf16.f32 v2;
	v1 =	vadd.f32 v3, v1  }
0x173: {  	v0 =	vadd.f32 v2, v0;
	v2 =	vunpack.i.l.bf16.f32 v4;
	v3 =	vadd.bf16 v6, v9  }
0x174: {  	v4 =	vunpack.i.u.bf16.f32 v4;
	v1 =	vadd.f32 v2, v1  }
0x175: {  	v0 =	vadd.f32 v4, v0;
	v2 =	vunpack.i.l.bf16.f32 v3  }
0x176: {  	s22 =	sshll.u32 s18, $0xC;
	v3 =	vunpack.i.u.bf16.f32 v3;
	v1 =	vadd.f32 v2, v1  }
0x177: {  	s28 =	sadd.s32 s5, s22;
	v0 =	vadd.f32 v3, v0  }
0x178: {  	s28 =	sshrl.u32 s28, $0x3;
	[tilespmem:s23+$0x860] =	vst v1  }
0x179: {  	s30 =	sadd.s32 s3, s28;
	s28 =	simm.s32 $0x0;
	[tilespmem:s23+$0x870] =	vst v0  }
0x17a: {  	[hbm4b:s30+s28] =	stream.linear.scatter [tilespmem:s20], [sflag:$0x7], $0x800, $0x38;
	[tilespmem:$0x9800] =	vst v63  }
0x17b: {  	_ =	swait.ge [sflag:s13], $0x800  }
0x17c: {  	[sflag:s13] =	ssyncset.done $0x0  }
0x17d: {  	[sflag:s13] =	ssyncadd.s32 $0xFFFFF800  }
0x17e: {  	[tilespmem:s20], [sflag:$0x5] =	stream.indirect.gather [hbm4b:s2+s19], $0x80, s24, s19, $0xb8;
	[tilespmem:$0x9800] =	vst v63  }
0x17f: {  	_ =	swait.ge [sflag:s26], $0x80  }
0x180: {  	[sflag:s26] =	ssyncset.done $0x0  }
0x181: {  	[sflag:s26] =	ssyncadd.s32 $0xFFFFFF80  }
0x182: {  	_ =	swait.ge [sflag:s26], $0x80  }
0x183: {  	[sflag:s26] =	ssyncset.done $0x0  }
0x184: {  	[sflag:s26] =	ssyncadd.s32 $0xFFFFFF80  }
0x185: {  	v0 =	vld [tilespmem:$0x400]  }
0x186: {  	v1 =	vld [tilespmem:$0x410]  }
0x187: {  	v2 =	vld [tilespmem:$0x420]  }
0x188: {  	v3 =	vld [tilespmem:$0x430]  }
0x189: {  	v4 =	vld [tilespmem:$0x440]  }
0x18a: {  	v5 =	vld [tilespmem:$0x450]  }
0x18b: {  	[tilespmem:$0x600] =	vst v0;
	v0 =	vadd.s32 $0x100, v1;
	v1 =	vld [tilespmem:$0x460]  }
0x18c: {  	[tilespmem:$0x610] =	vst v0;
	v0 =	vadd.s32 $0x200, v2;
	v2 =	vld [tilespmem:$0x470]  }
0x18d: {  	[tilespmem:$0x620] =	vst v0;
	v0 =	vadd.s32 $0x300, v3;
	v3 =	vld [tilespmem:$0x480]  }
0x18e: {  	[tilespmem:$0x630] =	vst v0;
	v0 =	vadd.s32 $0x400, v4;
	v4 =	vld [tilespmem:$0x490]  }
0x18f: {  	[tilespmem:$0x640] =	vst v0;
	v0 =	vadd.s32 $0x500, v5;
	v5 =	vld [tilespmem:$0x4A0]  }
0x190: {  	[tilespmem:$0x650] =	vst v0;
	v0 =	vadd.s32 $0x600, v1;
	v1 =	vld [tilespmem:$0x4B0]  }
0x191: {  	[tilespmem:$0x660] =	vst v0;
	v0 =	vadd.s32 $0x700, v2;
	v2 =	vld [tilespmem:$0x4C0]  }
0x192: {  	[tilespmem:$0x670] =	vst v0;
	v0 =	vadd.s32 $0x800, v3;
	v3 =	vld [tilespmem:$0x4D0]  }
0x193: {  	[tilespmem:$0x680] =	vst v0;
	v0 =	vadd.s32 $0x900, v4;
	v4 =	vld [tilespmem:$0x4E0]  }
0x194: {  	[tilespmem:$0x690] =	vst v0;
	v0 =	vadd.s32 $0xA00, v5;
	v5 =	vld [tilespmem:$0x4F0]  }
0x195: {  	[tilespmem:$0x6A0] =	vst v0;
	v0 =	vadd.s32 $0xB00, v1  }
0x196: {  	[tilespmem:$0x6B0] =	vst v0;
	v0 =	vadd.s32 $0xC00, v2  }
0x197: {  	[tilespmem:$0x6C0] =	vst v0;
	v0 =	vadd.s32 $0xD00, v3  }
0x198: {  	[tilespmem:$0x6D0] =	vst v0;
	v0 =	vadd.s32 $0xE00, v4  }
0x199: {  	[tilespmem:$0x6E0] =	vst v0;
	v0 =	vadd.s32 $0xF00, v5  }
0x19a: {  	s30 =	simm.s32 $0x1800;
	s24 =	simm.s32 $0x600;
	[tilespmem:$0x6F0] =	vst v0  }
0x19b: {  	[tilespmem:s30], [sflag:$0x3] =	stream.indirect.gather [hbm4b:s7+s14], $0x40, s24, s14, $0xb8;
	[tilespmem:$0x9800] =	vst v63  }
0x19c: {  	s30 =	simm.s32 $0x680  }
0x19d: {  	[tilespmem:s31], [sflag:$0x3] =	stream.indirect.gather [hbm4b:s7+s14], $0x40, s30, s14, $0xb8;
	[tilespmem:$0x9800] =	vst v63  }
0x19e: {  	v0 =	vld [tilespmem:s21+$0x30];
	_ =	sdelay $0x4  }
0x19f: {  	[tilespmem:$0x300] =	vst v0;
	v1 =	vadd.s32 $0x186A0, v0  }
0x1a0: {  	[tilespmem:$0x310] =	vst v1;
	v1 =	vadd.s32 $0x30D40, v0  }
0x1a1: {  	[tilespmem:$0x320] =	vst v1;
	v1 =	vadd.s32 $0x493E0, v0  }
0x1a2: {  	[tilespmem:$0x330] =	vst v1;
	v1 =	vadd.s32 $0x61A80, v0  }
0x1a3: {  	[tilespmem:$0x340] =	vst v1;
	v1 =	vadd.s32 $0x7A120, v0  }
0x1a4: {  	[tilespmem:$0x350] =	vst v1;
	v1 =	vadd.s32 $0x927C0, v0  }
0x1a5: {  	[tilespmem:$0x360] =	vst v1;
	v1 =	vadd.s32 $0xAAE60, v0  }
0x1a6: {  	[tilespmem:$0x370] =	vst v1;
	v1 =	vadd.s32 $0xC3500, v0  }
0x1a7: {  	[tilespmem:$0x380] =	vst v1;
	v1 =	vadd.s32 $0xDBBA0, v0  }
0x1a8: {  	[tilespmem:$0x390] =	vst v1;
	v1 =	vadd.s32 $0xF4240, v0  }
0x1a9: {  	[tilespmem:$0x3A0] =	vst v1;
	v1 =	vadd.s32 $0x10C8E0, v0  }
0x1aa: {  	[tilespmem:$0x3B0] =	vst v1;
	v1 =	vadd.s32 $0x124F80, v0  }
0x1ab: {  	[tilespmem:$0x3C0] =	vst v1;
	v1 =	vadd.s32 $0x13D620, v0  }
0x1ac: {  	[tilespmem:$0x3D0] =	vst v1;
	v1 =	vadd.s32 $0x155CC0, v0  }
0x1ad: {  	v0 =	vadd.s32 $0x16E360, v0;
	[tilespmem:$0x3E0] =	vst v1  }
0x1ae: {  	s24 =	simm.s32 $0x300;
	s30 =	simm.s32 $0x500;
	[tilespmem:$0x3F0] =	vst v0  }
0x1af: {  	[tilespmem:s30], [sflag:$0x2] =	stream.indirect.gather [hbm4b:s6+s14], $0x1, s24, s14, $0xb8;
	[tilespmem:$0x9800] =	vst v63  }
0x1b0: {  	s24 =	simm.s32 $0x380;
	s30 =	simm.s32 $0x580  }
0x1b1: {  	[tilespmem:s30], [sflag:$0x2] =	stream.indirect.gather [hbm4b:s6+s14], $0x1, s24, s14, $0xb8;
	[tilespmem:$0x9800] =	vst v63  }
0x1b2: {  	_ =	swait.ge [sflag:s16], $0x2000  }
0x1b3: {  	[sflag:s16] =	ssyncset.done $0x0  }
0x1b4: {  	[sflag:s16] =	ssyncadd.s32 $0xFFFFE000  }
0x1b5: {  	_ =	swait.ge [sflag:s16], $0x2000  }
0x1b6: {  	[sflag:s16] =	ssyncset.done $0x0  }
0x1b7: {  	[sflag:s16] =	ssyncadd.s32 $0xFFFFE000  }
0x1b8: {  	_ =	swait.ge [sflag:s17], $0x800  }
0x1b9: {  	[sflag:s17] =	ssyncset.done $0x0  }
0x1ba: {  	s23 =	simm.s32 $0x0;
	[sflag:s17] =	ssyncadd.s32 $0xFFFFF800  }
0x1bb: {  	s24 =	simm.s32 $0x7800;
	v0 =	vld [tilespmem:s23+$0x1010]  }
0x1bc: {  	v1 =	vld [tilespmem:s24+$0xFFFFE000]  }
0x1bd: {  	v2 =	vld [tilespmem:s24+$0xFFFFF400]  }
0x1be: {  	v3 =	vld [tilespmem:s24+$0xFFFFE400]  }
0x1bf: {  	v4 =	vld [tilespmem:s24+$0xFFFFE800]  }
0x1c0: {  	v5 =	vld [tilespmem:s24+$0xFFFFEC00]  }
0x1c1: {  	v6 =	vld [tilespmem:s23+$0x1000]  }
0x1c2: {  	v7 =	vld [tilespmem:s24+$0xFFFFF000]  }
0x1c3: {  	v8 =	vld [tilespmem:s24+$0xFFFFF800];
	v1 =	vadd.bf16 v3, v1  }
0x1c4: {  	v3 =	vld [tilespmem:s24+$0xFFFFFC00]  }
0x1c5: {  	v4 =	vadd.bf16 v5, v4;
	v5 =	vld [tilespmem:s24+$0x400];
	v9 =	vunpack.i.l.bf16.f32 v1  }
0x1c6: {  	v1 =	vunpack.i.u.bf16.f32 v1;
	v6 =	vadd.f32 v9, v6;
	v9 =	vld [tilespmem:s24+$0x0]  }
0x1c7: {  	v2 =	vadd.bf16 v2, v7;
	v7 =	vld [tilespmem:s24+$0xC00];
	v10 =	vunpack.i.l.bf16.f32 v4;
	v0 =	vadd.f32 v1, v0  }
0x1c8: {  	v4 =	vunpack.i.u.bf16.f32 v4;
	v1 =	vadd.f32 v10, v6;
	v6 =	vld [tilespmem:s24+$0x800]  }
0x1c9: {  	v10 =	vunpack.i.l.bf16.f32 v2;
	v3 =	vadd.bf16 v3, v8;
	v8 =	vld [tilespmem:s24+$0x1400];
	v0 =	vadd.f32 v4, v0  }
0x1ca: {  	v4 =	vld [tilespmem:s24+$0x1000];
	v2 =	vunpack.i.u.bf16.f32 v2;
	v1 =	vadd.f32 v10, v1  }
0x1cb: {  	v10 =	vunpack.i.l.bf16.f32 v3;
	v0 =	vadd.f32 v2, v0;
	v2 =	vld [tilespmem:s24+$0x1800];
	v5 =	vadd.bf16 v5, v9  }
0x1cc: {  	v3 =	vunpack.i.u.bf16.f32 v3;
	v9 =	vld [tilespmem:s24+$0x1C00];
	v1 =	vadd.f32 v10, v1  }
0x1cd: {  	v0 =	vadd.f32 v3, v0;
	v6 =	vadd.bf16 v7, v6;
	v7 =	vunpack.i.l.bf16.f32 v5  }
0x1ce: {  	v3 =	vunpack.i.u.bf16.f32 v5;
	v1 =	vadd.f32 v7, v1  }
0x1cf: {  	v4 =	vadd.bf16 v8, v4;
	v0 =	vadd.f32 v3, v0;
	v5 =	vunpack.i.l.bf16.f32 v6  }
0x1d0: {  	v3 =	vunpack.i.u.bf16.f32 v6;
	v1 =	vadd.f32 v5, v1  }
0x1d1: {  	v5 =	vunpack.i.l.bf16.f32 v4;
	v2 =	vadd.bf16 v9, v2;
	v0 =	vadd.f32 v3, v0  }
0x1d2: {  	v3 =	vunpack.i.u.bf16.f32 v4;
	v1 =	vadd.f32 v5, v1  }
0x1d3: {  	v4 =	vunpack.i.l.bf16.f32 v2;
	v0 =	vadd.f32 v3, v0  }
0x1d4: {  	v2 =	vunpack.i.u.bf16.f32 v2;
	v1 =	vadd.f32 v4, v1  }
0x1d5: {  	v0 =	vadd.f32 v2, v0  }
0x1d6: {  	v2 =	vld [tilespmem:s23+$0x1020];
	[tilespmem:s23+$0x1000] =	vst v1  }
0x1d7: {  	[tilespmem:s23+$0x1010] =	vst v0;
	v0 =	vld [tilespmem:s23+$0x1030]  }
0x1d8: {  	v1 =	vld [tilespmem:s24+$0xFFFFE010]  }
0x1d9: {  	v3 =	vld [tilespmem:s24+$0xFFFFE410]  }
0x1da: {  	v4 =	vld [tilespmem:s24+$0xFFFFE810]  }
0x1db: {  	v5 =	vld [tilespmem:s24+$0xFFFFEC10]  }
0x1dc: {  	v6 =	vld [tilespmem:s24+$0xFFFFF410]  }
0x1dd: {  	v7 =	vld [tilespmem:s24+$0xFFFFF010]  }
0x1de: {  	v8 =	vld [tilespmem:s24+$0xFFFFFC10];
	v1 =	vadd.bf16 v3, v1  }
0x1df: {  	v9 =	vld [tilespmem:s24+$0xFFFFF810]  }
0x1e0: {  	v5 =	vadd.bf16 v5, v4;
	v4 =	vld [tilespmem:s24+$0x10];
	v3 =	vunpack.i.u.bf16.f32 v1;
	v10 =	vunpack.i.l.bf16.f32 v1  }
0x1e1: {  	v1 =	vld [tilespmem:s24+$0x410];
	v2 =	vadd.f32 v10, v2;
	v3 =	vadd.f32 v3, v0  }
0x1e2: {  	v6 =	vadd.bf16 v6, v7;
	v10 =	vunpack.i.u.bf16.f32 v5;
	v5 =	vunpack.i.l.bf16.f32 v5;
	v0 =	vld [tilespmem:s24+$0xC10]  }
0x1e3: {  	v5 =	vadd.f32 v5, v2;
	v10 =	vadd.f32 v10, v3;
	v3 =	vld [tilespmem:s24+$0x810]  }
0x1e4: {  	v7 =	vadd.bf16 v8, v9;
	v11 =	vunpack.i.u.bf16.f32 v6;
	v6 =	vunpack.i.l.bf16.f32 v6;
	v2 =	vld [tilespmem:s24+$0x1410]  }
0x1e5: {  	s29 =	simm.s32 $0x7800;
	s28 =	simm.s32 $0x200;
	s21 =	sadd.s32 $0x30, s21;
	v8 =	vadd.f32 v6, v5;
	v6 =	vadd.f32 v11, v10;
	v5 =	vld [tilespmem:s24+$0x1010]  }
.LBB2_5:
0x1e6: {  	p0 =	sne.s32 s28, $0x1E00  }
0x1e7: {  	v9 =	vunpack.i.u.bf16.f32 v7;
	v7 =	vunpack.i.l.bf16.f32 v7;
	v1 =	vadd.bf16 v1, v4;
	v4 =	vld [tilespmem:s24+$0x1C10];
	s29 =	sadd.s32 $0x40, s29;
	s30 =	smov.u32 s28;
	s28 =	sadd.s32 $0x200, s28  }
0x1e8: {  	v7 =	vadd.f32 v7, v8;
	v6 =	vadd.f32 v9, v6;
	v8 =	vld [tilespmem:s24+$0x1810]  }
0x1e9: {  	v9 =	vunpack.i.u.bf16.f32 v1;
	v1 =	vunpack.i.l.bf16.f32 v1;
	v0 =	vadd.bf16 v0, v3  }
0x1ea: {  	v1 =	vadd.f32 v1, v7;
	v3 =	vadd.f32 v9, v6  }
0x1eb: {  	v6 =	vunpack.i.u.bf16.f32 v0;
	v0 =	vunpack.i.l.bf16.f32 v0;
	v2 =	vadd.bf16 v2, v5  }
0x1ec: {  	v0 =	vadd.f32 v0, v1;
	v1 =	vadd.f32 v6, v3  }
0x1ed: {  	v3 =	vunpack.i.u.bf16.f32 v2;
	v2 =	vunpack.i.l.bf16.f32 v2;
	v4 =	vadd.bf16 v4, v8  }
0x1ee: {  	v0 =	vadd.f32 v2, v0;
	v1 =	vadd.f32 v3, v1  }
0x1ef: {  	v2 =	vunpack.i.u.bf16.f32 v4;
	v3 =	vunpack.i.l.bf16.f32 v4  }
0x1f0: {  	v0 =	vadd.f32 v3, v0;
	v1 =	vadd.f32 v2, v1;
	_ =	sdelay $0x1  }
0x1f1: {  	[tilespmem:s23+$0x1020] =	vst v0;
	v0 =	vld [tilespmem:s23+$0x1050]  }
0x1f2: {  	s30 =	sshra.s32 s30, $0x2;
	[tilespmem:s23+$0x1030] =	vst v1;
	v1 =	vld [tilespmem:s23+$0x1040]  }
0x1f3: {  	v2 =	vld [tilespmem:s24+$0xFFFFE020]  }
0x1f4: {  	v3 =	vld [tilespmem:s24+$0xFFFFE420]  }
0x1f5: {  	v4 =	vld [tilespmem:s24+$0xFFFFEC20]  }
0x1f6: {  	v5 =	vld [tilespmem:s24+$0xFFFFE820]  }
0x1f7: {  	v6 =	vld [tilespmem:s24+$0xFFFFF420]  }
0x1f8: {  	v7 =	vld [tilespmem:s24+$0xFFFFF020]  }
0x1f9: {  	v2 =	vadd.bf16 v3, v2;
	v3 =	vld [tilespmem:s24+$0xFFFFFC20]  }
0x1fa: {  	v8 =	vld [tilespmem:s24+$0xFFFFF820]  }
0x1fb: {  	v9 =	vunpack.i.u.bf16.f32 v2;
	v2 =	vunpack.i.l.bf16.f32 v2;
	v4 =	vadd.bf16 v4, v5;
	v5 =	vld [tilespmem:s24+$0x420]  }
0x1fc: {  	v1 =	vadd.f32 v2, v1;
	v0 =	vadd.f32 v9, v0;
	v2 =	vld [tilespmem:s24+$0x20]  }
0x1fd: {  	v9 =	vunpack.i.u.bf16.f32 v4;
	v4 =	vunpack.i.l.bf16.f32 v4;
	v6 =	vadd.bf16 v6, v7;
	v7 =	vld [tilespmem:s24+$0xC20]  }
0x1fe: {  	v1 =	vadd.f32 v4, v1;
	v0 =	vadd.f32 v9, v0;
	v4 =	vld [tilespmem:s24+$0x820]  }
0x1ff: {  	v9 =	vunpack.i.u.bf16.f32 v6;
	v6 =	vunpack.i.l.bf16.f32 v6;
	v3 =	vadd.bf16 v3, v8;
	v8 =	vld [tilespmem:s24+$0x1420]  }
0x200: {  	v1 =	vadd.f32 v6, v1;
	v0 =	vadd.f32 v9, v0;
	v6 =	vld [tilespmem:s24+$0x1020]  }
0x201: {  	v9 =	vunpack.i.u.bf16.f32 v3;
	v3 =	vunpack.i.l.bf16.f32 v3;
	v2 =	vadd.bf16 v5, v2;
	v5 =	vld [tilespmem:s24+$0x1C20]  }
0x202: {  	v1 =	vadd.f32 v3, v1;
	v0 =	vadd.f32 v9, v0;
	v3 =	vld [tilespmem:s24+$0x1820]  }
0x203: {  	v9 =	vunpack.i.u.bf16.f32 v2;
	v2 =	vunpack.i.l.bf16.f32 v2;
	v4 =	vadd.bf16 v7, v4  }
0x204: {  	v1 =	vadd.f32 v2, v1;
	v0 =	vadd.f32 v9, v0  }
0x205: {  	v2 =	vunpack.i.u.bf16.f32 v4;
	v4 =	vunpack.i.l.bf16.f32 v4;
	v6 =	vadd.bf16 v8, v6  }
0x206: {  	v1 =	vadd.f32 v4, v1;
	v0 =	vadd.f32 v2, v0  }
0x207: {  	v2 =	vunpack.i.u.bf16.f32 v6;
	v4 =	vunpack.i.l.bf16.f32 v6;
	v3 =	vadd.bf16 v5, v3  }
0x208: {  	v1 =	vadd.f32 v4, v1;
	v0 =	vadd.f32 v2, v0  }
0x209: {  	v2 =	vunpack.i.u.bf16.f32 v3;
	v3 =	vunpack.i.l.bf16.f32 v3  }
0x20a: {  	v1 =	vadd.f32 v3, v1;
	v0 =	vadd.f32 v2, v0;
	_ =	sdelay $0x1  }
0x20b: {  	[tilespmem:s23+$0x1040] =	vst v1;
	v1 =	vld [tilespmem:s23+$0x1070]  }
0x20c: {  	[tilespmem:s23+$0x1050] =	vst v0;
	v0 =	vld [tilespmem:s23+$0x1060]  }
0x20d: {  	v2 =	vld [tilespmem:s24+$0xFFFFE030]  }
0x20e: {  	v3 =	vld [tilespmem:s24+$0xFFFFE430]  }
0x20f: {  	v4 =	vld [tilespmem:s24+$0xFFFFEC30]  }
0x210: {  	v5 =	vld [tilespmem:s24+$0xFFFFE830]  }
0x211: {  	v6 =	vld [tilespmem:s24+$0xFFFFF030]  }
0x212: {  	v7 =	vld [tilespmem:s24+$0xFFFFF430]  }
0x213: {  	v2 =	vadd.bf16 v3, v2;
	v3 =	vld [tilespmem:s24+$0xFFFFF830]  }
0x214: {  	v8 =	vld [tilespmem:s24+$0xFFFFFC30]  }
0x215: {  	v9 =	vunpack.i.u.bf16.f32 v2;
	v2 =	vunpack.i.l.bf16.f32 v2;
	v4 =	vadd.bf16 v4, v5;
	v5 =	vld [tilespmem:s24+$0x30]  }
0x216: {  	v0 =	vadd.f32 v2, v0;
	v1 =	vadd.f32 v9, v1;
	v2 =	vld [tilespmem:s24+$0x430]  }
0x217: {  	v9 =	vunpack.i.u.bf16.f32 v4;
	v4 =	vunpack.i.l.bf16.f32 v4;
	v6 =	vadd.bf16 v7, v6;
	v7 =	vld [tilespmem:s24+$0x830]  }
0x218: {  	v0 =	vadd.f32 v4, v0;
	v1 =	vadd.f32 v9, v1;
	v4 =	vld [tilespmem:s24+$0xC30]  }
0x219: {  	v9 =	vunpack.i.u.bf16.f32 v6;
	v6 =	vunpack.i.l.bf16.f32 v6;
	v3 =	vadd.bf16 v8, v3;
	v8 =	vld [tilespmem:s24+$0x1030]  }
0x21a: {  	v0 =	vadd.f32 v6, v0;
	v1 =	vadd.f32 v9, v1;
	v6 =	vld [tilespmem:s24+$0x1430]  }
0x21b: {  	v9 =	vunpack.i.u.bf16.f32 v3;
	v3 =	vunpack.i.l.bf16.f32 v3;
	v2 =	vadd.bf16 v2, v5;
	v5 =	vld [tilespmem:s24+$0x1830]  }
0x21c: {  	v0 =	vadd.f32 v3, v0;
	v1 =	vadd.f32 v9, v1;
	v3 =	vld [tilespmem:s24+$0x1C30];
	s24 =	smov.u32 s29  }
0x21d: {  	v9 =	vunpack.i.u.bf16.f32 v2;
	v2 =	vunpack.i.l.bf16.f32 v2;
	v4 =	vadd.bf16 v4, v7  }
0x21e: {  	v0 =	vadd.f32 v2, v0;
	v1 =	vadd.f32 v9, v1  }
0x21f: {  	v2 =	vunpack.i.u.bf16.f32 v4;
	v4 =	vunpack.i.l.bf16.f32 v4;
	v6 =	vadd.bf16 v6, v8  }
0x220: {  	v0 =	vadd.f32 v4, v0;
	v1 =	vadd.f32 v2, v1  }
0x221: {  	v2 =	vunpack.i.u.bf16.f32 v6;
	v4 =	vunpack.i.l.bf16.f32 v6;
	v3 =	vadd.bf16 v3, v5  }
0x222: {  	v0 =	vadd.f32 v4, v0;
	v1 =	vadd.f32 v2, v1  }
0x223: {  	v2 =	vunpack.i.u.bf16.f32 v3;
	v3 =	vunpack.i.l.bf16.f32 v3  }
0x224: {  	v0 =	vadd.f32 v3, v0;
	v1 =	vadd.f32 v2, v1;
	_ =	sdelay $0x1  }
0x225: {  	[tilespmem:s23+$0x1060] =	vst v0  }
0x226: {  	v0 =	vld [tilespmem:s30+$0x1010];
	[tilespmem:s23+$0x1070] =	vst v1;
	s23 =	smov.u32 s30  }
0x227: {  	v1 =	vld [tilespmem:s29+$0xFFFFE000]  }
0x228: {  	v2 =	vld [tilespmem:s29+$0xFFFFF400]  }
0x229: {  	v3 =	vld [tilespmem:s29+$0xFFFFE400]  }
0x22a: {  	v4 =	vld [tilespmem:s29+$0xFFFFE800]  }
0x22b: {  	v5 =	vld [tilespmem:s29+$0xFFFFEC00]  }
0x22c: {  	v6 =	vld [tilespmem:s23+$0x1000]  }
0x22d: {  	v7 =	vld [tilespmem:s29+$0xFFFFF000]  }
0x22e: {  	v1 =	vadd.bf16 v3, v1;
	v3 =	vld [tilespmem:s29+$0xFFFFFC00]  }
0x22f: {  	v8 =	vld [tilespmem:s29+$0xFFFFF800]  }
0x230: {  	v9 =	vunpack.i.u.bf16.f32 v1;
	v1 =	vunpack.i.l.bf16.f32 v1;
	v4 =	vadd.bf16 v5, v4;
	v5 =	vld [tilespmem:s29+$0x400]  }
0x231: {  	v1 =	vadd.f32 v1, v6;
	v0 =	vadd.f32 v9, v0;
	v6 =	vld [tilespmem:s29+$0x0]  }
0x232: {  	v9 =	vunpack.i.u.bf16.f32 v4;
	v4 =	vunpack.i.l.bf16.f32 v4;
	v2 =	vadd.bf16 v2, v7;
	v7 =	vld [tilespmem:s29+$0xC00]  }
0x233: {  	v1 =	vadd.f32 v4, v1;
	v0 =	vadd.f32 v9, v0;
	v4 =	vld [tilespmem:s29+$0x800]  }
0x234: {  	v9 =	vunpack.i.u.bf16.f32 v2;
	v2 =	vunpack.i.l.bf16.f32 v2;
	v3 =	vadd.bf16 v3, v8;
	v8 =	vld [tilespmem:s29+$0x1400]  }
0x235: {  	v1 =	vadd.f32 v2, v1;
	v0 =	vadd.f32 v9, v0;
	v2 =	vld [tilespmem:s29+$0x1000]  }
0x236: {  	v9 =	vunpack.i.u.bf16.f32 v3;
	v3 =	vunpack.i.l.bf16.f32 v3;
	v5 =	vadd.bf16 v5, v6;
	v6 =	vld [tilespmem:s29+$0x1C00]  }
0x237: {  	v1 =	vadd.f32 v3, v1;
	v0 =	vadd.f32 v9, v0;
	v3 =	vld [tilespmem:s29+$0x1800]  }
0x238: {  	v9 =	vunpack.i.u.bf16.f32 v5;
	v5 =	vunpack.i.l.bf16.f32 v5;
	v4 =	vadd.bf16 v7, v4  }
0x239: {  	v1 =	vadd.f32 v5, v1;
	v0 =	vadd.f32 v9, v0  }
0x23a: {  	v5 =	vunpack.i.u.bf16.f32 v4;
	v4 =	vunpack.i.l.bf16.f32 v4;
	v2 =	vadd.bf16 v8, v2  }
0x23b: {  	v1 =	vadd.f32 v4, v1;
	v0 =	vadd.f32 v5, v0  }
0x23c: {  	v4 =	vunpack.i.u.bf16.f32 v2;
	v2 =	vunpack.i.l.bf16.f32 v2;
	v3 =	vadd.bf16 v6, v3  }
0x23d: {  	v1 =	vadd.f32 v2, v1;
	v0 =	vadd.f32 v4, v0  }
0x23e: {  	v2 =	vunpack.i.u.bf16.f32 v3;
	v3 =	vunpack.i.l.bf16.f32 v3  }
0x23f: {  	v1 =	vadd.f32 v3, v1;
	v0 =	vadd.f32 v2, v0;
	_ =	sdelay $0x1  }
0x240: {  	[tilespmem:s23+$0x1000] =	vst v1;
	v2 =	vld [tilespmem:s23+$0x1020]  }
0x241: {  	[tilespmem:s23+$0x1010] =	vst v0;
	v0 =	vld [tilespmem:s23+$0x1030]  }
0x242: {  	v1 =	vld [tilespmem:s29+$0xFFFFE010]  }
0x243: {  	v3 =	vld [tilespmem:s29+$0xFFFFE410]  }
0x244: {  	v4 =	vld [tilespmem:s29+$0xFFFFE810]  }
0x245: {  	v5 =	vld [tilespmem:s29+$0xFFFFEC10]  }
0x246: {  	v6 =	vld [tilespmem:s29+$0xFFFFF410]  }
0x247: {  	v7 =	vld [tilespmem:s29+$0xFFFFF010]  }
0x248: {  	v1 =	vadd.bf16 v3, v1;
	v8 =	vld [tilespmem:s29+$0xFFFFFC10]  }
0x249: {  	v9 =	vld [tilespmem:s29+$0xFFFFF810]  }
0x24a: {  	v3 =	vunpack.i.u.bf16.f32 v1;
	v10 =	vunpack.i.l.bf16.f32 v1;
	v5 =	vadd.bf16 v5, v4;
	v1 =	vld [tilespmem:s29+$0x410]  }
.Ltmp1:
0x24b: {  	v2 =	vadd.f32 v10, v2;
	v3 =	vadd.f32 v3, v0;
	v4 =	vld [tilespmem:s29+$0x10];
	(pc) =	sbr.rel @p0 .LBB2_5-.Ltmp1, $4  }
0x24c: {  	v10 =	vunpack.i.u.bf16.f32 v5;
	v5 =	vunpack.i.l.bf16.f32 v5;
	v6 =	vadd.bf16 v6, v7;
	v0 =	vld [tilespmem:s29+$0xC10]  }
0x24d: {  	v5 =	vadd.f32 v5, v2;
	v10 =	vadd.f32 v10, v3;
	v3 =	vld [tilespmem:s29+$0x810]  }
0x24e: {  	v11 =	vunpack.i.u.bf16.f32 v6;
	v6 =	vunpack.i.l.bf16.f32 v6;
	v7 =	vadd.bf16 v8, v9;
	v2 =	vld [tilespmem:s29+$0x1410]  }
0x24f: {  	v8 =	vadd.f32 v6, v5;
	v6 =	vadd.f32 v11, v10;
	v5 =	vld [tilespmem:s29+$0x1010]  }
0x250: {  	v9 =	vunpack.i.l.bf16.f32 v7;
	v1 =	vadd.bf16 v1, v4;
	v49 =	vld [tilespmem:s24+$0x1C10]  }
0x251: {  	v50 =	vld [tilespmem:s24+$0x1810];
	v51 =	vunpack.i.u.bf16.f32 v7;
	v8 =	vadd.f32 v9, v8  }
0x252: {  	v52 =	vadd.f32 v51, v6;
	v10 =	vunpack.i.l.bf16.f32 v1;
	v0 =	vadd.bf16 v0, v3  }
0x253: {  	v1 =	vunpack.i.u.bf16.f32 v1;
	v53 =	vadd.f32 v10, v8  }
0x254: {  	v1 =	vadd.f32 v1, v52;
	v54 =	vunpack.i.l.bf16.f32 v0;
	v2 =	vadd.bf16 v2, v5  }
0x255: {  	v0 =	vunpack.i.u.bf16.f32 v0;
	v55 =	vadd.f32 v54, v53  }
0x256: {  	v4 =	vadd.bf16 v49, v50;
	v0 =	vadd.f32 v0, v1;
	v5 =	vunpack.i.l.bf16.f32 v2  }
0x257: {  	v2 =	vunpack.i.u.bf16.f32 v2;
	v56 =	vadd.f32 v5, v55  }
0x258: {  	v57 =	vunpack.i.l.bf16.f32 v4;
	v0 =	vadd.f32 v2, v0  }
0x259: {  	v58 =	vunpack.i.u.bf16.f32 v4;
	v1 =	vadd.f32 v57, v56  }
0x25a: {  	v0 =	vadd.f32 v58, v0  }
0x25b: {  	v59 =	vld [tilespmem:s23+$0x1050];
	[tilespmem:s23+$0x1020] =	vst v1  }
0x25c: {  	v60 =	vld [tilespmem:s23+$0x1040];
	[tilespmem:s23+$0x1030] =	vst v0  }
0x25d: {  	v61 =	vld [tilespmem:s24+$0xFFFFE020]  }
0x25e: {  	v62 =	vld [tilespmem:s24+$0xFFFFE420]  }
0x25f: {  	v63 =	vld [tilespmem:s24+$0xFFFFEC20]  }
0x260: {  	v12 =	vld [tilespmem:s24+$0xFFFFE820]  }
0x261: {  	v13 =	vld [tilespmem:s24+$0xFFFFF420]  }
0x262: {  	v14 =	vld [tilespmem:s24+$0xFFFFF020]  }
0x263: {  	v15 =	vld [tilespmem:s24+$0xFFFFFC20];
	v2 =	vadd.bf16 v62, v61  }
0x264: {  	v16 =	vld [tilespmem:s24+$0xFFFFF820]  }
0x265: {  	v18 =	vld [tilespmem:s24+$0x420];
	v4 =	vadd.bf16 v63, v12;
	v17 =	vunpack.i.l.bf16.f32 v2  }
0x266: {  	v19 =	vld [tilespmem:s24+$0x20];
	v2 =	vunpack.i.u.bf16.f32 v2;
	v0 =	vadd.f32 v17, v60  }
0x267: {  	v21 =	vld [tilespmem:s24+$0xC20];
	v6 =	vadd.bf16 v13, v14;
	v20 =	vunpack.i.l.bf16.f32 v4;
	v1 =	vadd.f32 v2, v59  }
0x268: {  	v22 =	vld [tilespmem:s24+$0x820];
	v4 =	vunpack.i.u.bf16.f32 v4;
	v0 =	vadd.f32 v20, v0  }
0x269: {  	v24 =	vld [tilespmem:s24+$0x1420];
	v3 =	vadd.bf16 v15, v16;
	v23 =	vunpack.i.l.bf16.f32 v6;
	v1 =	vadd.f32 v4, v1  }
0x26a: {  	v25 =	vld [tilespmem:s24+$0x1020];
	v6 =	vunpack.i.u.bf16.f32 v6;
	v0 =	vadd.f32 v23, v0  }
0x26b: {  	v27 =	vld [tilespmem:s24+$0x1C20];
	v5 =	vadd.bf16 v18, v19;
	v26 =	vunpack.i.l.bf16.f32 v3;
	v1 =	vadd.f32 v6, v1  }
0x26c: {  	v28 =	vld [tilespmem:s24+$0x1820];
	v3 =	vunpack.i.u.bf16.f32 v3;
	v0 =	vadd.f32 v26, v0  }
0x26d: {  	v29 =	vunpack.i.l.bf16.f32 v5;
	v2 =	vadd.bf16 v21, v22;
	v1 =	vadd.f32 v3, v1  }
0x26e: {  	v30 =	vunpack.i.u.bf16.f32 v5;
	v0 =	vadd.f32 v29, v0  }
0x26f: {  	v31 =	vunpack.i.l.bf16.f32 v2;
	v4 =	vadd.bf16 v24, v25;
	v1 =	vadd.f32 v30, v1  }
0x270: {  	v2 =	vunpack.i.u.bf16.f32 v2;
	v0 =	vadd.f32 v31, v0  }
0x271: {  	v33 =	vadd.bf16 v27, v28;
	v32 =	vunpack.i.l.bf16.f32 v4;
	v1 =	vadd.f32 v2, v1  }
0x272: {  	v34 =	vunpack.i.u.bf16.f32 v4;
	v0 =	vadd.f32 v32, v0  }
0x273: {  	v35 =	vunpack.i.l.bf16.f32 v33;
	v1 =	vadd.f32 v34, v1  }
0x274: {  	v36 =	vunpack.i.u.bf16.f32 v33;
	v0 =	vadd.f32 v35, v0  }
0x275: {  	v1 =	vadd.f32 v36, v1  }
0x276: {  	v37 =	vld [tilespmem:s23+$0x1070];
	[tilespmem:s23+$0x1040] =	vst v0  }
0x277: {  	v38 =	vld [tilespmem:s23+$0x1060];
	[tilespmem:s23+$0x1050] =	vst v1  }
0x278: {  	v39 =	vld [tilespmem:s24+$0xFFFFE030]  }
0x279: {  	v40 =	vld [tilespmem:s24+$0xFFFFE430]  }
0x27a: {  	v41 =	vld [tilespmem:s24+$0xFFFFEC30]  }
0x27b: {  	v42 =	vld [tilespmem:s24+$0xFFFFE830]  }
0x27c: {  	v43 =	vld [tilespmem:s24+$0xFFFFF030]  }
0x27d: {  	v44 =	vld [tilespmem:s24+$0xFFFFF430]  }
0x27e: {  	v45 =	vld [tilespmem:s24+$0xFFFFF830];
	v2 =	vadd.bf16 v40, v39  }
0x27f: {  	v46 =	vld [tilespmem:s24+$0xFFFFFC30]  }
0x280: {  	v48 =	vld [tilespmem:s24+$0x30];
	v4 =	vadd.bf16 v41, v42;
	v47 =	vunpack.i.l.bf16.f32 v2  }
0x281: {  	v49 =	vld [tilespmem:s24+$0x430];
	v2 =	vunpack.i.u.bf16.f32 v2;
	v1 =	vadd.f32 v47, v38  }
0x282: {  	v51 =	vld [tilespmem:s24+$0x830];
	v6 =	vadd.bf16 v44, v43;
	v50 =	vunpack.i.l.bf16.f32 v4;
	v0 =	vadd.f32 v2, v37  }
0x283: {  	v52 =	vld [tilespmem:s24+$0xC30];
	v4 =	vunpack.i.u.bf16.f32 v4;
	v1 =	vadd.f32 v50, v1  }
0x284: {  	v54 =	vld [tilespmem:s24+$0x1030];
	v3 =	vadd.bf16 v46, v45;
	v53 =	vunpack.i.l.bf16.f32 v6;
	v0 =	vadd.f32 v4, v0  }
0x285: {  	v55 =	vld [tilespmem:s24+$0x1430];
	v6 =	vunpack.i.u.bf16.f32 v6;
	v1 =	vadd.f32 v53, v1  }
0x286: {  	v57 =	vld [tilespmem:s24+$0x1830];
	v5 =	vadd.bf16 v49, v48;
	v56 =	vunpack.i.l.bf16.f32 v3;
	v0 =	vadd.f32 v6, v0  }
0x287: {  	v58 =	vld [tilespmem:s24+$0x1C30];
	v3 =	vunpack.i.u.bf16.f32 v3;
	v1 =	vadd.f32 v56, v1  }
0x288: {  	v59 =	vunpack.i.l.bf16.f32 v5;
	v2 =	vadd.bf16 v52, v51;
	v0 =	vadd.f32 v3, v0  }
0x289: {  	v5 =	vunpack.i.u.bf16.f32 v5;
	v1 =	vadd.f32 v59, v1  }
0x28a: {  	v60 =	vunpack.i.l.bf16.f32 v2;
	v4 =	vadd.bf16 v55, v54;
	v0 =	vadd.f32 v5, v0  }
0x28b: {  	v2 =	vunpack.i.u.bf16.f32 v2;
	v1 =	vadd.f32 v60, v1  }
0x28c: {  	v62 =	vadd.bf16 v58, v57;
	v61 =	vunpack.i.l.bf16.f32 v4;
	v0 =	vadd.f32 v2, v0  }
0x28d: {  	v4 =	vunpack.i.u.bf16.f32 v4;
	v1 =	vadd.f32 v61, v1  }
0x28e: {  	v63 =	vunpack.i.l.bf16.f32 v62;
	v0 =	vadd.f32 v4, v0  }
0x28f: {  	v3 =	vunpack.i.u.bf16.f32 v62;
	v1 =	vadd.f32 v63, v1  }
0x290: {  	s22 =	sadd.s32 s12, s22;
	v0 =	vadd.f32 v3, v0  }
0x291: {  	s18 =	sadd.s32 $0x1, s18;
	s22 =	sshrl.u32 s22, $0x3;
	[tilespmem:s23+$0x1060] =	vst v1  }
0x292: {  	p0 =	sne.s32 s18, $0xF;
	s22 =	sadd.s32 s3, s22;
	[tilespmem:s23+$0x1070] =	vst v0  }
0x293: {  	[hbm4b:s22+s4] =	stream.linear.scatter [tilespmem:s25], [sflag:$0x7], $0x800, $0x38;
	[tilespmem:$0x9800] =	vst v63  }
.Ltmp2:
0x294: {  	_ = 	snop;
	(pc) =	sbr.rel @p0 .LBB2_2-.Ltmp2, $4  }
0x295: {  	_ =	swait.ge [sflag:s13], $0x800  }
0x296: {  	[sflag:s13] =	ssyncset.done $0x0  }
0x297: {  	[sflag:s13] =	ssyncadd.s32 $0xFFFFF800  }
0x298: {  	[tilespmem:s25], [sflag:$0x6] =	stream.indirect.gather [hbm4b:s2+s19], $0x80, s21, s19, $0xb8;
	[tilespmem:$0x9800] =	vst v63  }
0x299: {  	_ =	swait.ge [sflag:s0], $0x80  }
0x29a: {  	[sflag:s0] =	ssyncset.done $0x0  }
0x29b: {  	[sflag:s0] =	ssyncadd.s32 $0xFFFFFF80  }
0x29c: {  	_ =	swait.ge [sflag:s0], $0x80  }
0x29d: {  	[sflag:s0] =	ssyncset.done $0x0  }
0x29e: {  	[sflag:s0] =	ssyncadd.s32 $0xFFFFFF80  }
0x29f: {  	v0 =	vld [tilespmem:$0x500]  }
0x2a0: {  	v1 =	vld [tilespmem:$0x510]  }
0x2a1: {  	v2 =	vld [tilespmem:$0x520]  }
0x2a2: {  	v3 =	vld [tilespmem:$0x530]  }
0x2a3: {  	v4 =	vld [tilespmem:$0x540]  }
0x2a4: {  	v5 =	vld [tilespmem:$0x550]  }
0x2a5: {  	[tilespmem:$0x700] =	vst v0;
	v0 =	vadd.s32 $0x100, v1;
	v1 =	vld [tilespmem:$0x560]  }
0x2a6: {  	[tilespmem:$0x710] =	vst v0;
	v0 =	vadd.s32 $0x200, v2;
	v2 =	vld [tilespmem:$0x570]  }
0x2a7: {  	[tilespmem:$0x720] =	vst v0;
	v0 =	vadd.s32 $0x300, v3;
	v3 =	vld [tilespmem:$0x580]  }
0x2a8: {  	[tilespmem:$0x730] =	vst v0;
	v0 =	vadd.s32 $0x400, v4;
	v4 =	vld [tilespmem:$0x590]  }
0x2a9: {  	[tilespmem:$0x740] =	vst v0;
	v0 =	vadd.s32 $0x500, v5;
	v5 =	vld [tilespmem:$0x5A0]  }
0x2aa: {  	[tilespmem:$0x750] =	vst v0;
	v0 =	vadd.s32 $0x600, v1;
	v1 =	vld [tilespmem:$0x5B0]  }
0x2ab: {  	[tilespmem:$0x760] =	vst v0;
	v0 =	vadd.s32 $0x700, v2;
	v2 =	vld [tilespmem:$0x5C0]  }
0x2ac: {  	[tilespmem:$0x770] =	vst v0;
	v0 =	vadd.s32 $0x800, v3;
	v3 =	vld [tilespmem:$0x5D0]  }
0x2ad: {  	[tilespmem:$0x780] =	vst v0;
	v0 =	vadd.s32 $0x900, v4;
	v4 =	vld [tilespmem:$0x5E0]  }
0x2ae: {  	[tilespmem:$0x790] =	vst v0;
	v0 =	vadd.s32 $0xA00, v5;
	v5 =	vld [tilespmem:$0x5F0]  }
0x2af: {  	[tilespmem:$0x7A0] =	vst v0;
	v0 =	vadd.s32 $0xB00, v1  }
0x2b0: {  	[tilespmem:$0x7B0] =	vst v0;
	v0 =	vadd.s32 $0xC00, v2  }
0x2b1: {  	[tilespmem:$0x7C0] =	vst v0;
	v0 =	vadd.s32 $0xD00, v3  }
0x2b2: {  	[tilespmem:$0x7D0] =	vst v0;
	v0 =	vadd.s32 $0xE00, v4  }
0x2b3: {  	[tilespmem:$0x7E0] =	vst v0;
	v0 =	vadd.s32 $0xF00, v5  }
0x2b4: {  	[tilespmem:$0x7F0] =	vst v0  }
0x2b5: {  	[tilespmem:s8], [sflag:$0x4] =	stream.indirect.gather [hbm4b:s7+s14], $0x40, s1, s14, $0xb8;
	[tilespmem:$0x9800] =	vst v63  }
0x2b6: {  	_ = 	snop  }
0x2b7: {  	[tilespmem:s10], [sflag:$0x4] =	stream.indirect.gather [hbm4b:s7+s14], $0x40, s9, s14, $0xb8;
	[tilespmem:$0x9800] =	vst v63  }
0x2b8: {  	_ =	swait.ge [sflag:s11], $0x2000  }
0x2b9: {  	[sflag:s11] =	ssyncset.done $0x0  }
0x2ba: {  	[sflag:s11] =	ssyncadd.s32 $0xFFFFE000  }
0x2bb: {  	_ =	swait.ge [sflag:s11], $0x2000  }
0x2bc: {  	[sflag:s11] =	ssyncset.done $0x0  }
0x2bd: {  	[sflag:s11] =	ssyncadd.s32 $0xFFFFE000  }
0x2be: {  	_ =	swait.ge [sflag:s15], $0x800  }
0x2bf: {  	[sflag:s15] =	ssyncset.done $0x0  }
0x2c0: {  	s18 =	simm.s32 $0x0;
	[sflag:s15] =	ssyncadd.s32 $0xFFFFF800  }
0x2c1: {  	s21 =	simm.s32 $0x3800;
	v0 =	vld [tilespmem:s18+$0x810]  }
0x2c2: {  	v1 =	vld [tilespmem:s21+$0xFFFFE000]  }
0x2c3: {  	v2 =	vld [tilespmem:s21+$0xFFFFF400]  }
0x2c4: {  	v3 =	vld [tilespmem:s21+$0xFFFFE400]  }
0x2c5: {  	v4 =	vld [tilespmem:s21+$0xFFFFE800]  }
0x2c6: {  	v5 =	vld [tilespmem:s21+$0xFFFFEC00]  }
0x2c7: {  	v6 =	vld [tilespmem:s18+$0x800]  }
0x2c8: {  	v7 =	vld [tilespmem:s21+$0xFFFFF000]  }
0x2c9: {  	v8 =	vld [tilespmem:s21+$0xFFFFF800];
	v1 =	vadd.bf16 v3, v1  }
0x2ca: {  	v3 =	vld [tilespmem:s21+$0xFFFFFC00]  }
0x2cb: {  	v4 =	vadd.bf16 v5, v4;
	v5 =	vld [tilespmem:s21+$0x400];
	v9 =	vunpack.i.l.bf16.f32 v1  }
0x2cc: {  	v1 =	vunpack.i.u.bf16.f32 v1;
	v6 =	vadd.f32 v9, v6;
	v9 =	vld [tilespmem:s21+$0x0]  }
0x2cd: {  	v2 =	vadd.bf16 v2, v7;
	v7 =	vld [tilespmem:s21+$0xC00];
	v10 =	vunpack.i.l.bf16.f32 v4;
	v0 =	vadd.f32 v1, v0  }
0x2ce: {  	v4 =	vunpack.i.u.bf16.f32 v4;
	v1 =	vadd.f32 v10, v6;
	v6 =	vld [tilespmem:s21+$0x800]  }
0x2cf: {  	v10 =	vunpack.i.l.bf16.f32 v2;
	v3 =	vadd.bf16 v3, v8;
	v8 =	vld [tilespmem:s21+$0x1400];
	v0 =	vadd.f32 v4, v0  }
0x2d0: {  	v4 =	vld [tilespmem:s21+$0x1000];
	v2 =	vunpack.i.u.bf16.f32 v2;
	v1 =	vadd.f32 v10, v1  }
0x2d1: {  	v10 =	vunpack.i.l.bf16.f32 v3;
	v0 =	vadd.f32 v2, v0;
	v2 =	vld [tilespmem:s21+$0x1800];
	v5 =	vadd.bf16 v5, v9  }
0x2d2: {  	v3 =	vunpack.i.u.bf16.f32 v3;
	v9 =	vld [tilespmem:s21+$0x1C00];
	v1 =	vadd.f32 v10, v1  }
0x2d3: {  	v0 =	vadd.f32 v3, v0;
	v6 =	vadd.bf16 v7, v6;
	v7 =	vunpack.i.l.bf16.f32 v5  }
0x2d4: {  	v3 =	vunpack.i.u.bf16.f32 v5;
	v1 =	vadd.f32 v7, v1  }
0x2d5: {  	v4 =	vadd.bf16 v8, v4;
	v0 =	vadd.f32 v3, v0;
	v5 =	vunpack.i.l.bf16.f32 v6  }
0x2d6: {  	v3 =	vunpack.i.u.bf16.f32 v6;
	v1 =	vadd.f32 v5, v1  }
0x2d7: {  	v5 =	vunpack.i.l.bf16.f32 v4;
	v2 =	vadd.bf16 v9, v2;
	v0 =	vadd.f32 v3, v0  }
0x2d8: {  	v3 =	vunpack.i.u.bf16.f32 v4;
	v1 =	vadd.f32 v5, v1  }
0x2d9: {  	v4 =	vunpack.i.l.bf16.f32 v2;
	v0 =	vadd.f32 v3, v0  }
0x2da: {  	v2 =	vunpack.i.u.bf16.f32 v2;
	v1 =	vadd.f32 v4, v1  }
0x2db: {  	v0 =	vadd.f32 v2, v0  }
0x2dc: {  	v2 =	vld [tilespmem:s18+$0x820];
	[tilespmem:s18+$0x800] =	vst v1  }
0x2dd: {  	[tilespmem:s18+$0x810] =	vst v0;
	v0 =	vld [tilespmem:s18+$0x830]  }
0x2de: {  	v1 =	vld [tilespmem:s21+$0xFFFFE010]  }
0x2df: {  	v3 =	vld [tilespmem:s21+$0xFFFFE410]  }
0x2e0: {  	v4 =	vld [tilespmem:s21+$0xFFFFE810]  }
0x2e1: {  	v5 =	vld [tilespmem:s21+$0xFFFFEC10]  }
0x2e2: {  	v6 =	vld [tilespmem:s21+$0xFFFFF410]  }
0x2e3: {  	v7 =	vld [tilespmem:s21+$0xFFFFF010]  }
0x2e4: {  	v8 =	vld [tilespmem:s21+$0xFFFFFC10];
	v1 =	vadd.bf16 v3, v1  }
0x2e5: {  	v9 =	vld [tilespmem:s21+$0xFFFFF810]  }
0x2e6: {  	v5 =	vadd.bf16 v5, v4;
	v4 =	vld [tilespmem:s21+$0x10];
	v3 =	vunpack.i.u.bf16.f32 v1;
	v10 =	vunpack.i.l.bf16.f32 v1  }
0x2e7: {  	v1 =	vld [tilespmem:s21+$0x410];
	v2 =	vadd.f32 v10, v2;
	v3 =	vadd.f32 v3, v0  }
0x2e8: {  	v6 =	vadd.bf16 v6, v7;
	v10 =	vunpack.i.u.bf16.f32 v5;
	v5 =	vunpack.i.l.bf16.f32 v5;
	v0 =	vld [tilespmem:s21+$0xC10]  }
0x2e9: {  	v5 =	vadd.f32 v5, v2;
	v10 =	vadd.f32 v10, v3;
	v3 =	vld [tilespmem:s21+$0x810]  }
0x2ea: {  	v7 =	vadd.bf16 v8, v9;
	v11 =	vunpack.i.u.bf16.f32 v6;
	v6 =	vunpack.i.l.bf16.f32 v6;
	v2 =	vld [tilespmem:s21+$0x1410]  }
0x2eb: {  	s22 =	simm.s32 $0x200;
	s23 =	simm.s32 $0x3800;
	v8 =	vadd.f32 v6, v5;
	v6 =	vadd.f32 v11, v10;
	v5 =	vld [tilespmem:s21+$0x1010]  }
.LBB2_8:
0x2ec: {  	p0 =	sne.s32 s22, $0x1E00  }
0x2ed: {  	v9 =	vunpack.i.u.bf16.f32 v7;
	v7 =	vunpack.i.l.bf16.f32 v7;
	v1 =	vadd.bf16 v1, v4;
	v4 =	vld [tilespmem:s21+$0x1C10];
	s23 =	sadd.s32 $0x40, s23;
	s24 =	smov.u32 s22;
	s22 =	sadd.s32 $0x200, s22  }
0x2ee: {  	v7 =	vadd.f32 v7, v8;
	v6 =	vadd.f32 v9, v6;
	v8 =	vld [tilespmem:s21+$0x1810]  }
0x2ef: {  	v9 =	vunpack.i.u.bf16.f32 v1;
	v1 =	vunpack.i.l.bf16.f32 v1;
	v0 =	vadd.bf16 v0, v3  }
0x2f0: {  	v1 =	vadd.f32 v1, v7;
	v3 =	vadd.f32 v9, v6  }
0x2f1: {  	v6 =	vunpack.i.u.bf16.f32 v0;
	v0 =	vunpack.i.l.bf16.f32 v0;
	v2 =	vadd.bf16 v2, v5  }
0x2f2: {  	v0 =	vadd.f32 v0, v1;
	v1 =	vadd.f32 v6, v3  }
0x2f3: {  	v3 =	vunpack.i.u.bf16.f32 v2;
	v2 =	vunpack.i.l.bf16.f32 v2;
	v4 =	vadd.bf16 v4, v8  }
0x2f4: {  	v0 =	vadd.f32 v2, v0;
	v1 =	vadd.f32 v3, v1  }
0x2f5: {  	v2 =	vunpack.i.u.bf16.f32 v4;
	v3 =	vunpack.i.l.bf16.f32 v4  }
0x2f6: {  	v0 =	vadd.f32 v3, v0;
	v1 =	vadd.f32 v2, v1;
	_ =	sdelay $0x1  }
0x2f7: {  	[tilespmem:s18+$0x820] =	vst v0;
	v0 =	vld [tilespmem:s18+$0x850]  }
0x2f8: {  	s24 =	sshra.s32 s24, $0x2;
	[tilespmem:s18+$0x830] =	vst v1;
	v1 =	vld [tilespmem:s18+$0x840]  }
0x2f9: {  	v2 =	vld [tilespmem:s21+$0xFFFFE020]  }
0x2fa: {  	v3 =	vld [tilespmem:s21+$0xFFFFE420]  }
0x2fb: {  	v4 =	vld [tilespmem:s21+$0xFFFFEC20]  }
0x2fc: {  	v5 =	vld [tilespmem:s21+$0xFFFFE820]  }
0x2fd: {  	v6 =	vld [tilespmem:s21+$0xFFFFF420]  }
0x2fe: {  	v7 =	vld [tilespmem:s21+$0xFFFFF020]  }
0x2ff: {  	v2 =	vadd.bf16 v3, v2;
	v3 =	vld [tilespmem:s21+$0xFFFFFC20]  }
0x300: {  	v8 =	vld [tilespmem:s21+$0xFFFFF820]  }
0x301: {  	v9 =	vunpack.i.u.bf16.f32 v2;
	v2 =	vunpack.i.l.bf16.f32 v2;
	v4 =	vadd.bf16 v4, v5;
	v5 =	vld [tilespmem:s21+$0x420]  }
0x302: {  	v1 =	vadd.f32 v2, v1;
	v0 =	vadd.f32 v9, v0;
	v2 =	vld [tilespmem:s21+$0x20]  }
0x303: {  	v9 =	vunpack.i.u.bf16.f32 v4;
	v4 =	vunpack.i.l.bf16.f32 v4;
	v6 =	vadd.bf16 v6, v7;
	v7 =	vld [tilespmem:s21+$0xC20]  }
0x304: {  	v1 =	vadd.f32 v4, v1;
	v0 =	vadd.f32 v9, v0;
	v4 =	vld [tilespmem:s21+$0x820]  }
0x305: {  	v9 =	vunpack.i.u.bf16.f32 v6;
	v6 =	vunpack.i.l.bf16.f32 v6;
	v3 =	vadd.bf16 v3, v8;
	v8 =	vld [tilespmem:s21+$0x1420]  }
0x306: {  	v1 =	vadd.f32 v6, v1;
	v0 =	vadd.f32 v9, v0;
	v6 =	vld [tilespmem:s21+$0x1020]  }
0x307: {  	v9 =	vunpack.i.u.bf16.f32 v3;
	v3 =	vunpack.i.l.bf16.f32 v3;
	v2 =	vadd.bf16 v5, v2;
	v5 =	vld [tilespmem:s21+$0x1C20]  }
0x308: {  	v1 =	vadd.f32 v3, v1;
	v0 =	vadd.f32 v9, v0;
	v3 =	vld [tilespmem:s21+$0x1820]  }
0x309: {  	v9 =	vunpack.i.u.bf16.f32 v2;
	v2 =	vunpack.i.l.bf16.f32 v2;
	v4 =	vadd.bf16 v7, v4  }
0x30a: {  	v1 =	vadd.f32 v2, v1;
	v0 =	vadd.f32 v9, v0  }
0x30b: {  	v2 =	vunpack.i.u.bf16.f32 v4;
	v4 =	vunpack.i.l.bf16.f32 v4;
	v6 =	vadd.bf16 v8, v6  }
0x30c: {  	v1 =	vadd.f32 v4, v1;
	v0 =	vadd.f32 v2, v0  }
0x30d: {  	v2 =	vunpack.i.u.bf16.f32 v6;
	v4 =	vunpack.i.l.bf16.f32 v6;
	v3 =	vadd.bf16 v5, v3  }
0x30e: {  	v1 =	vadd.f32 v4, v1;
	v0 =	vadd.f32 v2, v0  }
0x30f: {  	v2 =	vunpack.i.u.bf16.f32 v3;
	v3 =	vunpack.i.l.bf16.f32 v3  }
0x310: {  	v1 =	vadd.f32 v3, v1;
	v0 =	vadd.f32 v2, v0;
	_ =	sdelay $0x1  }
0x311: {  	[tilespmem:s18+$0x840] =	vst v1;
	v1 =	vld [tilespmem:s18+$0x870]  }
0x312: {  	[tilespmem:s18+$0x850] =	vst v0;
	v0 =	vld [tilespmem:s18+$0x860]  }
0x313: {  	v2 =	vld [tilespmem:s21+$0xFFFFE030]  }
0x314: {  	v3 =	vld [tilespmem:s21+$0xFFFFE430]  }
0x315: {  	v4 =	vld [tilespmem:s21+$0xFFFFEC30]  }
0x316: {  	v5 =	vld [tilespmem:s21+$0xFFFFE830]  }
0x317: {  	v6 =	vld [tilespmem:s21+$0xFFFFF030]  }
0x318: {  	v7 =	vld [tilespmem:s21+$0xFFFFF430]  }
0x319: {  	v2 =	vadd.bf16 v3, v2;
	v3 =	vld [tilespmem:s21+$0xFFFFF830]  }
0x31a: {  	v8 =	vld [tilespmem:s21+$0xFFFFFC30]  }
0x31b: {  	v9 =	vunpack.i.u.bf16.f32 v2;
	v2 =	vunpack.i.l.bf16.f32 v2;
	v4 =	vadd.bf16 v4, v5;
	v5 =	vld [tilespmem:s21+$0x30]  }
0x31c: {  	v0 =	vadd.f32 v2, v0;
	v1 =	vadd.f32 v9, v1;
	v2 =	vld [tilespmem:s21+$0x430]  }
0x31d: {  	v9 =	vunpack.i.u.bf16.f32 v4;
	v4 =	vunpack.i.l.bf16.f32 v4;
	v6 =	vadd.bf16 v7, v6;
	v7 =	vld [tilespmem:s21+$0x830]  }
0x31e: {  	v0 =	vadd.f32 v4, v0;
	v1 =	vadd.f32 v9, v1;
	v4 =	vld [tilespmem:s21+$0xC30]  }
0x31f: {  	v9 =	vunpack.i.u.bf16.f32 v6;
	v6 =	vunpack.i.l.bf16.f32 v6;
	v3 =	vadd.bf16 v8, v3;
	v8 =	vld [tilespmem:s21+$0x1030]  }
0x320: {  	v0 =	vadd.f32 v6, v0;
	v1 =	vadd.f32 v9, v1;
	v6 =	vld [tilespmem:s21+$0x1430]  }
0x321: {  	v9 =	vunpack.i.u.bf16.f32 v3;
	v3 =	vunpack.i.l.bf16.f32 v3;
	v2 =	vadd.bf16 v2, v5;
	v5 =	vld [tilespmem:s21+$0x1830]  }
0x322: {  	v0 =	vadd.f32 v3, v0;
	v1 =	vadd.f32 v9, v1;
	v3 =	vld [tilespmem:s21+$0x1C30];
	s21 =	smov.u32 s23  }
0x323: {  	v9 =	vunpack.i.u.bf16.f32 v2;
	v2 =	vunpack.i.l.bf16.f32 v2;
	v4 =	vadd.bf16 v4, v7  }
0x324: {  	v0 =	vadd.f32 v2, v0;
	v1 =	vadd.f32 v9, v1  }
0x325: {  	v2 =	vunpack.i.u.bf16.f32 v4;
	v4 =	vunpack.i.l.bf16.f32 v4;
	v6 =	vadd.bf16 v6, v8  }
0x326: {  	v0 =	vadd.f32 v4, v0;
	v1 =	vadd.f32 v2, v1  }
0x327: {  	v2 =	vunpack.i.u.bf16.f32 v6;
	v4 =	vunpack.i.l.bf16.f32 v6;
	v3 =	vadd.bf16 v3, v5  }
0x328: {  	v0 =	vadd.f32 v4, v0;
	v1 =	vadd.f32 v2, v1  }
0x329: {  	v2 =	vunpack.i.u.bf16.f32 v3;
	v3 =	vunpack.i.l.bf16.f32 v3  }
0x32a: {  	v0 =	vadd.f32 v3, v0;
	v1 =	vadd.f32 v2, v1;
	_ =	sdelay $0x1  }
0x32b: {  	[tilespmem:s18+$0x860] =	vst v0  }
0x32c: {  	v0 =	vld [tilespmem:s24+$0x810];
	[tilespmem:s18+$0x870] =	vst v1;
	s18 =	smov.u32 s24  }
0x32d: {  	v1 =	vld [tilespmem:s23+$0xFFFFE000]  }
0x32e: {  	v2 =	vld [tilespmem:s23+$0xFFFFF400]  }
0x32f: {  	v3 =	vld [tilespmem:s23+$0xFFFFE400]  }
0x330: {  	v4 =	vld [tilespmem:s23+$0xFFFFE800]  }
0x331: {  	v5 =	vld [tilespmem:s23+$0xFFFFEC00]  }
0x332: {  	v6 =	vld [tilespmem:s18+$0x800]  }
0x333: {  	v7 =	vld [tilespmem:s23+$0xFFFFF000]  }
0x334: {  	v1 =	vadd.bf16 v3, v1;
	v3 =	vld [tilespmem:s23+$0xFFFFFC00]  }
0x335: {  	v8 =	vld [tilespmem:s23+$0xFFFFF800]  }
0x336: {  	v9 =	vunpack.i.u.bf16.f32 v1;
	v1 =	vunpack.i.l.bf16.f32 v1;
	v4 =	vadd.bf16 v5, v4;
	v5 =	vld [tilespmem:s23+$0x400]  }
0x337: {  	v1 =	vadd.f32 v1, v6;
	v0 =	vadd.f32 v9, v0;
	v6 =	vld [tilespmem:s23+$0x0]  }
0x338: {  	v9 =	vunpack.i.u.bf16.f32 v4;
	v4 =	vunpack.i.l.bf16.f32 v4;
	v2 =	vadd.bf16 v2, v7;
	v7 =	vld [tilespmem:s23+$0xC00]  }
0x339: {  	v1 =	vadd.f32 v4, v1;
	v0 =	vadd.f32 v9, v0;
	v4 =	vld [tilespmem:s23+$0x800]  }
0x33a: {  	v9 =	vunpack.i.u.bf16.f32 v2;
	v2 =	vunpack.i.l.bf16.f32 v2;
	v3 =	vadd.bf16 v3, v8;
	v8 =	vld [tilespmem:s23+$0x1400]  }
0x33b: {  	v1 =	vadd.f32 v2, v1;
	v0 =	vadd.f32 v9, v0;
	v2 =	vld [tilespmem:s23+$0x1000]  }
0x33c: {  	v9 =	vunpack.i.u.bf16.f32 v3;
	v3 =	vunpack.i.l.bf16.f32 v3;
	v5 =	vadd.bf16 v5, v6;
	v6 =	vld [tilespmem:s23+$0x1C00]  }
0x33d: {  	v1 =	vadd.f32 v3, v1;
	v0 =	vadd.f32 v9, v0;
	v3 =	vld [tilespmem:s23+$0x1800]  }
0x33e: {  	v9 =	vunpack.i.u.bf16.f32 v5;
	v5 =	vunpack.i.l.bf16.f32 v5;
	v4 =	vadd.bf16 v7, v4  }
0x33f: {  	v1 =	vadd.f32 v5, v1;
	v0 =	vadd.f32 v9, v0  }
0x340: {  	v5 =	vunpack.i.u.bf16.f32 v4;
	v4 =	vunpack.i.l.bf16.f32 v4;
	v2 =	vadd.bf16 v8, v2  }
0x341: {  	v1 =	vadd.f32 v4, v1;
	v0 =	vadd.f32 v5, v0  }
0x342: {  	v4 =	vunpack.i.u.bf16.f32 v2;
	v2 =	vunpack.i.l.bf16.f32 v2;
	v3 =	vadd.bf16 v6, v3  }
0x343: {  	v1 =	vadd.f32 v2, v1;
	v0 =	vadd.f32 v4, v0  }
0x344: {  	v2 =	vunpack.i.u.bf16.f32 v3;
	v3 =	vunpack.i.l.bf16.f32 v3  }
0x345: {  	v1 =	vadd.f32 v3, v1;
	v0 =	vadd.f32 v2, v0;
	_ =	sdelay $0x1  }
0x346: {  	[tilespmem:s18+$0x800] =	vst v1;
	v2 =	vld [tilespmem:s18+$0x820]  }
0x347: {  	[tilespmem:s18+$0x810] =	vst v0;
	v0 =	vld [tilespmem:s18+$0x830]  }
0x348: {  	v1 =	vld [tilespmem:s23+$0xFFFFE010]  }
0x349: {  	v3 =	vld [tilespmem:s23+$0xFFFFE410]  }
0x34a: {  	v4 =	vld [tilespmem:s23+$0xFFFFE810]  }
0x34b: {  	v5 =	vld [tilespmem:s23+$0xFFFFEC10]  }
0x34c: {  	v6 =	vld [tilespmem:s23+$0xFFFFF410]  }
0x34d: {  	v7 =	vld [tilespmem:s23+$0xFFFFF010]  }
0x34e: {  	v1 =	vadd.bf16 v3, v1;
	v8 =	vld [tilespmem:s23+$0xFFFFFC10]  }
0x34f: {  	v9 =	vld [tilespmem:s23+$0xFFFFF810]  }
0x350: {  	v3 =	vunpack.i.u.bf16.f32 v1;
	v10 =	vunpack.i.l.bf16.f32 v1;
	v5 =	vadd.bf16 v5, v4;
	v1 =	vld [tilespmem:s23+$0x410]  }
.Ltmp3:
0x351: {  	v2 =	vadd.f32 v10, v2;
	v3 =	vadd.f32 v3, v0;
	v4 =	vld [tilespmem:s23+$0x10];
	(pc) =	sbr.rel @p0 .LBB2_8-.Ltmp3, $4  }
0x352: {  	v10 =	vunpack.i.u.bf16.f32 v5;
	v5 =	vunpack.i.l.bf16.f32 v5;
	v6 =	vadd.bf16 v6, v7;
	v0 =	vld [tilespmem:s23+$0xC10]  }
0x353: {  	v5 =	vadd.f32 v5, v2;
	v10 =	vadd.f32 v10, v3;
	v3 =	vld [tilespmem:s23+$0x810]  }
0x354: {  	v11 =	vunpack.i.u.bf16.f32 v6;
	v6 =	vunpack.i.l.bf16.f32 v6;
	v7 =	vadd.bf16 v8, v9;
	v2 =	vld [tilespmem:s23+$0x1410]  }
0x355: {  	v8 =	vadd.f32 v6, v5;
	v6 =	vadd.f32 v11, v10;
	v5 =	vld [tilespmem:s23+$0x1010]  }
0x356: {  	v9 =	vunpack.i.l.bf16.f32 v7;
	v1 =	vadd.bf16 v1, v4;
	v4 =	vld [tilespmem:s21+$0x1C10]  }
0x357: {  	v7 =	vunpack.i.u.bf16.f32 v7;
	v8 =	vadd.f32 v9, v8;
	v9 =	vld [tilespmem:s21+$0x1810]  }
0x358: {  	v10 =	vunpack.i.l.bf16.f32 v1;
	v0 =	vadd.bf16 v0, v3;
	v3 =	vadd.f32 v7, v6  }
0x359: {  	v1 =	vunpack.i.u.bf16.f32 v1;
	v6 =	vadd.f32 v10, v8  }
0x35a: {  	v7 =	vunpack.i.l.bf16.f32 v0;
	v2 =	vadd.bf16 v2, v5;
	v1 =	vadd.f32 v1, v3  }
0x35b: {  	v0 =	vunpack.i.u.bf16.f32 v0;
	v3 =	vadd.f32 v7, v6  }
0x35c: {  	v5 =	vunpack.i.l.bf16.f32 v2;
	v4 =	vadd.bf16 v4, v9;
	v0 =	vadd.f32 v0, v1  }
0x35d: {  	v2 =	vunpack.i.u.bf16.f32 v2;
	v1 =	vadd.f32 v5, v3  }
0x35e: {  	v3 =	vunpack.i.l.bf16.f32 v4;
	v0 =	vadd.f32 v2, v0  }
0x35f: {  	v2 =	vunpack.i.u.bf16.f32 v4;
	v1 =	vadd.f32 v3, v1  }
0x360: {  	v0 =	vadd.f32 v2, v0  }
0x361: {  	[tilespmem:s18+$0x820] =	vst v1;
	v1 =	vld [tilespmem:s18+$0x850]  }
0x362: {  	[tilespmem:s18+$0x830] =	vst v0;
	v0 =	vld [tilespmem:s18+$0x840]  }
0x363: {  	v2 =	vld [tilespmem:s21+$0xFFFFE020]  }
0x364: {  	v3 =	vld [tilespmem:s21+$0xFFFFE420]  }
0x365: {  	v4 =	vld [tilespmem:s21+$0xFFFFEC20]  }
0x366: {  	v5 =	vld [tilespmem:s21+$0xFFFFE820]  }
0x367: {  	v6 =	vld [tilespmem:s21+$0xFFFFF420]  }
0x368: {  	v7 =	vld [tilespmem:s21+$0xFFFFF020]  }
0x369: {  	v8 =	vld [tilespmem:s21+$0xFFFFF820];
	v2 =	vadd.bf16 v3, v2  }
0x36a: {  	v3 =	vld [tilespmem:s21+$0xFFFFFC20]  }
0x36b: {  	v4 =	vadd.bf16 v4, v5;
	v5 =	vld [tilespmem:s21+$0x420];
	v9 =	vunpack.i.l.bf16.f32 v2  }
0x36c: {  	v2 =	vunpack.i.u.bf16.f32 v2;
	v0 =	vadd.f32 v9, v0;
	v9 =	vld [tilespmem:s21+$0x20]  }
0x36d: {  	v6 =	vadd.bf16 v6, v7;
	v7 =	vld [tilespmem:s21+$0xC20];
	v10 =	vunpack.i.l.bf16.f32 v4;
	v1 =	vadd.f32 v2, v1  }
0x36e: {  	v4 =	vunpack.i.u.bf16.f32 v4;
	v2 =	vld [tilespmem:s21+$0x820];
	v0 =	vadd.f32 v10, v0  }
0x36f: {  	v10 =	vunpack.i.l.bf16.f32 v6;
	v3 =	vadd.bf16 v3, v8;
	v8 =	vld [tilespmem:s21+$0x1420];
	v1 =	vadd.f32 v4, v1  }
0x370: {  	v4 =	vld [tilespmem:s21+$0x1020];
	v6 =	vunpack.i.u.bf16.f32 v6;
	v0 =	vadd.f32 v10, v0  }
0x371: {  	v10 =	vunpack.i.l.bf16.f32 v3;
	v1 =	vadd.f32 v6, v1;
	v6 =	vld [tilespmem:s21+$0x1820];
	v5 =	vadd.bf16 v5, v9  }
0x372: {  	v3 =	vunpack.i.u.bf16.f32 v3;
	v9 =	vld [tilespmem:s21+$0x1C20];
	v0 =	vadd.f32 v10, v0  }
0x373: {  	v2 =	vadd.bf16 v7, v2;
	v1 =	vadd.f32 v3, v1;
	v10 =	vunpack.i.l.bf16.f32 v5  }
0x374: {  	v3 =	vunpack.i.u.bf16.f32 v5;
	v0 =	vadd.f32 v10, v0  }
0x375: {  	v5 =	vunpack.i.l.bf16.f32 v2;
	v4 =	vadd.bf16 v8, v4;
	v1 =	vadd.f32 v3, v1  }
0x376: {  	v2 =	vunpack.i.u.bf16.f32 v2;
	v0 =	vadd.f32 v5, v0  }
0x377: {  	v3 =	vunpack.i.l.bf16.f32 v4;
	v5 =	vadd.bf16 v9, v6;
	v1 =	vadd.f32 v2, v1  }
0x378: {  	v2 =	vunpack.i.u.bf16.f32 v4;
	v0 =	vadd.f32 v3, v0  }
0x379: {  	v3 =	vunpack.i.l.bf16.f32 v5;
	v1 =	vadd.f32 v2, v1  }
0x37a: {  	v2 =	vunpack.i.u.bf16.f32 v5;
	v0 =	vadd.f32 v3, v0  }
0x37b: {  	v1 =	vadd.f32 v2, v1  }
0x37c: {  	[tilespmem:s18+$0x840] =	vst v0;
	v0 =	vld [tilespmem:s18+$0x870]  }
0x37d: {  	[tilespmem:s18+$0x850] =	vst v1;
	v1 =	vld [tilespmem:s18+$0x860]  }
0x37e: {  	v2 =	vld [tilespmem:s21+$0xFFFFE030]  }
0x37f: {  	v3 =	vld [tilespmem:s21+$0xFFFFE430]  }
0x380: {  	v4 =	vld [tilespmem:s21+$0xFFFFEC30]  }
0x381: {  	v5 =	vld [tilespmem:s21+$0xFFFFE830]  }
0x382: {  	v6 =	vld [tilespmem:s21+$0xFFFFF030]  }
0x383: {  	v7 =	vld [tilespmem:s21+$0xFFFFF430]  }
0x384: {  	v8 =	vld [tilespmem:s21+$0xFFFFFC30];
	v2 =	vadd.bf16 v3, v2  }
0x385: {  	v3 =	vld [tilespmem:s21+$0xFFFFF830]  }
0x386: {  	v4 =	vadd.bf16 v4, v5;
	v5 =	vld [tilespmem:s21+$0x30];
	v9 =	vunpack.i.l.bf16.f32 v2  }
0x387: {  	v2 =	vunpack.i.u.bf16.f32 v2;
	v1 =	vadd.f32 v9, v1;
	v9 =	vld [tilespmem:s21+$0x430]  }
0x388: {  	v6 =	vadd.bf16 v7, v6;
	v7 =	vld [tilespmem:s21+$0x830];
	v0 =	vadd.f32 v2, v0;
	v2 =	vunpack.i.l.bf16.f32 v4  }
0x389: {  	v4 =	vunpack.i.u.bf16.f32 v4;
	v1 =	vadd.f32 v2, v1;
	v2 =	vld [tilespmem:s21+$0xC30]  }
0x38a: {  	v0 =	vadd.f32 v4, v0;
	v4 =	vunpack.i.l.bf16.f32 v6;
	v3 =	vadd.bf16 v8, v3;
	v8 =	vld [tilespmem:s21+$0x1030]  }
0x38b: {  	v6 =	vunpack.i.u.bf16.f32 v6;
	v1 =	vadd.f32 v4, v1;
	v4 =	vld [tilespmem:s21+$0x1430]  }
0x38c: {  	v0 =	vadd.f32 v6, v0;
	v6 =	vunpack.i.l.bf16.f32 v3;
	v5 =	vadd.bf16 v9, v5;
	v9 =	vld [tilespmem:s21+$0x1830]  }
0x38d: {  	v3 =	vunpack.i.u.bf16.f32 v3;
	v1 =	vadd.f32 v6, v1;
	v6 =	vld [tilespmem:s21+$0x1C30]  }
0x38e: {  	v0 =	vadd.f32 v3, v0;
	v3 =	vunpack.i.l.bf16.f32 v5;
	v2 =	vadd.bf16 v2, v7  }
0x38f: {  	v5 =	vunpack.i.u.bf16.f32 v5;
	v1 =	vadd.f32 v3, v1  }
0x390: {  	v0 =	vadd.f32 v5, v0;
	v3 =	vunpack.i.l.bf16.f32 v2;
	v4 =	vadd.bf16 v4, v8  }
0x391: {  	v2 =	vunpack.i.u.bf16.f32 v2;
	v1 =	vadd.f32 v3, v1  }
0x392: {  	v0 =	vadd.f32 v2, v0;
	v2 =	vunpack.i.l.bf16.f32 v4;
	v3 =	vadd.bf16 v6, v9  }
0x393: {  	v4 =	vunpack.i.u.bf16.f32 v4;
	v1 =	vadd.f32 v2, v1  }
0x394: {  	v0 =	vadd.f32 v4, v0;
	v2 =	vunpack.i.l.bf16.f32 v3  }
0x395: {  	v3 =	vunpack.i.u.bf16.f32 v3;
	v1 =	vadd.f32 v2, v1  }
0x396: {  	v0 =	vadd.f32 v3, v0  }
0x397: {  	[tilespmem:s18+$0x860] =	vst v1  }
0x398: {  	s29 =	simm.s32 $0x0;
	s30 =	rddreg [dreg:$0x5];
	[tilespmem:s18+$0x870] =	vst v0  }
0x399: {  	[hbm4b:s30+s29] =	stream.linear.scatter [tilespmem:s20], [sflag:$0x7], $0x800, $0x38;
	[tilespmem:$0x9800] =	vst v63  }
0x39a: {  	_ =	swait.ge [sflag:s13], $0x800  }
0x39b: {  	[sflag:s13] =	ssyncset.done $0x0  }
0x39c: {  	[sflag:s13] =	ssyncadd.s32 $0xFFFFF800  }
0x39d: {  	_ =	swait.ge [sflag:s16], $0x2000  }
0x39e: {  	[sflag:s16] =	ssyncset.done $0x0  }
0x39f: {  	[sflag:s16] =	ssyncadd.s32 $0xFFFFE000  }
0x3a0: {  	_ =	swait.ge [sflag:s16], $0x2000  }
0x3a1: {  	[sflag:s16] =	ssyncset.done $0x0  }
0x3a2: {  	[sflag:s16] =	ssyncadd.s32 $0xFFFFE000  }
0x3a3: {  	_ =	swait.ge [sflag:s17], $0x800  }
0x3a4: {  	[sflag:s17] =	ssyncset.done $0x0  }
0x3a5: {  	s18 =	simm.s32 $0x0;
	[sflag:s17] =	ssyncadd.s32 $0xFFFFF800  }
0x3a6: {  	s21 =	simm.s32 $0x7800;
	v0 =	vld [tilespmem:s18+$0x1010]  }
0x3a7: {  	v1 =	vld [tilespmem:s21+$0xFFFFE000]  }
0x3a8: {  	v2 =	vld [tilespmem:s21+$0xFFFFF400]  }
0x3a9: {  	v3 =	vld [tilespmem:s21+$0xFFFFE400]  }
0x3aa: {  	v4 =	vld [tilespmem:s21+$0xFFFFE800]  }
0x3ab: {  	v5 =	vld [tilespmem:s21+$0xFFFFEC00]  }
0x3ac: {  	v6 =	vld [tilespmem:s18+$0x1000]  }
0x3ad: {  	v7 =	vld [tilespmem:s21+$0xFFFFF000]  }
0x3ae: {  	v8 =	vld [tilespmem:s21+$0xFFFFF800];
	v1 =	vadd.bf16 v3, v1  }
0x3af: {  	v3 =	vld [tilespmem:s21+$0xFFFFFC00]  }
0x3b0: {  	v4 =	vadd.bf16 v5, v4;
	v5 =	vld [tilespmem:s21+$0x400];
	v9 =	vunpack.i.l.bf16.f32 v1  }
0x3b1: {  	v1 =	vunpack.i.u.bf16.f32 v1;
	v6 =	vadd.f32 v9, v6;
	v9 =	vld [tilespmem:s21+$0x0]  }
0x3b2: {  	v2 =	vadd.bf16 v2, v7;
	v7 =	vld [tilespmem:s21+$0xC00];
	v10 =	vunpack.i.l.bf16.f32 v4;
	v0 =	vadd.f32 v1, v0  }
0x3b3: {  	v4 =	vunpack.i.u.bf16.f32 v4;
	v1 =	vadd.f32 v10, v6;
	v6 =	vld [tilespmem:s21+$0x800]  }
0x3b4: {  	v10 =	vunpack.i.l.bf16.f32 v2;
	v3 =	vadd.bf16 v3, v8;
	v8 =	vld [tilespmem:s21+$0x1400];
	v0 =	vadd.f32 v4, v0  }
0x3b5: {  	v4 =	vld [tilespmem:s21+$0x1000];
	v2 =	vunpack.i.u.bf16.f32 v2;
	v1 =	vadd.f32 v10, v1  }
0x3b6: {  	v10 =	vunpack.i.l.bf16.f32 v3;
	v0 =	vadd.f32 v2, v0;
	v2 =	vld [tilespmem:s21+$0x1800];
	v5 =	vadd.bf16 v5, v9  }
0x3b7: {  	v3 =	vunpack.i.u.bf16.f32 v3;
	v9 =	vld [tilespmem:s21+$0x1C00];
	v1 =	vadd.f32 v10, v1  }
0x3b8: {  	v0 =	vadd.f32 v3, v0;
	v6 =	vadd.bf16 v7, v6;
	v7 =	vunpack.i.l.bf16.f32 v5  }
0x3b9: {  	v3 =	vunpack.i.u.bf16.f32 v5;
	v1 =	vadd.f32 v7, v1  }
0x3ba: {  	v4 =	vadd.bf16 v8, v4;
	v0 =	vadd.f32 v3, v0;
	v5 =	vunpack.i.l.bf16.f32 v6  }
0x3bb: {  	v3 =	vunpack.i.u.bf16.f32 v6;
	v1 =	vadd.f32 v5, v1  }
0x3bc: {  	v5 =	vunpack.i.l.bf16.f32 v4;
	v2 =	vadd.bf16 v9, v2;
	v0 =	vadd.f32 v3, v0  }
0x3bd: {  	v3 =	vunpack.i.u.bf16.f32 v4;
	v1 =	vadd.f32 v5, v1  }
0x3be: {  	v4 =	vunpack.i.l.bf16.f32 v2;
	v0 =	vadd.f32 v3, v0  }
0x3bf: {  	v2 =	vunpack.i.u.bf16.f32 v2;
	v1 =	vadd.f32 v4, v1  }
0x3c0: {  	v0 =	vadd.f32 v2, v0  }
0x3c1: {  	v2 =	vld [tilespmem:s18+$0x1020];
	[tilespmem:s18+$0x1000] =	vst v1  }
0x3c2: {  	[tilespmem:s18+$0x1010] =	vst v0;
	v0 =	vld [tilespmem:s18+$0x1030]  }
0x3c3: {  	v1 =	vld [tilespmem:s21+$0xFFFFE010]  }
0x3c4: {  	v3 =	vld [tilespmem:s21+$0xFFFFE410]  }
0x3c5: {  	v4 =	vld [tilespmem:s21+$0xFFFFE810]  }
0x3c6: {  	v5 =	vld [tilespmem:s21+$0xFFFFEC10]  }
0x3c7: {  	v6 =	vld [tilespmem:s21+$0xFFFFF410]  }
0x3c8: {  	v7 =	vld [tilespmem:s21+$0xFFFFF010]  }
0x3c9: {  	v8 =	vld [tilespmem:s21+$0xFFFFFC10];
	v1 =	vadd.bf16 v3, v1  }
0x3ca: {  	v9 =	vld [tilespmem:s21+$0xFFFFF810]  }
0x3cb: {  	v5 =	vadd.bf16 v5, v4;
	v4 =	vld [tilespmem:s21+$0x10];
	v3 =	vunpack.i.u.bf16.f32 v1;
	v10 =	vunpack.i.l.bf16.f32 v1  }
0x3cc: {  	v1 =	vld [tilespmem:s21+$0x410];
	v2 =	vadd.f32 v10, v2;
	v3 =	vadd.f32 v3, v0  }
0x3cd: {  	v6 =	vadd.bf16 v6, v7;
	v10 =	vunpack.i.u.bf16.f32 v5;
	v5 =	vunpack.i.l.bf16.f32 v5;
	v0 =	vld [tilespmem:s21+$0xC10]  }
0x3ce: {  	v5 =	vadd.f32 v5, v2;
	v10 =	vadd.f32 v10, v3;
	v3 =	vld [tilespmem:s21+$0x810]  }
0x3cf: {  	v7 =	vadd.bf16 v8, v9;
	v11 =	vunpack.i.u.bf16.f32 v6;
	v6 =	vunpack.i.l.bf16.f32 v6;
	v2 =	vld [tilespmem:s21+$0x1410]  }
0x3d0: {  	s22 =	simm.s32 $0x200;
	s23 =	simm.s32 $0x7800;
	v8 =	vadd.f32 v6, v5;
	v6 =	vadd.f32 v11, v10;
	v5 =	vld [tilespmem:s21+$0x1010]  }
.LBB2_10:
0x3d1: {  	p0 =	sne.s32 s22, $0x1E00  }
0x3d2: {  	v9 =	vunpack.i.u.bf16.f32 v7;
	v7 =	vunpack.i.l.bf16.f32 v7;
	v1 =	vadd.bf16 v1, v4;
	v4 =	vld [tilespmem:s21+$0x1C10];
	s23 =	sadd.s32 $0x40, s23;
	s24 =	smov.u32 s22;
	s22 =	sadd.s32 $0x200, s22  }
0x3d3: {  	v7 =	vadd.f32 v7, v8;
	v6 =	vadd.f32 v9, v6;
	v8 =	vld [tilespmem:s21+$0x1810]  }
0x3d4: {  	v9 =	vunpack.i.u.bf16.f32 v1;
	v1 =	vunpack.i.l.bf16.f32 v1;
	v0 =	vadd.bf16 v0, v3  }
0x3d5: {  	v1 =	vadd.f32 v1, v7;
	v3 =	vadd.f32 v9, v6  }
0x3d6: {  	v6 =	vunpack.i.u.bf16.f32 v0;
	v0 =	vunpack.i.l.bf16.f32 v0;
	v2 =	vadd.bf16 v2, v5  }
0x3d7: {  	v0 =	vadd.f32 v0, v1;
	v1 =	vadd.f32 v6, v3  }
0x3d8: {  	v3 =	vunpack.i.u.bf16.f32 v2;
	v2 =	vunpack.i.l.bf16.f32 v2;
	v4 =	vadd.bf16 v4, v8  }
0x3d9: {  	v0 =	vadd.f32 v2, v0;
	v1 =	vadd.f32 v3, v1  }
0x3da: {  	v2 =	vunpack.i.u.bf16.f32 v4;
	v3 =	vunpack.i.l.bf16.f32 v4  }
0x3db: {  	v0 =	vadd.f32 v3, v0;
	v1 =	vadd.f32 v2, v1;
	_ =	sdelay $0x1  }
0x3dc: {  	[tilespmem:s18+$0x1020] =	vst v0;
	v0 =	vld [tilespmem:s18+$0x1050]  }
0x3dd: {  	s24 =	sshra.s32 s24, $0x2;
	[tilespmem:s18+$0x1030] =	vst v1;
	v1 =	vld [tilespmem:s18+$0x1040]  }
0x3de: {  	v2 =	vld [tilespmem:s21+$0xFFFFE020]  }
0x3df: {  	v3 =	vld [tilespmem:s21+$0xFFFFE420]  }
0x3e0: {  	v4 =	vld [tilespmem:s21+$0xFFFFEC20]  }
0x3e1: {  	v5 =	vld [tilespmem:s21+$0xFFFFE820]  }
0x3e2: {  	v6 =	vld [tilespmem:s21+$0xFFFFF420]  }
0x3e3: {  	v7 =	vld [tilespmem:s21+$0xFFFFF020]  }
0x3e4: {  	v2 =	vadd.bf16 v3, v2;
	v3 =	vld [tilespmem:s21+$0xFFFFFC20]  }
0x3e5: {  	v8 =	vld [tilespmem:s21+$0xFFFFF820]  }
0x3e6: {  	v9 =	vunpack.i.u.bf16.f32 v2;
	v2 =	vunpack.i.l.bf16.f32 v2;
	v4 =	vadd.bf16 v4, v5;
	v5 =	vld [tilespmem:s21+$0x420]  }
0x3e7: {  	v1 =	vadd.f32 v2, v1;
	v0 =	vadd.f32 v9, v0;
	v2 =	vld [tilespmem:s21+$0x20]  }
0x3e8: {  	v9 =	vunpack.i.u.bf16.f32 v4;
	v4 =	vunpack.i.l.bf16.f32 v4;
	v6 =	vadd.bf16 v6, v7;
	v7 =	vld [tilespmem:s21+$0xC20]  }
0x3e9: {  	v1 =	vadd.f32 v4, v1;
	v0 =	vadd.f32 v9, v0;
	v4 =	vld [tilespmem:s21+$0x820]  }
0x3ea: {  	v9 =	vunpack.i.u.bf16.f32 v6;
	v6 =	vunpack.i.l.bf16.f32 v6;
	v3 =	vadd.bf16 v3, v8;
	v8 =	vld [tilespmem:s21+$0x1420]  }
0x3eb: {  	v1 =	vadd.f32 v6, v1;
	v0 =	vadd.f32 v9, v0;
	v6 =	vld [tilespmem:s21+$0x1020]  }
0x3ec: {  	v9 =	vunpack.i.u.bf16.f32 v3;
	v3 =	vunpack.i.l.bf16.f32 v3;
	v2 =	vadd.bf16 v5, v2;
	v5 =	vld [tilespmem:s21+$0x1C20]  }
0x3ed: {  	v1 =	vadd.f32 v3, v1;
	v0 =	vadd.f32 v9, v0;
	v3 =	vld [tilespmem:s21+$0x1820]  }
0x3ee: {  	v9 =	vunpack.i.u.bf16.f32 v2;
	v2 =	vunpack.i.l.bf16.f32 v2;
	v4 =	vadd.bf16 v7, v4  }
0x3ef: {  	v1 =	vadd.f32 v2, v1;
	v0 =	vadd.f32 v9, v0  }
0x3f0: {  	v2 =	vunpack.i.u.bf16.f32 v4;
	v4 =	vunpack.i.l.bf16.f32 v4;
	v6 =	vadd.bf16 v8, v6  }
0x3f1: {  	v1 =	vadd.f32 v4, v1;
	v0 =	vadd.f32 v2, v0  }
0x3f2: {  	v2 =	vunpack.i.u.bf16.f32 v6;
	v4 =	vunpack.i.l.bf16.f32 v6;
	v3 =	vadd.bf16 v5, v3  }
0x3f3: {  	v1 =	vadd.f32 v4, v1;
	v0 =	vadd.f32 v2, v0  }
0x3f4: {  	v2 =	vunpack.i.u.bf16.f32 v3;
	v3 =	vunpack.i.l.bf16.f32 v3  }
0x3f5: {  	v1 =	vadd.f32 v3, v1;
	v0 =	vadd.f32 v2, v0;
	_ =	sdelay $0x1  }
0x3f6: {  	[tilespmem:s18+$0x1040] =	vst v1;
	v1 =	vld [tilespmem:s18+$0x1070]  }
0x3f7: {  	[tilespmem:s18+$0x1050] =	vst v0;
	v0 =	vld [tilespmem:s18+$0x1060]  }
0x3f8: {  	v2 =	vld [tilespmem:s21+$0xFFFFE030]  }
0x3f9: {  	v3 =	vld [tilespmem:s21+$0xFFFFE430]  }
0x3fa: {  	v4 =	vld [tilespmem:s21+$0xFFFFEC30]  }
0x3fb: {  	v5 =	vld [tilespmem:s21+$0xFFFFE830]  }
0x3fc: {  	v6 =	vld [tilespmem:s21+$0xFFFFF030]  }
0x3fd: {  	v7 =	vld [tilespmem:s21+$0xFFFFF430]  }
0x3fe: {  	v2 =	vadd.bf16 v3, v2;
	v3 =	vld [tilespmem:s21+$0xFFFFF830]  }
0x3ff: {  	v8 =	vld [tilespmem:s21+$0xFFFFFC30]  }
0x400: {  	v9 =	vunpack.i.u.bf16.f32 v2;
	v2 =	vunpack.i.l.bf16.f32 v2;
	v4 =	vadd.bf16 v4, v5;
	v5 =	vld [tilespmem:s21+$0x30]  }
0x401: {  	v0 =	vadd.f32 v2, v0;
	v1 =	vadd.f32 v9, v1;
	v2 =	vld [tilespmem:s21+$0x430]  }
0x402: {  	v9 =	vunpack.i.u.bf16.f32 v4;
	v4 =	vunpack.i.l.bf16.f32 v4;
	v6 =	vadd.bf16 v7, v6;
	v7 =	vld [tilespmem:s21+$0x830]  }
0x403: {  	v0 =	vadd.f32 v4, v0;
	v1 =	vadd.f32 v9, v1;
	v4 =	vld [tilespmem:s21+$0xC30]  }
0x404: {  	v9 =	vunpack.i.u.bf16.f32 v6;
	v6 =	vunpack.i.l.bf16.f32 v6;
	v3 =	vadd.bf16 v8, v3;
	v8 =	vld [tilespmem:s21+$0x1030]  }
0x405: {  	v0 =	vadd.f32 v6, v0;
	v1 =	vadd.f32 v9, v1;
	v6 =	vld [tilespmem:s21+$0x1430]  }
0x406: {  	v9 =	vunpack.i.u.bf16.f32 v3;
	v3 =	vunpack.i.l.bf16.f32 v3;
	v2 =	vadd.bf16 v2, v5;
	v5 =	vld [tilespmem:s21+$0x1830]  }
0x407: {  	v0 =	vadd.f32 v3, v0;
	v1 =	vadd.f32 v9, v1;
	v3 =	vld [tilespmem:s21+$0x1C30];
	s21 =	smov.u32 s23  }
0x408: {  	v9 =	vunpack.i.u.bf16.f32 v2;
	v2 =	vunpack.i.l.bf16.f32 v2;
	v4 =	vadd.bf16 v4, v7  }
0x409: {  	v0 =	vadd.f32 v2, v0;
	v1 =	vadd.f32 v9, v1  }
0x40a: {  	v2 =	vunpack.i.u.bf16.f32 v4;
	v4 =	vunpack.i.l.bf16.f32 v4;
	v6 =	vadd.bf16 v6, v8  }
0x40b: {  	v0 =	vadd.f32 v4, v0;
	v1 =	vadd.f32 v2, v1  }
0x40c: {  	v2 =	vunpack.i.u.bf16.f32 v6;
	v4 =	vunpack.i.l.bf16.f32 v6;
	v3 =	vadd.bf16 v3, v5  }
0x40d: {  	v0 =	vadd.f32 v4, v0;
	v1 =	vadd.f32 v2, v1  }
0x40e: {  	v2 =	vunpack.i.u.bf16.f32 v3;
	v3 =	vunpack.i.l.bf16.f32 v3  }
0x40f: {  	v0 =	vadd.f32 v3, v0;
	v1 =	vadd.f32 v2, v1;
	_ =	sdelay $0x1  }
0x410: {  	[tilespmem:s18+$0x1060] =	vst v0  }
0x411: {  	v0 =	vld [tilespmem:s24+$0x1010];
	[tilespmem:s18+$0x1070] =	vst v1;
	s18 =	smov.u32 s24  }
0x412: {  	v1 =	vld [tilespmem:s23+$0xFFFFE000]  }
0x413: {  	v2 =	vld [tilespmem:s23+$0xFFFFF400]  }
0x414: {  	v3 =	vld [tilespmem:s23+$0xFFFFE400]  }
0x415: {  	v4 =	vld [tilespmem:s23+$0xFFFFE800]  }
0x416: {  	v5 =	vld [tilespmem:s23+$0xFFFFEC00]  }
0x417: {  	v6 =	vld [tilespmem:s18+$0x1000]  }
0x418: {  	v7 =	vld [tilespmem:s23+$0xFFFFF000]  }
0x419: {  	v1 =	vadd.bf16 v3, v1;
	v3 =	vld [tilespmem:s23+$0xFFFFFC00]  }
0x41a: {  	v8 =	vld [tilespmem:s23+$0xFFFFF800]  }
0x41b: {  	v9 =	vunpack.i.u.bf16.f32 v1;
	v1 =	vunpack.i.l.bf16.f32 v1;
	v4 =	vadd.bf16 v5, v4;
	v5 =	vld [tilespmem:s23+$0x400]  }
0x41c: {  	v1 =	vadd.f32 v1, v6;
	v0 =	vadd.f32 v9, v0;
	v6 =	vld [tilespmem:s23+$0x0]  }
0x41d: {  	v9 =	vunpack.i.u.bf16.f32 v4;
	v4 =	vunpack.i.l.bf16.f32 v4;
	v2 =	vadd.bf16 v2, v7;
	v7 =	vld [tilespmem:s23+$0xC00]  }
0x41e: {  	v1 =	vadd.f32 v4, v1;
	v0 =	vadd.f32 v9, v0;
	v4 =	vld [tilespmem:s23+$0x800]  }
0x41f: {  	v9 =	vunpack.i.u.bf16.f32 v2;
	v2 =	vunpack.i.l.bf16.f32 v2;
	v3 =	vadd.bf16 v3, v8;
	v8 =	vld [tilespmem:s23+$0x1400]  }
0x420: {  	v1 =	vadd.f32 v2, v1;
	v0 =	vadd.f32 v9, v0;
	v2 =	vld [tilespmem:s23+$0x1000]  }
0x421: {  	v9 =	vunpack.i.u.bf16.f32 v3;
	v3 =	vunpack.i.l.bf16.f32 v3;
	v5 =	vadd.bf16 v5, v6;
	v6 =	vld [tilespmem:s23+$0x1C00]  }
0x422: {  	v1 =	vadd.f32 v3, v1;
	v0 =	vadd.f32 v9, v0;
	v3 =	vld [tilespmem:s23+$0x1800]  }
0x423: {  	v9 =	vunpack.i.u.bf16.f32 v5;
	v5 =	vunpack.i.l.bf16.f32 v5;
	v4 =	vadd.bf16 v7, v4  }
0x424: {  	v1 =	vadd.f32 v5, v1;
	v0 =	vadd.f32 v9, v0  }
0x425: {  	v5 =	vunpack.i.u.bf16.f32 v4;
	v4 =	vunpack.i.l.bf16.f32 v4;
	v2 =	vadd.bf16 v8, v2  }
0x426: {  	v1 =	vadd.f32 v4, v1;
	v0 =	vadd.f32 v5, v0  }
0x427: {  	v4 =	vunpack.i.u.bf16.f32 v2;
	v2 =	vunpack.i.l.bf16.f32 v2;
	v3 =	vadd.bf16 v6, v3  }
0x428: {  	v1 =	vadd.f32 v2, v1;
	v0 =	vadd.f32 v4, v0  }
0x429: {  	v2 =	vunpack.i.u.bf16.f32 v3;
	v3 =	vunpack.i.l.bf16.f32 v3  }
0x42a: {  	v1 =	vadd.f32 v3, v1;
	v0 =	vadd.f32 v2, v0;
	_ =	sdelay $0x1  }
0x42b: {  	[tilespmem:s18+$0x1000] =	vst v1;
	v2 =	vld [tilespmem:s18+$0x1020]  }
0x42c: {  	[tilespmem:s18+$0x1010] =	vst v0;
	v0 =	vld [tilespmem:s18+$0x1030]  }
0x42d: {  	v1 =	vld [tilespmem:s23+$0xFFFFE010]  }
0x42e: {  	v3 =	vld [tilespmem:s23+$0xFFFFE410]  }
0x42f: {  	v4 =	vld [tilespmem:s23+$0xFFFFE810]  }
0x430: {  	v5 =	vld [tilespmem:s23+$0xFFFFEC10]  }
0x431: {  	v6 =	vld [tilespmem:s23+$0xFFFFF410]  }
0x432: {  	v7 =	vld [tilespmem:s23+$0xFFFFF010]  }
0x433: {  	v1 =	vadd.bf16 v3, v1;
	v8 =	vld [tilespmem:s23+$0xFFFFFC10]  }
0x434: {  	v9 =	vld [tilespmem:s23+$0xFFFFF810]  }
0x435: {  	v3 =	vunpack.i.u.bf16.f32 v1;
	v10 =	vunpack.i.l.bf16.f32 v1;
	v5 =	vadd.bf16 v5, v4;
	v1 =	vld [tilespmem:s23+$0x410]  }
.Ltmp4:
0x436: {  	v2 =	vadd.f32 v10, v2;
	v3 =	vadd.f32 v3, v0;
	v4 =	vld [tilespmem:s23+$0x10];
	(pc) =	sbr.rel @p0 .LBB2_10-.Ltmp4, $4  }
0x437: {  	v10 =	vunpack.i.u.bf16.f32 v5;
	v5 =	vunpack.i.l.bf16.f32 v5;
	v6 =	vadd.bf16 v6, v7;
	v0 =	vld [tilespmem:s23+$0xC10]  }
0x438: {  	v5 =	vadd.f32 v5, v2;
	v10 =	vadd.f32 v10, v3;
	v3 =	vld [tilespmem:s23+$0x810]  }
0x439: {  	v11 =	vunpack.i.u.bf16.f32 v6;
	v6 =	vunpack.i.l.bf16.f32 v6;
	v7 =	vadd.bf16 v8, v9;
	v2 =	vld [tilespmem:s23+$0x1410]  }
0x43a: {  	v8 =	vadd.f32 v6, v5;
	v6 =	vadd.f32 v11, v10;
	v5 =	vld [tilespmem:s23+$0x1010]  }
0x43b: {  	v9 =	vunpack.i.l.bf16.f32 v7;
	v1 =	vadd.bf16 v1, v4;
	v49 =	vld [tilespmem:s21+$0x1C10]  }
0x43c: {  	v50 =	vld [tilespmem:s21+$0x1810];
	v51 =	vunpack.i.u.bf16.f32 v7;
	v8 =	vadd.f32 v9, v8  }
0x43d: {  	v52 =	vadd.f32 v51, v6;
	v10 =	vunpack.i.l.bf16.f32 v1;
	v0 =	vadd.bf16 v0, v3  }
0x43e: {  	v1 =	vunpack.i.u.bf16.f32 v1;
	v53 =	vadd.f32 v10, v8  }
0x43f: {  	v1 =	vadd.f32 v1, v52;
	v54 =	vunpack.i.l.bf16.f32 v0;
	v2 =	vadd.bf16 v2, v5  }
0x440: {  	v0 =	vunpack.i.u.bf16.f32 v0;
	v55 =	vadd.f32 v54, v53  }
0x441: {  	v4 =	vadd.bf16 v49, v50;
	v0 =	vadd.f32 v0, v1;
	v5 =	vunpack.i.l.bf16.f32 v2  }
0x442: {  	v2 =	vunpack.i.u.bf16.f32 v2;
	v56 =	vadd.f32 v5, v55  }
0x443: {  	v57 =	vunpack.i.l.bf16.f32 v4;
	v0 =	vadd.f32 v2, v0  }
0x444: {  	v58 =	vunpack.i.u.bf16.f32 v4;
	v1 =	vadd.f32 v57, v56  }
0x445: {  	v0 =	vadd.f32 v58, v0  }
0x446: {  	v59 =	vld [tilespmem:s18+$0x1050];
	[tilespmem:s18+$0x1020] =	vst v1  }
0x447: {  	v60 =	vld [tilespmem:s18+$0x1040];
	[tilespmem:s18+$0x1030] =	vst v0  }
0x448: {  	v61 =	vld [tilespmem:s21+$0xFFFFE020]  }
0x449: {  	v62 =	vld [tilespmem:s21+$0xFFFFE420]  }
0x44a: {  	v63 =	vld [tilespmem:s21+$0xFFFFEC20]  }
0x44b: {  	v12 =	vld [tilespmem:s21+$0xFFFFE820]  }
0x44c: {  	v13 =	vld [tilespmem:s21+$0xFFFFF420]  }
0x44d: {  	v14 =	vld [tilespmem:s21+$0xFFFFF020]  }
0x44e: {  	v15 =	vld [tilespmem:s21+$0xFFFFFC20];
	v2 =	vadd.bf16 v62, v61  }
0x44f: {  	v16 =	vld [tilespmem:s21+$0xFFFFF820]  }
0x450: {  	v18 =	vld [tilespmem:s21+$0x420];
	v4 =	vadd.bf16 v63, v12;
	v17 =	vunpack.i.l.bf16.f32 v2  }
0x451: {  	v19 =	vld [tilespmem:s21+$0x20];
	v2 =	vunpack.i.u.bf16.f32 v2;
	v0 =	vadd.f32 v17, v60  }
0x452: {  	v21 =	vld [tilespmem:s21+$0xC20];
	v6 =	vadd.bf16 v13, v14;
	v20 =	vunpack.i.l.bf16.f32 v4;
	v1 =	vadd.f32 v2, v59  }
0x453: {  	v22 =	vld [tilespmem:s21+$0x820];
	v4 =	vunpack.i.u.bf16.f32 v4;
	v0 =	vadd.f32 v20, v0  }
0x454: {  	v24 =	vld [tilespmem:s21+$0x1420];
	v3 =	vadd.bf16 v15, v16;
	v23 =	vunpack.i.l.bf16.f32 v6;
	v1 =	vadd.f32 v4, v1  }
0x455: {  	v25 =	vld [tilespmem:s21+$0x1020];
	v6 =	vunpack.i.u.bf16.f32 v6;
	v0 =	vadd.f32 v23, v0  }
0x456: {  	v27 =	vld [tilespmem:s21+$0x1C20];
	v5 =	vadd.bf16 v18, v19;
	v26 =	vunpack.i.l.bf16.f32 v3;
	v1 =	vadd.f32 v6, v1  }
0x457: {  	v28 =	vld [tilespmem:s21+$0x1820];
	v3 =	vunpack.i.u.bf16.f32 v3;
	v0 =	vadd.f32 v26, v0  }
0x458: {  	v29 =	vunpack.i.l.bf16.f32 v5;
	v2 =	vadd.bf16 v21, v22;
	v1 =	vadd.f32 v3, v1  }
0x459: {  	v30 =	vunpack.i.u.bf16.f32 v5;
	v0 =	vadd.f32 v29, v0  }
0x45a: {  	v31 =	vunpack.i.l.bf16.f32 v2;
	v4 =	vadd.bf16 v24, v25;
	v1 =	vadd.f32 v30, v1  }
0x45b: {  	v2 =	vunpack.i.u.bf16.f32 v2;
	v0 =	vadd.f32 v31, v0  }
0x45c: {  	v33 =	vadd.bf16 v27, v28;
	v32 =	vunpack.i.l.bf16.f32 v4;
	v1 =	vadd.f32 v2, v1  }
0x45d: {  	v34 =	vunpack.i.u.bf16.f32 v4;
	v0 =	vadd.f32 v32, v0  }
0x45e: {  	v35 =	vunpack.i.l.bf16.f32 v33;
	v1 =	vadd.f32 v34, v1  }
0x45f: {  	v36 =	vunpack.i.u.bf16.f32 v33;
	v0 =	vadd.f32 v35, v0  }
0x460: {  	v1 =	vadd.f32 v36, v1  }
0x461: {  	v37 =	vld [tilespmem:s18+$0x1070];
	[tilespmem:s18+$0x1040] =	vst v0  }
0x462: {  	v38 =	vld [tilespmem:s18+$0x1060];
	[tilespmem:s18+$0x1050] =	vst v1  }
0x463: {  	v39 =	vld [tilespmem:s21+$0xFFFFE030]  }
0x464: {  	v40 =	vld [tilespmem:s21+$0xFFFFE430]  }
0x465: {  	v41 =	vld [tilespmem:s21+$0xFFFFEC30]  }
0x466: {  	v42 =	vld [tilespmem:s21+$0xFFFFE830]  }
0x467: {  	v43 =	vld [tilespmem:s21+$0xFFFFF030]  }
0x468: {  	v44 =	vld [tilespmem:s21+$0xFFFFF430]  }
0x469: {  	v45 =	vld [tilespmem:s21+$0xFFFFF830];
	v2 =	vadd.bf16 v40, v39  }
0x46a: {  	v46 =	vld [tilespmem:s21+$0xFFFFFC30]  }
0x46b: {  	v48 =	vld [tilespmem:s21+$0x30];
	v4 =	vadd.bf16 v41, v42;
	v47 =	vunpack.i.l.bf16.f32 v2  }
0x46c: {  	v49 =	vld [tilespmem:s21+$0x430];
	v2 =	vunpack.i.u.bf16.f32 v2;
	v1 =	vadd.f32 v47, v38  }
0x46d: {  	v51 =	vld [tilespmem:s21+$0x830];
	v6 =	vadd.bf16 v44, v43;
	v50 =	vunpack.i.l.bf16.f32 v4;
	v0 =	vadd.f32 v2, v37  }
0x46e: {  	v52 =	vld [tilespmem:s21+$0xC30];
	v4 =	vunpack.i.u.bf16.f32 v4;
	v1 =	vadd.f32 v50, v1  }
0x46f: {  	v54 =	vld [tilespmem:s21+$0x1030];
	v3 =	vadd.bf16 v46, v45;
	v53 =	vunpack.i.l.bf16.f32 v6;
	v0 =	vadd.f32 v4, v0  }
0x470: {  	v55 =	vld [tilespmem:s21+$0x1430];
	v6 =	vunpack.i.u.bf16.f32 v6;
	v1 =	vadd.f32 v53, v1  }
0x471: {  	v57 =	vld [tilespmem:s21+$0x1830];
	v5 =	vadd.bf16 v49, v48;
	v56 =	vunpack.i.l.bf16.f32 v3;
	v0 =	vadd.f32 v6, v0  }
0x472: {  	v58 =	vld [tilespmem:s21+$0x1C30];
	v3 =	vunpack.i.u.bf16.f32 v3;
	v1 =	vadd.f32 v56, v1  }
0x473: {  	v59 =	vunpack.i.l.bf16.f32 v5;
	v2 =	vadd.bf16 v52, v51;
	v0 =	vadd.f32 v3, v0  }
0x474: {  	v5 =	vunpack.i.u.bf16.f32 v5;
	v1 =	vadd.f32 v59, v1  }
0x475: {  	v60 =	vunpack.i.l.bf16.f32 v2;
	v4 =	vadd.bf16 v55, v54;
	v0 =	vadd.f32 v5, v0  }
0x476: {  	v2 =	vunpack.i.u.bf16.f32 v2;
	v1 =	vadd.f32 v60, v1  }
0x477: {  	v62 =	vadd.bf16 v58, v57;
	v61 =	vunpack.i.l.bf16.f32 v4;
	v0 =	vadd.f32 v2, v0  }
0x478: {  	v4 =	vunpack.i.u.bf16.f32 v4;
	v1 =	vadd.f32 v61, v1  }
0x479: {  	v63 =	vunpack.i.l.bf16.f32 v62;
	v0 =	vadd.f32 v4, v0  }
0x47a: {  	v3 =	vunpack.i.u.bf16.f32 v62;
	v1 =	vadd.f32 v63, v1  }
0x47b: {  	v0 =	vadd.f32 v3, v0  }
0x47c: {  	[tilespmem:s18+$0x1060] =	vst v1  }
0x47d: {  	s28 =	rddreg [dreg:$0x6];
	[tilespmem:s18+$0x1070] =	vst v0  }
0x47e: {  	[hbm4b:s28+s4] =	stream.linear.scatter [tilespmem:s25], [sflag:$0x7], $0x800, $0x38;
	[tilespmem:$0x9800] =	vst v63  }
0x47f: {  	_ =	swait.ge [sflag:s13], $0x800  }
0x480: {  	s29 =	rddreg [dreg:$0x8]  }
0x481: {  	s30 =	rddreg [dreg:$0x7];
	s21 =	sadd.s32 $0x1, s29  }
0x482: {  	p0 =	sne.s32 s21, s30  }
.Ltmp5:
0x483: {  	_ = 	snop;
	(pc) =	sbr.rel @p0 .LBB2_1-.Ltmp5, $3  }
0x484: {  	_ =	sdelay $0x1  }
0x485: {  	[sflag:s13] =	ssyncset.done $0x0  }
0x486: {  	[sflag:s13] =	ssyncadd.s32 $0xFFFFF800  }
0x487: {  	_ =	sfence.sel $0x180000  }
0x488: {  	[bflag:$0x0] =	sbarrier.arrive $0xFFFF  }
0x489: {  	_ =	strace $0x90000047  }
0x48a: {  	s0 =	stileid.u32;
	[bflag:$0x2] =	sbarrier.arrive $0xFFFF  }
0x48b: {  	p0 =	sne.s32 s0, $0x0;
	s0 =	rddreg [dreg:$0x3]  }
0x48c: {  	s0 =	sadd.s32 @!p0 $0x100000, s0  }
0x48d: {  	[sflag:s0] =	ssyncadd.tile.s32 @!p0 $0x1;
	_ =	shalt  }
.Lfunc_end2:
_tile_overlayer_lowered:
.L_overlay_start_2:
0x48e: {  	(tag) =	ssettag $0x2  }
0x48f: {  	s0 =	rddreg [dreg:$0x0];
	s2 =	stileid.u32  }
0x490: {  	s1 =	rddreg [dreg:$0x1];
	p0 =	sne.s32 s2, $0x0  }
0x491: {  	s3 =	rddreg [dreg:$0x2];
	[bflag:$0x3] =	sbarrier.arrive $0xFFFF;
	s2 =	simm.s32 @!p0 $0x1C07  }
0x492: {  	[timem:s3], [sflag:s2] =	dma.local @!p0 [hbm:s0], s1  }
0x493: {  	s0 =	simm.s32 @!p0 $0x7  }
0x494: {  	_ =	swait.ge @!p0 [sflag:s0], s1  }
0x495: {  	s1 =	ssub.s32 @!p0 $0x0, s1;
	[sflag:s0] =	ssyncset.done @!p0 $0x0  }
0x496: {  	[sflag:s0] =	ssyncadd.s32 @!p0 s1  }
0x497: {  	[bflag:$0x3] =	sbarrier.arrive $0xFFFF  }
0x498: {  	_ =	shalt  }

</sc_bundles>
